<compile_context>
chip_gen: v7x
topology: tpu7x:2x2x1
jax: 0.10.2.dev20260603
libtpu: 0.0.44.dev20260713+nightly
codegen_flags: <defaults>
</compile_context>

<pallas_src>
import dataclasses
import functools

import jax
import jax.numpy as jnp
from jax import lax
from jax.experimental import pallas as pl
from jax.experimental.pallas import tpu as pltpu
from jax.experimental.pallas import tpu_sc as plsc

NN = 10000
N_PAD = 10240
EE = 320000
DD = 128
NC = 2
NS = 16
CHUNK = 128
WIN = 40
FAST_WIN = 3
SLOW_WIN = 1
FAST_CORE = 1
PACK_ROWS = 80
TOT_CHUNKS = NS * WIN * (FAST_WIN + SLOW_WIN)
E_PAD = TOT_CHUNKS * CHUNK
STRIPE = N_PAD // NS
ROW_BLK = 1024
N_BLKS = N_PAD // ROW_BLK


def _sc_params():
    cp = pltpu.CompilerParams(use_tc_tiling_on_sc=False)
    if "needs_layout_passes" in pltpu.CompilerParams.__dataclass_fields__:
        cp = dataclasses.replace(cp, needs_layout_passes=False)
    return cp


def _make_segsum(with_deg):
    mesh = plsc.VectorSubcoreMesh(core_axis_name="c", subcore_axis_name="s")
    out_type = [jax.ShapeDtypeStruct((NC, N_PAD, DD), jnp.float32)]
    scratch = [
        pltpu.VMEM_SHARED((N_PAD, DD), jnp.float32),
        pltpu.VMEM((WIN, CHUNK), jnp.int32),
        pltpu.VMEM((CHUNK,), jnp.int32),
        pltpu.VMEM((CHUNK,), jnp.int32),
        pltpu.VMEM((CHUNK,), jnp.int32),
        pltpu.VMEM((CHUNK,), jnp.int32),
        pltpu.VMEM((CHUNK, DD), jnp.float32),
        pltpu.VMEM((CHUNK, DD), jnp.float32),
    ]
    scratch += [pltpu.SemaphoreType.DMA] * 4
    if with_deg:
        out_type.append(
            jax.ShapeDtypeStruct((NC * NS, N_PAD // DD, DD), jnp.float32))
        scratch.insert(6, pltpu.VMEM((N_PAD // DD, DD), jnp.float32))

    @functools.partial(
        pl.kernel,
        mesh=mesh,
        compiler_params=_sc_params(),
        out_type=tuple(out_type) if with_deg else out_type[0],
        scratch_types=scratch,
    )
    def seg(table_hbm, packed_hbm, zeros_hbm, *refs):
        refs = list(refs)
        out_hbm = refs.pop(0)
        deg_hbm = refs.pop(0) if with_deg else None
        acc_sh = refs.pop(0)
        packed = refs.pop(0)
        idx_s = [refs.pop(0), refs.pop(0)]
        idx_d = [refs.pop(0), refs.pop(0)]
        hist = refs.pop(0) if (with_deg) else None
        rows = [refs.pop(0), refs.pop(0)]
        gsem = [refs.pop(0), refs.pop(0)]
        ssem = [refs.pop(0), refs.pop(0)]

        c = lax.axis_index("c")
        s = lax.axis_index("s")
        wid = c * NS + s
        pltpu.sync_copy(zeros_hbm.at[pl.ds(0, STRIPE)],
                        acc_sh.at[pl.ds(s * STRIPE, STRIPE)])
        if with_deg:
            pltpu.sync_copy(zeros_hbm.at[pl.ds(0, N_PAD // DD)], hist)
        plsc.subcore_barrier()
        fast = c == FAST_CORE
        n_win = jnp.where(fast, FAST_WIN, SLOW_WIN)
        win0 = jnp.where(fast, s * FAST_WIN, NS * FAST_WIN + s * SLOW_WIN)

        def unpack(k, b):
            for c0 in range(0, CHUNK, 16):
                w = packed[k, pl.ds(c0, 16)]
                d = lax.shift_right_logical(w, 16)
                idx_s[b][pl.ds(c0, 16)] = lax.bitwise_and(w, 0xFFFF)
                idx_d[b][pl.ds(c0, 16)] = d
                if with_deg:
                    plsc.addupdate_scatter(
                        hist,
                        [lax.shift_right_logical(d, 7),
                         lax.bitwise_and(d, 0x7F)],
                        jnp.full((16,), 1.0, jnp.float32))

        def g_start(b):
            pltpu.async_copy(table_hbm.at[idx_s[b]], rows[b], gsem[b])

        def g_wait(b):
            pltpu.make_async_copy(table_hbm.at[pl.ds(0, CHUNK)], rows[b],
                                  gsem[b]).wait()

        def s_start(b):
            pltpu.async_copy(rows[b], acc_sh.at[idx_d[b]], ssem[b], add=True)

        def s_wait(b):
            pltpu.make_async_copy(table_hbm.at[pl.ds(0, CHUNK)], rows[b],
                                  ssem[b]).wait()

        @pl.loop(0, n_win)
        def _(wdx):
            pltpu.sync_copy(packed_hbm.at[win0 + wdx], packed)
            for b in range(2):
                unpack(b, b)
                g_start(b)

            @pl.loop(0, WIN, step=2)
            def _(j):
                for b in range(2):
                    k = j + b
                    g_wait(b)
                    s_start(b)

                    @pl.when(k + 2 < WIN)
                    def _():
                        s_wait(b)
                        unpack(k + 2, b)
                        g_start(b)

            for b in range(2):
                s_wait(b)

        if with_deg:
            pltpu.sync_copy(hist, deg_hbm.at[wid])
        plsc.subcore_barrier()
        pltpu.sync_copy(acc_sh.at[pl.ds(s * STRIPE, STRIPE)],
                        out_hbm.at[c].at[pl.ds(s * STRIPE, STRIPE)])

    return seg


_segsum_deg = _make_segsum(True)
_segsum_plain = _make_segsum(False)


ROW_SUB = ROW_BLK // DD


def _tc1_body(acc_ref, deg_ref, x_ref, wl_ref, wr_ref, b_ref, h_ref, inv_ref):
    agg = acc_ref[0] + acc_ref[1]
    deg = jnp.sum(deg_ref[...], axis=0)
    inv = 1.0 / jnp.maximum(deg, 1.0)
    m = (agg * inv[:, :, None]).reshape(ROW_BLK, DD)
    h = (jnp.dot(m, wl_ref[...], preferred_element_type=jnp.float32)
         + jnp.dot(x_ref[...], wr_ref[...], preferred_element_type=jnp.float32)
         + b_ref[...])
    h_ref[...] = jnp.maximum(h, 0.0)
    inv_ref[...] = inv


def _tc2_body(acc_ref, h_ref, inv_ref, wl_ref, wr_ref, b_ref, whd_ref, bhd_ref,
              o1_ref, o2_ref):
    ssum = acc_ref[0] + acc_ref[1]
    m = (ssum * inv_ref[...][:, :, None]).reshape(ROW_BLK, DD)
    h2 = (jnp.dot(m, wl_ref[...], preferred_element_type=jnp.float32)
          + jnp.dot(h_ref[...], wr_ref[...], preferred_element_type=jnp.float32)
          + b_ref[...])
    h2 = jnp.maximum(h2, 0.0)
    t = jnp.dot(h2, whd_ref[...], preferred_element_type=jnp.float32) + bhd_ref[...]
    preds = t[:, 0:1]
    diffs = jax.nn.sigmoid(t[:, 1:2])
    o1_ref[...] = jnp.broadcast_to(preds - diffs, (ROW_BLK, DD))
    o2_ref[...] = jnp.broadcast_to(preds + diffs, (ROW_BLK, DD))


def _full(shape):
    return pl.BlockSpec(shape, lambda j: tuple(0 for _ in shape))


def _tc_layer1(acc1, deg, x_pad, W1_l, W1_r, b1):
    return pl.pallas_call(
        _tc1_body,
        grid=(N_BLKS,),
        in_specs=[
            pl.BlockSpec((NC, ROW_SUB, DD, DD), lambda j: (0, j, 0, 0)),
            pl.BlockSpec((NC * NS, ROW_SUB, DD), lambda j: (0, j, 0)),
            pl.BlockSpec((ROW_BLK, DD), lambda j: (j, 0)),
            _full((DD, DD)),
            _full((DD, DD)),
            _full((1, DD)),
        ],
        out_specs=[
            pl.BlockSpec((ROW_BLK, DD), lambda j: (j, 0)),
            pl.BlockSpec((ROW_SUB, DD), lambda j: (j, 0)),
        ],
        out_shape=[
            jax.ShapeDtypeStruct((N_PAD, DD), jnp.float32),
            jax.ShapeDtypeStruct((N_PAD // DD, DD), jnp.float32),
        ],
    )(acc1, deg, x_pad, W1_l, W1_r, b1)


def _tc_layer2(acc2, h, inv, W2_l, W2_r, b2, W_hd, b_hd):
    return pl.pallas_call(
        _tc2_body,
        grid=(N_BLKS,),
        in_specs=[
            pl.BlockSpec((NC, ROW_SUB, DD, DD), lambda j: (0, j, 0, 0)),
            pl.BlockSpec((ROW_BLK, DD), lambda j: (j, 0)),
            pl.BlockSpec((ROW_SUB, DD), lambda j: (j, 0)),
            _full((DD, DD)),
            _full((DD, DD)),
            _full((1, DD)),
            _full((DD, DD)),
            _full((1, DD)),
        ],
        out_specs=[
            pl.BlockSpec((ROW_BLK, DD), lambda j: (j, 0)),
            pl.BlockSpec((ROW_BLK, DD), lambda j: (j, 0)),
        ],
        out_shape=[
            jax.ShapeDtypeStruct((N_PAD, DD), jnp.float32),
            jax.ShapeDtypeStruct((N_PAD, DD), jnp.float32),
        ],
    )(acc2, h, inv, W2_l, W2_r, b2, W_hd, b_hd)


def kernel(x, edge_index, W1_l, W1_r, b1, W2_l, W2_r, b2, W_pred, b_pred,
           W_diff, b_diff):
    f32 = jnp.float32
    packed = jnp.bitwise_or(edge_index[0],
                            jnp.left_shift(edge_index[1], 16))
    packed = jnp.concatenate(
        [packed, jnp.full((E_PAD - EE,), NN << 16, jnp.int32)]).reshape(
            TOT_CHUNKS // WIN, WIN, CHUNK)
    x_pad = jnp.concatenate([x, jnp.zeros((N_PAD - NN, DD), f32)], axis=0)
    zeros_d = jnp.zeros((STRIPE, DD), f32)
    W_hd = jnp.concatenate(
        [W_pred, W_diff, jnp.zeros((DD, DD - 2), f32)], axis=1)
    b_hd = jnp.concatenate(
        [b_pred, b_diff, jnp.zeros((DD - 2,), f32)]).reshape(1, DD)

    acc1, deg = _segsum_deg(x, packed, zeros_d)
    h, inv = _tc_layer1(acc1.reshape(NC, N_PAD // DD, DD, DD), deg, x_pad,
                        W1_l, W1_r, b1.reshape(1, DD))
    acc2 = _segsum_plain(h, packed, zeros_d)
    o1, o2 = _tc_layer2(acc2.reshape(NC, N_PAD // DD, DD, DD), h, inv,
                        W2_l, W2_r, b2.reshape(1, DD), W_hd, b_hd)
    return (o1[:NN, 0:1], o2[:NN, 0:1])

# --- scband reference (transcript-rebuilt; emitter-appended) ---
"""Pipeline reference for scband-gqnn-55602646614393 (READ-ONLY COPY).

The authoritative reference and input builder live on the scoring server;
editing this copy changes nothing except your own understanding.
"""

import jax, jax.numpy as jnp
import numpy as np

N = 10000
E = 320000
D = 128
H = 128


def sage_conv(x, src, dst, W_l, W_r, b, num_nodes):
    # PyG SAGEConv with mean aggregation:
    # out = lin_l(mean_{j in N(i)} x_j) + lin_r(x_i)
    msgs = x[src]  # gather source-node features per edge
    agg = jax.ops.segment_sum(msgs, dst, num_segments=num_nodes)
    deg = jax.ops.segment_sum(jnp.ones((src.shape[0],), x.dtype), dst, num_segments=num_nodes)
    agg = agg / jnp.clip(deg, 1.0, None)[:, None]
    return agg @ W_l + x @ W_r + b


def setup_inputs(seed: int = 0) -> dict:
    key = jax.random.key(seed)
    ks = jax.random.split(key, 12)
    x = jax.random.normal(ks[0], (N, D), dtype=jnp.float32)
    edge_index = jax.random.randint(ks[1], (2, E), 0, N, dtype=jnp.int32)
    s1 = 1.0 / np.sqrt(D)
    s2 = 1.0 / np.sqrt(H)
    W1_l = jax.random.normal(ks[2], (D, H), dtype=jnp.float32) * s1
    W1_r = jax.random.normal(ks[3], (D, H), dtype=jnp.float32) * s1
    b1 = jnp.zeros((H,), dtype=jnp.float32)
    W2_l = jax.random.normal(ks[4], (H, H), dtype=jnp.float32) * s2
    W2_r = jax.random.normal(ks[5], (H, H), dtype=jnp.float32) * s2
    b2 = jnp.zeros((H,), dtype=jnp.float32)
    W_pred = jax.random.normal(ks[6], (H, 1), dtype=jnp.float32) * s2
    b_pred = jnp.zeros((1,), dtype=jnp.float32)
    W_diff = jax.random.normal(ks[7], (H, 1), dtype=jnp.float32) * s2
    b_diff = jnp.zeros((1,), dtype=jnp.float32)
    return {"x": x, "edge_index": edge_index,
            "W1_l": W1_l, "W1_r": W1_r, "b1": b1,
            "W2_l": W2_l, "W2_r": W2_r, "b2": b2,
            "W_pred": W_pred, "b_pred": b_pred,
            "W_diff": W_diff, "b_diff": b_diff}


def reference(x, edge_index, W1_l, W1_r, b1, W2_l, W2_r, b2, W_pred, b_pred, W_diff, b_diff):
    src = edge_index[0]
    dst = edge_index[1]
    h = jax.nn.relu(sage_conv(x, src, dst, W1_l, W1_r, b1, N))
    h = jax.nn.relu(sage_conv(h, src, dst, W2_l, W2_r, b2, N))
    preds = h @ W_pred + b_pred
    diffs = jax.nn.sigmoid(h @ W_diff + b_diff)
    return (preds - diffs, preds + diffs)

if __name__ == "__main__":
    import jax
    _d = setup_inputs()
    print(jax.jit(kernel)(*tuple(_d.values())))

</pallas_src>

<mosaic_0001>
#map = affine_map<(d0, d1) -> (0, 0)>
#map1 = affine_map<(d0, d1) -> (0, 0, 0)>
module attributes {stable_mosaic.version = 14 : i64} {
  func.func @seg(%arg0: i32, %arg1: i32, %arg2: memref<10000x128xf32, #tpu.memory_space<hbm>>, %arg3: memref<64x40x128xi32, #tpu.memory_space<hbm>>, %arg4: memref<640x128xf32, #tpu.memory_space<hbm>>, %arg5: memref<2x10240x128xf32, #tpu.memory_space<hbm>>, %arg6: memref<32x80x128xf32, #tpu.memory_space<hbm>>, %arg7: memref<10240x128xf32, #tpu.memory_space<vmem_shared>>, %arg8: memref<40x128xi32, #tpu.memory_space<vmem>>, %arg9: memref<128xi32, #tpu.memory_space<vmem>>, %arg10: memref<128xi32, #tpu.memory_space<vmem>>, %arg11: memref<128xi32, #tpu.memory_space<vmem>>, %arg12: memref<128xi32, #tpu.memory_space<vmem>>, %arg13: memref<80x128xf32, #tpu.memory_space<vmem>>, %arg14: memref<128x128xf32, #tpu.memory_space<vmem>>, %arg15: memref<128x128xf32, #tpu.memory_space<vmem>>, %arg16: memref<!tpu.dma_semaphore, #tpu.memory_space<semaphore_mem>>, %arg17: memref<!tpu.dma_semaphore, #tpu.memory_space<semaphore_mem>>, %arg18: memref<!tpu.dma_semaphore, #tpu.memory_space<semaphore_mem>>, %arg19: memref<!tpu.dma_semaphore, #tpu.memory_space<semaphore_mem>>) attributes {dimension_semantics = [#tpu.dimension_semantics<core_parallel>, #tpu.dimension_semantics<subcore_parallel>], iteration_bounds = array<i64: 2, 16>, scalar_prefetch = 0 : i64, scratch_operands = 13 : i64, tpu.core_type = #tpu.core_type<sc_vector_subcore>, window_params = [{transform_indices = #map}, {transform_indices = #map1}, {transform_indices = #map}, {transform_indices = #map1}, {transform_indices = #map1}]} {
    %mul3A = arith.constant 16 : i32
    %mul3A_0 = arith.muli %arg0, %mul3A : i32
    %add3A = arith.addi %mul3A_0, %arg1 : i32
    %mul3A_1 = arith.constant 640 : i32
    %mul3A_2 = arith.muli %arg1, %mul3A_1 : i32
    "tpu.region"() ({
      %run_scoped3A = tpu.sem_alloc : memref<!tpu.dma_semaphore, #tpu.memory_space<semaphore_mem>>
      %dma_start3A = arith.constant 0 : i32
      %dma_start3A_33 = tpu.memref_slice %arg7[%mul3A_2, %dma_start3A] : memref<10240x128xf32, #tpu.memory_space<vmem_shared>> -> memref<640x128xf32, #tpu.memory_space<vmem_shared>>
      %dma_start3A_34 = arith.constant 0 : i32
      %dma_start3A_35 = arith.constant 0 : i32
      %dma_start3A_36 = tpu.memref_slice %arg4[%dma_start3A_34, %dma_start3A_35] : memref<640x128xf32, #tpu.memory_space<hbm>> -> memref<640x128xf32, #tpu.memory_space<hbm>>
      tpu.enqueue_dma source(%dma_start3A_36 : memref<640x128xf32, #tpu.memory_space<hbm>>) target(%dma_start3A_33 : memref<640x128xf32, #tpu.memory_space<vmem_shared>>) target_semaphore(%run_scoped3A : memref<!tpu.dma_semaphore, #tpu.memory_space<semaphore_mem>>)
      %dma_wait3A = arith.constant 0 : i32
      %dma_wait3A_37 = tpu.memref_slice %arg7[%mul3A_2, %dma_wait3A] : memref<10240x128xf32, #tpu.memory_space<vmem_shared>> -> memref<640x128xf32, #tpu.memory_space<vmem_shared>>
      %dma_wait3A_38 = arith.constant 0 : i32
      %dma_wait3A_39 = arith.constant 0 : i32
      %dma_wait3A_40 = tpu.memref_slice %arg4[%dma_wait3A_38, %dma_wait3A_39] : memref<640x128xf32, #tpu.memory_space<hbm>> -> memref<640x128xf32, #tpu.memory_space<hbm>>
      tpu.wait_dma2 semaphore(%run_scoped3A : memref<!tpu.dma_semaphore, #tpu.memory_space<semaphore_mem>>) src(%dma_wait3A_40 : memref<640x128xf32, #tpu.memory_space<hbm>>) dst(%dma_wait3A_37 : memref<640x128xf32, #tpu.memory_space<vmem_shared>>)
      tpu.yield
    }) : () -> ()
    "tpu.region"() ({
      %run_scoped3A = tpu.sem_alloc : memref<!tpu.dma_semaphore, #tpu.memory_space<semaphore_mem>>
      %dma_start3A = arith.constant 0 : i32
      %dma_start3A_33 = arith.constant 0 : i32
      %dma_start3A_34 = tpu.memref_slice %arg4[%dma_start3A, %dma_start3A_33] : memref<640x128xf32, #tpu.memory_space<hbm>> -> memref<80x128xf32, #tpu.memory_space<hbm>>
      %dma_start3A_35 = arith.constant 0 : i32
      %dma_start3A_36 = arith.constant 0 : i32
      %dma_start3A_37 = tpu.memref_slice %arg4[%dma_start3A_35, %dma_start3A_36] : memref<640x128xf32, #tpu.memory_space<hbm>> -> memref<80x128xf32, #tpu.memory_space<hbm>>
      tpu.enqueue_dma source(%dma_start3A_37 : memref<80x128xf32, #tpu.memory_space<hbm>>) target(%arg13 : memref<80x128xf32, #tpu.memory_space<vmem>>) target_semaphore(%run_scoped3A : memref<!tpu.dma_semaphore, #tpu.memory_space<semaphore_mem>>)
      %dma_wait3A = arith.constant 0 : i32
      %dma_wait3A_38 = arith.constant 0 : i32
      %dma_wait3A_39 = tpu.memref_slice %arg4[%dma_wait3A, %dma_wait3A_38] : memref<640x128xf32, #tpu.memory_space<hbm>> -> memref<80x128xf32, #tpu.memory_space<hbm>>
      %dma_wait3A_40 = arith.constant 0 : i32
      %dma_wait3A_41 = arith.constant 0 : i32
      %dma_wait3A_42 = tpu.memref_slice %arg4[%dma_wait3A_40, %dma_wait3A_41] : memref<640x128xf32, #tpu.memory_space<hbm>> -> memref<80x128xf32, #tpu.memory_space<hbm>>
      tpu.wait_dma2 semaphore(%run_scoped3A : memref<!tpu.dma_semaphore, #tpu.memory_space<semaphore_mem>>) src(%dma_wait3A_42 : memref<80x128xf32, #tpu.memory_space<hbm>>) dst(%arg13 : memref<80x128xf32, #tpu.memory_space<vmem>>)
      tpu.yield
    }) : () -> ()
    %barrier3A = arith.constant 0 : index
    tpu.barrier barrier_id(%barrier3A)
    %eq3A = arith.constant 1 : i32
    %eq3A_3 = arith.cmpi eq, %arg0, %eq3A : i32
    %jit3A = arith.constant 3 : i32
    %jit3A_4 = arith.constant 1 : i32
    %select_n3A = arith.select %eq3A_3, %jit3A, %jit3A_4 : i32
    %mul3A_5 = arith.constant 3 : i32
    %mul3A_6 = arith.muli %arg1, %mul3A_5 : i32
    %mul3A_7 = arith.constant 1 : i32
    %mul3A_8 = arith.muli %arg1, %mul3A_7 : i32
    %add3A_9 = arith.constant 48 : i32
    %add3A_10 = arith.addi %add3A_9, %mul3A_8 : i32
    %select_n3A_11 = arith.select %eq3A_3, %mul3A_6, %add3A_10 : i32
    %sub3A = arith.constant 0 : i32
    %sub3A_12 = arith.subi %select_n3A, %sub3A : i32
    %sub3A_13 = arith.constant 1 : i32
    %sub3A_14 = arith.constant 1 : i32
    %sub3A_15 = arith.subi %sub3A_13, %sub3A_14 : i32
    %add3A_16 = arith.addi %sub3A_12, %sub3A_15 : i32
    %div3A = arith.constant 1 : i32
    %div3A_17 = arith.divsi %add3A_16, %div3A : i32
    %while3A = arith.constant 1 : i32
    %while3A_18 = arith.constant 0 : i32
    %while3A_19 = arith.constant 0 : i32
    %while3A_20 = arith.subi %div3A_17, %while3A_19 : i32
    %while3A_21 = arith.addi %while3A_19, %while3A_20 : i32
    %while3A_22 = arith.constant 1 : i32
    %while3A_23 = arith.divsi %while3A_20, %while3A_22 : i32
    %while3A_24 = arith.muli %while3A_23, %while3A_22 : i32
    %while3A_25 = arith.addi %while3A_19, %while3A_24 : i32
    %while3A_26 = arith.constant 1 : i32
    scf.for %while3A_33 = %while3A_19 to %while3A_25 step %while3A_26  : i32 {
      %mul3A_34 = arith.muli %while3A_33, %while3A : i32
      %add3A_35 = arith.addi %while3A_18, %mul3A_34 : i32
      %add3A_36 = arith.addi %select_n3A_11, %add3A_35 : i32
      "tpu.region"() ({
        %run_scoped3A = tpu.sem_alloc : memref<!tpu.dma_semaphore, #tpu.memory_space<semaphore_mem>>
        %dma_start3A_404 = arith.constant 0 : i32
        %dma_start3A_405 = arith.constant 0 : i32
        %dma_start3A_406 = tpu.memref_slice %arg3[%add3A_36, %dma_start3A_404, %dma_start3A_405] : memref<64x40x128xi32, #tpu.memory_space<hbm>> -> memref<1x40x128xi32, #tpu.memory_space<hbm>>
        %dma_start3A_407 = tpu.memref_squeeze %dma_start3A_406 : memref<1x40x128xi32, #tpu.memory_space<hbm>> -> memref<40x128xi32, #tpu.memory_space<hbm>>
        %dma_start3A_408 = arith.constant 0 : i32
        %dma_start3A_409 = arith.constant 0 : i32
        %dma_start3A_410 = tpu.memref_slice %arg3[%add3A_36, %dma_start3A_408, %dma_start3A_409] : memref<64x40x128xi32, #tpu.memory_space<hbm>> -> memref<1x40x128xi32, #tpu.memory_space<hbm>>
        %dma_start3A_411 = tpu.memref_squeeze %dma_start3A_410 : memref<1x40x128xi32, #tpu.memory_space<hbm>> -> memref<40x128xi32, #tpu.memory_space<hbm>>
        tpu.enqueue_dma source(%dma_start3A_411 : memref<40x128xi32, #tpu.memory_space<hbm>>) target(%arg8 : memref<40x128xi32, #tpu.memory_space<vmem>>) target_semaphore(%run_scoped3A : memref<!tpu.dma_semaphore, #tpu.memory_space<semaphore_mem>>)
        %dma_wait3A_412 = arith.constant 0 : i32
        %dma_wait3A_413 = arith.constant 0 : i32
        %dma_wait3A_414 = tpu.memref_slice %arg3[%add3A_36, %dma_wait3A_412, %dma_wait3A_413] : memref<64x40x128xi32, #tpu.memory_space<hbm>> -> memref<1x40x128xi32, #tpu.memory_space<hbm>>
        %dma_wait3A_415 = tpu.memref_squeeze %dma_wait3A_414 : memref<1x40x128xi32, #tpu.memory_space<hbm>> -> memref<40x128xi32, #tpu.memory_space<hbm>>
        %dma_wait3A_416 = arith.constant 0 : i32
        %dma_wait3A_417 = arith.constant 0 : i32
        %dma_wait3A_418 = tpu.memref_slice %arg3[%add3A_36, %dma_wait3A_416, %dma_wait3A_417] : memref<64x40x128xi32, #tpu.memory_space<hbm>> -> memref<1x40x128xi32, #tpu.memory_space<hbm>>
        %dma_wait3A_419 = tpu.memref_squeeze %dma_wait3A_418 : memref<1x40x128xi32, #tpu.memory_space<hbm>> -> memref<40x128xi32, #tpu.memory_space<hbm>>
        tpu.wait_dma2 semaphore(%run_scoped3A : memref<!tpu.dma_semaphore, #tpu.memory_space<semaphore_mem>>) src(%dma_wait3A_419 : memref<40x128xi32, #tpu.memory_space<hbm>>) dst(%arg8 : memref<40x128xi32, #tpu.memory_space<vmem>>)
        tpu.yield
      }) : () -> ()
      %get3A = arith.constant 0 : i32
      %get3A_37 = arith.index_cast %get3A : i32 to index
      %get3A_38 = arith.constant 0 : index
      %get3A_39 = tpu.vector_load %arg8[%get3A_37, %get3A_38] {strides = array<i32>} : memref<40x128xi32, #tpu.memory_space<vmem>>, vector<16xi32>,
      %shift_right_logical3A = arith.constant 16 : i32
      %shift_right_logical3A_40 = vector.broadcast %shift_right_logical3A : i32 to vector<16xi32>
      %shift_right_logical3A_41 = arith.shrui %get3A_39, %shift_right_logical3A_40 : vector<16xi32>
      %and3A = arith.constant 65535 : i32
      %and3A_42 = vector.broadcast %and3A : i32 to vector<16xi32>
      %and3A_43 = arith.andi %get3A_39, %and3A_42 : vector<16xi32>
      %swap3A = arith.constant 0 : index
      %swap3A_44 = tpu.vector_load %arg9[%swap3A] {strides = array<i32>} : memref<128xi32, #tpu.memory_space<vmem>>, vector<16xi32>,
      tpu.vector_store %arg9[%swap3A], %and3A_43 {strides = array<i32>} : memref<128xi32, #tpu.memory_space<vmem>>, vector<16xi32>,
      %swap3A_45 = arith.constant 0 : index
      %swap3A_46 = tpu.vector_load %arg11[%swap3A_45] {strides = array<i32>} : memref<128xi32, #tpu.memory_space<vmem>>, vector<16xi32>,
      tpu.vector_store %arg11[%swap3A_45], %shift_right_logical3A_41 {strides = array<i32>} : memref<128xi32, #tpu.memory_space<vmem>>, vector<16xi32>,
      %shift_right_logical3A_47 = arith.constant 7 : i32
      %shift_right_logical3A_48 = vector.broadcast %shift_right_logical3A_47 : i32 to vector<16xi32>
      %shift_right_logical3A_49 = arith.shrui %shift_right_logical3A_41, %shift_right_logical3A_48 : vector<16xi32>
      %and3A_50 = arith.constant 127 : i32
      %and3A_51 = vector.broadcast %and3A_50 : i32 to vector<16xi32>
      %and3A_52 = arith.andi %shift_right_logical3A_41, %and3A_51 : vector<16xi32>
      %broadcast_in_dim3A = arith.constant 1.000000e+00 : f32
      %broadcast_in_dim3A_53 = vector.broadcast %broadcast_in_dim3A : f32 to vector<16xf32>
      tpu.vector_store_idx %arg13[%shift_right_logical3A_49, %and3A_52], %broadcast_in_dim3A_53 {add = true} : memref<80x128xf32, #tpu.memory_space<vmem>>[vector<16xi32>, vector<16xi32>], vector<16xf32>,
      %get3A_54 = arith.constant 0 : i32
      %get3A_55 = arith.index_cast %get3A_54 : i32 to index
      %get3A_56 = arith.constant 16 : index
      %get3A_57 = tpu.vector_load %arg8[%get3A_55, %get3A_56] {strides = array<i32>} : memref<40x128xi32, #tpu.memory_space<vmem>>, vector<16xi32>,
      %shift_right_logical3A_58 = arith.constant 16 : i32
      %shift_right_logical3A_59 = vector.broadcast %shift_right_logical3A_58 : i32 to vector<16xi32>
      %shift_right_logical3A_60 = arith.shrui %get3A_57, %shift_right_logical3A_59 : vector<16xi32>
      %and3A_61 = arith.constant 65535 : i32
      %and3A_62 = vector.broadcast %and3A_61 : i32 to vector<16xi32>
      %and3A_63 = arith.andi %get3A_57, %and3A_62 : vector<16xi32>
      %swap3A_64 = arith.constant 16 : index
      %swap3A_65 = tpu.vector_load %arg9[%swap3A_64] {strides = array<i32>} : memref<128xi32, #tpu.memory_space<vmem>>, vector<16xi32>,
      tpu.vector_store %arg9[%swap3A_64], %and3A_63 {strides = array<i32>} : memref<128xi32, #tpu.memory_space<vmem>>, vector<16xi32>,
      %swap3A_66 = arith.constant 16 : index
      %swap3A_67 = tpu.vector_load %arg11[%swap3A_66] {strides = array<i32>} : memref<128xi32, #tpu.memory_space<vmem>>, vector<16xi32>,
      tpu.vector_store %arg11[%swap3A_66], %shift_right_logical3A_60 {strides = array<i32>} : memref<128xi32, #tpu.memory_space<vmem>>, vector<16xi32>,
      %shift_right_logical3A_68 = arith.constant 7 : i32
      %shift_right_logical3A_69 = vector.broadcast %shift_right_logical3A_68 : i32 to vector<16xi32>
      %shift_right_logical3A_70 = arith.shrui %shift_right_logical3A_60, %shift_right_logical3A_69 : vector<16xi32>
      %and3A_71 = arith.constant 127 : i32
      %and3A_72 = vector.broadcast %and3A_71 : i32 to vector<16xi32>
      %and3A_73 = arith.andi %shift_right_logical3A_60, %and3A_72 : vector<16xi32>
      %broadcast_in_dim3A_74 = arith.constant 1.000000e+00 : f32
      %broadcast_in_dim3A_75 = vector.broadcast %broadcast_in_dim3A_74 : f32 to vector<16xf32>
      tpu.vector_store_idx %arg13[%shift_right_logical3A_70, %and3A_73], %broadcast_in_dim3A_75 {add = true} : memref<80x128xf32, #tpu.memory_space<vmem>>[vector<16xi32>, vector<16xi32>], vector<16xf32>,
      %get3A_76 = arith.constant 0 : i32
      %get3A_77 = arith.index_cast %get3A_76 : i32 to index
      %get3A_78 = arith.constant 32 : index
      %get3A_79 = tpu.vector_load %arg8[%get3A_77, %get3A_78] {strides = array<i32>} : memref<40x128xi32, #tpu.memory_space<vmem>>, vector<16xi32>,
      %shift_right_logical3A_80 = arith.constant 16 : i32
      %shift_right_logical3A_81 = vector.broadcast %shift_right_logical3A_80 : i32 to vector<16xi32>
      %shift_right_logical3A_82 = arith.shrui %get3A_79, %shift_right_logical3A_81 : vector<16xi32>
      %and3A_83 = arith.constant 65535 : i32
      %and3A_84 = vector.broadcast %and3A_83 : i32 to vector<16xi32>
      %and3A_85 = arith.andi %get3A_79, %and3A_84 : vector<16xi32>
      %swap3A_86 = arith.constant 32 : index
      %swap3A_87 = tpu.vector_load %arg9[%swap3A_86] {strides = array<i32>} : memref<128xi32, #tpu.memory_space<vmem>>, vector<16xi32>,
      tpu.vector_store %arg9[%swap3A_86], %and3A_85 {strides = array<i32>} : memref<128xi32, #tpu.memory_space<vmem>>, vector<16xi32>,
      %swap3A_88 = arith.constant 32 : index
      %swap3A_89 = tpu.vector_load %arg11[%swap3A_88] {strides = array<i32>} : memref<128xi32, #tpu.memory_space<vmem>>, vector<16xi32>,
      tpu.vector_store %arg11[%swap3A_88], %shift_right_logical3A_82 {strides = array<i32>} : memref<128xi32, #tpu.memory_space<vmem>>, vector<16xi32>,
      %shift_right_logical3A_90 = arith.constant 7 : i32
      %shift_right_logical3A_91 = vector.broadcast %shift_right_logical3A_90 : i32 to vector<16xi32>
      %shift_right_logical3A_92 = arith.shrui %shift_right_logical3A_82, %shift_right_logical3A_91 : vector<16xi32>
      %and3A_93 = arith.constant 127 : i32
      %and3A_94 = vector.broadcast %and3A_93 : i32 to vector<16xi32>
      %and3A_95 = arith.andi %shift_right_logical3A_82, %and3A_94 : vector<16xi32>
      %broadcast_in_dim3A_96 = arith.constant 1.000000e+00 : f32
      %broadcast_in_dim3A_97 = vector.broadcast %broadcast_in_dim3A_96 : f32 to vector<16xf32>
      tpu.vector_store_idx %arg13[%shift_right_logical3A_92, %and3A_95], %broadcast_in_dim3A_97 {add = true} : memref<80x128xf32, #tpu.memory_space<vmem>>[vector<16xi32>, vector<16xi32>], vector<16xf32>,
      %get3A_98 = arith.constant 0 : i32
      %get3A_99 = arith.index_cast %get3A_98 : i32 to index
      %get3A_100 = arith.constant 48 : index
      %get3A_101 = tpu.vector_load %arg8[%get3A_99, %get3A_100] {strides = array<i32>} : memref<40x128xi32, #tpu.memory_space<vmem>>, vector<16xi32>,
      %shift_right_logical3A_102 = arith.constant 16 : i32
      %shift_right_logical3A_103 = vector.broadcast %shift_right_logical3A_102 : i32 to vector<16xi32>
      %shift_right_logical3A_104 = arith.shrui %get3A_101, %shift_right_logical3A_103 : vector<16xi32>
      %and3A_105 = arith.constant 65535 : i32
      %and3A_106 = vector.broadcast %and3A_105 : i32 to vector<16xi32>
      %and3A_107 = arith.andi %get3A_101, %and3A_106 : vector<16xi32>
      %swap3A_108 = arith.constant 48 : index
      %swap3A_109 = tpu.vector_load %arg9[%swap3A_108] {strides = array<i32>} : memref<128xi32, #tpu.memory_space<vmem>>, vector<16xi32>,
      tpu.vector_store %arg9[%swap3A_108], %and3A_107 {strides = array<i32>} : memref<128xi32, #tpu.memory_space<vmem>>, vector<16xi32>,
      %swap3A_110 = arith.constant 48 : index
      %swap3A_111 = tpu.vector_load %arg11[%swap3A_110] {strides = array<i32>} : memref<128xi32, #tpu.memory_space<vmem>>, vector<16xi32>,
      tpu.vector_store %arg11[%swap3A_110], %shift_right_logical3A_104 {strides = array<i32>} : memref<128xi32, #tpu.memory_space<vmem>>, vector<16xi32>,
      %shift_right_logical3A_112 = arith.constant 7 : i32
      %shift_right_logical3A_113 = vector.broadcast %shift_right_logical3A_112 : i32 to vector<16xi32>
      %shift_right_logical3A_114 = arith.shrui %shift_right_logical3A_104, %shift_right_logical3A_113 : vector<16xi32>
      %and3A_115 = arith.constant 127 : i32
      %and3A_116 = vector.broadcast %and3A_115 : i32 to vector<16xi32>
      %and3A_117 = arith.andi %shift_right_logical3A_104, %and3A_116 : vector<16xi32>
      %broadcast_in_dim3A_118 = arith.constant 1.000000e+00 : f32
      %broadcast_in_dim3A_119 = vector.broadcast %broadcast_in_dim3A_118 : f32 to vector<16xf32>
      tpu.vector_store_idx %arg13[%shift_right_logical3A_114, %and3A_117], %broadcast_in_dim3A_119 {add = true} : memref<80x128xf32, #tpu.memory_space<vmem>>[vector<16xi32>, vector<16xi32>], vector<16xf32>,
      %get3A_120 = arith.constant 0 : i32
      %get3A_121 = arith.index_cast %get3A_120 : i32 to index
      %get3A_122 = arith.constant 64 : index
      %get3A_123 = tpu.vector_load %arg8[%get3A_121, %get3A_122] {strides = array<i32>} : memref<40x128xi32, #tpu.memory_space<vmem>>, vector<16xi32>,
      %shift_right_logical3A_124 = arith.constant 16 : i32
      %shift_right_logical3A_125 = vector.broadcast %shift_right_logical3A_124 : i32 to vector<16xi32>
      %shift_right_logical3A_126 = arith.shrui %get3A_123, %shift_right_logical3A_125 : vector<16xi32>
      %and3A_127 = arith.constant 65535 : i32
      %and3A_128 = vector.broadcast %and3A_127 : i32 to vector<16xi32>
      %and3A_129 = arith.andi %get3A_123, %and3A_128 : vector<16xi32>
      %swap3A_130 = arith.constant 64 : index
      %swap3A_131 = tpu.vector_load %arg9[%swap3A_130] {strides = array<i32>} : memref<128xi32, #tpu.memory_space<vmem>>, vector<16xi32>,
      tpu.vector_store %arg9[%swap3A_130], %and3A_129 {strides = array<i32>} : memref<128xi32, #tpu.memory_space<vmem>>, vector<16xi32>,
      %swap3A_132 = arith.constant 64 : index
      %swap3A_133 = tpu.vector_load %arg11[%swap3A_132] {strides = array<i32>} : memref<128xi32, #tpu.memory_space<vmem>>, vector<16xi32>,
      tpu.vector_store %arg11[%swap3A_132], %shift_right_logical3A_126 {strides = array<i32>} : memref<128xi32, #tpu.memory_space<vmem>>, vector<16xi32>,
      %shift_right_logical3A_134 = arith.constant 7 : i32
      %shift_right_logical3A_135 = vector.broadcast %shift_right_logical3A_134 : i32 to vector<16xi32>
      %shift_right_logical3A_136 = arith.shrui %shift_right_logical3A_126, %shift_right_logical3A_135 : vector<16xi32>
      %and3A_137 = arith.constant 127 : i32
      %and3A_138 = vector.broadcast %and3A_137 : i32 to vector<16xi32>
      %and3A_139 = arith.andi %shift_right_logical3A_126, %and3A_138 : vector<16xi32>
      %broadcast_in_dim3A_140 = arith.constant 1.000000e+00 : f32
      %broadcast_in_dim3A_141 = vector.broadcast %broadcast_in_dim3A_140 : f32 to vector<16xf32>
      tpu.vector_store_idx %arg13[%shift_right_logical3A_136, %and3A_139], %broadcast_in_dim3A_141 {add = true} : memref<80x128xf32, #tpu.memory_space<vmem>>[vector<16xi32>, vector<16xi32>], vector<16xf32>,
      %get3A_142 = arith.constant 0 : i32
      %get3A_143 = arith.index_cast %get3A_142 : i32 to index
      %get3A_144 = arith.constant 80 : index
      %get3A_145 = tpu.vector_load %arg8[%get3A_143, %get3A_144] {strides = array<i32>} : memref<40x128xi32, #tpu.memory_space<vmem>>, vector<16xi32>,
      %shift_right_logical3A_146 = arith.constant 16 : i32
      %shift_right_logical3A_147 = vector.broadcast %shift_right_logical3A_146 : i32 to vector<16xi32>
      %shift_right_logical3A_148 = arith.shrui %get3A_145, %shift_right_logical3A_147 : vector<16xi32>
      %and3A_149 = arith.constant 65535 : i32
      %and3A_150 = vector.broadcast %and3A_149 : i32 to vector<16xi32>
      %and3A_151 = arith.andi %get3A_145, %and3A_150 : vector<16xi32>
      %swap3A_152 = arith.constant 80 : index
      %swap3A_153 = tpu.vector_load %arg9[%swap3A_152] {strides = array<i32>} : memref<128xi32, #tpu.memory_space<vmem>>, vector<16xi32>,
      tpu.vector_store %arg9[%swap3A_152], %and3A_151 {strides = array<i32>} : memref<128xi32, #tpu.memory_space<vmem>>, vector<16xi32>,
      %swap3A_154 = arith.constant 80 : index
      %swap3A_155 = tpu.vector_load %arg11[%swap3A_154] {strides = array<i32>} : memref<128xi32, #tpu.memory_space<vmem>>, vector<16xi32>,
      tpu.vector_store %arg11[%swap3A_154], %shift_right_logical3A_148 {strides = array<i32>} : memref<128xi32, #tpu.memory_space<vmem>>, vector<16xi32>,
      %shift_right_logical3A_156 = arith.constant 7 : i32
      %shift_right_logical3A_157 = vector.broadcast %shift_right_logical3A_156 : i32 to vector<16xi32>
      %shift_right_logical3A_158 = arith.shrui %shift_right_logical3A_148, %shift_right_logical3A_157 : vector<16xi32>
      %and3A_159 = arith.constant 127 : i32
      %and3A_160 = vector.broadcast %and3A_159 : i32 to vector<16xi32>
      %and3A_161 = arith.andi %shift_right_logical3A_148, %and3A_160 : vector<16xi32>
      %broadcast_in_dim3A_162 = arith.constant 1.000000e+00 : f32
      %broadcast_in_dim3A_163 = vector.broadcast %broadcast_in_dim3A_162 : f32 to vector<16xf32>
      tpu.vector_store_idx %arg13[%shift_right_logical3A_158, %and3A_161], %broadcast_in_dim3A_163 {add = true} : memref<80x128xf32, #tpu.memory_space<vmem>>[vector<16xi32>, vector<16xi32>], vector<16xf32>,
      %get3A_164 = arith.constant 0 : i32
      %get3A_165 = arith.index_cast %get3A_164 : i32 to index
      %get3A_166 = arith.constant 96 : index
      %get3A_167 = tpu.vector_load %arg8[%get3A_165, %get3A_166] {strides = array<i32>} : memref<40x128xi32, #tpu.memory_space<vmem>>, vector<16xi32>,
      %shift_right_logical3A_168 = arith.constant 16 : i32
      %shift_right_logical3A_169 = vector.broadcast %shift_right_logical3A_168 : i32 to vector<16xi32>
      %shift_right_logical3A_170 = arith.shrui %get3A_167, %shift_right_logical3A_169 : vector<16xi32>
      %and3A_171 = arith.constant 65535 : i32
      %and3A_172 = vector.broadcast %and3A_171 : i32 to vector<16xi32>
      %and3A_173 = arith.andi %get3A_167, %and3A_172 : vector<16xi32>
      %swap3A_174 = arith.constant 96 : index
      %swap3A_175 = tpu.vector_load %arg9[%swap3A_174] {strides = array<i32>} : memref<128xi32, #tpu.memory_space<vmem>>, vector<16xi32>,
      tpu.vector_store %arg9[%swap3A_174], %and3A_173 {strides = array<i32>} : memref<128xi32, #tpu.memory_space<vmem>>, vector<16xi32>,
      %swap3A_176 = arith.constant 96 : index
      %swap3A_177 = tpu.vector_load %arg11[%swap3A_176] {strides = array<i32>} : memref<128xi32, #tpu.memory_space<vmem>>, vector<16xi32>,
      tpu.vector_store %arg11[%swap3A_176], %shift_right_logical3A_170 {strides = array<i32>} : memref<128xi32, #tpu.memory_space<vmem>>, vector<16xi32>,
      %shift_right_logical3A_178 = arith.constant 7 : i32
      %shift_right_logical3A_179 = vector.broadcast %shift_right_logical3A_178 : i32 to vector<16xi32>
      %shift_right_logical3A_180 = arith.shrui %shift_right_logical3A_170, %shift_right_logical3A_179 : vector<16xi32>
      %and3A_181 = arith.constant 127 : i32
      %and3A_182 = vector.broadcast %and3A_181 : i32 to vector<16xi32>
      %and3A_183 = arith.andi %shift_right_logical3A_170, %and3A_182 : vector<16xi32>
      %broadcast_in_dim3A_184 = arith.constant 1.000000e+00 : f32
      %broadcast_in_dim3A_185 = vector.broadcast %broadcast_in_dim3A_184 : f32 to vector<16xf32>
      tpu.vector_store_idx %arg13[%shift_right_logical3A_180, %and3A_183], %broadcast_in_dim3A_185 {add = true} : memref<80x128xf32, #tpu.memory_space<vmem>>[vector<16xi32>, vector<16xi32>], vector<16xf32>,
      %get3A_186 = arith.constant 0 : i32
      %get3A_187 = arith.index_cast %get3A_186 : i32 to index
      %get3A_188 = arith.constant 112 : index
      %get3A_189 = tpu.vector_load %arg8[%get3A_187, %get3A_188] {strides = array<i32>} : memref<40x128xi32, #tpu.memory_space<vmem>>, vector<16xi32>,
      %shift_right_logical3A_190 = arith.constant 16 : i32
      %shift_right_logical3A_191 = vector.broadcast %shift_right_logical3A_190 : i32 to vector<16xi32>
      %shift_right_logical3A_192 = arith.shrui %get3A_189, %shift_right_logical3A_191 : vector<16xi32>
      %and3A_193 = arith.constant 65535 : i32
      %and3A_194 = vector.broadcast %and3A_193 : i32 to vector<16xi32>
      %and3A_195 = arith.andi %get3A_189, %and3A_194 : vector<16xi32>
      %swap3A_196 = arith.constant 112 : index
      %swap3A_197 = tpu.vector_load %arg9[%swap3A_196] {strides = array<i32>} : memref<128xi32, #tpu.memory_space<vmem>>, vector<16xi32>,
      tpu.vector_store %arg9[%swap3A_196], %and3A_195 {strides = array<i32>} : memref<128xi32, #tpu.memory_space<vmem>>, vector<16xi32>,
      %swap3A_198 = arith.constant 112 : index
      %swap3A_199 = tpu.vector_load %arg11[%swap3A_198] {strides = array<i32>} : memref<128xi32, #tpu.memory_space<vmem>>, vector<16xi32>,
      tpu.vector_store %arg11[%swap3A_198], %shift_right_logical3A_192 {strides = array<i32>} : memref<128xi32, #tpu.memory_space<vmem>>, vector<16xi32>,
      %shift_right_logical3A_200 = arith.constant 7 : i32
      %shift_right_logical3A_201 = vector.broadcast %shift_right_logical3A_200 : i32 to vector<16xi32>
      %shift_right_logical3A_202 = arith.shrui %shift_right_logical3A_192, %shift_right_logical3A_201 : vector<16xi32>
      %and3A_203 = arith.constant 127 : i32
      %and3A_204 = vector.broadcast %and3A_203 : i32 to vector<16xi32>
      %and3A_205 = arith.andi %shift_right_logical3A_192, %and3A_204 : vector<16xi32>
      %broadcast_in_dim3A_206 = arith.constant 1.000000e+00 : f32
      %broadcast_in_dim3A_207 = vector.broadcast %broadcast_in_dim3A_206 : f32 to vector<16xf32>
      tpu.vector_store_idx %arg13[%shift_right_logical3A_202, %and3A_205], %broadcast_in_dim3A_207 {add = true} : memref<80x128xf32, #tpu.memory_space<vmem>>[vector<16xi32>, vector<16xi32>], vector<16xf32>,
      %dma_start3A = arith.constant 0 : i32
      %dma_start3A_208 = arith.constant 0 : i32
      %dma_start3A_209 = tpu.memref_slice %arg2[%dma_start3A, %dma_start3A_208] : memref<10000x128xf32, #tpu.memory_space<hbm>> -> memref<10000x128xf32, #tpu.memory_space<hbm>>
      tpu.enqueue_indirect_dma source(%dma_start3A_209 : memref<10000x128xf32, #tpu.memory_space<hbm>>) target(%arg14 : memref<128x128xf32, #tpu.memory_space<vmem>>) offsets(%arg9 : memref<128xi32, #tpu.memory_space<vmem>>) semaphore(%arg16 : memref<!tpu.dma_semaphore, #tpu.memory_space<semaphore_mem>>)
      %get3A_210 = arith.constant 1 : i32
      %get3A_211 = arith.index_cast %get3A_210 : i32 to index
      %get3A_212 = arith.constant 0 : index
      %get3A_213 = tpu.vector_load %arg8[%get3A_211, %get3A_212] {strides = array<i32>} : memref<40x128xi32, #tpu.memory_space<vmem>>, vector<16xi32>,
      %shift_right_logical3A_214 = arith.constant 16 : i32
      %shift_right_logical3A_215 = vector.broadcast %shift_right_logical3A_214 : i32 to vector<16xi32>
      %shift_right_logical3A_216 = arith.shrui %get3A_213, %shift_right_logical3A_215 : vector<16xi32>
      %and3A_217 = arith.constant 65535 : i32
      %and3A_218 = vector.broadcast %and3A_217 : i32 to vector<16xi32>
      %and3A_219 = arith.andi %get3A_213, %and3A_218 : vector<16xi32>
      %swap3A_220 = arith.constant 0 : index
      %swap3A_221 = tpu.vector_load %arg10[%swap3A_220] {strides = array<i32>} : memref<128xi32, #tpu.memory_space<vmem>>, vector<16xi32>,
      tpu.vector_store %arg10[%swap3A_220], %and3A_219 {strides = array<i32>} : memref<128xi32, #tpu.memory_space<vmem>>, vector<16xi32>,
      %swap3A_222 = arith.constant 0 : index
      %swap3A_223 = tpu.vector_load %arg12[%swap3A_222] {strides = array<i32>} : memref<128xi32, #tpu.memory_space<vmem>>, vector<16xi32>,
      tpu.vector_store %arg12[%swap3A_222], %shift_right_logical3A_216 {strides = array<i32>} : memref<128xi32, #tpu.memory_space<vmem>>, vector<16xi32>,
      %shift_right_logical3A_224 = arith.constant 7 : i32
      %shift_right_logical3A_225 = vector.broadcast %shift_right_logical3A_224 : i32 to vector<16xi32>
      %shift_right_logical3A_226 = arith.shrui %shift_right_logical3A_216, %shift_right_logical3A_225 : vector<16xi32>
      %and3A_227 = arith.constant 127 : i32
      %and3A_228 = vector.broadcast %and3A_227 : i32 to vector<16xi32>
      %and3A_229 = arith.andi %shift_right_logical3A_216, %and3A_228 : vector<16xi32>
      %broadcast_in_dim3A_230 = arith.constant 1.000000e+00 : f32
      %broadcast_in_dim3A_231 = vector.broadcast %broadcast_in_dim3A_230 : f32 to vector<16xf32>
      tpu.vector_store_idx %arg13[%shift_right_logical3A_226, %and3A_229], %broadcast_in_dim3A_231 {add = true} : memref<80x128xf32, #tpu.memory_space<vmem>>[vector<16xi32>, vector<16xi32>], vector<16xf32>,
      %get3A_232 = arith.constant 1 : i32
      %get3A_233 = arith.index_cast %get3A_232 : i32 to index
      %get3A_234 = arith.constant 16 : index
      %get3A_235 = tpu.vector_load %arg8[%get3A_233, %get3A_234] {strides = array<i32>} : memref<40x128xi32, #tpu.memory_space<vmem>>, vector<16xi32>,
      %shift_right_logical3A_236 = arith.constant 16 : i32
      %shift_right_logical3A_237 = vector.broadcast %shift_right_logical3A_236 : i32 to vector<16xi32>
      %shift_right_logical3A_238 = arith.shrui %get3A_235, %shift_right_logical3A_237 : vector<16xi32>
      %and3A_239 = arith.constant 65535 : i32
      %and3A_240 = vector.broadcast %and3A_239 : i32 to vector<16xi32>
      %and3A_241 = arith.andi %get3A_235, %and3A_240 : vector<16xi32>
      %swap3A_242 = arith.constant 16 : index
      %swap3A_243 = tpu.vector_load %arg10[%swap3A_242] {strides = array<i32>} : memref<128xi32, #tpu.memory_space<vmem>>, vector<16xi32>,
      tpu.vector_store %arg10[%swap3A_242], %and3A_241 {strides = array<i32>} : memref<128xi32, #tpu.memory_space<vmem>>, vector<16xi32>,
      %swap3A_244 = arith.constant 16 : index
      %swap3A_245 = tpu.vector_load %arg12[%swap3A_244] {strides = array<i32>} : memref<128xi32, #tpu.memory_space<vmem>>, vector<16xi32>,
      tpu.vector_store %arg12[%swap3A_244], %shift_right_logical3A_238 {strides = array<i32>} : memref<128xi32, #tpu.memory_space<vmem>>, vector<16xi32>,
      %shift_right_logical3A_246 = arith.constant 7 : i32
      %shift_right_logical3A_247 = vector.broadcast %shift_right_logical3A_246 : i32 to vector<16xi32>
      %shift_right_logical3A_248 = arith.shrui %shift_right_logical3A_238, %shift_right_logical3A_247 : vector<16xi32>
      %and3A_249 = arith.constant 127 : i32
      %and3A_250 = vector.broadcast %and3A_249 : i32 to vector<16xi32>
      %and3A_251 = arith.andi %shift_right_logical3A_238, %and3A_250 : vector<16xi32>
      %broadcast_in_dim3A_252 = arith.constant 1.000000e+00 : f32
      %broadcast_in_dim3A_253 = vector.broadcast %broadcast_in_dim3A_252 : f32 to vector<16xf32>
      tpu.vector_store_idx %arg13[%shift_right_logical3A_248, %and3A_251], %broadcast_in_dim3A_253 {add = true} : memref<80x128xf32, #tpu.memory_space<vmem>>[vector<16xi32>, vector<16xi32>], vector<16xf32>,
      %get3A_254 = arith.constant 1 : i32
      %get3A_255 = arith.index_cast %get3A_254 : i32 to index
      %get3A_256 = arith.constant 32 : index
      %get3A_257 = tpu.vector_load %arg8[%get3A_255, %get3A_256] {strides = array<i32>} : memref<40x128xi32, #tpu.memory_space<vmem>>, vector<16xi32>,
      %shift_right_logical3A_258 = arith.constant 16 : i32
      %shift_right_logical3A_259 = vector.broadcast %shift_right_logical3A_258 : i32 to vector<16xi32>
      %shift_right_logical3A_260 = arith.shrui %get3A_257, %shift_right_logical3A_259 : vector<16xi32>
      %and3A_261 = arith.constant 65535 : i32
      %and3A_262 = vector.broadcast %and3A_261 : i32 to vector<16xi32>
      %and3A_263 = arith.andi %get3A_257, %and3A_262 : vector<16xi32>
      %swap3A_264 = arith.constant 32 : index
      %swap3A_265 = tpu.vector_load %arg10[%swap3A_264] {strides = array<i32>} : memref<128xi32, #tpu.memory_space<vmem>>, vector<16xi32>,
      tpu.vector_store %arg10[%swap3A_264], %and3A_263 {strides = array<i32>} : memref<128xi32, #tpu.memory_space<vmem>>, vector<16xi32>,
      %swap3A_266 = arith.constant 32 : index
      %swap3A_267 = tpu.vector_load %arg12[%swap3A_266] {strides = array<i32>} : memref<128xi32, #tpu.memory_space<vmem>>, vector<16xi32>,
      tpu.vector_store %arg12[%swap3A_266], %shift_right_logical3A_260 {strides = array<i32>} : memref<128xi32, #tpu.memory_space<vmem>>, vector<16xi32>,
      %shift_right_logical3A_268 = arith.constant 7 : i32
      %shift_right_logical3A_269 = vector.broadcast %shift_right_logical3A_268 : i32 to vector<16xi32>
      %shift_right_logical3A_270 = arith.shrui %shift_right_logical3A_260, %shift_right_logical3A_269 : vector<16xi32>
      %and3A_271 = arith.constant 127 : i32
      %and3A_272 = vector.broadcast %and3A_271 : i32 to vector<16xi32>
      %and3A_273 = arith.andi %shift_right_logical3A_260, %and3A_272 : vector<16xi32>
      %broadcast_in_dim3A_274 = arith.constant 1.000000e+00 : f32
      %broadcast_in_dim3A_275 = vector.broadcast %broadcast_in_dim3A_274 : f32 to vector<16xf32>
      tpu.vector_store_idx %arg13[%shift_right_logical3A_270, %and3A_273], %broadcast_in_dim3A_275 {add = true} : memref<80x128xf32, #tpu.memory_space<vmem>>[vector<16xi32>, vector<16xi32>], vector<16xf32>,
      %get3A_276 = arith.constant 1 : i32
      %get3A_277 = arith.index_cast %get3A_276 : i32 to index
      %get3A_278 = arith.constant 48 : index
      %get3A_279 = tpu.vector_load %arg8[%get3A_277, %get3A_278] {strides = array<i32>} : memref<40x128xi32, #tpu.memory_space<vmem>>, vector<16xi32>,
      %shift_right_logical3A_280 = arith.constant 16 : i32
      %shift_right_logical3A_281 = vector.broadcast %shift_right_logical3A_280 : i32 to vector<16xi32>
      %shift_right_logical3A_282 = arith.shrui %get3A_279, %shift_right_logical3A_281 : vector<16xi32>
      %and3A_283 = arith.constant 65535 : i32
      %and3A_284 = vector.broadcast %and3A_283 : i32 to vector<16xi32>
      %and3A_285 = arith.andi %get3A_279, %and3A_284 : vector<16xi32>
      %swap3A_286 = arith.constant 48 : index
      %swap3A_287 = tpu.vector_load %arg10[%swap3A_286] {strides = array<i32>} : memref<128xi32, #tpu.memory_space<vmem>>, vector<16xi32>,
      tpu.vector_store %arg10[%swap3A_286], %and3A_285 {strides = array<i32>} : memref<128xi32, #tpu.memory_space<vmem>>, vector<16xi32>,
      %swap3A_288 = arith.constant 48 : index
      %swap3A_289 = tpu.vector_load %arg12[%swap3A_288] {strides = array<i32>} : memref<128xi32, #tpu.memory_space<vmem>>, vector<16xi32>,
      tpu.vector_store %arg12[%swap3A_288], %shift_right_logical3A_282 {strides = array<i32>} : memref<128xi32, #tpu.memory_space<vmem>>, vector<16xi32>,
      %shift_right_logical3A_290 = arith.constant 7 : i32
      %shift_right_logical3A_291 = vector.broadcast %shift_right_logical3A_290 : i32 to vector<16xi32>
      %shift_right_logical3A_292 = arith.shrui %shift_right_logical3A_282, %shift_right_logical3A_291 : vector<16xi32>
      %and3A_293 = arith.constant 127 : i32
      %and3A_294 = vector.broadcast %and3A_293 : i32 to vector<16xi32>
      %and3A_295 = arith.andi %shift_right_logical3A_282, %and3A_294 : vector<16xi32>
      %broadcast_in_dim3A_296 = arith.constant 1.000000e+00 : f32
      %broadcast_in_dim3A_297 = vector.broadcast %broadcast_in_dim3A_296 : f32 to vector<16xf32>
      tpu.vector_store_idx %arg13[%shift_right_logical3A_292, %and3A_295], %broadcast_in_dim3A_297 {add = true} : memref<80x128xf32, #tpu.memory_space<vmem>>[vector<16xi32>, vector<16xi32>], vector<16xf32>,
      %get3A_298 = arith.constant 1 : i32
      %get3A_299 = arith.index_cast %get3A_298 : i32 to index
      %get3A_300 = arith.constant 64 : index
      %get3A_301 = tpu.vector_load %arg8[%get3A_299, %get3A_300] {strides = array<i32>} : memref<40x128xi32, #tpu.memory_space<vmem>>, vector<16xi32>,
      %shift_right_logical3A_302 = arith.constant 16 : i32
      %shift_right_logical3A_303 = vector.broadcast %shift_right_logical3A_302 : i32 to vector<16xi32>
      %shift_right_logical3A_304 = arith.shrui %get3A_301, %shift_right_logical3A_303 : vector<16xi32>
      %and3A_305 = arith.constant 65535 : i32
      %and3A_306 = vector.broadcast %and3A_305 : i32 to vector<16xi32>
      %and3A_307 = arith.andi %get3A_301, %and3A_306 : vector<16xi32>
      %swap3A_308 = arith.constant 64 : index
      %swap3A_309 = tpu.vector_load %arg10[%swap3A_308] {strides = array<i32>} : memref<128xi32, #tpu.memory_space<vmem>>, vector<16xi32>,
      tpu.vector_store %arg10[%swap3A_308], %and3A_307 {strides = array<i32>} : memref<128xi32, #tpu.memory_space<vmem>>, vector<16xi32>,
      %swap3A_310 = arith.constant 64 : index
      %swap3A_311 = tpu.vector_load %arg12[%swap3A_310] {strides = array<i32>} : memref<128xi32, #tpu.memory_space<vmem>>, vector<16xi32>,
      tpu.vector_store %arg12[%swap3A_310], %shift_right_logical3A_304 {strides = array<i32>} : memref<128xi32, #tpu.memory_space<vmem>>, vector<16xi32>,
      %shift_right_logical3A_312 = arith.constant 7 : i32
      %shift_right_logical3A_313 = vector.broadcast %shift_right_logical3A_312 : i32 to vector<16xi32>
      %shift_right_logical3A_314 = arith.shrui %shift_right_logical3A_304, %shift_right_logical3A_313 : vector<16xi32>
      %and3A_315 = arith.constant 127 : i32
      %and3A_316 = vector.broadcast %and3A_315 : i32 to vector<16xi32>
      %and3A_317 = arith.andi %shift_right_logical3A_304, %and3A_316 : vector<16xi32>
      %broadcast_in_dim3A_318 = arith.constant 1.000000e+00 : f32
      %broadcast_in_dim3A_319 = vector.broadcast %broadcast_in_dim3A_318 : f32 to vector<16xf32>
      tpu.vector_store_idx %arg13[%shift_right_logical3A_314, %and3A_317], %broadcast_in_dim3A_319 {add = true} : memref<80x128xf32, #tpu.memory_space<vmem>>[vector<16xi32>, vector<16xi32>], vector<16xf32>,
      %get3A_320 = arith.constant 1 : i32
      %get3A_321 = arith.index_cast %get3A_320 : i32 to index
      %get3A_322 = arith.constant 80 : index
      %get3A_323 = tpu.vector_load %arg8[%get3A_321, %get3A_322] {strides = array<i32>} : memref<40x128xi32, #tpu.memory_space<vmem>>, vector<16xi32>,
      %shift_right_logical3A_324 = arith.constant 16 : i32
      %shift_right_logical3A_325 = vector.broadcast %shift_right_logical3A_324 : i32 to vector<16xi32>
      %shift_right_logical3A_326 = arith.shrui %get3A_323, %shift_right_logical3A_325 : vector<16xi32>
      %and3A_327 = arith.constant 65535 : i32
      %and3A_328 = vector.broadcast %and3A_327 : i32 to vector<16xi32>
      %and3A_329 = arith.andi %get3A_323, %and3A_328 : vector<16xi32>
      %swap3A_330 = arith.constant 80 : index
      %swap3A_331 = tpu.vector_load %arg10[%swap3A_330] {strides = array<i32>} : memref<128xi32, #tpu.memory_space<vmem>>, vector<16xi32>,
      tpu.vector_store %arg10[%swap3A_330], %and3A_329 {strides = array<i32>} : memref<128xi32, #tpu.memory_space<vmem>>, vector<16xi32>,
      %swap3A_332 = arith.constant 80 : index
      %swap3A_333 = tpu.vector_load %arg12[%swap3A_332] {strides = array<i32>} : memref<128xi32, #tpu.memory_space<vmem>>, vector<16xi32>,
      tpu.vector_store %arg12[%swap3A_332], %shift_right_logical3A_326 {strides = array<i32>} : memref<128xi32, #tpu.memory_space<vmem>>, vector<16xi32>,
      %shift_right_logical3A_334 = arith.constant 7 : i32
      %shift_right_logical3A_335 = vector.broadcast %shift_right_logical3A_334 : i32 to vector<16xi32>
      %shift_right_logical3A_336 = arith.shrui %shift_right_logical3A_326, %shift_right_logical3A_335 : vector<16xi32>
      %and3A_337 = arith.constant 127 : i32
      %and3A_338 = vector.broadcast %and3A_337 : i32 to vector<16xi32>
      %and3A_339 = arith.andi %shift_right_logical3A_326, %and3A_338 : vector<16xi32>
      %broadcast_in_dim3A_340 = arith.constant 1.000000e+00 : f32
      %broadcast_in_dim3A_341 = vector.broadcast %broadcast_in_dim3A_340 : f32 to vector<16xf32>
      tpu.vector_store_idx %arg13[%shift_right_logical3A_336, %and3A_339], %broadcast_in_dim3A_341 {add = true} : memref<80x128xf32, #tpu.memory_space<vmem>>[vector<16xi32>, vector<16xi32>], vector<16xf32>,
      %get3A_342 = arith.constant 1 : i32
      %get3A_343 = arith.index_cast %get3A_342 : i32 to index
      %get3A_344 = arith.constant 96 : index
      %get3A_345 = tpu.vector_load %arg8[%get3A_343, %get3A_344] {strides = array<i32>} : memref<40x128xi32, #tpu.memory_space<vmem>>, vector<16xi32>,
      %shift_right_logical3A_346 = arith.constant 16 : i32
      %shift_right_logical3A_347 = vector.broadcast %shift_right_logical3A_346 : i32 to vector<16xi32>
      %shift_right_logical3A_348 = arith.shrui %get3A_345, %shift_right_logical3A_347 : vector<16xi32>
      %and3A_349 = arith.constant 65535 : i32
      %and3A_350 = vector.broadcast %and3A_349 : i32 to vector<16xi32>
      %and3A_351 = arith.andi %get3A_345, %and3A_350 : vector<16xi32>
      %swap3A_352 = arith.constant 96 : index
      %swap3A_353 = tpu.vector_load %arg10[%swap3A_352] {strides = array<i32>} : memref<128xi32, #tpu.memory_space<vmem>>, vector<16xi32>,
      tpu.vector_store %arg10[%swap3A_352], %and3A_351 {strides = array<i32>} : memref<128xi32, #tpu.memory_space<vmem>>, vector<16xi32>,
      %swap3A_354 = arith.constant 96 : index
      %swap3A_355 = tpu.vector_load %arg12[%swap3A_354] {strides = array<i32>} : memref<128xi32, #tpu.memory_space<vmem>>, vector<16xi32>,
      tpu.vector_store %arg12[%swap3A_354], %shift_right_logical3A_348 {strides = array<i32>} : memref<128xi32, #tpu.memory_space<vmem>>, vector<16xi32>,
      %shift_right_logical3A_356 = arith.constant 7 : i32
      %shift_right_logical3A_357 = vector.broadcast %shift_right_logical3A_356 : i32 to vector<16xi32>
      %shift_right_logical3A_358 = arith.shrui %shift_right_logical3A_348, %shift_right_logical3A_357 : vector<16xi32>
      %and3A_359 = arith.constant 127 : i32
      %and3A_360 = vector.broadcast %and3A_359 : i32 to vector<16xi32>
      %and3A_361 = arith.andi %shift_right_logical3A_348, %and3A_360 : vector<16xi32>
      %broadcast_in_dim3A_362 = arith.constant 1.000000e+00 : f32
      %broadcast_in_dim3A_363 = vector.broadcast %broadcast_in_dim3A_362 : f32 to vector<16xf32>
      tpu.vector_store_idx %arg13[%shift_right_logical3A_358, %and3A_361], %broadcast_in_dim3A_363 {add = true} : memref<80x128xf32, #tpu.memory_space<vmem>>[vector<16xi32>, vector<16xi32>], vector<16xf32>,
      %get3A_364 = arith.constant 1 : i32
      %get3A_365 = arith.index_cast %get3A_364 : i32 to index
      %get3A_366 = arith.constant 112 : index
      %get3A_367 = tpu.vector_load %arg8[%get3A_365, %get3A_366] {strides = array<i32>} : memref<40x128xi32, #tpu.memory_space<vmem>>, vector<16xi32>,
      %shift_right_logical3A_368 = arith.constant 16 : i32
      %shift_right_logical3A_369 = vector.broadcast %shift_right_logical3A_368 : i32 to vector<16xi32>
      %shift_right_logical3A_370 = arith.shrui %get3A_367, %shift_right_logical3A_369 : vector<16xi32>
      %and3A_371 = arith.constant 65535 : i32
      %and3A_372 = vector.broadcast %and3A_371 : i32 to vector<16xi32>
      %and3A_373 = arith.andi %get3A_367, %and3A_372 : vector<16xi32>
      %swap3A_374 = arith.constant 112 : index
      %swap3A_375 = tpu.vector_load %arg10[%swap3A_374] {strides = array<i32>} : memref<128xi32, #tpu.memory_space<vmem>>, vector<16xi32>,
      tpu.vector_store %arg10[%swap3A_374], %and3A_373 {strides = array<i32>} : memref<128xi32, #tpu.memory_space<vmem>>, vector<16xi32>,
      %swap3A_376 = arith.constant 112 : index
      %swap3A_377 = tpu.vector_load %arg12[%swap3A_376] {strides = array<i32>} : memref<128xi32, #tpu.memory_space<vmem>>, vector<16xi32>,
      tpu.vector_store %arg12[%swap3A_376], %shift_right_logical3A_370 {strides = array<i32>} : memref<128xi32, #tpu.memory_space<vmem>>, vector<16xi32>,
      %shift_right_logical3A_378 = arith.constant 7 : i32
      %shift_right_logical3A_379 = vector.broadcast %shift_right_logical3A_378 : i32 to vector<16xi32>
      %shift_right_logical3A_380 = arith.shrui %shift_right_logical3A_370, %shift_right_logical3A_379 : vector<16xi32>
      %and3A_381 = arith.constant 127 : i32
      %and3A_382 = vector.broadcast %and3A_381 : i32 to vector<16xi32>
      %and3A_383 = arith.andi %shift_right_logical3A_370, %and3A_382 : vector<16xi32>
      %broadcast_in_dim3A_384 = arith.constant 1.000000e+00 : f32
      %broadcast_in_dim3A_385 = vector.broadcast %broadcast_in_dim3A_384 : f32 to vector<16xf32>
      tpu.vector_store_idx %arg13[%shift_right_logical3A_380, %and3A_383], %broadcast_in_dim3A_385 {add = true} : memref<80x128xf32, #tpu.memory_space<vmem>>[vector<16xi32>, vector<16xi32>], vector<16xf32>,
      %dma_start3A_386 = arith.constant 0 : i32
      %dma_start3A_387 = arith.constant 0 : i32
      %dma_start3A_388 = tpu.memref_slice %arg2[%dma_start3A_386, %dma_start3A_387] : memref<10000x128xf32, #tpu.memory_space<hbm>> -> memref<10000x128xf32, #tpu.memory_space<hbm>>
      tpu.enqueue_indirect_dma source(%dma_start3A_388 : memref<10000x128xf32, #tpu.memory_space<hbm>>) target(%arg15 : memref<128x128xf32, #tpu.memory_space<vmem>>) offsets(%arg10 : memref<128xi32, #tpu.memory_space<vmem>>) semaphore(%arg17 : memref<!tpu.dma_semaphore, #tpu.memory_space<semaphore_mem>>)
      %scan3A = arith.constant 0 : i32
      %scan3A_389 = arith.constant 20 : i32
      %scan3A_390 = arith.addi %scan3A, %scan3A_389 : i32
      %scan3A_391 = arith.constant 1 : i32
      scf.for %scan3A_404 = %scan3A to %scan3A_390 step %scan3A_391  : i32 {
        %mul3A_405 = arith.constant 2 : i32
        %mul3A_406 = arith.muli %scan3A_404, %mul3A_405 : i32
        %add3A_407 = arith.constant 0 : i32
        %add3A_408 = arith.addi %add3A_407, %mul3A_406 : i32
        %add3A_409 = arith.constant 0 : i32
        %add3A_410 = arith.addi %add3A_408, %add3A_409 : i32
        %dma_wait3A_411 = arith.constant 0 : i32
        %dma_wait3A_412 = arith.constant 0 : i32
        %dma_wait3A_413 = tpu.memref_slice %arg2[%dma_wait3A_411, %dma_wait3A_412] : memref<10000x128xf32, #tpu.memory_space<hbm>> -> memref<128x128xf32, #tpu.memory_space<hbm>>
        %dma_wait3A_414 = arith.constant 0 : i32
        %dma_wait3A_415 = arith.constant 0 : i32
        %dma_wait3A_416 = tpu.memref_slice %arg2[%dma_wait3A_414, %dma_wait3A_415] : memref<10000x128xf32, #tpu.memory_space<hbm>> -> memref<128x128xf32, #tpu.memory_space<hbm>>
        tpu.wait_dma2 semaphore(%arg16 : memref<!tpu.dma_semaphore, #tpu.memory_space<semaphore_mem>>) src(%dma_wait3A_416 : memref<128x128xf32, #tpu.memory_space<hbm>>) dst(%arg14 : memref<128x128xf32, #tpu.memory_space<vmem>>)
        %dma_start3A_417 = arith.constant 0 : i32
        %dma_start3A_418 = arith.constant 0 : i32
        %dma_start3A_419 = tpu.memref_slice %arg7[%dma_start3A_417, %dma_start3A_418] : memref<10240x128xf32, #tpu.memory_space<vmem_shared>> -> memref<10240x128xf32, #tpu.memory_space<vmem_shared>>
        tpu.enqueue_indirect_dma source(%arg14 : memref<128x128xf32, #tpu.memory_space<vmem>>) target(%dma_start3A_419 : memref<10240x128xf32, #tpu.memory_space<vmem_shared>>) offsets(%arg11 : memref<128xi32, #tpu.memory_space<vmem>>) semaphore(%arg18 : memref<!tpu.dma_semaphore, #tpu.memory_space<semaphore_mem>>) {add = true}
        %add3A_420 = arith.constant 2 : i32
        %add3A_421 = arith.addi %add3A_410, %add3A_420 : i32
        %lt3A = arith.constant 40 : i32
        %lt3A_422 = arith.cmpi slt, %add3A_421, %lt3A : i32
        %convert_element_type3A = arith.extui %lt3A_422 : i1 to i32
        %cond3A = arith.constant 0 : i32
        %cond3A_423 = arith.cmpi ne, %convert_element_type3A, %cond3A : i32
        scf.if %cond3A_423 {
          %dma_wait3A_442 = arith.constant 0 : i32
          %dma_wait3A_443 = arith.constant 0 : i32
          %dma_wait3A_444 = tpu.memref_slice %arg2[%dma_wait3A_442, %dma_wait3A_443] : memref<10000x128xf32, #tpu.memory_space<hbm>> -> memref<128x128xf32, #tpu.memory_space<hbm>>
          %dma_wait3A_445 = arith.constant 0 : i32
          %dma_wait3A_446 = arith.constant 0 : i32
          %dma_wait3A_447 = tpu.memref_slice %arg2[%dma_wait3A_445, %dma_wait3A_446] : memref<10000x128xf32, #tpu.memory_space<hbm>> -> memref<128x128xf32, #tpu.memory_space<hbm>>
          tpu.wait_dma2 semaphore(%arg18 : memref<!tpu.dma_semaphore, #tpu.memory_space<semaphore_mem>>) src(%dma_wait3A_447 : memref<128x128xf32, #tpu.memory_space<hbm>>) dst(%arg14 : memref<128x128xf32, #tpu.memory_space<vmem>>)
          %add3A_448 = arith.constant 2 : i32
          %add3A_449 = arith.addi %add3A_410, %add3A_448 : i32
          %get3A_450 = arith.index_cast %add3A_449 : i32 to index
          %get3A_451 = arith.constant 0 : index
          %get3A_452 = tpu.vector_load %arg8[%get3A_450, %get3A_451] {strides = array<i32>} : memref<40x128xi32, #tpu.memory_space<vmem>>, vector<16xi32>,
          %shift_right_logical3A_453 = arith.constant 16 : i32
          %shift_right_logical3A_454 = vector.broadcast %shift_right_logical3A_453 : i32 to vector<16xi32>
          %shift_right_logical3A_455 = arith.shrui %get3A_452, %shift_right_logical3A_454 : vector<16xi32>
          %and3A_456 = arith.constant 65535 : i32
          %and3A_457 = vector.broadcast %and3A_456 : i32 to vector<16xi32>
          %and3A_458 = arith.andi %get3A_452, %and3A_457 : vector<16xi32>
          %swap3A_459 = arith.constant 0 : index
          %swap3A_460 = tpu.vector_load %arg9[%swap3A_459] {strides = array<i32>} : memref<128xi32, #tpu.memory_space<vmem>>, vector<16xi32>,
          tpu.vector_store %arg9[%swap3A_459], %and3A_458 {strides = array<i32>} : memref<128xi32, #tpu.memory_space<vmem>>, vector<16xi32>,
          %swap3A_461 = arith.constant 0 : index
          %swap3A_462 = tpu.vector_load %arg11[%swap3A_461] {strides = array<i32>} : memref<128xi32, #tpu.memory_space<vmem>>, vector<16xi32>,
          tpu.vector_store %arg11[%swap3A_461], %shift_right_logical3A_455 {strides = array<i32>} : memref<128xi32, #tpu.memory_space<vmem>>, vector<16xi32>,
          %shift_right_logical3A_463 = arith.constant 7 : i32
          %shift_right_logical3A_464 = vector.broadcast %shift_right_logical3A_463 : i32 to vector<16xi32>
          %shift_right_logical3A_465 = arith.shrui %shift_right_logical3A_455, %shift_right_logical3A_464 : vector<16xi32>
          %and3A_466 = arith.constant 127 : i32
          %and3A_467 = vector.broadcast %and3A_466 : i32 to vector<16xi32>
          %and3A_468 = arith.andi %shift_right_logical3A_455, %and3A_467 : vector<16xi32>
          %broadcast_in_dim3A_469 = arith.constant 1.000000e+00 : f32
          %broadcast_in_dim3A_470 = vector.broadcast %broadcast_in_dim3A_469 : f32 to vector<16xf32>
          tpu.vector_store_idx %arg13[%shift_right_logical3A_465, %and3A_468], %broadcast_in_dim3A_470 {add = true} : memref<80x128xf32, #tpu.memory_space<vmem>>[vector<16xi32>, vector<16xi32>], vector<16xf32>,
          %get3A_471 = arith.index_cast %add3A_449 : i32 to index
          %get3A_472 = arith.constant 16 : index
          %get3A_473 = tpu.vector_load %arg8[%get3A_471, %get3A_472] {strides = array<i32>} : memref<40x128xi32, #tpu.memory_space<vmem>>, vector<16xi32>,
          %shift_right_logical3A_474 = arith.constant 16 : i32
          %shift_right_logical3A_475 = vector.broadcast %shift_right_logical3A_474 : i32 to vector<16xi32>
          %shift_right_logical3A_476 = arith.shrui %get3A_473, %shift_right_logical3A_475 : vector<16xi32>
          %and3A_477 = arith.constant 65535 : i32
          %and3A_478 = vector.broadcast %and3A_477 : i32 to vector<16xi32>
          %and3A_479 = arith.andi %get3A_473, %and3A_478 : vector<16xi32>
          %swap3A_480 = arith.constant 16 : index
          %swap3A_481 = tpu.vector_load %arg9[%swap3A_480] {strides = array<i32>} : memref<128xi32, #tpu.memory_space<vmem>>, vector<16xi32>,
          tpu.vector_store %arg9[%swap3A_480], %and3A_479 {strides = array<i32>} : memref<128xi32, #tpu.memory_space<vmem>>, vector<16xi32>,
          %swap3A_482 = arith.constant 16 : index
          %swap3A_483 = tpu.vector_load %arg11[%swap3A_482] {strides = array<i32>} : memref<128xi32, #tpu.memory_space<vmem>>, vector<16xi32>,
          tpu.vector_store %arg11[%swap3A_482], %shift_right_logical3A_476 {strides = array<i32>} : memref<128xi32, #tpu.memory_space<vmem>>, vector<16xi32>,
          %shift_right_logical3A_484 = arith.constant 7 : i32
          %shift_right_logical3A_485 = vector.broadcast %shift_right_logical3A_484 : i32 to vector<16xi32>
          %shift_right_logical3A_486 = arith.shrui %shift_right_logical3A_476, %shift_right_logical3A_485 : vector<16xi32>
          %and3A_487 = arith.constant 127 : i32
          %and3A_488 = vector.broadcast %and3A_487 : i32 to vector<16xi32>
          %and3A_489 = arith.andi %shift_right_logical3A_476, %and3A_488 : vector<16xi32>
          %broadcast_in_dim3A_490 = arith.constant 1.000000e+00 : f32
          %broadcast_in_dim3A_491 = vector.broadcast %broadcast_in_dim3A_490 : f32 to vector<16xf32>
          tpu.vector_store_idx %arg13[%shift_right_logical3A_486, %and3A_489], %broadcast_in_dim3A_491 {add = true} : memref<80x128xf32, #tpu.memory_space<vmem>>[vector<16xi32>, vector<16xi32>], vector<16xf32>,
          %get3A_492 = arith.index_cast %add3A_449 : i32 to index
          %get3A_493 = arith.constant 32 : index
          %get3A_494 = tpu.vector_load %arg8[%get3A_492, %get3A_493] {strides = array<i32>} : memref<40x128xi32, #tpu.memory_space<vmem>>, vector<16xi32>,
          %shift_right_logical3A_495 = arith.constant 16 : i32
          %shift_right_logical3A_496 = vector.broadcast %shift_right_logical3A_495 : i32 to vector<16xi32>
          %shift_right_logical3A_497 = arith.shrui %get3A_494, %shift_right_logical3A_496 : vector<16xi32>
          %and3A_498 = arith.constant 65535 : i32
          %and3A_499 = vector.broadcast %and3A_498 : i32 to vector<16xi32>
          %and3A_500 = arith.andi %get3A_494, %and3A_499 : vector<16xi32>
          %swap3A_501 = arith.constant 32 : index
          %swap3A_502 = tpu.vector_load %arg9[%swap3A_501] {strides = array<i32>} : memref<128xi32, #tpu.memory_space<vmem>>, vector<16xi32>,
          tpu.vector_store %arg9[%swap3A_501], %and3A_500 {strides = array<i32>} : memref<128xi32, #tpu.memory_space<vmem>>, vector<16xi32>,
          %swap3A_503 = arith.constant 32 : index
          %swap3A_504 = tpu.vector_load %arg11[%swap3A_503] {strides = array<i32>} : memref<128xi32, #tpu.memory_space<vmem>>, vector<16xi32>,
          tpu.vector_store %arg11[%swap3A_503], %shift_right_logical3A_497 {strides = array<i32>} : memref<128xi32, #tpu.memory_space<vmem>>, vector<16xi32>,
          %shift_right_logical3A_505 = arith.constant 7 : i32
          %shift_right_logical3A_506 = vector.broadcast %shift_right_logical3A_505 : i32 to vector<16xi32>
          %shift_right_logical3A_507 = arith.shrui %shift_right_logical3A_497, %shift_right_logical3A_506 : vector<16xi32>
          %and3A_508 = arith.constant 127 : i32
          %and3A_509 = vector.broadcast %and3A_508 : i32 to vector<16xi32>
          %and3A_510 = arith.andi %shift_right_logical3A_497, %and3A_509 : vector<16xi32>
          %broadcast_in_dim3A_511 = arith.constant 1.000000e+00 : f32
          %broadcast_in_dim3A_512 = vector.broadcast %broadcast_in_dim3A_511 : f32 to vector<16xf32>
          tpu.vector_store_idx %arg13[%shift_right_logical3A_507, %and3A_510], %broadcast_in_dim3A_512 {add = true} : memref<80x128xf32, #tpu.memory_space<vmem>>[vector<16xi32>, vector<16xi32>], vector<16xf32>,
          %get3A_513 = arith.index_cast %add3A_449 : i32 to index
          %get3A_514 = arith.constant 48 : index
          %get3A_515 = tpu.vector_load %arg8[%get3A_513, %get3A_514] {strides = array<i32>} : memref<40x128xi32, #tpu.memory_space<vmem>>, vector<16xi32>,
          %shift_right_logical3A_516 = arith.constant 16 : i32
          %shift_right_logical3A_517 = vector.broadcast %shift_right_logical3A_516 : i32 to vector<16xi32>
          %shift_right_logical3A_518 = arith.shrui %get3A_515, %shift_right_logical3A_517 : vector<16xi32>
          %and3A_519 = arith.constant 65535 : i32
          %and3A_520 = vector.broadcast %and3A_519 : i32 to vector<16xi32>
          %and3A_521 = arith.andi %get3A_515, %and3A_520 : vector<16xi32>
          %swap3A_522 = arith.constant 48 : index
          %swap3A_523 = tpu.vector_load %arg9[%swap3A_522] {strides = array<i32>} : memref<128xi32, #tpu.memory_space<vmem>>, vector<16xi32>,
          tpu.vector_store %arg9[%swap3A_522], %and3A_521 {strides = array<i32>} : memref<128xi32, #tpu.memory_space<vmem>>, vector<16xi32>,
          %swap3A_524 = arith.constant 48 : index
          %swap3A_525 = tpu.vector_load %arg11[%swap3A_524] {strides = array<i32>} : memref<128xi32, #tpu.memory_space<vmem>>, vector<16xi32>,
          tpu.vector_store %arg11[%swap3A_524], %shift_right_logical3A_518 {strides = array<i32>} : memref<128xi32, #tpu.memory_space<vmem>>, vector<16xi32>,
          %shift_right_logical3A_526 = arith.constant 7 : i32
          %shift_right_logical3A_527 = vector.broadcast %shift_right_logical3A_526 : i32 to vector<16xi32>
          %shift_right_logical3A_528 = arith.shrui %shift_right_logical3A_518, %shift_right_logical3A_527 : vector<16xi32>
          %and3A_529 = arith.constant 127 : i32
          %and3A_530 = vector.broadcast %and3A_529 : i32 to vector<16xi32>
          %and3A_531 = arith.andi %shift_right_logical3A_518, %and3A_530 : vector<16xi32>
          %broadcast_in_dim3A_532 = arith.constant 1.000000e+00 : f32
          %broadcast_in_dim3A_533 = vector.broadcast %broadcast_in_dim3A_532 : f32 to vector<16xf32>
          tpu.vector_store_idx %arg13[%shift_right_logical3A_528, %and3A_531], %broadcast_in_dim3A_533 {add = true} : memref<80x128xf32, #tpu.memory_space<vmem>>[vector<16xi32>, vector<16xi32>], vector<16xf32>,
          %get3A_534 = arith.index_cast %add3A_449 : i32 to index
          %get3A_535 = arith.constant 64 : index
          %get3A_536 = tpu.vector_load %arg8[%get3A_534, %get3A_535] {strides = array<i32>} : memref<40x128xi32, #tpu.memory_space<vmem>>, vector<16xi32>,
          %shift_right_logical3A_537 = arith.constant 16 : i32
          %shift_right_logical3A_538 = vector.broadcast %shift_right_logical3A_537 : i32 to vector<16xi32>
          %shift_right_logical3A_539 = arith.shrui %get3A_536, %shift_right_logical3A_538 : vector<16xi32>
          %and3A_540 = arith.constant 65535 : i32
          %and3A_541 = vector.broadcast %and3A_540 : i32 to vector<16xi32>
          %and3A_542 = arith.andi %get3A_536, %and3A_541 : vector<16xi32>
          %swap3A_543 = arith.constant 64 : index
          %swap3A_544 = tpu.vector_load %arg9[%swap3A_543] {strides = array<i32>} : memref<128xi32, #tpu.memory_space<vmem>>, vector<16xi32>,
          tpu.vector_store %arg9[%swap3A_543], %and3A_542 {strides = array<i32>} : memref<128xi32, #tpu.memory_space<vmem>>, vector<16xi32>,
          %swap3A_545 = arith.constant 64 : index
          %swap3A_546 = tpu.vector_load %arg11[%swap3A_545] {strides = array<i32>} : memref<128xi32, #tpu.memory_space<vmem>>, vector<16xi32>,
          tpu.vector_store %arg11[%swap3A_545], %shift_right_logical3A_539 {strides = array<i32>} : memref<128xi32, #tpu.memory_space<vmem>>, vector<16xi32>,
          %shift_right_logical3A_547 = arith.constant 7 : i32
          %shift_right_logical3A_548 = vector.broadcast %shift_right_logical3A_547 : i32 to vector<16xi32>
          %shift_right_logical3A_549 = arith.shrui %shift_right_logical3A_539, %shift_right_logical3A_548 : vector<16xi32>
          %and3A_550 = arith.constant 127 : i32
          %and3A_551 = vector.broadcast %and3A_550 : i32 to vector<16xi32>
          %and3A_552 = arith.andi %shift_right_logical3A_539, %and3A_551 : vector<16xi32>
          %broadcast_in_dim3A_553 = arith.constant 1.000000e+00 : f32
          %broadcast_in_dim3A_554 = vector.broadcast %broadcast_in_dim3A_553 : f32 to vector<16xf32>
          tpu.vector_store_idx %arg13[%shift_right_logical3A_549, %and3A_552], %broadcast_in_dim3A_554 {add = true} : memref<80x128xf32, #tpu.memory_space<vmem>>[vector<16xi32>, vector<16xi32>], vector<16xf32>,
          %get3A_555 = arith.index_cast %add3A_449 : i32 to index
          %get3A_556 = arith.constant 80 : index
          %get3A_557 = tpu.vector_load %arg8[%get3A_555, %get3A_556] {strides = array<i32>} : memref<40x128xi32, #tpu.memory_space<vmem>>, vector<16xi32>,
          %shift_right_logical3A_558 = arith.constant 16 : i32
          %shift_right_logical3A_559 = vector.broadcast %shift_right_logical3A_558 : i32 to vector<16xi32>
          %shift_right_logical3A_560 = arith.shrui %get3A_557, %shift_right_logical3A_559 : vector<16xi32>
          %and3A_561 = arith.constant 65535 : i32
          %and3A_562 = vector.broadcast %and3A_561 : i32 to vector<16xi32>
          %and3A_563 = arith.andi %get3A_557, %and3A_562 : vector<16xi32>
          %swap3A_564 = arith.constant 80 : index
          %swap3A_565 = tpu.vector_load %arg9[%swap3A_564] {strides = array<i32>} : memref<128xi32, #tpu.memory_space<vmem>>, vector<16xi32>,
          tpu.vector_store %arg9[%swap3A_564], %and3A_563 {strides = array<i32>} : memref<128xi32, #tpu.memory_space<vmem>>, vector<16xi32>,
          %swap3A_566 = arith.constant 80 : index
          %swap3A_567 = tpu.vector_load %arg11[%swap3A_566] {strides = array<i32>} : memref<128xi32, #tpu.memory_space<vmem>>, vector<16xi32>,
          tpu.vector_store %arg11[%swap3A_566], %shift_right_logical3A_560 {strides = array<i32>} : memref<128xi32, #tpu.memory_space<vmem>>, vector<16xi32>,
          %shift_right_logical3A_568 = arith.constant 7 : i32
          %shift_right_logical3A_569 = vector.broadcast %shift_right_logical3A_568 : i32 to vector<16xi32>
          %shift_right_logical3A_570 = arith.shrui %shift_right_logical3A_560, %shift_right_logical3A_569 : vector<16xi32>
          %and3A_571 = arith.constant 127 : i32
          %and3A_572 = vector.broadcast %and3A_571 : i32 to vector<16xi32>
          %and3A_573 = arith.andi %shift_right_logical3A_560, %and3A_572 : vector<16xi32>
          %broadcast_in_dim3A_574 = arith.constant 1.000000e+00 : f32
          %broadcast_in_dim3A_575 = vector.broadcast %broadcast_in_dim3A_574 : f32 to vector<16xf32>
          tpu.vector_store_idx %arg13[%shift_right_logical3A_570, %and3A_573], %broadcast_in_dim3A_575 {add = true} : memref<80x128xf32, #tpu.memory_space<vmem>>[vector<16xi32>, vector<16xi32>], vector<16xf32>,
          %get3A_576 = arith.index_cast %add3A_449 : i32 to index
          %get3A_577 = arith.constant 96 : index
          %get3A_578 = tpu.vector_load %arg8[%get3A_576, %get3A_577] {strides = array<i32>} : memref<40x128xi32, #tpu.memory_space<vmem>>, vector<16xi32>,
          %shift_right_logical3A_579 = arith.constant 16 : i32
          %shift_right_logical3A_580 = vector.broadcast %shift_right_logical3A_579 : i32 to vector<16xi32>
          %shift_right_logical3A_581 = arith.shrui %get3A_578, %shift_right_logical3A_580 : vector<16xi32>
          %and3A_582 = arith.constant 65535 : i32
          %and3A_583 = vector.broadcast %and3A_582 : i32 to vector<16xi32>
          %and3A_584 = arith.andi %get3A_578, %and3A_583 : vector<16xi32>
          %swap3A_585 = arith.constant 96 : index
          %swap3A_586 = tpu.vector_load %arg9[%swap3A_585] {strides = array<i32>} : memref<128xi32, #tpu.memory_space<vmem>>, vector<16xi32>,
          tpu.vector_store %arg9[%swap3A_585], %and3A_584 {strides = array<i32>} : memref<128xi32, #tpu.memory_space<vmem>>, vector<16xi32>,
          %swap3A_587 = arith.constant 96 : index
          %swap3A_588 = tpu.vector_load %arg11[%swap3A_587] {strides = array<i32>} : memref<128xi32, #tpu.memory_space<vmem>>, vector<16xi32>,
          tpu.vector_store %arg11[%swap3A_587], %shift_right_logical3A_581 {strides = array<i32>} : memref<128xi32, #tpu.memory_space<vmem>>, vector<16xi32>,
          %shift_right_logical3A_589 = arith.constant 7 : i32
          %shift_right_logical3A_590 = vector.broadcast %shift_right_logical3A_589 : i32 to vector<16xi32>
          %shift_right_logical3A_591 = arith.shrui %shift_right_logical3A_581, %shift_right_logical3A_590 : vector<16xi32>
          %and3A_592 = arith.constant 127 : i32
          %and3A_593 = vector.broadcast %and3A_592 : i32 to vector<16xi32>
          %and3A_594 = arith.andi %shift_right_logical3A_581, %and3A_593 : vector<16xi32>
          %broadcast_in_dim3A_595 = arith.constant 1.000000e+00 : f32
          %broadcast_in_dim3A_596 = vector.broadcast %broadcast_in_dim3A_595 : f32 to vector<16xf32>
          tpu.vector_store_idx %arg13[%shift_right_logical3A_591, %and3A_594], %broadcast_in_dim3A_596 {add = true} : memref<80x128xf32, #tpu.memory_space<vmem>>[vector<16xi32>, vector<16xi32>], vector<16xf32>,
          %get3A_597 = arith.index_cast %add3A_449 : i32 to index
          %get3A_598 = arith.constant 112 : index
          %get3A_599 = tpu.vector_load %arg8[%get3A_597, %get3A_598] {strides = array<i32>} : memref<40x128xi32, #tpu.memory_space<vmem>>, vector<16xi32>,
          %shift_right_logical3A_600 = arith.constant 16 : i32
          %shift_right_logical3A_601 = vector.broadcast %shift_right_logical3A_600 : i32 to vector<16xi32>
          %shift_right_logical3A_602 = arith.shrui %get3A_599, %shift_right_logical3A_601 : vector<16xi32>
          %and3A_603 = arith.constant 65535 : i32
          %and3A_604 = vector.broadcast %and3A_603 : i32 to vector<16xi32>
          %and3A_605 = arith.andi %get3A_599, %and3A_604 : vector<16xi32>
          %swap3A_606 = arith.constant 112 : index
          %swap3A_607 = tpu.vector_load %arg9[%swap3A_606] {strides = array<i32>} : memref<128xi32, #tpu.memory_space<vmem>>, vector<16xi32>,
          tpu.vector_store %arg9[%swap3A_606], %and3A_605 {strides = array<i32>} : memref<128xi32, #tpu.memory_space<vmem>>, vector<16xi32>,
          %swap3A_608 = arith.constant 112 : index
          %swap3A_609 = tpu.vector_load %arg11[%swap3A_608] {strides = array<i32>} : memref<128xi32, #tpu.memory_space<vmem>>, vector<16xi32>,
          tpu.vector_store %arg11[%swap3A_608], %shift_right_logical3A_602 {strides = array<i32>} : memref<128xi32, #tpu.memory_space<vmem>>, vector<16xi32>,
          %shift_right_logical3A_610 = arith.constant 7 : i32
          %shift_right_logical3A_611 = vector.broadcast %shift_right_logical3A_610 : i32 to vector<16xi32>
          %shift_right_logical3A_612 = arith.shrui %shift_right_logical3A_602, %shift_right_logical3A_611 : vector<16xi32>
          %and3A_613 = arith.constant 127 : i32
          %and3A_614 = vector.broadcast %and3A_613 : i32 to vector<16xi32>
          %and3A_615 = arith.andi %shift_right_logical3A_602, %and3A_614 : vector<16xi32>
          %broadcast_in_dim3A_616 = arith.constant 1.000000e+00 : f32
          %broadcast_in_dim3A_617 = vector.broadcast %broadcast_in_dim3A_616 : f32 to vector<16xf32>
          tpu.vector_store_idx %arg13[%shift_right_logical3A_612, %and3A_615], %broadcast_in_dim3A_617 {add = true} : memref<80x128xf32, #tpu.memory_space<vmem>>[vector<16xi32>, vector<16xi32>], vector<16xf32>,
          %dma_start3A_618 = arith.constant 0 : i32
          %dma_start3A_619 = arith.constant 0 : i32
          %dma_start3A_620 = tpu.memref_slice %arg2[%dma_start3A_618, %dma_start3A_619] : memref<10000x128xf32, #tpu.memory_space<hbm>> -> memref<10000x128xf32, #tpu.memory_space<hbm>>
          tpu.enqueue_indirect_dma source(%dma_start3A_620 : memref<10000x128xf32, #tpu.memory_space<hbm>>) target(%arg14 : memref<128x128xf32, #tpu.memory_space<vmem>>) offsets(%arg9 : memref<128xi32, #tpu.memory_space<vmem>>) semaphore(%arg16 : memref<!tpu.dma_semaphore, #tpu.memory_space<semaphore_mem>>)
        } else {
        }
        %add3A_424 = arith.constant 1 : i32
        %add3A_425 = arith.addi %add3A_408, %add3A_424 : i32
        %dma_wait3A_426 = arith.constant 0 : i32
        %dma_wait3A_427 = arith.constant 0 : i32
        %dma_wait3A_428 = tpu.memref_slice %arg2[%dma_wait3A_426, %dma_wait3A_427] : memref<10000x128xf32, #tpu.memory_space<hbm>> -> memref<128x128xf32, #tpu.memory_space<hbm>>
        %dma_wait3A_429 = arith.constant 0 : i32
        %dma_wait3A_430 = arith.constant 0 : i32
        %dma_wait3A_431 = tpu.memref_slice %arg2[%dma_wait3A_429, %dma_wait3A_430] : memref<10000x128xf32, #tpu.memory_space<hbm>> -> memref<128x128xf32, #tpu.memory_space<hbm>>
        tpu.wait_dma2 semaphore(%arg17 : memref<!tpu.dma_semaphore, #tpu.memory_space<semaphore_mem>>) src(%dma_wait3A_431 : memref<128x128xf32, #tpu.memory_space<hbm>>) dst(%arg15 : memref<128x128xf32, #tpu.memory_space<vmem>>)
        %dma_start3A_432 = arith.constant 0 : i32
        %dma_start3A_433 = arith.constant 0 : i32
        %dma_start3A_434 = tpu.memref_slice %arg7[%dma_start3A_432, %dma_start3A_433] : memref<10240x128xf32, #tpu.memory_space<vmem_shared>> -> memref<10240x128xf32, #tpu.memory_space<vmem_shared>>
        tpu.enqueue_indirect_dma source(%arg15 : memref<128x128xf32, #tpu.memory_space<vmem>>) target(%dma_start3A_434 : memref<10240x128xf32, #tpu.memory_space<vmem_shared>>) offsets(%arg12 : memref<128xi32, #tpu.memory_space<vmem>>) semaphore(%arg19 : memref<!tpu.dma_semaphore, #tpu.memory_space<semaphore_mem>>) {add = true}
        %add3A_435 = arith.constant 2 : i32
        %add3A_436 = arith.addi %add3A_425, %add3A_435 : i32
        %lt3A_437 = arith.constant 40 : i32
        %lt3A_438 = arith.cmpi slt, %add3A_436, %lt3A_437 : i32
        %convert_element_type3A_439 = arith.extui %lt3A_438 : i1 to i32
        %cond3A_440 = arith.constant 0 : i32
        %cond3A_441 = arith.cmpi ne, %convert_element_type3A_439, %cond3A_440 : i32
        scf.if %cond3A_441 {
          %dma_wait3A_442 = arith.constant 0 : i32
          %dma_wait3A_443 = arith.constant 0 : i32
          %dma_wait3A_444 = tpu.memref_slice %arg2[%dma_wait3A_442, %dma_wait3A_443] : memref<10000x128xf32, #tpu.memory_space<hbm>> -> memref<128x128xf32, #tpu.memory_space<hbm>>
          %dma_wait3A_445 = arith.constant 0 : i32
          %dma_wait3A_446 = arith.constant 0 : i32
          %dma_wait3A_447 = tpu.memref_slice %arg2[%dma_wait3A_445, %dma_wait3A_446] : memref<10000x128xf32, #tpu.memory_space<hbm>> -> memref<128x128xf32, #tpu.memory_space<hbm>>
          tpu.wait_dma2 semaphore(%arg19 : memref<!tpu.dma_semaphore, #tpu.memory_space<semaphore_mem>>) src(%dma_wait3A_447 : memref<128x128xf32, #tpu.memory_space<hbm>>) dst(%arg15 : memref<128x128xf32, #tpu.memory_space<vmem>>)
          %add3A_448 = arith.constant 2 : i32
          %add3A_449 = arith.addi %add3A_425, %add3A_448 : i32
          %get3A_450 = arith.index_cast %add3A_449 : i32 to index
          %get3A_451 = arith.constant 0 : index
          %get3A_452 = tpu.vector_load %arg8[%get3A_450, %get3A_451] {strides = array<i32>} : memref<40x128xi32, #tpu.memory_space<vmem>>, vector<16xi32>,
          %shift_right_logical3A_453 = arith.constant 16 : i32
          %shift_right_logical3A_454 = vector.broadcast %shift_right_logical3A_453 : i32 to vector<16xi32>
          %shift_right_logical3A_455 = arith.shrui %get3A_452, %shift_right_logical3A_454 : vector<16xi32>
          %and3A_456 = arith.constant 65535 : i32
          %and3A_457 = vector.broadcast %and3A_456 : i32 to vector<16xi32>
          %and3A_458 = arith.andi %get3A_452, %and3A_457 : vector<16xi32>
          %swap3A_459 = arith.constant 0 : index
          %swap3A_460 = tpu.vector_load %arg10[%swap3A_459] {strides = array<i32>} : memref<128xi32, #tpu.memory_space<vmem>>, vector<16xi32>,
          tpu.vector_store %arg10[%swap3A_459], %and3A_458 {strides = array<i32>} : memref<128xi32, #tpu.memory_space<vmem>>, vector<16xi32>,
          %swap3A_461 = arith.constant 0 : index
          %swap3A_462 = tpu.vector_load %arg12[%swap3A_461] {strides = array<i32>} : memref<128xi32, #tpu.memory_space<vmem>>, vector<16xi32>,
          tpu.vector_store %arg12[%swap3A_461], %shift_right_logical3A_455 {strides = array<i32>} : memref<128xi32, #tpu.memory_space<vmem>>, vector<16xi32>,
          %shift_right_logical3A_463 = arith.constant 7 : i32
          %shift_right_logical3A_464 = vector.broadcast %shift_right_logical3A_463 : i32 to vector<16xi32>
          %shift_right_logical3A_465 = arith.shrui %shift_right_logical3A_455, %shift_right_logical3A_464 : vector<16xi32>
          %and3A_466 = arith.constant 127 : i32
          %and3A_467 = vector.broadcast %and3A_466 : i32 to vector<16xi32>
          %and3A_468 = arith.andi %shift_right_logical3A_455, %and3A_467 : vector<16xi32>
          %broadcast_in_dim3A_469 = arith.constant 1.000000e+00 : f32
          %broadcast_in_dim3A_470 = vector.broadcast %broadcast_in_dim3A_469 : f32 to vector<16xf32>
          tpu.vector_store_idx %arg13[%shift_right_logical3A_465, %and3A_468], %broadcast_in_dim3A_470 {add = true} : memref<80x128xf32, #tpu.memory_space<vmem>>[vector<16xi32>, vector<16xi32>], vector<16xf32>,
          %get3A_471 = arith.index_cast %add3A_449 : i32 to index
          %get3A_472 = arith.constant 16 : index
          %get3A_473 = tpu.vector_load %arg8[%get3A_471, %get3A_472] {strides = array<i32>} : memref<40x128xi32, #tpu.memory_space<vmem>>, vector<16xi32>,
          %shift_right_logical3A_474 = arith.constant 16 : i32
          %shift_right_logical3A_475 = vector.broadcast %shift_right_logical3A_474 : i32 to vector<16xi32>
          %shift_right_logical3A_476 = arith.shrui %get3A_473, %shift_right_logical3A_475 : vector<16xi32>
          %and3A_477 = arith.constant 65535 : i32
          %and3A_478 = vector.broadcast %and3A_477 : i32 to vector<16xi32>
          %and3A_479 = arith.andi %get3A_473, %and3A_478 : vector<16xi32>
          %swap3A_480 = arith.constant 16 : index
          %swap3A_481 = tpu.vector_load %arg10[%swap3A_480] {strides = array<i32>} : memref<128xi32, #tpu.memory_space<vmem>>, vector<16xi32>,
          tpu.vector_store %arg10[%swap3A_480], %and3A_479 {strides = array<i32>} : memref<128xi32, #tpu.memory_space<vmem>>, vector<16xi32>,
          %swap3A_482 = arith.constant 16 : index
          %swap3A_483 = tpu.vector_load %arg12[%swap3A_482] {strides = array<i32>} : memref<128xi32, #tpu.memory_space<vmem>>, vector<16xi32>,
          tpu.vector_store %arg12[%swap3A_482], %shift_right_logical3A_476 {strides = array<i32>} : memref<128xi32, #tpu.memory_space<vmem>>, vector<16xi32>,
          %shift_right_logical3A_484 = arith.constant 7 : i32
          %shift_right_logical3A_485 = vector.broadcast %shift_right_logical3A_484 : i32 to vector<16xi32>
          %shift_right_logical3A_486 = arith.shrui %shift_right_logical3A_476, %shift_right_logical3A_485 : vector<16xi32>
          %and3A_487 = arith.constant 127 : i32
          %and3A_488 = vector.broadcast %and3A_487 : i32 to vector<16xi32>
          %and3A_489 = arith.andi %shift_right_logical3A_476, %and3A_488 : vector<16xi32>
          %broadcast_in_dim3A_490 = arith.constant 1.000000e+00 : f32
          %broadcast_in_dim3A_491 = vector.broadcast %broadcast_in_dim3A_490 : f32 to vector<16xf32>
          tpu.vector_store_idx %arg13[%shift_right_logical3A_486, %and3A_489], %broadcast_in_dim3A_491 {add = true} : memref<80x128xf32, #tpu.memory_space<vmem>>[vector<16xi32>, vector<16xi32>], vector<16xf32>,
          %get3A_492 = arith.index_cast %add3A_449 : i32 to index
          %get3A_493 = arith.constant 32 : index
          %get3A_494 = tpu.vector_load %arg8[%get3A_492, %get3A_493] {strides = array<i32>} : memref<40x128xi32, #tpu.memory_space<vmem>>, vector<16xi32>,
          %shift_right_logical3A_495 = arith.constant 16 : i32
          %shift_right_logical3A_496 = vector.broadcast %shift_right_logical3A_495 : i32 to vector<16xi32>
          %shift_right_logical3A_497 = arith.shrui %get3A_494, %shift_right_logical3A_496 : vector<16xi32>
          %and3A_498 = arith.constant 65535 : i32
          %and3A_499 = vector.broadcast %and3A_498 : i32 to vector<16xi32>
          %and3A_500 = arith.andi %get3A_494, %and3A_499 : vector<16xi32>
          %swap3A_501 = arith.constant 32 : index
          %swap3A_502 = tpu.vector_load %arg10[%swap3A_501] {strides = array<i32>} : memref<128xi32, #tpu.memory_space<vmem>>, vector<16xi32>,
          tpu.vector_store %arg10[%swap3A_501], %and3A_500 {strides = array<i32>} : memref<128xi32, #tpu.memory_space<vmem>>, vector<16xi32>,
          %swap3A_503 = arith.constant 32 : index
          %swap3A_504 = tpu.vector_load %arg12[%swap3A_503] {strides = array<i32>} : memref<128xi32, #tpu.memory_space<vmem>>, vector<16xi32>,
          tpu.vector_store %arg12[%swap3A_503], %shift_right_logical3A_497 {strides = array<i32>} : memref<128xi32, #tpu.memory_space<vmem>>, vector<16xi32>,
          %shift_right_logical3A_505 = arith.constant 7 : i32
          %shift_right_logical3A_506 = vector.broadcast %shift_right_logical3A_505 : i32 to vector<16xi32>
          %shift_right_logical3A_507 = arith.shrui %shift_right_logical3A_497, %shift_right_logical3A_506 : vector<16xi32>
          %and3A_508 = arith.constant 127 : i32
          %and3A_509 = vector.broadcast %and3A_508 : i32 to vector<16xi32>
          %and3A_510 = arith.andi %shift_right_logical3A_497, %and3A_509 : vector<16xi32>
          %broadcast_in_dim3A_511 = arith.constant 1.000000e+00 : f32
          %broadcast_in_dim3A_512 = vector.broadcast %broadcast_in_dim3A_511 : f32 to vector<16xf32>
          tpu.vector_store_idx %arg13[%shift_right_logical3A_507, %and3A_510], %broadcast_in_dim3A_512 {add = true} : memref<80x128xf32, #tpu.memory_space<vmem>>[vector<16xi32>, vector<16xi32>], vector<16xf32>,
          %get3A_513 = arith.index_cast %add3A_449 : i32 to index
          %get3A_514 = arith.constant 48 : index
          %get3A_515 = tpu.vector_load %arg8[%get3A_513, %get3A_514] {strides = array<i32>} : memref<40x128xi32, #tpu.memory_space<vmem>>, vector<16xi32>,
          %shift_right_logical3A_516 = arith.constant 16 : i32
          %shift_right_logical3A_517 = vector.broadcast %shift_right_logical3A_516 : i32 to vector<16xi32>
          %shift_right_logical3A_518 = arith.shrui %get3A_515, %shift_right_logical3A_517 : vector<16xi32>
          %and3A_519 = arith.constant 65535 : i32
          %and3A_520 = vector.broadcast %and3A_519 : i32 to vector<16xi32>
          %and3A_521 = arith.andi %get3A_515, %and3A_520 : vector<16xi32>
          %swap3A_522 = arith.constant 48 : index
          %swap3A_523 = tpu.vector_load %arg10[%swap3A_522] {strides = array<i32>} : memref<128xi32, #tpu.memory_space<vmem>>, vector<16xi32>,
          tpu.vector_store %arg10[%swap3A_522], %and3A_521 {strides = array<i32>} : memref<128xi32, #tpu.memory_space<vmem>>, vector<16xi32>,
          %swap3A_524 = arith.constant 48 : index
          %swap3A_525 = tpu.vector_load %arg12[%swap3A_524] {strides = array<i32>} : memref<128xi32, #tpu.memory_space<vmem>>, vector<16xi32>,
          tpu.vector_store %arg12[%swap3A_524], %shift_right_logical3A_518 {strides = array<i32>} : memref<128xi32, #tpu.memory_space<vmem>>, vector<16xi32>,
          %shift_right_logical3A_526 = arith.constant 7 : i32
          %shift_right_logical3A_527 = vector.broadcast %shift_right_logical3A_526 : i32 to vector<16xi32>
          %shift_right_logical3A_528 = arith.shrui %shift_right_logical3A_518, %shift_right_logical3A_527 : vector<16xi32>
          %and3A_529 = arith.constant 127 : i32
          %and3A_530 = vector.broadcast %and3A_529 : i32 to vector<16xi32>
          %and3A_531 = arith.andi %shift_right_logical3A_518, %and3A_530 : vector<16xi32>
          %broadcast_in_dim3A_532 = arith.constant 1.000000e+00 : f32
          %broadcast_in_dim3A_533 = vector.broadcast %broadcast_in_dim3A_532 : f32 to vector<16xf32>
          tpu.vector_store_idx %arg13[%shift_right_logical3A_528, %and3A_531], %broadcast_in_dim3A_533 {add = true} : memref<80x128xf32, #tpu.memory_space<vmem>>[vector<16xi32>, vector<16xi32>], vector<16xf32>,
          %get3A_534 = arith.index_cast %add3A_449 : i32 to index
          %get3A_535 = arith.constant 64 : index
          %get3A_536 = tpu.vector_load %arg8[%get3A_534, %get3A_535] {strides = array<i32>} : memref<40x128xi32, #tpu.memory_space<vmem>>, vector<16xi32>,
          %shift_right_logical3A_537 = arith.constant 16 : i32
          %shift_right_logical3A_538 = vector.broadcast %shift_right_logical3A_537 : i32 to vector<16xi32>
          %shift_right_logical3A_539 = arith.shrui %get3A_536, %shift_right_logical3A_538 : vector<16xi32>
          %and3A_540 = arith.constant 65535 : i32
          %and3A_541 = vector.broadcast %and3A_540 : i32 to vector<16xi32>
          %and3A_542 = arith.andi %get3A_536, %and3A_541 : vector<16xi32>
          %swap3A_543 = arith.constant 64 : index
          %swap3A_544 = tpu.vector_load %arg10[%swap3A_543] {strides = array<i32>} : memref<128xi32, #tpu.memory_space<vmem>>, vector<16xi32>,
          tpu.vector_store %arg10[%swap3A_543], %and3A_542 {strides = array<i32>} : memref<128xi32, #tpu.memory_space<vmem>>, vector<16xi32>,
          %swap3A_545 = arith.constant 64 : index
          %swap3A_546 = tpu.vector_load %arg12[%swap3A_545] {strides = array<i32>} : memref<128xi32, #tpu.memory_space<vmem>>, vector<16xi32>,
          tpu.vector_store %arg12[%swap3A_545], %shift_right_logical3A_539 {strides = array<i32>} : memref<128xi32, #tpu.memory_space<vmem>>, vector<16xi32>,
          %shift_right_logical3A_547 = arith.constant 7 : i32
          %shift_right_logical3A_548 = vector.broadcast %shift_right_logical3A_547 : i32 to vector<16xi32>
          %shift_right_logical3A_549 = arith.shrui %shift_right_logical3A_539, %shift_right_logical3A_548 : vector<16xi32>
          %and3A_550 = arith.constant 127 : i32
          %and3A_551 = vector.broadcast %and3A_550 : i32 to vector<16xi32>
          %and3A_552 = arith.andi %shift_right_logical3A_539, %and3A_551 : vector<16xi32>
          %broadcast_in_dim3A_553 = arith.constant 1.000000e+00 : f32
          %broadcast_in_dim3A_554 = vector.broadcast %broadcast_in_dim3A_553 : f32 to vector<16xf32>
          tpu.vector_store_idx %arg13[%shift_right_logical3A_549, %and3A_552], %broadcast_in_dim3A_554 {add = true} : memref<80x128xf32, #tpu.memory_space<vmem>>[vector<16xi32>, vector<16xi32>], vector<16xf32>,
          %get3A_555 = arith.index_cast %add3A_449 : i32 to index
          %get3A_556 = arith.constant 80 : index
          %get3A_557 = tpu.vector_load %arg8[%get3A_555, %get3A_556] {strides = array<i32>} : memref<40x128xi32, #tpu.memory_space<vmem>>, vector<16xi32>,
          %shift_right_logical3A_558 = arith.constant 16 : i32
          %shift_right_logical3A_559 = vector.broadcast %shift_right_logical3A_558 : i32 to vector<16xi32>
          %shift_right_logical3A_560 = arith.shrui %get3A_557, %shift_right_logical3A_559 : vector<16xi32>
          %and3A_561 = arith.constant 65535 : i32
          %and3A_562 = vector.broadcast %and3A_561 : i32 to vector<16xi32>
          %and3A_563 = arith.andi %get3A_557, %and3A_562 : vector<16xi32>
          %swap3A_564 = arith.constant 80 : index
          %swap3A_565 = tpu.vector_load %arg10[%swap3A_564] {strides = array<i32>} : memref<128xi32, #tpu.memory_space<vmem>>, vector<16xi32>,
          tpu.vector_store %arg10[%swap3A_564], %and3A_563 {strides = array<i32>} : memref<128xi32, #tpu.memory_space<vmem>>, vector<16xi32>,
          %swap3A_566 = arith.constant 80 : index
          %swap3A_567 = tpu.vector_load %arg12[%swap3A_566] {strides = array<i32>} : memref<128xi32, #tpu.memory_space<vmem>>, vector<16xi32>,
          tpu.vector_store %arg12[%swap3A_566], %shift_right_logical3A_560 {strides = array<i32>} : memref<128xi32, #tpu.memory_space<vmem>>, vector<16xi32>,
          %shift_right_logical3A_568 = arith.constant 7 : i32
          %shift_right_logical3A_569 = vector.broadcast %shift_right_logical3A_568 : i32 to vector<16xi32>
          %shift_right_logical3A_570 = arith.shrui %shift_right_logical3A_560, %shift_right_logical3A_569 : vector<16xi32>
          %and3A_571 = arith.constant 127 : i32
          %and3A_572 = vector.broadcast %and3A_571 : i32 to vector<16xi32>
          %and3A_573 = arith.andi %shift_right_logical3A_560, %and3A_572 : vector<16xi32>
          %broadcast_in_dim3A_574 = arith.constant 1.000000e+00 : f32
          %broadcast_in_dim3A_575 = vector.broadcast %broadcast_in_dim3A_574 : f32 to vector<16xf32>
          tpu.vector_store_idx %arg13[%shift_right_logical3A_570, %and3A_573], %broadcast_in_dim3A_575 {add = true} : memref<80x128xf32, #tpu.memory_space<vmem>>[vector<16xi32>, vector<16xi32>], vector<16xf32>,
          %get3A_576 = arith.index_cast %add3A_449 : i32 to index
          %get3A_577 = arith.constant 96 : index
          %get3A_578 = tpu.vector_load %arg8[%get3A_576, %get3A_577] {strides = array<i32>} : memref<40x128xi32, #tpu.memory_space<vmem>>, vector<16xi32>,
          %shift_right_logical3A_579 = arith.constant 16 : i32
          %shift_right_logical3A_580 = vector.broadcast %shift_right_logical3A_579 : i32 to vector<16xi32>
          %shift_right_logical3A_581 = arith.shrui %get3A_578, %shift_right_logical3A_580 : vector<16xi32>
          %and3A_582 = arith.constant 65535 : i32
          %and3A_583 = vector.broadcast %and3A_582 : i32 to vector<16xi32>
          %and3A_584 = arith.andi %get3A_578, %and3A_583 : vector<16xi32>
          %swap3A_585 = arith.constant 96 : index
          %swap3A_586 = tpu.vector_load %arg10[%swap3A_585] {strides = array<i32>} : memref<128xi32, #tpu.memory_space<vmem>>, vector<16xi32>,
          tpu.vector_store %arg10[%swap3A_585], %and3A_584 {strides = array<i32>} : memref<128xi32, #tpu.memory_space<vmem>>, vector<16xi32>,
          %swap3A_587 = arith.constant 96 : index
          %swap3A_588 = tpu.vector_load %arg12[%swap3A_587] {strides = array<i32>} : memref<128xi32, #tpu.memory_space<vmem>>, vector<16xi32>,
          tpu.vector_store %arg12[%swap3A_587], %shift_right_logical3A_581 {strides = array<i32>} : memref<128xi32, #tpu.memory_space<vmem>>, vector<16xi32>,
          %shift_right_logical3A_589 = arith.constant 7 : i32
          %shift_right_logical3A_590 = vector.broadcast %shift_right_logical3A_589 : i32 to vector<16xi32>
          %shift_right_logical3A_591 = arith.shrui %shift_right_logical3A_581, %shift_right_logical3A_590 : vector<16xi32>
          %and3A_592 = arith.constant 127 : i32
          %and3A_593 = vector.broadcast %and3A_592 : i32 to vector<16xi32>
          %and3A_594 = arith.andi %shift_right_logical3A_581, %and3A_593 : vector<16xi32>
          %broadcast_in_dim3A_595 = arith.constant 1.000000e+00 : f32
          %broadcast_in_dim3A_596 = vector.broadcast %broadcast_in_dim3A_595 : f32 to vector<16xf32>
          tpu.vector_store_idx %arg13[%shift_right_logical3A_591, %and3A_594], %broadcast_in_dim3A_596 {add = true} : memref<80x128xf32, #tpu.memory_space<vmem>>[vector<16xi32>, vector<16xi32>], vector<16xf32>,
          %get3A_597 = arith.index_cast %add3A_449 : i32 to index
          %get3A_598 = arith.constant 112 : index
          %get3A_599 = tpu.vector_load %arg8[%get3A_597, %get3A_598] {strides = array<i32>} : memref<40x128xi32, #tpu.memory_space<vmem>>, vector<16xi32>,
          %shift_right_logical3A_600 = arith.constant 16 : i32
          %shift_right_logical3A_601 = vector.broadcast %shift_right_logical3A_600 : i32 to vector<16xi32>
          %shift_right_logical3A_602 = arith.shrui %get3A_599, %shift_right_logical3A_601 : vector<16xi32>
          %and3A_603 = arith.constant 65535 : i32
          %and3A_604 = vector.broadcast %and3A_603 : i32 to vector<16xi32>
          %and3A_605 = arith.andi %get3A_599, %and3A_604 : vector<16xi32>
          %swap3A_606 = arith.constant 112 : index
          %swap3A_607 = tpu.vector_load %arg10[%swap3A_606] {strides = array<i32>} : memref<128xi32, #tpu.memory_space<vmem>>, vector<16xi32>,
          tpu.vector_store %arg10[%swap3A_606], %and3A_605 {strides = array<i32>} : memref<128xi32, #tpu.memory_space<vmem>>, vector<16xi32>,
          %swap3A_608 = arith.constant 112 : index
          %swap3A_609 = tpu.vector_load %arg12[%swap3A_608] {strides = array<i32>} : memref<128xi32, #tpu.memory_space<vmem>>, vector<16xi32>,
          tpu.vector_store %arg12[%swap3A_608], %shift_right_logical3A_602 {strides = array<i32>} : memref<128xi32, #tpu.memory_space<vmem>>, vector<16xi32>,
          %shift_right_logical3A_610 = arith.constant 7 : i32
          %shift_right_logical3A_611 = vector.broadcast %shift_right_logical3A_610 : i32 to vector<16xi32>
          %shift_right_logical3A_612 = arith.shrui %shift_right_logical3A_602, %shift_right_logical3A_611 : vector<16xi32>
          %and3A_613 = arith.constant 127 : i32
          %and3A_614 = vector.broadcast %and3A_613 : i32 to vector<16xi32>
          %and3A_615 = arith.andi %shift_right_logical3A_602, %and3A_614 : vector<16xi32>
          %broadcast_in_dim3A_616 = arith.constant 1.000000e+00 : f32
          %broadcast_in_dim3A_617 = vector.broadcast %broadcast_in_dim3A_616 : f32 to vector<16xf32>
          tpu.vector_store_idx %arg13[%shift_right_logical3A_612, %and3A_615], %broadcast_in_dim3A_617 {add = true} : memref<80x128xf32, #tpu.memory_space<vmem>>[vector<16xi32>, vector<16xi32>], vector<16xf32>,
          %dma_start3A_618 = arith.constant 0 : i32
          %dma_start3A_619 = arith.constant 0 : i32
          %dma_start3A_620 = tpu.memref_slice %arg2[%dma_start3A_618, %dma_start3A_619] : memref<10000x128xf32, #tpu.memory_space<hbm>> -> memref<10000x128xf32, #tpu.memory_space<hbm>>
          tpu.enqueue_indirect_dma source(%dma_start3A_620 : memref<10000x128xf32, #tpu.memory_space<hbm>>) target(%arg15 : memref<128x128xf32, #tpu.memory_space<vmem>>) offsets(%arg10 : memref<128xi32, #tpu.memory_space<vmem>>) semaphore(%arg17 : memref<!tpu.dma_semaphore, #tpu.memory_space<semaphore_mem>>)
        } else {
        }
      }
      %scan3A_392 = arith.constant 20 : i32
      %dma_wait3A = arith.constant 0 : i32
      %dma_wait3A_393 = arith.constant 0 : i32
      %dma_wait3A_394 = tpu.memref_slice %arg2[%dma_wait3A, %dma_wait3A_393] : memref<10000x128xf32, #tpu.memory_space<hbm>> -> memref<128x128xf32, #tpu.memory_space<hbm>>
      %dma_wait3A_395 = arith.constant 0 : i32
      %dma_wait3A_396 = arith.constant 0 : i32
      %dma_wait3A_397 = tpu.memref_slice %arg2[%dma_wait3A_395, %dma_wait3A_396] : memref<10000x128xf32, #tpu.memory_space<hbm>> -> memref<128x128xf32, #tpu.memory_space<hbm>>
      tpu.wait_dma2 semaphore(%arg18 : memref<!tpu.dma_semaphore, #tpu.memory_space<semaphore_mem>>) src(%dma_wait3A_397 : memref<128x128xf32, #tpu.memory_space<hbm>>) dst(%arg14 : memref<128x128xf32, #tpu.memory_space<vmem>>)
      %dma_wait3A_398 = arith.constant 0 : i32
      %dma_wait3A_399 = arith.constant 0 : i32
      %dma_wait3A_400 = tpu.memref_slice %arg2[%dma_wait3A_398, %dma_wait3A_399] : memref<10000x128xf32, #tpu.memory_space<hbm>> -> memref<128x128xf32, #tpu.memory_space<hbm>>
      %dma_wait3A_401 = arith.constant 0 : i32
      %dma_wait3A_402 = arith.constant 0 : i32
      %dma_wait3A_403 = tpu.memref_slice %arg2[%dma_wait3A_401, %dma_wait3A_402] : memref<10000x128xf32, #tpu.memory_space<hbm>> -> memref<128x128xf32, #tpu.memory_space<hbm>>
      tpu.wait_dma2 semaphore(%arg19 : memref<!tpu.dma_semaphore, #tpu.memory_space<semaphore_mem>>) src(%dma_wait3A_403 : memref<128x128xf32, #tpu.memory_space<hbm>>) dst(%arg15 : memref<128x128xf32, #tpu.memory_space<vmem>>)
    }
    %while3A_27 = arith.constant 1 : i32
    scf.for %while3A_33 = %while3A_25 to %while3A_21 step %while3A_27  : i32 {
      %mul3A_34 = arith.muli %while3A_33, %while3A : i32
      %add3A_35 = arith.addi %while3A_18, %mul3A_34 : i32
      %add3A_36 = arith.addi %select_n3A_11, %add3A_35 : i32
      "tpu.region"() ({
        %run_scoped3A = tpu.sem_alloc : memref<!tpu.dma_semaphore, #tpu.memory_space<semaphore_mem>>
        %dma_start3A_404 = arith.constant 0 : i32
        %dma_start3A_405 = arith.constant 0 : i32
        %dma_start3A_406 = tpu.memref_slice %arg3[%add3A_36, %dma_start3A_404, %dma_start3A_405] : memref<64x40x128xi32, #tpu.memory_space<hbm>> -> memref<1x40x128xi32, #tpu.memory_space<hbm>>
        %dma_start3A_407 = tpu.memref_squeeze %dma_start3A_406 : memref<1x40x128xi32, #tpu.memory_space<hbm>> -> memref<40x128xi32, #tpu.memory_space<hbm>>
        %dma_start3A_408 = arith.constant 0 : i32
        %dma_start3A_409 = arith.constant 0 : i32
        %dma_start3A_410 = tpu.memref_slice %arg3[%add3A_36, %dma_start3A_408, %dma_start3A_409] : memref<64x40x128xi32, #tpu.memory_space<hbm>> -> memref<1x40x128xi32, #tpu.memory_space<hbm>>
        %dma_start3A_411 = tpu.memref_squeeze %dma_start3A_410 : memref<1x40x128xi32, #tpu.memory_space<hbm>> -> memref<40x128xi32, #tpu.memory_space<hbm>>
        tpu.enqueue_dma source(%dma_start3A_411 : memref<40x128xi32, #tpu.memory_space<hbm>>) target(%arg8 : memref<40x128xi32, #tpu.memory_space<vmem>>) target_semaphore(%run_scoped3A : memref<!tpu.dma_semaphore, #tpu.memory_space<semaphore_mem>>)
        %dma_wait3A_412 = arith.constant 0 : i32
        %dma_wait3A_413 = arith.constant 0 : i32
        %dma_wait3A_414 = tpu.memref_slice %arg3[%add3A_36, %dma_wait3A_412, %dma_wait3A_413] : memref<64x40x128xi32, #tpu.memory_space<hbm>> -> memref<1x40x128xi32, #tpu.memory_space<hbm>>
        %dma_wait3A_415 = tpu.memref_squeeze %dma_wait3A_414 : memref<1x40x128xi32, #tpu.memory_space<hbm>> -> memref<40x128xi32, #tpu.memory_space<hbm>>
        %dma_wait3A_416 = arith.constant 0 : i32
        %dma_wait3A_417 = arith.constant 0 : i32
        %dma_wait3A_418 = tpu.memref_slice %arg3[%add3A_36, %dma_wait3A_416, %dma_wait3A_417] : memref<64x40x128xi32, #tpu.memory_space<hbm>> -> memref<1x40x128xi32, #tpu.memory_space<hbm>>
        %dma_wait3A_419 = tpu.memref_squeeze %dma_wait3A_418 : memref<1x40x128xi32, #tpu.memory_space<hbm>> -> memref<40x128xi32, #tpu.memory_space<hbm>>
        tpu.wait_dma2 semaphore(%run_scoped3A : memref<!tpu.dma_semaphore, #tpu.memory_space<semaphore_mem>>) src(%dma_wait3A_419 : memref<40x128xi32, #tpu.memory_space<hbm>>) dst(%arg8 : memref<40x128xi32, #tpu.memory_space<vmem>>)
        tpu.yield
      }) : () -> ()
      %get3A = arith.constant 0 : i32
      %get3A_37 = arith.index_cast %get3A : i32 to index
      %get3A_38 = arith.constant 0 : index
      %get3A_39 = tpu.vector_load %arg8[%get3A_37, %get3A_38] {strides = array<i32>} : memref<40x128xi32, #tpu.memory_space<vmem>>, vector<16xi32>,
      %shift_right_logical3A = arith.constant 16 : i32
      %shift_right_logical3A_40 = vector.broadcast %shift_right_logical3A : i32 to vector<16xi32>
      %shift_right_logical3A_41 = arith.shrui %get3A_39, %shift_right_logical3A_40 : vector<16xi32>
      %and3A = arith.constant 65535 : i32
      %and3A_42 = vector.broadcast %and3A : i32 to vector<16xi32>
      %and3A_43 = arith.andi %get3A_39, %and3A_42 : vector<16xi32>
      %swap3A = arith.constant 0 : index
      %swap3A_44 = tpu.vector_load %arg9[%swap3A] {strides = array<i32>} : memref<128xi32, #tpu.memory_space<vmem>>, vector<16xi32>,
      tpu.vector_store %arg9[%swap3A], %and3A_43 {strides = array<i32>} : memref<128xi32, #tpu.memory_space<vmem>>, vector<16xi32>,
      %swap3A_45 = arith.constant 0 : index
      %swap3A_46 = tpu.vector_load %arg11[%swap3A_45] {strides = array<i32>} : memref<128xi32, #tpu.memory_space<vmem>>, vector<16xi32>,
      tpu.vector_store %arg11[%swap3A_45], %shift_right_logical3A_41 {strides = array<i32>} : memref<128xi32, #tpu.memory_space<vmem>>, vector<16xi32>,
      %shift_right_logical3A_47 = arith.constant 7 : i32
      %shift_right_logical3A_48 = vector.broadcast %shift_right_logical3A_47 : i32 to vector<16xi32>
      %shift_right_logical3A_49 = arith.shrui %shift_right_logical3A_41, %shift_right_logical3A_48 : vector<16xi32>
      %and3A_50 = arith.constant 127 : i32
      %and3A_51 = vector.broadcast %and3A_50 : i32 to vector<16xi32>
      %and3A_52 = arith.andi %shift_right_logical3A_41, %and3A_51 : vector<16xi32>
      %broadcast_in_dim3A = arith.constant 1.000000e+00 : f32
      %broadcast_in_dim3A_53 = vector.broadcast %broadcast_in_dim3A : f32 to vector<16xf32>
      tpu.vector_store_idx %arg13[%shift_right_logical3A_49, %and3A_52], %broadcast_in_dim3A_53 {add = true} : memref<80x128xf32, #tpu.memory_space<vmem>>[vector<16xi32>, vector<16xi32>], vector<16xf32>,
      %get3A_54 = arith.constant 0 : i32
      %get3A_55 = arith.index_cast %get3A_54 : i32 to index
      %get3A_56 = arith.constant 16 : index
      %get3A_57 = tpu.vector_load %arg8[%get3A_55, %get3A_56] {strides = array<i32>} : memref<40x128xi32, #tpu.memory_space<vmem>>, vector<16xi32>,
      %shift_right_logical3A_58 = arith.constant 16 : i32
      %shift_right_logical3A_59 = vector.broadcast %shift_right_logical3A_58 : i32 to vector<16xi32>
      %shift_right_logical3A_60 = arith.shrui %get3A_57, %shift_right_logical3A_59 : vector<16xi32>
      %and3A_61 = arith.constant 65535 : i32
      %and3A_62 = vector.broadcast %and3A_61 : i32 to vector<16xi32>
      %and3A_63 = arith.andi %get3A_57, %and3A_62 : vector<16xi32>
      %swap3A_64 = arith.constant 16 : index
      %swap3A_65 = tpu.vector_load %arg9[%swap3A_64] {strides = array<i32>} : memref<128xi32, #tpu.memory_space<vmem>>, vector<16xi32>,
      tpu.vector_store %arg9[%swap3A_64], %and3A_63 {strides = array<i32>} : memref<128xi32, #tpu.memory_space<vmem>>, vector<16xi32>,
      %swap3A_66 = arith.constant 16 : index
      %swap3A_67 = tpu.vector_load %arg11[%swap3A_66] {strides = array<i32>} : memref<128xi32, #tpu.memory_space<vmem>>, vector<16xi32>,
      tpu.vector_store %arg11[%swap3A_66], %shift_right_logical3A_60 {strides = array<i32>} : memref<128xi32, #tpu.memory_space<vmem>>, vector<16xi32>,
      %shift_right_logical3A_68 = arith.constant 7 : i32
      %shift_right_logical3A_69 = vector.broadcast %shift_right_logical3A_68 : i32 to vector<16xi32>
      %shift_right_logical3A_70 = arith.shrui %shift_right_logical3A_60, %shift_right_logical3A_69 : vector<16xi32>
      %and3A_71 = arith.constant 127 : i32
      %and3A_72 = vector.broadcast %and3A_71 : i32 to vector<16xi32>
      %and3A_73 = arith.andi %shift_right_logical3A_60, %and3A_72 : vector<16xi32>
      %broadcast_in_dim3A_74 = arith.constant 1.000000e+00 : f32
      %broadcast_in_dim3A_75 = vector.broadcast %broadcast_in_dim3A_74 : f32 to vector<16xf32>
      tpu.vector_store_idx %arg13[%shift_right_logical3A_70, %and3A_73], %broadcast_in_dim3A_75 {add = true} : memref<80x128xf32, #tpu.memory_space<vmem>>[vector<16xi32>, vector<16xi32>], vector<16xf32>,
      %get3A_76 = arith.constant 0 : i32
      %get3A_77 = arith.index_cast %get3A_76 : i32 to index
      %get3A_78 = arith.constant 32 : index
      %get3A_79 = tpu.vector_load %arg8[%get3A_77, %get3A_78] {strides = array<i32>} : memref<40x128xi32, #tpu.memory_space<vmem>>, vector<16xi32>,
      %shift_right_logical3A_80 = arith.constant 16 : i32
      %shift_right_logical3A_81 = vector.broadcast %shift_right_logical3A_80 : i32 to vector<16xi32>
      %shift_right_logical3A_82 = arith.shrui %get3A_79, %shift_right_logical3A_81 : vector<16xi32>
      %and3A_83 = arith.constant 65535 : i32
      %and3A_84 = vector.broadcast %and3A_83 : i32 to vector<16xi32>
      %and3A_85 = arith.andi %get3A_79, %and3A_84 : vector<16xi32>
      %swap3A_86 = arith.constant 32 : index
      %swap3A_87 = tpu.vector_load %arg9[%swap3A_86] {strides = array<i32>} : memref<128xi32, #tpu.memory_space<vmem>>, vector<16xi32>,
      tpu.vector_store %arg9[%swap3A_86], %and3A_85 {strides = array<i32>} : memref<128xi32, #tpu.memory_space<vmem>>, vector<16xi32>,
      %swap3A_88 = arith.constant 32 : index
      %swap3A_89 = tpu.vector_load %arg11[%swap3A_88] {strides = array<i32>} : memref<128xi32, #tpu.memory_space<vmem>>, vector<16xi32>,
      tpu.vector_store %arg11[%swap3A_88], %shift_right_logical3A_82 {strides = array<i32>} : memref<128xi32, #tpu.memory_space<vmem>>, vector<16xi32>,
      %shift_right_logical3A_90 = arith.constant 7 : i32
      %shift_right_logical3A_91 = vector.broadcast %shift_right_logical3A_90 : i32 to vector<16xi32>
      %shift_right_logical3A_92 = arith.shrui %shift_right_logical3A_82, %shift_right_logical3A_91 : vector<16xi32>
      %and3A_93 = arith.constant 127 : i32
      %and3A_94 = vector.broadcast %and3A_93 : i32 to vector<16xi32>
      %and3A_95 = arith.andi %shift_right_logical3A_82, %and3A_94 : vector<16xi32>
      %broadcast_in_dim3A_96 = arith.constant 1.000000e+00 : f32
      %broadcast_in_dim3A_97 = vector.broadcast %broadcast_in_dim3A_96 : f32 to vector<16xf32>
      tpu.vector_store_idx %arg13[%shift_right_logical3A_92, %and3A_95], %broadcast_in_dim3A_97 {add = true} : memref<80x128xf32, #tpu.memory_space<vmem>>[vector<16xi32>, vector<16xi32>], vector<16xf32>,
      %get3A_98 = arith.constant 0 : i32
      %get3A_99 = arith.index_cast %get3A_98 : i32 to index
      %get3A_100 = arith.constant 48 : index
      %get3A_101 = tpu.vector_load %arg8[%get3A_99, %get3A_100] {strides = array<i32>} : memref<40x128xi32, #tpu.memory_space<vmem>>, vector<16xi32>,
      %shift_right_logical3A_102 = arith.constant 16 : i32
      %shift_right_logical3A_103 = vector.broadcast %shift_right_logical3A_102 : i32 to vector<16xi32>
      %shift_right_logical3A_104 = arith.shrui %get3A_101, %shift_right_logical3A_103 : vector<16xi32>
      %and3A_105 = arith.constant 65535 : i32
      %and3A_106 = vector.broadcast %and3A_105 : i32 to vector<16xi32>
      %and3A_107 = arith.andi %get3A_101, %and3A_106 : vector<16xi32>
      %swap3A_108 = arith.constant 48 : index
      %swap3A_109 = tpu.vector_load %arg9[%swap3A_108] {strides = array<i32>} : memref<128xi32, #tpu.memory_space<vmem>>, vector<16xi32>,
      tpu.vector_store %arg9[%swap3A_108], %and3A_107 {strides = array<i32>} : memref<128xi32, #tpu.memory_space<vmem>>, vector<16xi32>,
      %swap3A_110 = arith.constant 48 : index
      %swap3A_111 = tpu.vector_load %arg11[%swap3A_110] {strides = array<i32>} : memref<128xi32, #tpu.memory_space<vmem>>, vector<16xi32>,
      tpu.vector_store %arg11[%swap3A_110], %shift_right_logical3A_104 {strides = array<i32>} : memref<128xi32, #tpu.memory_space<vmem>>, vector<16xi32>,
      %shift_right_logical3A_112 = arith.constant 7 : i32
      %shift_right_logical3A_113 = vector.broadcast %shift_right_logical3A_112 : i32 to vector<16xi32>
      %shift_right_logical3A_114 = arith.shrui %shift_right_logical3A_104, %shift_right_logical3A_113 : vector<16xi32>
      %and3A_115 = arith.constant 127 : i32
      %and3A_116 = vector.broadcast %and3A_115 : i32 to vector<16xi32>
      %and3A_117 = arith.andi %shift_right_logical3A_104, %and3A_116 : vector<16xi32>
      %broadcast_in_dim3A_118 = arith.constant 1.000000e+00 : f32
      %broadcast_in_dim3A_119 = vector.broadcast %broadcast_in_dim3A_118 : f32 to vector<16xf32>
      tpu.vector_store_idx %arg13[%shift_right_logical3A_114, %and3A_117], %broadcast_in_dim3A_119 {add = true} : memref<80x128xf32, #tpu.memory_space<vmem>>[vector<16xi32>, vector<16xi32>], vector<16xf32>,
      %get3A_120 = arith.constant 0 : i32
      %get3A_121 = arith.index_cast %get3A_120 : i32 to index
      %get3A_122 = arith.constant 64 : index
      %get3A_123 = tpu.vector_load %arg8[%get3A_121, %get3A_122] {strides = array<i32>} : memref<40x128xi32, #tpu.memory_space<vmem>>, vector<16xi32>,
      %shift_right_logical3A_124 = arith.constant 16 : i32
      %shift_right_logical3A_125 = vector.broadcast %shift_right_logical3A_124 : i32 to vector<16xi32>
      %shift_right_logical3A_126 = arith.shrui %get3A_123, %shift_right_logical3A_125 : vector<16xi32>
      %and3A_127 = arith.constant 65535 : i32
      %and3A_128 = vector.broadcast %and3A_127 : i32 to vector<16xi32>
      %and3A_129 = arith.andi %get3A_123, %and3A_128 : vector<16xi32>
      %swap3A_130 = arith.constant 64 : index
      %swap3A_131 = tpu.vector_load %arg9[%swap3A_130] {strides = array<i32>} : memref<128xi32, #tpu.memory_space<vmem>>, vector<16xi32>,
      tpu.vector_store %arg9[%swap3A_130], %and3A_129 {strides = array<i32>} : memref<128xi32, #tpu.memory_space<vmem>>, vector<16xi32>,
      %swap3A_132 = arith.constant 64 : index
      %swap3A_133 = tpu.vector_load %arg11[%swap3A_132] {strides = array<i32>} : memref<128xi32, #tpu.memory_space<vmem>>, vector<16xi32>,
      tpu.vector_store %arg11[%swap3A_132], %shift_right_logical3A_126 {strides = array<i32>} : memref<128xi32, #tpu.memory_space<vmem>>, vector<16xi32>,
      %shift_right_logical3A_134 = arith.constant 7 : i32
      %shift_right_logical3A_135 = vector.broadcast %shift_right_logical3A_134 : i32 to vector<16xi32>
      %shift_right_logical3A_136 = arith.shrui %shift_right_logical3A_126, %shift_right_logical3A_135 : vector<16xi32>
      %and3A_137 = arith.constant 127 : i32
      %and3A_138 = vector.broadcast %and3A_137 : i32 to vector<16xi32>
      %and3A_139 = arith.andi %shift_right_logical3A_126, %and3A_138 : vector<16xi32>
      %broadcast_in_dim3A_140 = arith.constant 1.000000e+00 : f32
      %broadcast_in_dim3A_141 = vector.broadcast %broadcast_in_dim3A_140 : f32 to vector<16xf32>
      tpu.vector_store_idx %arg13[%shift_right_logical3A_136, %and3A_139], %broadcast_in_dim3A_141 {add = true} : memref<80x128xf32, #tpu.memory_space<vmem>>[vector<16xi32>, vector<16xi32>], vector<16xf32>,
      %get3A_142 = arith.constant 0 : i32
      %get3A_143 = arith.index_cast %get3A_142 : i32 to index
      %get3A_144 = arith.constant 80 : index
      %get3A_145 = tpu.vector_load %arg8[%get3A_143, %get3A_144] {strides = array<i32>} : memref<40x128xi32, #tpu.memory_space<vmem>>, vector<16xi32>,
      %shift_right_logical3A_146 = arith.constant 16 : i32
      %shift_right_logical3A_147 = vector.broadcast %shift_right_logical3A_146 : i32 to vector<16xi32>
      %shift_right_logical3A_148 = arith.shrui %get3A_145, %shift_right_logical3A_147 : vector<16xi32>
      %and3A_149 = arith.constant 65535 : i32
      %and3A_150 = vector.broadcast %and3A_149 : i32 to vector<16xi32>
      %and3A_151 = arith.andi %get3A_145, %and3A_150 : vector<16xi32>
      %swap3A_152 = arith.constant 80 : index
      %swap3A_153 = tpu.vector_load %arg9[%swap3A_152] {strides = array<i32>} : memref<128xi32, #tpu.memory_space<vmem>>, vector<16xi32>,
      tpu.vector_store %arg9[%swap3A_152], %and3A_151 {strides = array<i32>} : memref<128xi32, #tpu.memory_space<vmem>>, vector<16xi32>,
      %swap3A_154 = arith.constant 80 : index
      %swap3A_155 = tpu.vector_load %arg11[%swap3A_154] {strides = array<i32>} : memref<128xi32, #tpu.memory_space<vmem>>, vector<16xi32>,
      tpu.vector_store %arg11[%swap3A_154], %shift_right_logical3A_148 {strides = array<i32>} : memref<128xi32, #tpu.memory_space<vmem>>, vector<16xi32>,
      %shift_right_logical3A_156 = arith.constant 7 : i32
      %shift_right_logical3A_157 = vector.broadcast %shift_right_logical3A_156 : i32 to vector<16xi32>
      %shift_right_logical3A_158 = arith.shrui %shift_right_logical3A_148, %shift_right_logical3A_157 : vector<16xi32>
      %and3A_159 = arith.constant 127 : i32
      %and3A_160 = vector.broadcast %and3A_159 : i32 to vector<16xi32>
      %and3A_161 = arith.andi %shift_right_logical3A_148, %and3A_160 : vector<16xi32>
      %broadcast_in_dim3A_162 = arith.constant 1.000000e+00 : f32
      %broadcast_in_dim3A_163 = vector.broadcast %broadcast_in_dim3A_162 : f32 to vector<16xf32>
      tpu.vector_store_idx %arg13[%shift_right_logical3A_158, %and3A_161], %broadcast_in_dim3A_163 {add = true} : memref<80x128xf32, #tpu.memory_space<vmem>>[vector<16xi32>, vector<16xi32>], vector<16xf32>,
      %get3A_164 = arith.constant 0 : i32
      %get3A_165 = arith.index_cast %get3A_164 : i32 to index
      %get3A_166 = arith.constant 96 : index
      %get3A_167 = tpu.vector_load %arg8[%get3A_165, %get3A_166] {strides = array<i32>} : memref<40x128xi32, #tpu.memory_space<vmem>>, vector<16xi32>,
      %shift_right_logical3A_168 = arith.constant 16 : i32
      %shift_right_logical3A_169 = vector.broadcast %shift_right_logical3A_168 : i32 to vector<16xi32>
      %shift_right_logical3A_170 = arith.shrui %get3A_167, %shift_right_logical3A_169 : vector<16xi32>
      %and3A_171 = arith.constant 65535 : i32
      %and3A_172 = vector.broadcast %and3A_171 : i32 to vector<16xi32>
      %and3A_173 = arith.andi %get3A_167, %and3A_172 : vector<16xi32>
      %swap3A_174 = arith.constant 96 : index
      %swap3A_175 = tpu.vector_load %arg9[%swap3A_174] {strides = array<i32>} : memref<128xi32, #tpu.memory_space<vmem>>, vector<16xi32>,
      tpu.vector_store %arg9[%swap3A_174], %and3A_173 {strides = array<i32>} : memref<128xi32, #tpu.memory_space<vmem>>, vector<16xi32>,
      %swap3A_176 = arith.constant 96 : index
      %swap3A_177 = tpu.vector_load %arg11[%swap3A_176] {strides = array<i32>} : memref<128xi32, #tpu.memory_space<vmem>>, vector<16xi32>,
      tpu.vector_store %arg11[%swap3A_176], %shift_right_logical3A_170 {strides = array<i32>} : memref<128xi32, #tpu.memory_space<vmem>>, vector<16xi32>,
      %shift_right_logical3A_178 = arith.constant 7 : i32
      %shift_right_logical3A_179 = vector.broadcast %shift_right_logical3A_178 : i32 to vector<16xi32>
      %shift_right_logical3A_180 = arith.shrui %shift_right_logical3A_170, %shift_right_logical3A_179 : vector<16xi32>
      %and3A_181 = arith.constant 127 : i32
      %and3A_182 = vector.broadcast %and3A_181 : i32 to vector<16xi32>
      %and3A_183 = arith.andi %shift_right_logical3A_170, %and3A_182 : vector<16xi32>
      %broadcast_in_dim3A_184 = arith.constant 1.000000e+00 : f32
      %broadcast_in_dim3A_185 = vector.broadcast %broadcast_in_dim3A_184 : f32 to vector<16xf32>
      tpu.vector_store_idx %arg13[%shift_right_logical3A_180, %and3A_183], %broadcast_in_dim3A_185 {add = true} : memref<80x128xf32, #tpu.memory_space<vmem>>[vector<16xi32>, vector<16xi32>], vector<16xf32>,
      %get3A_186 = arith.constant 0 : i32
      %get3A_187 = arith.index_cast %get3A_186 : i32 to index
      %get3A_188 = arith.constant 112 : index
      %get3A_189 = tpu.vector_load %arg8[%get3A_187, %get3A_188] {strides = array<i32>} : memref<40x128xi32, #tpu.memory_space<vmem>>, vector<16xi32>,
      %shift_right_logical3A_190 = arith.constant 16 : i32
      %shift_right_logical3A_191 = vector.broadcast %shift_right_logical3A_190 : i32 to vector<16xi32>
      %shift_right_logical3A_192 = arith.shrui %get3A_189, %shift_right_logical3A_191 : vector<16xi32>
      %and3A_193 = arith.constant 65535 : i32
      %and3A_194 = vector.broadcast %and3A_193 : i32 to vector<16xi32>
      %and3A_195 = arith.andi %get3A_189, %and3A_194 : vector<16xi32>
      %swap3A_196 = arith.constant 112 : index
      %swap3A_197 = tpu.vector_load %arg9[%swap3A_196] {strides = array<i32>} : memref<128xi32, #tpu.memory_space<vmem>>, vector<16xi32>,
      tpu.vector_store %arg9[%swap3A_196], %and3A_195 {strides = array<i32>} : memref<128xi32, #tpu.memory_space<vmem>>, vector<16xi32>,
      %swap3A_198 = arith.constant 112 : index
      %swap3A_199 = tpu.vector_load %arg11[%swap3A_198] {strides = array<i32>} : memref<128xi32, #tpu.memory_space<vmem>>, vector<16xi32>,
      tpu.vector_store %arg11[%swap3A_198], %shift_right_logical3A_192 {strides = array<i32>} : memref<128xi32, #tpu.memory_space<vmem>>, vector<16xi32>,
      %shift_right_logical3A_200 = arith.constant 7 : i32
      %shift_right_logical3A_201 = vector.broadcast %shift_right_logical3A_200 : i32 to vector<16xi32>
      %shift_right_logical3A_202 = arith.shrui %shift_right_logical3A_192, %shift_right_logical3A_201 : vector<16xi32>
      %and3A_203 = arith.constant 127 : i32
      %and3A_204 = vector.broadcast %and3A_203 : i32 to vector<16xi32>
      %and3A_205 = arith.andi %shift_right_logical3A_192, %and3A_204 : vector<16xi32>
      %broadcast_in_dim3A_206 = arith.constant 1.000000e+00 : f32
      %broadcast_in_dim3A_207 = vector.broadcast %broadcast_in_dim3A_206 : f32 to vector<16xf32>
      tpu.vector_store_idx %arg13[%shift_right_logical3A_202, %and3A_205], %broadcast_in_dim3A_207 {add = true} : memref<80x128xf32, #tpu.memory_space<vmem>>[vector<16xi32>, vector<16xi32>], vector<16xf32>,
      %dma_start3A = arith.constant 0 : i32
      %dma_start3A_208 = arith.constant 0 : i32
      %dma_start3A_209 = tpu.memref_slice %arg2[%dma_start3A, %dma_start3A_208] : memref<10000x128xf32, #tpu.memory_space<hbm>> -> memref<10000x128xf32, #tpu.memory_space<hbm>>
      tpu.enqueue_indirect_dma source(%dma_start3A_209 : memref<10000x128xf32, #tpu.memory_space<hbm>>) target(%arg14 : memref<128x128xf32, #tpu.memory_space<vmem>>) offsets(%arg9 : memref<128xi32, #tpu.memory_space<vmem>>) semaphore(%arg16 : memref<!tpu.dma_semaphore, #tpu.memory_space<semaphore_mem>>)
      %get3A_210 = arith.constant 1 : i32
      %get3A_211 = arith.index_cast %get3A_210 : i32 to index
      %get3A_212 = arith.constant 0 : index
      %get3A_213 = tpu.vector_load %arg8[%get3A_211, %get3A_212] {strides = array<i32>} : memref<40x128xi32, #tpu.memory_space<vmem>>, vector<16xi32>,
      %shift_right_logical3A_214 = arith.constant 16 : i32
      %shift_right_logical3A_215 = vector.broadcast %shift_right_logical3A_214 : i32 to vector<16xi32>
      %shift_right_logical3A_216 = arith.shrui %get3A_213, %shift_right_logical3A_215 : vector<16xi32>
      %and3A_217 = arith.constant 65535 : i32
      %and3A_218 = vector.broadcast %and3A_217 : i32 to vector<16xi32>
      %and3A_219 = arith.andi %get3A_213, %and3A_218 : vector<16xi32>
      %swap3A_220 = arith.constant 0 : index
      %swap3A_221 = tpu.vector_load %arg10[%swap3A_220] {strides = array<i32>} : memref<128xi32, #tpu.memory_space<vmem>>, vector<16xi32>,
      tpu.vector_store %arg10[%swap3A_220], %and3A_219 {strides = array<i32>} : memref<128xi32, #tpu.memory_space<vmem>>, vector<16xi32>,
      %swap3A_222 = arith.constant 0 : index
      %swap3A_223 = tpu.vector_load %arg12[%swap3A_222] {strides = array<i32>} : memref<128xi32, #tpu.memory_space<vmem>>, vector<16xi32>,
      tpu.vector_store %arg12[%swap3A_222], %shift_right_logical3A_216 {strides = array<i32>} : memref<128xi32, #tpu.memory_space<vmem>>, vector<16xi32>,
      %shift_right_logical3A_224 = arith.constant 7 : i32
      %shift_right_logical3A_225 = vector.broadcast %shift_right_logical3A_224 : i32 to vector<16xi32>
      %shift_right_logical3A_226 = arith.shrui %shift_right_logical3A_216, %shift_right_logical3A_225 : vector<16xi32>
      %and3A_227 = arith.constant 127 : i32
      %and3A_228 = vector.broadcast %and3A_227 : i32 to vector<16xi32>
      %and3A_229 = arith.andi %shift_right_logical3A_216, %and3A_228 : vector<16xi32>
      %broadcast_in_dim3A_230 = arith.constant 1.000000e+00 : f32
      %broadcast_in_dim3A_231 = vector.broadcast %broadcast_in_dim3A_230 : f32 to vector<16xf32>
      tpu.vector_store_idx %arg13[%shift_right_logical3A_226, %and3A_229], %broadcast_in_dim3A_231 {add = true} : memref<80x128xf32, #tpu.memory_space<vmem>>[vector<16xi32>, vector<16xi32>], vector<16xf32>,
      %get3A_232 = arith.constant 1 : i32
      %get3A_233 = arith.index_cast %get3A_232 : i32 to index
      %get3A_234 = arith.constant 16 : index
      %get3A_235 = tpu.vector_load %arg8[%get3A_233, %get3A_234] {strides = array<i32>} : memref<40x128xi32, #tpu.memory_space<vmem>>, vector<16xi32>,
      %shift_right_logical3A_236 = arith.constant 16 : i32
      %shift_right_logical3A_237 = vector.broadcast %shift_right_logical3A_236 : i32 to vector<16xi32>
      %shift_right_logical3A_238 = arith.shrui %get3A_235, %shift_right_logical3A_237 : vector<16xi32>
      %and3A_239 = arith.constant 65535 : i32
      %and3A_240 = vector.broadcast %and3A_239 : i32 to vector<16xi32>
      %and3A_241 = arith.andi %get3A_235, %and3A_240 : vector<16xi32>
      %swap3A_242 = arith.constant 16 : index
      %swap3A_243 = tpu.vector_load %arg10[%swap3A_242] {strides = array<i32>} : memref<128xi32, #tpu.memory_space<vmem>>, vector<16xi32>,
      tpu.vector_store %arg10[%swap3A_242], %and3A_241 {strides = array<i32>} : memref<128xi32, #tpu.memory_space<vmem>>, vector<16xi32>,
      %swap3A_244 = arith.constant 16 : index
      %swap3A_245 = tpu.vector_load %arg12[%swap3A_244] {strides = array<i32>} : memref<128xi32, #tpu.memory_space<vmem>>, vector<16xi32>,
      tpu.vector_store %arg12[%swap3A_244], %shift_right_logical3A_238 {strides = array<i32>} : memref<128xi32, #tpu.memory_space<vmem>>, vector<16xi32>,
      %shift_right_logical3A_246 = arith.constant 7 : i32
      %shift_right_logical3A_247 = vector.broadcast %shift_right_logical3A_246 : i32 to vector<16xi32>
      %shift_right_logical3A_248 = arith.shrui %shift_right_logical3A_238, %shift_right_logical3A_247 : vector<16xi32>
      %and3A_249 = arith.constant 127 : i32
      %and3A_250 = vector.broadcast %and3A_249 : i32 to vector<16xi32>
      %and3A_251 = arith.andi %shift_right_logical3A_238, %and3A_250 : vector<16xi32>
      %broadcast_in_dim3A_252 = arith.constant 1.000000e+00 : f32
      %broadcast_in_dim3A_253 = vector.broadcast %broadcast_in_dim3A_252 : f32 to vector<16xf32>
      tpu.vector_store_idx %arg13[%shift_right_logical3A_248, %and3A_251], %broadcast_in_dim3A_253 {add = true} : memref<80x128xf32, #tpu.memory_space<vmem>>[vector<16xi32>, vector<16xi32>], vector<16xf32>,
      %get3A_254 = arith.constant 1 : i32
      %get3A_255 = arith.index_cast %get3A_254 : i32 to index
      %get3A_256 = arith.constant 32 : index
      %get3A_257 = tpu.vector_load %arg8[%get3A_255, %get3A_256] {strides = array<i32>} : memref<40x128xi32, #tpu.memory_space<vmem>>, vector<16xi32>,
      %shift_right_logical3A_258 = arith.constant 16 : i32
      %shift_right_logical3A_259 = vector.broadcast %shift_right_logical3A_258 : i32 to vector<16xi32>
      %shift_right_logical3A_260 = arith.shrui %get3A_257, %shift_right_logical3A_259 : vector<16xi32>
      %and3A_261 = arith.constant 65535 : i32
      %and3A_262 = vector.broadcast %and3A_261 : i32 to vector<16xi32>
      %and3A_263 = arith.andi %get3A_257, %and3A_262 : vector<16xi32>
      %swap3A_264 = arith.constant 32 : index
      %swap3A_265 = tpu.vector_load %arg10[%swap3A_264] {strides = array<i32>} : memref<128xi32, #tpu.memory_space<vmem>>, vector<16xi32>,
      tpu.vector_store %arg10[%swap3A_264], %and3A_263 {strides = array<i32>} : memref<128xi32, #tpu.memory_space<vmem>>, vector<16xi32>,
      %swap3A_266 = arith.constant 32 : index
      %swap3A_267 = tpu.vector_load %arg12[%swap3A_266] {strides = array<i32>} : memref<128xi32, #tpu.memory_space<vmem>>, vector<16xi32>,
      tpu.vector_store %arg12[%swap3A_266], %shift_right_logical3A_260 {strides = array<i32>} : memref<128xi32, #tpu.memory_space<vmem>>, vector<16xi32>,
      %shift_right_logical3A_268 = arith.constant 7 : i32
      %shift_right_logical3A_269 = vector.broadcast %shift_right_logical3A_268 : i32 to vector<16xi32>
      %shift_right_logical3A_270 = arith.shrui %shift_right_logical3A_260, %shift_right_logical3A_269 : vector<16xi32>
      %and3A_271 = arith.constant 127 : i32
      %and3A_272 = vector.broadcast %and3A_271 : i32 to vector<16xi32>
      %and3A_273 = arith.andi %shift_right_logical3A_260, %and3A_272 : vector<16xi32>
      %broadcast_in_dim3A_274 = arith.constant 1.000000e+00 : f32
      %broadcast_in_dim3A_275 = vector.broadcast %broadcast_in_dim3A_274 : f32 to vector<16xf32>
      tpu.vector_store_idx %arg13[%shift_right_logical3A_270, %and3A_273], %broadcast_in_dim3A_275 {add = true} : memref<80x128xf32, #tpu.memory_space<vmem>>[vector<16xi32>, vector<16xi32>], vector<16xf32>,
      %get3A_276 = arith.constant 1 : i32
      %get3A_277 = arith.index_cast %get3A_276 : i32 to index
      %get3A_278 = arith.constant 48 : index
      %get3A_279 = tpu.vector_load %arg8[%get3A_277, %get3A_278] {strides = array<i32>} : memref<40x128xi32, #tpu.memory_space<vmem>>, vector<16xi32>,
      %shift_right_logical3A_280 = arith.constant 16 : i32
      %shift_right_logical3A_281 = vector.broadcast %shift_right_logical3A_280 : i32 to vector<16xi32>
      %shift_right_logical3A_282 = arith.shrui %get3A_279, %shift_right_logical3A_281 : vector<16xi32>
      %and3A_283 = arith.constant 65535 : i32
      %and3A_284 = vector.broadcast %and3A_283 : i32 to vector<16xi32>
      %and3A_285 = arith.andi %get3A_279, %and3A_284 : vector<16xi32>
      %swap3A_286 = arith.constant 48 : index
      %swap3A_287 = tpu.vector_load %arg10[%swap3A_286] {strides = array<i32>} : memref<128xi32, #tpu.memory_space<vmem>>, vector<16xi32>,
      tpu.vector_store %arg10[%swap3A_286], %and3A_285 {strides = array<i32>} : memref<128xi32, #tpu.memory_space<vmem>>, vector<16xi32>,
      %swap3A_288 = arith.constant 48 : index
      %swap3A_289 = tpu.vector_load %arg12[%swap3A_288] {strides = array<i32>} : memref<128xi32, #tpu.memory_space<vmem>>, vector<16xi32>,
      tpu.vector_store %arg12[%swap3A_288], %shift_right_logical3A_282 {strides = array<i32>} : memref<128xi32, #tpu.memory_space<vmem>>, vector<16xi32>,
      %shift_right_logical3A_290 = arith.constant 7 : i32
      %shift_right_logical3A_291 = vector.broadcast %shift_right_logical3A_290 : i32 to vector<16xi32>
      %shift_right_logical3A_292 = arith.shrui %shift_right_logical3A_282, %shift_right_logical3A_291 : vector<16xi32>
      %and3A_293 = arith.constant 127 : i32
      %and3A_294 = vector.broadcast %and3A_293 : i32 to vector<16xi32>
      %and3A_295 = arith.andi %shift_right_logical3A_282, %and3A_294 : vector<16xi32>
      %broadcast_in_dim3A_296 = arith.constant 1.000000e+00 : f32
      %broadcast_in_dim3A_297 = vector.broadcast %broadcast_in_dim3A_296 : f32 to vector<16xf32>
      tpu.vector_store_idx %arg13[%shift_right_logical3A_292, %and3A_295], %broadcast_in_dim3A_297 {add = true} : memref<80x128xf32, #tpu.memory_space<vmem>>[vector<16xi32>, vector<16xi32>], vector<16xf32>,
      %get3A_298 = arith.constant 1 : i32
      %get3A_299 = arith.index_cast %get3A_298 : i32 to index
      %get3A_300 = arith.constant 64 : index
      %get3A_301 = tpu.vector_load %arg8[%get3A_299, %get3A_300] {strides = array<i32>} : memref<40x128xi32, #tpu.memory_space<vmem>>, vector<16xi32>,
      %shift_right_logical3A_302 = arith.constant 16 : i32
      %shift_right_logical3A_303 = vector.broadcast %shift_right_logical3A_302 : i32 to vector<16xi32>
      %shift_right_logical3A_304 = arith.shrui %get3A_301, %shift_right_logical3A_303 : vector<16xi32>
      %and3A_305 = arith.constant 65535 : i32
      %and3A_306 = vector.broadcast %and3A_305 : i32 to vector<16xi32>
      %and3A_307 = arith.andi %get3A_301, %and3A_306 : vector<16xi32>
      %swap3A_308 = arith.constant 64 : index
      %swap3A_309 = tpu.vector_load %arg10[%swap3A_308] {strides = array<i32>} : memref<128xi32, #tpu.memory_space<vmem>>, vector<16xi32>,
      tpu.vector_store %arg10[%swap3A_308], %and3A_307 {strides = array<i32>} : memref<128xi32, #tpu.memory_space<vmem>>, vector<16xi32>,
      %swap3A_310 = arith.constant 64 : index
      %swap3A_311 = tpu.vector_load %arg12[%swap3A_310] {strides = array<i32>} : memref<128xi32, #tpu.memory_space<vmem>>, vector<16xi32>,
      tpu.vector_store %arg12[%swap3A_310], %shift_right_logical3A_304 {strides = array<i32>} : memref<128xi32, #tpu.memory_space<vmem>>, vector<16xi32>,
      %shift_right_logical3A_312 = arith.constant 7 : i32
      %shift_right_logical3A_313 = vector.broadcast %shift_right_logical3A_312 : i32 to vector<16xi32>
      %shift_right_logical3A_314 = arith.shrui %shift_right_logical3A_304, %shift_right_logical3A_313 : vector<16xi32>
      %and3A_315 = arith.constant 127 : i32
      %and3A_316 = vector.broadcast %and3A_315 : i32 to vector<16xi32>
      %and3A_317 = arith.andi %shift_right_logical3A_304, %and3A_316 : vector<16xi32>
      %broadcast_in_dim3A_318 = arith.constant 1.000000e+00 : f32
      %broadcast_in_dim3A_319 = vector.broadcast %broadcast_in_dim3A_318 : f32 to vector<16xf32>
      tpu.vector_store_idx %arg13[%shift_right_logical3A_314, %and3A_317], %broadcast_in_dim3A_319 {add = true} : memref<80x128xf32, #tpu.memory_space<vmem>>[vector<16xi32>, vector<16xi32>], vector<16xf32>,
      %get3A_320 = arith.constant 1 : i32
      %get3A_321 = arith.index_cast %get3A_320 : i32 to index
      %get3A_322 = arith.constant 80 : index
      %get3A_323 = tpu.vector_load %arg8[%get3A_321, %get3A_322] {strides = array<i32>} : memref<40x128xi32, #tpu.memory_space<vmem>>, vector<16xi32>,
      %shift_right_logical3A_324 = arith.constant 16 : i32
      %shift_right_logical3A_325 = vector.broadcast %shift_right_logical3A_324 : i32 to vector<16xi32>
      %shift_right_logical3A_326 = arith.shrui %get3A_323, %shift_right_logical3A_325 : vector<16xi32>
      %and3A_327 = arith.constant 65535 : i32
      %and3A_328 = vector.broadcast %and3A_327 : i32 to vector<16xi32>
      %and3A_329 = arith.andi %get3A_323, %and3A_328 : vector<16xi32>
      %swap3A_330 = arith.constant 80 : index
      %swap3A_331 = tpu.vector_load %arg10[%swap3A_330] {strides = array<i32>} : memref<128xi32, #tpu.memory_space<vmem>>, vector<16xi32>,
      tpu.vector_store %arg10[%swap3A_330], %and3A_329 {strides = array<i32>} : memref<128xi32, #tpu.memory_space<vmem>>, vector<16xi32>,
      %swap3A_332 = arith.constant 80 : index
      %swap3A_333 = tpu.vector_load %arg12[%swap3A_332] {strides = array<i32>} : memref<128xi32, #tpu.memory_space<vmem>>, vector<16xi32>,
      tpu.vector_store %arg12[%swap3A_332], %shift_right_logical3A_326 {strides = array<i32>} : memref<128xi32, #tpu.memory_space<vmem>>, vector<16xi32>,
      %shift_right_logical3A_334 = arith.constant 7 : i32
      %shift_right_logical3A_335 = vector.broadcast %shift_right_logical3A_334 : i32 to vector<16xi32>
      %shift_right_logical3A_336 = arith.shrui %shift_right_logical3A_326, %shift_right_logical3A_335 : vector<16xi32>
      %and3A_337 = arith.constant 127 : i32
      %and3A_338 = vector.broadcast %and3A_337 : i32 to vector<16xi32>
      %and3A_339 = arith.andi %shift_right_logical3A_326, %and3A_338 : vector<16xi32>
      %broadcast_in_dim3A_340 = arith.constant 1.000000e+00 : f32
      %broadcast_in_dim3A_341 = vector.broadcast %broadcast_in_dim3A_340 : f32 to vector<16xf32>
      tpu.vector_store_idx %arg13[%shift_right_logical3A_336, %and3A_339], %broadcast_in_dim3A_341 {add = true} : memref<80x128xf32, #tpu.memory_space<vmem>>[vector<16xi32>, vector<16xi32>], vector<16xf32>,
      %get3A_342 = arith.constant 1 : i32
      %get3A_343 = arith.index_cast %get3A_342 : i32 to index
      %get3A_344 = arith.constant 96 : index
      %get3A_345 = tpu.vector_load %arg8[%get3A_343, %get3A_344] {strides = array<i32>} : memref<40x128xi32, #tpu.memory_space<vmem>>, vector<16xi32>,
      %shift_right_logical3A_346 = arith.constant 16 : i32
      %shift_right_logical3A_347 = vector.broadcast %shift_right_logical3A_346 : i32 to vector<16xi32>
      %shift_right_logical3A_348 = arith.shrui %get3A_345, %shift_right_logical3A_347 : vector<16xi32>
      %and3A_349 = arith.constant 65535 : i32
      %and3A_350 = vector.broadcast %and3A_349 : i32 to vector<16xi32>
      %and3A_351 = arith.andi %get3A_345, %and3A_350 : vector<16xi32>
      %swap3A_352 = arith.constant 96 : index
      %swap3A_353 = tpu.vector_load %arg10[%swap3A_352] {strides = array<i32>} : memref<128xi32, #tpu.memory_space<vmem>>, vector<16xi32>,
      tpu.vector_store %arg10[%swap3A_352], %and3A_351 {strides = array<i32>} : memref<128xi32, #tpu.memory_space<vmem>>, vector<16xi32>,
      %swap3A_354 = arith.constant 96 : index
      %swap3A_355 = tpu.vector_load %arg12[%swap3A_354] {strides = array<i32>} : memref<128xi32, #tpu.memory_space<vmem>>, vector<16xi32>,
      tpu.vector_store %arg12[%swap3A_354], %shift_right_logical3A_348 {strides = array<i32>} : memref<128xi32, #tpu.memory_space<vmem>>, vector<16xi32>,
      %shift_right_logical3A_356 = arith.constant 7 : i32
      %shift_right_logical3A_357 = vector.broadcast %shift_right_logical3A_356 : i32 to vector<16xi32>
      %shift_right_logical3A_358 = arith.shrui %shift_right_logical3A_348, %shift_right_logical3A_357 : vector<16xi32>
      %and3A_359 = arith.constant 127 : i32
      %and3A_360 = vector.broadcast %and3A_359 : i32 to vector<16xi32>
      %and3A_361 = arith.andi %shift_right_logical3A_348, %and3A_360 : vector<16xi32>
      %broadcast_in_dim3A_362 = arith.constant 1.000000e+00 : f32
      %broadcast_in_dim3A_363 = vector.broadcast %broadcast_in_dim3A_362 : f32 to vector<16xf32>
      tpu.vector_store_idx %arg13[%shift_right_logical3A_358, %and3A_361], %broadcast_in_dim3A_363 {add = true} : memref<80x128xf32, #tpu.memory_space<vmem>>[vector<16xi32>, vector<16xi32>], vector<16xf32>,
      %get3A_364 = arith.constant 1 : i32
      %get3A_365 = arith.index_cast %get3A_364 : i32 to index
      %get3A_366 = arith.constant 112 : index
      %get3A_367 = tpu.vector_load %arg8[%get3A_365, %get3A_366] {strides = array<i32>} : memref<40x128xi32, #tpu.memory_space<vmem>>, vector<16xi32>,
      %shift_right_logical3A_368 = arith.constant 16 : i32
      %shift_right_logical3A_369 = vector.broadcast %shift_right_logical3A_368 : i32 to vector<16xi32>
      %shift_right_logical3A_370 = arith.shrui %get3A_367, %shift_right_logical3A_369 : vector<16xi32>
      %and3A_371 = arith.constant 65535 : i32
      %and3A_372 = vector.broadcast %and3A_371 : i32 to vector<16xi32>
      %and3A_373 = arith.andi %get3A_367, %and3A_372 : vector<16xi32>
      %swap3A_374 = arith.constant 112 : index
      %swap3A_375 = tpu.vector_load %arg10[%swap3A_374] {strides = array<i32>} : memref<128xi32, #tpu.memory_space<vmem>>, vector<16xi32>,
      tpu.vector_store %arg10[%swap3A_374], %and3A_373 {strides = array<i32>} : memref<128xi32, #tpu.memory_space<vmem>>, vector<16xi32>,
      %swap3A_376 = arith.constant 112 : index
      %swap3A_377 = tpu.vector_load %arg12[%swap3A_376] {strides = array<i32>} : memref<128xi32, #tpu.memory_space<vmem>>, vector<16xi32>,
      tpu.vector_store %arg12[%swap3A_376], %shift_right_logical3A_370 {strides = array<i32>} : memref<128xi32, #tpu.memory_space<vmem>>, vector<16xi32>,
      %shift_right_logical3A_378 = arith.constant 7 : i32
      %shift_right_logical3A_379 = vector.broadcast %shift_right_logical3A_378 : i32 to vector<16xi32>
      %shift_right_logical3A_380 = arith.shrui %shift_right_logical3A_370, %shift_right_logical3A_379 : vector<16xi32>
      %and3A_381 = arith.constant 127 : i32
      %and3A_382 = vector.broadcast %and3A_381 : i32 to vector<16xi32>
      %and3A_383 = arith.andi %shift_right_logical3A_370, %and3A_382 : vector<16xi32>
      %broadcast_in_dim3A_384 = arith.constant 1.000000e+00 : f32
      %broadcast_in_dim3A_385 = vector.broadcast %broadcast_in_dim3A_384 : f32 to vector<16xf32>
      tpu.vector_store_idx %arg13[%shift_right_logical3A_380, %and3A_383], %broadcast_in_dim3A_385 {add = true} : memref<80x128xf32, #tpu.memory_space<vmem>>[vector<16xi32>, vector<16xi32>], vector<16xf32>,
      %dma_start3A_386 = arith.constant 0 : i32
      %dma_start3A_387 = arith.constant 0 : i32
      %dma_start3A_388 = tpu.memref_slice %arg2[%dma_start3A_386, %dma_start3A_387] : memref<10000x128xf32, #tpu.memory_space<hbm>> -> memref<10000x128xf32, #tpu.memory_space<hbm>>
      tpu.enqueue_indirect_dma source(%dma_start3A_388 : memref<10000x128xf32, #tpu.memory_space<hbm>>) target(%arg15 : memref<128x128xf32, #tpu.memory_space<vmem>>) offsets(%arg10 : memref<128xi32, #tpu.memory_space<vmem>>) semaphore(%arg17 : memref<!tpu.dma_semaphore, #tpu.memory_space<semaphore_mem>>)
      %scan3A = arith.constant 0 : i32
      %scan3A_389 = arith.constant 20 : i32
      %scan3A_390 = arith.addi %scan3A, %scan3A_389 : i32
      %scan3A_391 = arith.constant 1 : i32
      scf.for %scan3A_404 = %scan3A to %scan3A_390 step %scan3A_391  : i32 {
        %mul3A_405 = arith.constant 2 : i32
        %mul3A_406 = arith.muli %scan3A_404, %mul3A_405 : i32
        %add3A_407 = arith.constant 0 : i32
        %add3A_408 = arith.addi %add3A_407, %mul3A_406 : i32
        %add3A_409 = arith.constant 0 : i32
        %add3A_410 = arith.addi %add3A_408, %add3A_409 : i32
        %dma_wait3A_411 = arith.constant 0 : i32
        %dma_wait3A_412 = arith.constant 0 : i32
        %dma_wait3A_413 = tpu.memref_slice %arg2[%dma_wait3A_411, %dma_wait3A_412] : memref<10000x128xf32, #tpu.memory_space<hbm>> -> memref<128x128xf32, #tpu.memory_space<hbm>>
        %dma_wait3A_414 = arith.constant 0 : i32
        %dma_wait3A_415 = arith.constant 0 : i32
        %dma_wait3A_416 = tpu.memref_slice %arg2[%dma_wait3A_414, %dma_wait3A_415] : memref<10000x128xf32, #tpu.memory_space<hbm>> -> memref<128x128xf32, #tpu.memory_space<hbm>>
        tpu.wait_dma2 semaphore(%arg16 : memref<!tpu.dma_semaphore, #tpu.memory_space<semaphore_mem>>) src(%dma_wait3A_416 : memref<128x128xf32, #tpu.memory_space<hbm>>) dst(%arg14 : memref<128x128xf32, #tpu.memory_space<vmem>>)
        %dma_start3A_417 = arith.constant 0 : i32
        %dma_start3A_418 = arith.constant 0 : i32
        %dma_start3A_419 = tpu.memref_slice %arg7[%dma_start3A_417, %dma_start3A_418] : memref<10240x128xf32, #tpu.memory_space<vmem_shared>> -> memref<10240x128xf32, #tpu.memory_space<vmem_shared>>
        tpu.enqueue_indirect_dma source(%arg14 : memref<128x128xf32, #tpu.memory_space<vmem>>) target(%dma_start3A_419 : memref<10240x128xf32, #tpu.memory_space<vmem_shared>>) offsets(%arg11 : memref<128xi32, #tpu.memory_space<vmem>>) semaphore(%arg18 : memref<!tpu.dma_semaphore, #tpu.memory_space<semaphore_mem>>) {add = true}
        %add3A_420 = arith.constant 2 : i32
        %add3A_421 = arith.addi %add3A_410, %add3A_420 : i32
        %lt3A = arith.constant 40 : i32
        %lt3A_422 = arith.cmpi slt, %add3A_421, %lt3A : i32
        %convert_element_type3A = arith.extui %lt3A_422 : i1 to i32
        %cond3A = arith.constant 0 : i32
        %cond3A_423 = arith.cmpi ne, %convert_element_type3A, %cond3A : i32
        scf.if %cond3A_423 {
          %dma_wait3A_442 = arith.constant 0 : i32
          %dma_wait3A_443 = arith.constant 0 : i32
          %dma_wait3A_444 = tpu.memref_slice %arg2[%dma_wait3A_442, %dma_wait3A_443] : memref<10000x128xf32, #tpu.memory_space<hbm>> -> memref<128x128xf32, #tpu.memory_space<hbm>>
          %dma_wait3A_445 = arith.constant 0 : i32
          %dma_wait3A_446 = arith.constant 0 : i32
          %dma_wait3A_447 = tpu.memref_slice %arg2[%dma_wait3A_445, %dma_wait3A_446] : memref<10000x128xf32, #tpu.memory_space<hbm>> -> memref<128x128xf32, #tpu.memory_space<hbm>>
          tpu.wait_dma2 semaphore(%arg18 : memref<!tpu.dma_semaphore, #tpu.memory_space<semaphore_mem>>) src(%dma_wait3A_447 : memref<128x128xf32, #tpu.memory_space<hbm>>) dst(%arg14 : memref<128x128xf32, #tpu.memory_space<vmem>>)
          %add3A_448 = arith.constant 2 : i32
          %add3A_449 = arith.addi %add3A_410, %add3A_448 : i32
          %get3A_450 = arith.index_cast %add3A_449 : i32 to index
          %get3A_451 = arith.constant 0 : index
          %get3A_452 = tpu.vector_load %arg8[%get3A_450, %get3A_451] {strides = array<i32>} : memref<40x128xi32, #tpu.memory_space<vmem>>, vector<16xi32>,
          %shift_right_logical3A_453 = arith.constant 16 : i32
          %shift_right_logical3A_454 = vector.broadcast %shift_right_logical3A_453 : i32 to vector<16xi32>
          %shift_right_logical3A_455 = arith.shrui %get3A_452, %shift_right_logical3A_454 : vector<16xi32>
          %and3A_456 = arith.constant 65535 : i32
          %and3A_457 = vector.broadcast %and3A_456 : i32 to vector<16xi32>
          %and3A_458 = arith.andi %get3A_452, %and3A_457 : vector<16xi32>
          %swap3A_459 = arith.constant 0 : index
          %swap3A_460 = tpu.vector_load %arg9[%swap3A_459] {strides = array<i32>} : memref<128xi32, #tpu.memory_space<vmem>>, vector<16xi32>,
          tpu.vector_store %arg9[%swap3A_459], %and3A_458 {strides = array<i32>} : memref<128xi32, #tpu.memory_space<vmem>>, vector<16xi32>,
          %swap3A_461 = arith.constant 0 : index
          %swap3A_462 = tpu.vector_load %arg11[%swap3A_461] {strides = array<i32>} : memref<128xi32, #tpu.memory_space<vmem>>, vector<16xi32>,
          tpu.vector_store %arg11[%swap3A_461], %shift_right_logical3A_455 {strides = array<i32>} : memref<128xi32, #tpu.memory_space<vmem>>, vector<16xi32>,
          %shift_right_logical3A_463 = arith.constant 7 : i32
          %shift_right_logical3A_464 = vector.broadcast %shift_right_logical3A_463 : i32 to vector<16xi32>
          %shift_right_logical3A_465 = arith.shrui %shift_right_logical3A_455, %shift_right_logical3A_464 : vector<16xi32>
          %and3A_466 = arith.constant 127 : i32
          %and3A_467 = vector.broadcast %and3A_466 : i32 to vector<16xi32>
          %and3A_468 = arith.andi %shift_right_logical3A_455, %and3A_467 : vector<16xi32>
          %broadcast_in_dim3A_469 = arith.constant 1.000000e+00 : f32
          %broadcast_in_dim3A_470 = vector.broadcast %broadcast_in_dim3A_469 : f32 to vector<16xf32>
          tpu.vector_store_idx %arg13[%shift_right_logical3A_465, %and3A_468], %broadcast_in_dim3A_470 {add = true} : memref<80x128xf32, #tpu.memory_space<vmem>>[vector<16xi32>, vector<16xi32>], vector<16xf32>,
          %get3A_471 = arith.index_cast %add3A_449 : i32 to index
          %get3A_472 = arith.constant 16 : index
          %get3A_473 = tpu.vector_load %arg8[%get3A_471, %get3A_472] {strides = array<i32>} : memref<40x128xi32, #tpu.memory_space<vmem>>, vector<16xi32>,
          %shift_right_logical3A_474 = arith.constant 16 : i32
          %shift_right_logical3A_475 = vector.broadcast %shift_right_logical3A_474 : i32 to vector<16xi32>
          %shift_right_logical3A_476 = arith.shrui %get3A_473, %shift_right_logical3A_475 : vector<16xi32>
          %and3A_477 = arith.constant 65535 : i32
          %and3A_478 = vector.broadcast %and3A_477 : i32 to vector<16xi32>
          %and3A_479 = arith.andi %get3A_473, %and3A_478 : vector<16xi32>
          %swap3A_480 = arith.constant 16 : index
          %swap3A_481 = tpu.vector_load %arg9[%swap3A_480] {strides = array<i32>} : memref<128xi32, #tpu.memory_space<vmem>>, vector<16xi32>,
          tpu.vector_store %arg9[%swap3A_480], %and3A_479 {strides = array<i32>} : memref<128xi32, #tpu.memory_space<vmem>>, vector<16xi32>,
          %swap3A_482 = arith.constant 16 : index
          %swap3A_483 = tpu.vector_load %arg11[%swap3A_482] {strides = array<i32>} : memref<128xi32, #tpu.memory_space<vmem>>, vector<16xi32>,
          tpu.vector_store %arg11[%swap3A_482], %shift_right_logical3A_476 {strides = array<i32>} : memref<128xi32, #tpu.memory_space<vmem>>, vector<16xi32>,
          %shift_right_logical3A_484 = arith.constant 7 : i32
          %shift_right_logical3A_485 = vector.broadcast %shift_right_logical3A_484 : i32 to vector<16xi32>
          %shift_right_logical3A_486 = arith.shrui %shift_right_logical3A_476, %shift_right_logical3A_485 : vector<16xi32>
          %and3A_487 = arith.constant 127 : i32
          %and3A_488 = vector.broadcast %and3A_487 : i32 to vector<16xi32>
          %and3A_489 = arith.andi %shift_right_logical3A_476, %and3A_488 : vector<16xi32>
          %broadcast_in_dim3A_490 = arith.constant 1.000000e+00 : f32
          %broadcast_in_dim3A_491 = vector.broadcast %broadcast_in_dim3A_490 : f32 to vector<16xf32>
          tpu.vector_store_idx %arg13[%shift_right_logical3A_486, %and3A_489], %broadcast_in_dim3A_491 {add = true} : memref<80x128xf32, #tpu.memory_space<vmem>>[vector<16xi32>, vector<16xi32>], vector<16xf32>,
          %get3A_492 = arith.index_cast %add3A_449 : i32 to index
          %get3A_493 = arith.constant 32 : index
          %get3A_494 = tpu.vector_load %arg8[%get3A_492, %get3A_493] {strides = array<i32>} : memref<40x128xi32, #tpu.memory_space<vmem>>, vector<16xi32>,
          %shift_right_logical3A_495 = arith.constant 16 : i32
          %shift_right_logical3A_496 = vector.broadcast %shift_right_logical3A_495 : i32 to vector<16xi32>
          %shift_right_logical3A_497 = arith.shrui %get3A_494, %shift_right_logical3A_496 : vector<16xi32>
          %and3A_498 = arith.constant 65535 : i32
          %and3A_499 = vector.broadcast %and3A_498 : i32 to vector<16xi32>
          %and3A_500 = arith.andi %get3A_494, %and3A_499 : vector<16xi32>
          %swap3A_501 = arith.constant 32 : index
          %swap3A_502 = tpu.vector_load %arg9[%swap3A_501] {strides = array<i32>} : memref<128xi32, #tpu.memory_space<vmem>>, vector<16xi32>,
          tpu.vector_store %arg9[%swap3A_501], %and3A_500 {strides = array<i32>} : memref<128xi32, #tpu.memory_space<vmem>>, vector<16xi32>,
          %swap3A_503 = arith.constant 32 : index
          %swap3A_504 = tpu.vector_load %arg11[%swap3A_503] {strides = array<i32>} : memref<128xi32, #tpu.memory_space<vmem>>, vector<16xi32>,
          tpu.vector_store %arg11[%swap3A_503], %shift_right_logical3A_497 {strides = array<i32>} : memref<128xi32, #tpu.memory_space<vmem>>, vector<16xi32>,
          %shift_right_logical3A_505 = arith.constant 7 : i32
          %shift_right_logical3A_506 = vector.broadcast %shift_right_logical3A_505 : i32 to vector<16xi32>
          %shift_right_logical3A_507 = arith.shrui %shift_right_logical3A_497, %shift_right_logical3A_506 : vector<16xi32>
          %and3A_508 = arith.constant 127 : i32
          %and3A_509 = vector.broadcast %and3A_508 : i32 to vector<16xi32>
          %and3A_510 = arith.andi %shift_right_logical3A_497, %and3A_509 : vector<16xi32>
          %broadcast_in_dim3A_511 = arith.constant 1.000000e+00 : f32
          %broadcast_in_dim3A_512 = vector.broadcast %broadcast_in_dim3A_511 : f32 to vector<16xf32>
          tpu.vector_store_idx %arg13[%shift_right_logical3A_507, %and3A_510], %broadcast_in_dim3A_512 {add = true} : memref<80x128xf32, #tpu.memory_space<vmem>>[vector<16xi32>, vector<16xi32>], vector<16xf32>,
          %get3A_513 = arith.index_cast %add3A_449 : i32 to index
          %get3A_514 = arith.constant 48 : index
          %get3A_515 = tpu.vector_load %arg8[%get3A_513, %get3A_514] {strides = array<i32>} : memref<40x128xi32, #tpu.memory_space<vmem>>, vector<16xi32>,
          %shift_right_logical3A_516 = arith.constant 16 : i32
          %shift_right_logical3A_517 = vector.broadcast %shift_right_logical3A_516 : i32 to vector<16xi32>
          %shift_right_logical3A_518 = arith.shrui %get3A_515, %shift_right_logical3A_517 : vector<16xi32>
          %and3A_519 = arith.constant 65535 : i32
          %and3A_520 = vector.broadcast %and3A_519 : i32 to vector<16xi32>
          %and3A_521 = arith.andi %get3A_515, %and3A_520 : vector<16xi32>
          %swap3A_522 = arith.constant 48 : index
          %swap3A_523 = tpu.vector_load %arg9[%swap3A_522] {strides = array<i32>} : memref<128xi32, #tpu.memory_space<vmem>>, vector<16xi32>,
          tpu.vector_store %arg9[%swap3A_522], %and3A_521 {strides = array<i32>} : memref<128xi32, #tpu.memory_space<vmem>>, vector<16xi32>,
          %swap3A_524 = arith.constant 48 : index
          %swap3A_525 = tpu.vector_load %arg11[%swap3A_524] {strides = array<i32>} : memref<128xi32, #tpu.memory_space<vmem>>, vector<16xi32>,
          tpu.vector_store %arg11[%swap3A_524], %shift_right_logical3A_518 {strides = array<i32>} : memref<128xi32, #tpu.memory_space<vmem>>, vector<16xi32>,
          %shift_right_logical3A_526 = arith.constant 7 : i32
          %shift_right_logical3A_527 = vector.broadcast %shift_right_logical3A_526 : i32 to vector<16xi32>
          %shift_right_logical3A_528 = arith.shrui %shift_right_logical3A_518, %shift_right_logical3A_527 : vector<16xi32>
          %and3A_529 = arith.constant 127 : i32
          %and3A_530 = vector.broadcast %and3A_529 : i32 to vector<16xi32>
          %and3A_531 = arith.andi %shift_right_logical3A_518, %and3A_530 : vector<16xi32>
          %broadcast_in_dim3A_532 = arith.constant 1.000000e+00 : f32
          %broadcast_in_dim3A_533 = vector.broadcast %broadcast_in_dim3A_532 : f32 to vector<16xf32>
          tpu.vector_store_idx %arg13[%shift_right_logical3A_528, %and3A_531], %broadcast_in_dim3A_533 {add = true} : memref<80x128xf32, #tpu.memory_space<vmem>>[vector<16xi32>, vector<16xi32>], vector<16xf32>,
          %get3A_534 = arith.index_cast %add3A_449 : i32 to index
          %get3A_535 = arith.constant 64 : index
          %get3A_536 = tpu.vector_load %arg8[%get3A_534, %get3A_535] {strides = array<i32>} : memref<40x128xi32, #tpu.memory_space<vmem>>, vector<16xi32>,
          %shift_right_logical3A_537 = arith.constant 16 : i32
          %shift_right_logical3A_538 = vector.broadcast %shift_right_logical3A_537 : i32 to vector<16xi32>
          %shift_right_logical3A_539 = arith.shrui %get3A_536, %shift_right_logical3A_538 : vector<16xi32>
          %and3A_540 = arith.constant 65535 : i32
          %and3A_541 = vector.broadcast %and3A_540 : i32 to vector<16xi32>
          %and3A_542 = arith.andi %get3A_536, %and3A_541 : vector<16xi32>
          %swap3A_543 = arith.constant 64 : index
          %swap3A_544 = tpu.vector_load %arg9[%swap3A_543] {strides = array<i32>} : memref<128xi32, #tpu.memory_space<vmem>>, vector<16xi32>,
          tpu.vector_store %arg9[%swap3A_543], %and3A_542 {strides = array<i32>} : memref<128xi32, #tpu.memory_space<vmem>>, vector<16xi32>,
          %swap3A_545 = arith.constant 64 : index
          %swap3A_546 = tpu.vector_load %arg11[%swap3A_545] {strides = array<i32>} : memref<128xi32, #tpu.memory_space<vmem>>, vector<16xi32>,
          tpu.vector_store %arg11[%swap3A_545], %shift_right_logical3A_539 {strides = array<i32>} : memref<128xi32, #tpu.memory_space<vmem>>, vector<16xi32>,
          %shift_right_logical3A_547 = arith.constant 7 : i32
          %shift_right_logical3A_548 = vector.broadcast %shift_right_logical3A_547 : i32 to vector<16xi32>
          %shift_right_logical3A_549 = arith.shrui %shift_right_logical3A_539, %shift_right_logical3A_548 : vector<16xi32>
          %and3A_550 = arith.constant 127 : i32
          %and3A_551 = vector.broadcast %and3A_550 : i32 to vector<16xi32>
          %and3A_552 = arith.andi %shift_right_logical3A_539, %and3A_551 : vector<16xi32>
          %broadcast_in_dim3A_553 = arith.constant 1.000000e+00 : f32
          %broadcast_in_dim3A_554 = vector.broadcast %broadcast_in_dim3A_553 : f32 to vector<16xf32>
          tpu.vector_store_idx %arg13[%shift_right_logical3A_549, %and3A_552], %broadcast_in_dim3A_554 {add = true} : memref<80x128xf32, #tpu.memory_space<vmem>>[vector<16xi32>, vector<16xi32>], vector<16xf32>,
          %get3A_555 = arith.index_cast %add3A_449 : i32 to index
          %get3A_556 = arith.constant 80 : index
          %get3A_557 = tpu.vector_load %arg8[%get3A_555, %get3A_556] {strides = array<i32>} : memref<40x128xi32, #tpu.memory_space<vmem>>, vector<16xi32>,
          %shift_right_logical3A_558 = arith.constant 16 : i32
          %shift_right_logical3A_559 = vector.broadcast %shift_right_logical3A_558 : i32 to vector<16xi32>
          %shift_right_logical3A_560 = arith.shrui %get3A_557, %shift_right_logical3A_559 : vector<16xi32>
          %and3A_561 = arith.constant 65535 : i32
          %and3A_562 = vector.broadcast %and3A_561 : i32 to vector<16xi32>
          %and3A_563 = arith.andi %get3A_557, %and3A_562 : vector<16xi32>
          %swap3A_564 = arith.constant 80 : index
          %swap3A_565 = tpu.vector_load %arg9[%swap3A_564] {strides = array<i32>} : memref<128xi32, #tpu.memory_space<vmem>>, vector<16xi32>,
          tpu.vector_store %arg9[%swap3A_564], %and3A_563 {strides = array<i32>} : memref<128xi32, #tpu.memory_space<vmem>>, vector<16xi32>,
          %swap3A_566 = arith.constant 80 : index
          %swap3A_567 = tpu.vector_load %arg11[%swap3A_566] {strides = array<i32>} : memref<128xi32, #tpu.memory_space<vmem>>, vector<16xi32>,
          tpu.vector_store %arg11[%swap3A_566], %shift_right_logical3A_560 {strides = array<i32>} : memref<128xi32, #tpu.memory_space<vmem>>, vector<16xi32>,
          %shift_right_logical3A_568 = arith.constant 7 : i32
          %shift_right_logical3A_569 = vector.broadcast %shift_right_logical3A_568 : i32 to vector<16xi32>
          %shift_right_logical3A_570 = arith.shrui %shift_right_logical3A_560, %shift_right_logical3A_569 : vector<16xi32>
          %and3A_571 = arith.constant 127 : i32
          %and3A_572 = vector.broadcast %and3A_571 : i32 to vector<16xi32>
          %and3A_573 = arith.andi %shift_right_logical3A_560, %and3A_572 : vector<16xi32>
          %broadcast_in_dim3A_574 = arith.constant 1.000000e+00 : f32
          %broadcast_in_dim3A_575 = vector.broadcast %broadcast_in_dim3A_574 : f32 to vector<16xf32>
          tpu.vector_store_idx %arg13[%shift_right_logical3A_570, %and3A_573], %broadcast_in_dim3A_575 {add = true} : memref<80x128xf32, #tpu.memory_space<vmem>>[vector<16xi32>, vector<16xi32>], vector<16xf32>,
          %get3A_576 = arith.index_cast %add3A_449 : i32 to index
          %get3A_577 = arith.constant 96 : index
          %get3A_578 = tpu.vector_load %arg8[%get3A_576, %get3A_577] {strides = array<i32>} : memref<40x128xi32, #tpu.memory_space<vmem>>, vector<16xi32>,
          %shift_right_logical3A_579 = arith.constant 16 : i32
          %shift_right_logical3A_580 = vector.broadcast %shift_right_logical3A_579 : i32 to vector<16xi32>
          %shift_right_logical3A_581 = arith.shrui %get3A_578, %shift_right_logical3A_580 : vector<16xi32>
          %and3A_582 = arith.constant 65535 : i32
          %and3A_583 = vector.broadcast %and3A_582 : i32 to vector<16xi32>
          %and3A_584 = arith.andi %get3A_578, %and3A_583 : vector<16xi32>
          %swap3A_585 = arith.constant 96 : index
          %swap3A_586 = tpu.vector_load %arg9[%swap3A_585] {strides = array<i32>} : memref<128xi32, #tpu.memory_space<vmem>>, vector<16xi32>,
          tpu.vector_store %arg9[%swap3A_585], %and3A_584 {strides = array<i32>} : memref<128xi32, #tpu.memory_space<vmem>>, vector<16xi32>,
          %swap3A_587 = arith.constant 96 : index
          %swap3A_588 = tpu.vector_load %arg11[%swap3A_587] {strides = array<i32>} : memref<128xi32, #tpu.memory_space<vmem>>, vector<16xi32>,
          tpu.vector_store %arg11[%swap3A_587], %shift_right_logical3A_581 {strides = array<i32>} : memref<128xi32, #tpu.memory_space<vmem>>, vector<16xi32>,
          %shift_right_logical3A_589 = arith.constant 7 : i32
          %shift_right_logical3A_590 = vector.broadcast %shift_right_logical3A_589 : i32 to vector<16xi32>
          %shift_right_logical3A_591 = arith.shrui %shift_right_logical3A_581, %shift_right_logical3A_590 : vector<16xi32>
          %and3A_592 = arith.constant 127 : i32
          %and3A_593 = vector.broadcast %and3A_592 : i32 to vector<16xi32>
          %and3A_594 = arith.andi %shift_right_logical3A_581, %and3A_593 : vector<16xi32>
          %broadcast_in_dim3A_595 = arith.constant 1.000000e+00 : f32
          %broadcast_in_dim3A_596 = vector.broadcast %broadcast_in_dim3A_595 : f32 to vector<16xf32>
          tpu.vector_store_idx %arg13[%shift_right_logical3A_591, %and3A_594], %broadcast_in_dim3A_596 {add = true} : memref<80x128xf32, #tpu.memory_space<vmem>>[vector<16xi32>, vector<16xi32>], vector<16xf32>,
          %get3A_597 = arith.index_cast %add3A_449 : i32 to index
          %get3A_598 = arith.constant 112 : index
          %get3A_599 = tpu.vector_load %arg8[%get3A_597, %get3A_598] {strides = array<i32>} : memref<40x128xi32, #tpu.memory_space<vmem>>, vector<16xi32>,
          %shift_right_logical3A_600 = arith.constant 16 : i32
          %shift_right_logical3A_601 = vector.broadcast %shift_right_logical3A_600 : i32 to vector<16xi32>
          %shift_right_logical3A_602 = arith.shrui %get3A_599, %shift_right_logical3A_601 : vector<16xi32>
          %and3A_603 = arith.constant 65535 : i32
          %and3A_604 = vector.broadcast %and3A_603 : i32 to vector<16xi32>
          %and3A_605 = arith.andi %get3A_599, %and3A_604 : vector<16xi32>
          %swap3A_606 = arith.constant 112 : index
          %swap3A_607 = tpu.vector_load %arg9[%swap3A_606] {strides = array<i32>} : memref<128xi32, #tpu.memory_space<vmem>>, vector<16xi32>,
          tpu.vector_store %arg9[%swap3A_606], %and3A_605 {strides = array<i32>} : memref<128xi32, #tpu.memory_space<vmem>>, vector<16xi32>,
          %swap3A_608 = arith.constant 112 : index
          %swap3A_609 = tpu.vector_load %arg11[%swap3A_608] {strides = array<i32>} : memref<128xi32, #tpu.memory_space<vmem>>, vector<16xi32>,
          tpu.vector_store %arg11[%swap3A_608], %shift_right_logical3A_602 {strides = array<i32>} : memref<128xi32, #tpu.memory_space<vmem>>, vector<16xi32>,
          %shift_right_logical3A_610 = arith.constant 7 : i32
          %shift_right_logical3A_611 = vector.broadcast %shift_right_logical3A_610 : i32 to vector<16xi32>
          %shift_right_logical3A_612 = arith.shrui %shift_right_logical3A_602, %shift_right_logical3A_611 : vector<16xi32>
          %and3A_613 = arith.constant 127 : i32
          %and3A_614 = vector.broadcast %and3A_613 : i32 to vector<16xi32>
          %and3A_615 = arith.andi %shift_right_logical3A_602, %and3A_614 : vector<16xi32>
          %broadcast_in_dim3A_616 = arith.constant 1.000000e+00 : f32
          %broadcast_in_dim3A_617 = vector.broadcast %broadcast_in_dim3A_616 : f32 to vector<16xf32>
          tpu.vector_store_idx %arg13[%shift_right_logical3A_612, %and3A_615], %broadcast_in_dim3A_617 {add = true} : memref<80x128xf32, #tpu.memory_space<vmem>>[vector<16xi32>, vector<16xi32>], vector<16xf32>,
          %dma_start3A_618 = arith.constant 0 : i32
          %dma_start3A_619 = arith.constant 0 : i32
          %dma_start3A_620 = tpu.memref_slice %arg2[%dma_start3A_618, %dma_start3A_619] : memref<10000x128xf32, #tpu.memory_space<hbm>> -> memref<10000x128xf32, #tpu.memory_space<hbm>>
          tpu.enqueue_indirect_dma source(%dma_start3A_620 : memref<10000x128xf32, #tpu.memory_space<hbm>>) target(%arg14 : memref<128x128xf32, #tpu.memory_space<vmem>>) offsets(%arg9 : memref<128xi32, #tpu.memory_space<vmem>>) semaphore(%arg16 : memref<!tpu.dma_semaphore, #tpu.memory_space<semaphore_mem>>)
        } else {
        }
        %add3A_424 = arith.constant 1 : i32
        %add3A_425 = arith.addi %add3A_408, %add3A_424 : i32
        %dma_wait3A_426 = arith.constant 0 : i32
        %dma_wait3A_427 = arith.constant 0 : i32
        %dma_wait3A_428 = tpu.memref_slice %arg2[%dma_wait3A_426, %dma_wait3A_427] : memref<10000x128xf32, #tpu.memory_space<hbm>> -> memref<128x128xf32, #tpu.memory_space<hbm>>
        %dma_wait3A_429 = arith.constant 0 : i32
        %dma_wait3A_430 = arith.constant 0 : i32
        %dma_wait3A_431 = tpu.memref_slice %arg2[%dma_wait3A_429, %dma_wait3A_430] : memref<10000x128xf32, #tpu.memory_space<hbm>> -> memref<128x128xf32, #tpu.memory_space<hbm>>
        tpu.wait_dma2 semaphore(%arg17 : memref<!tpu.dma_semaphore, #tpu.memory_space<semaphore_mem>>) src(%dma_wait3A_431 : memref<128x128xf32, #tpu.memory_space<hbm>>) dst(%arg15 : memref<128x128xf32, #tpu.memory_space<vmem>>)
        %dma_start3A_432 = arith.constant 0 : i32
        %dma_start3A_433 = arith.constant 0 : i32
        %dma_start3A_434 = tpu.memref_slice %arg7[%dma_start3A_432, %dma_start3A_433] : memref<10240x128xf32, #tpu.memory_space<vmem_shared>> -> memref<10240x128xf32, #tpu.memory_space<vmem_shared>>
        tpu.enqueue_indirect_dma source(%arg15 : memref<128x128xf32, #tpu.memory_space<vmem>>) target(%dma_start3A_434 : memref<10240x128xf32, #tpu.memory_space<vmem_shared>>) offsets(%arg12 : memref<128xi32, #tpu.memory_space<vmem>>) semaphore(%arg19 : memref<!tpu.dma_semaphore, #tpu.memory_space<semaphore_mem>>) {add = true}
        %add3A_435 = arith.constant 2 : i32
        %add3A_436 = arith.addi %add3A_425, %add3A_435 : i32
        %lt3A_437 = arith.constant 40 : i32
        %lt3A_438 = arith.cmpi slt, %add3A_436, %lt3A_437 : i32
        %convert_element_type3A_439 = arith.extui %lt3A_438 : i1 to i32
        %cond3A_440 = arith.constant 0 : i32
        %cond3A_441 = arith.cmpi ne, %convert_element_type3A_439, %cond3A_440 : i32
        scf.if %cond3A_441 {
          %dma_wait3A_442 = arith.constant 0 : i32
          %dma_wait3A_443 = arith.constant 0 : i32
          %dma_wait3A_444 = tpu.memref_slice %arg2[%dma_wait3A_442, %dma_wait3A_443] : memref<10000x128xf32, #tpu.memory_space<hbm>> -> memref<128x128xf32, #tpu.memory_space<hbm>>
          %dma_wait3A_445 = arith.constant 0 : i32
          %dma_wait3A_446 = arith.constant 0 : i32
          %dma_wait3A_447 = tpu.memref_slice %arg2[%dma_wait3A_445, %dma_wait3A_446] : memref<10000x128xf32, #tpu.memory_space<hbm>> -> memref<128x128xf32, #tpu.memory_space<hbm>>
          tpu.wait_dma2 semaphore(%arg19 : memref<!tpu.dma_semaphore, #tpu.memory_space<semaphore_mem>>) src(%dma_wait3A_447 : memref<128x128xf32, #tpu.memory_space<hbm>>) dst(%arg15 : memref<128x128xf32, #tpu.memory_space<vmem>>)
          %add3A_448 = arith.constant 2 : i32
          %add3A_449 = arith.addi %add3A_425, %add3A_448 : i32
          %get3A_450 = arith.index_cast %add3A_449 : i32 to index
          %get3A_451 = arith.constant 0 : index
          %get3A_452 = tpu.vector_load %arg8[%get3A_450, %get3A_451] {strides = array<i32>} : memref<40x128xi32, #tpu.memory_space<vmem>>, vector<16xi32>,
          %shift_right_logical3A_453 = arith.constant 16 : i32
          %shift_right_logical3A_454 = vector.broadcast %shift_right_logical3A_453 : i32 to vector<16xi32>
          %shift_right_logical3A_455 = arith.shrui %get3A_452, %shift_right_logical3A_454 : vector<16xi32>
          %and3A_456 = arith.constant 65535 : i32
          %and3A_457 = vector.broadcast %and3A_456 : i32 to vector<16xi32>
          %and3A_458 = arith.andi %get3A_452, %and3A_457 : vector<16xi32>
          %swap3A_459 = arith.constant 0 : index
          %swap3A_460 = tpu.vector_load %arg10[%swap3A_459] {strides = array<i32>} : memref<128xi32, #tpu.memory_space<vmem>>, vector<16xi32>,
          tpu.vector_store %arg10[%swap3A_459], %and3A_458 {strides = array<i32>} : memref<128xi32, #tpu.memory_space<vmem>>, vector<16xi32>,
          %swap3A_461 = arith.constant 0 : index
          %swap3A_462 = tpu.vector_load %arg12[%swap3A_461] {strides = array<i32>} : memref<128xi32, #tpu.memory_space<vmem>>, vector<16xi32>,
          tpu.vector_store %arg12[%swap3A_461], %shift_right_logical3A_455 {strides = array<i32>} : memref<128xi32, #tpu.memory_space<vmem>>, vector<16xi32>,
          %shift_right_logical3A_463 = arith.constant 7 : i32
          %shift_right_logical3A_464 = vector.broadcast %shift_right_logical3A_463 : i32 to vector<16xi32>
          %shift_right_logical3A_465 = arith.shrui %shift_right_logical3A_455, %shift_right_logical3A_464 : vector<16xi32>
          %and3A_466 = arith.constant 127 : i32
          %and3A_467 = vector.broadcast %and3A_466 : i32 to vector<16xi32>
          %and3A_468 = arith.andi %shift_right_logical3A_455, %and3A_467 : vector<16xi32>
          %broadcast_in_dim3A_469 = arith.constant 1.000000e+00 : f32
          %broadcast_in_dim3A_470 = vector.broadcast %broadcast_in_dim3A_469 : f32 to vector<16xf32>
          tpu.vector_store_idx %arg13[%shift_right_logical3A_465, %and3A_468], %broadcast_in_dim3A_470 {add = true} : memref<80x128xf32, #tpu.memory_space<vmem>>[vector<16xi32>, vector<16xi32>], vector<16xf32>,
          %get3A_471 = arith.index_cast %add3A_449 : i32 to index
          %get3A_472 = arith.constant 16 : index
          %get3A_473 = tpu.vector_load %arg8[%get3A_471, %get3A_472] {strides = array<i32>} : memref<40x128xi32, #tpu.memory_space<vmem>>, vector<16xi32>,
          %shift_right_logical3A_474 = arith.constant 16 : i32
          %shift_right_logical3A_475 = vector.broadcast %shift_right_logical3A_474 : i32 to vector<16xi32>
          %shift_right_logical3A_476 = arith.shrui %get3A_473, %shift_right_logical3A_475 : vector<16xi32>
          %and3A_477 = arith.constant 65535 : i32
          %and3A_478 = vector.broadcast %and3A_477 : i32 to vector<16xi32>
          %and3A_479 = arith.andi %get3A_473, %and3A_478 : vector<16xi32>
          %swap3A_480 = arith.constant 16 : index
          %swap3A_481 = tpu.vector_load %arg10[%swap3A_480] {strides = array<i32>} : memref<128xi32, #tpu.memory_space<vmem>>, vector<16xi32>,
          tpu.vector_store %arg10[%swap3A_480], %and3A_479 {strides = array<i32>} : memref<128xi32, #tpu.memory_space<vmem>>, vector<16xi32>,
          %swap3A_482 = arith.constant 16 : index
          %swap3A_483 = tpu.vector_load %arg12[%swap3A_482] {strides = array<i32>} : memref<128xi32, #tpu.memory_space<vmem>>, vector<16xi32>,
          tpu.vector_store %arg12[%swap3A_482], %shift_right_logical3A_476 {strides = array<i32>} : memref<128xi32, #tpu.memory_space<vmem>>, vector<16xi32>,
          %shift_right_logical3A_484 = arith.constant 7 : i32
          %shift_right_logical3A_485 = vector.broadcast %shift_right_logical3A_484 : i32 to vector<16xi32>
          %shift_right_logical3A_486 = arith.shrui %shift_right_logical3A_476, %shift_right_logical3A_485 : vector<16xi32>
          %and3A_487 = arith.constant 127 : i32
          %and3A_488 = vector.broadcast %and3A_487 : i32 to vector<16xi32>
          %and3A_489 = arith.andi %shift_right_logical3A_476, %and3A_488 : vector<16xi32>
          %broadcast_in_dim3A_490 = arith.constant 1.000000e+00 : f32
          %broadcast_in_dim3A_491 = vector.broadcast %broadcast_in_dim3A_490 : f32 to vector<16xf32>
          tpu.vector_store_idx %arg13[%shift_right_logical3A_486, %and3A_489], %broadcast_in_dim3A_491 {add = true} : memref<80x128xf32, #tpu.memory_space<vmem>>[vector<16xi32>, vector<16xi32>], vector<16xf32>,
          %get3A_492 = arith.index_cast %add3A_449 : i32 to index
          %get3A_493 = arith.constant 32 : index
          %get3A_494 = tpu.vector_load %arg8[%get3A_492, %get3A_493] {strides = array<i32>} : memref<40x128xi32, #tpu.memory_space<vmem>>, vector<16xi32>,
          %shift_right_logical3A_495 = arith.constant 16 : i32
          %shift_right_logical3A_496 = vector.broadcast %shift_right_logical3A_495 : i32 to vector<16xi32>
          %shift_right_logical3A_497 = arith.shrui %get3A_494, %shift_right_logical3A_496 : vector<16xi32>
          %and3A_498 = arith.constant 65535 : i32
          %and3A_499 = vector.broadcast %and3A_498 : i32 to vector<16xi32>
          %and3A_500 = arith.andi %get3A_494, %and3A_499 : vector<16xi32>
          %swap3A_501 = arith.constant 32 : index
          %swap3A_502 = tpu.vector_load %arg10[%swap3A_501] {strides = array<i32>} : memref<128xi32, #tpu.memory_space<vmem>>, vector<16xi32>,
          tpu.vector_store %arg10[%swap3A_501], %and3A_500 {strides = array<i32>} : memref<128xi32, #tpu.memory_space<vmem>>, vector<16xi32>,
          %swap3A_503 = arith.constant 32 : index
          %swap3A_504 = tpu.vector_load %arg12[%swap3A_503] {strides = array<i32>} : memref<128xi32, #tpu.memory_space<vmem>>, vector<16xi32>,
          tpu.vector_store %arg12[%swap3A_503], %shift_right_logical3A_497 {strides = array<i32>} : memref<128xi32, #tpu.memory_space<vmem>>, vector<16xi32>,
          %shift_right_logical3A_505 = arith.constant 7 : i32
          %shift_right_logical3A_506 = vector.broadcast %shift_right_logical3A_505 : i32 to vector<16xi32>
          %shift_right_logical3A_507 = arith.shrui %shift_right_logical3A_497, %shift_right_logical3A_506 : vector<16xi32>
          %and3A_508 = arith.constant 127 : i32
          %and3A_509 = vector.broadcast %and3A_508 : i32 to vector<16xi32>
          %and3A_510 = arith.andi %shift_right_logical3A_497, %and3A_509 : vector<16xi32>
          %broadcast_in_dim3A_511 = arith.constant 1.000000e+00 : f32
          %broadcast_in_dim3A_512 = vector.broadcast %broadcast_in_dim3A_511 : f32 to vector<16xf32>
          tpu.vector_store_idx %arg13[%shift_right_logical3A_507, %and3A_510], %broadcast_in_dim3A_512 {add = true} : memref<80x128xf32, #tpu.memory_space<vmem>>[vector<16xi32>, vector<16xi32>], vector<16xf32>,
          %get3A_513 = arith.index_cast %add3A_449 : i32 to index
          %get3A_514 = arith.constant 48 : index
          %get3A_515 = tpu.vector_load %arg8[%get3A_513, %get3A_514] {strides = array<i32>} : memref<40x128xi32, #tpu.memory_space<vmem>>, vector<16xi32>,
          %shift_right_logical3A_516 = arith.constant 16 : i32
          %shift_right_logical3A_517 = vector.broadcast %shift_right_logical3A_516 : i32 to vector<16xi32>
          %shift_right_logical3A_518 = arith.shrui %get3A_515, %shift_right_logical3A_517 : vector<16xi32>
          %and3A_519 = arith.constant 65535 : i32
          %and3A_520 = vector.broadcast %and3A_519 : i32 to vector<16xi32>
          %and3A_521 = arith.andi %get3A_515, %and3A_520 : vector<16xi32>
          %swap3A_522 = arith.constant 48 : index
          %swap3A_523 = tpu.vector_load %arg10[%swap3A_522] {strides = array<i32>} : memref<128xi32, #tpu.memory_space<vmem>>, vector<16xi32>,
          tpu.vector_store %arg10[%swap3A_522], %and3A_521 {strides = array<i32>} : memref<128xi32, #tpu.memory_space<vmem>>, vector<16xi32>,
          %swap3A_524 = arith.constant 48 : index
          %swap3A_525 = tpu.vector_load %arg12[%swap3A_524] {strides = array<i32>} : memref<128xi32, #tpu.memory_space<vmem>>, vector<16xi32>,
          tpu.vector_store %arg12[%swap3A_524], %shift_right_logical3A_518 {strides = array<i32>} : memref<128xi32, #tpu.memory_space<vmem>>, vector<16xi32>,
          %shift_right_logical3A_526 = arith.constant 7 : i32
          %shift_right_logical3A_527 = vector.broadcast %shift_right_logical3A_526 : i32 to vector<16xi32>
          %shift_right_logical3A_528 = arith.shrui %shift_right_logical3A_518, %shift_right_logical3A_527 : vector<16xi32>
          %and3A_529 = arith.constant 127 : i32
          %and3A_530 = vector.broadcast %and3A_529 : i32 to vector<16xi32>
          %and3A_531 = arith.andi %shift_right_logical3A_518, %and3A_530 : vector<16xi32>
          %broadcast_in_dim3A_532 = arith.constant 1.000000e+00 : f32
          %broadcast_in_dim3A_533 = vector.broadcast %broadcast_in_dim3A_532 : f32 to vector<16xf32>
          tpu.vector_store_idx %arg13[%shift_right_logical3A_528, %and3A_531], %broadcast_in_dim3A_533 {add = true} : memref<80x128xf32, #tpu.memory_space<vmem>>[vector<16xi32>, vector<16xi32>], vector<16xf32>,
          %get3A_534 = arith.index_cast %add3A_449 : i32 to index
          %get3A_535 = arith.constant 64 : index
          %get3A_536 = tpu.vector_load %arg8[%get3A_534, %get3A_535] {strides = array<i32>} : memref<40x128xi32, #tpu.memory_space<vmem>>, vector<16xi32>,
          %shift_right_logical3A_537 = arith.constant 16 : i32
          %shift_right_logical3A_538 = vector.broadcast %shift_right_logical3A_537 : i32 to vector<16xi32>
          %shift_right_logical3A_539 = arith.shrui %get3A_536, %shift_right_logical3A_538 : vector<16xi32>
          %and3A_540 = arith.constant 65535 : i32
          %and3A_541 = vector.broadcast %and3A_540 : i32 to vector<16xi32>
          %and3A_542 = arith.andi %get3A_536, %and3A_541 : vector<16xi32>
          %swap3A_543 = arith.constant 64 : index
          %swap3A_544 = tpu.vector_load %arg10[%swap3A_543] {strides = array<i32>} : memref<128xi32, #tpu.memory_space<vmem>>, vector<16xi32>,
          tpu.vector_store %arg10[%swap3A_543], %and3A_542 {strides = array<i32>} : memref<128xi32, #tpu.memory_space<vmem>>, vector<16xi32>,
          %swap3A_545 = arith.constant 64 : index
          %swap3A_546 = tpu.vector_load %arg12[%swap3A_545] {strides = array<i32>} : memref<128xi32, #tpu.memory_space<vmem>>, vector<16xi32>,
          tpu.vector_store %arg12[%swap3A_545], %shift_right_logical3A_539 {strides = array<i32>} : memref<128xi32, #tpu.memory_space<vmem>>, vector<16xi32>,
          %shift_right_logical3A_547 = arith.constant 7 : i32
          %shift_right_logical3A_548 = vector.broadcast %shift_right_logical3A_547 : i32 to vector<16xi32>
          %shift_right_logical3A_549 = arith.shrui %shift_right_logical3A_539, %shift_right_logical3A_548 : vector<16xi32>
          %and3A_550 = arith.constant 127 : i32
          %and3A_551 = vector.broadcast %and3A_550 : i32 to vector<16xi32>
          %and3A_552 = arith.andi %shift_right_logical3A_539, %and3A_551 : vector<16xi32>
          %broadcast_in_dim3A_553 = arith.constant 1.000000e+00 : f32
          %broadcast_in_dim3A_554 = vector.broadcast %broadcast_in_dim3A_553 : f32 to vector<16xf32>
          tpu.vector_store_idx %arg13[%shift_right_logical3A_549, %and3A_552], %broadcast_in_dim3A_554 {add = true} : memref<80x128xf32, #tpu.memory_space<vmem>>[vector<16xi32>, vector<16xi32>], vector<16xf32>,
          %get3A_555 = arith.index_cast %add3A_449 : i32 to index
          %get3A_556 = arith.constant 80 : index
          %get3A_557 = tpu.vector_load %arg8[%get3A_555, %get3A_556] {strides = array<i32>} : memref<40x128xi32, #tpu.memory_space<vmem>>, vector<16xi32>,
          %shift_right_logical3A_558 = arith.constant 16 : i32
          %shift_right_logical3A_559 = vector.broadcast %shift_right_logical3A_558 : i32 to vector<16xi32>
          %shift_right_logical3A_560 = arith.shrui %get3A_557, %shift_right_logical3A_559 : vector<16xi32>
          %and3A_561 = arith.constant 65535 : i32
          %and3A_562 = vector.broadcast %and3A_561 : i32 to vector<16xi32>
          %and3A_563 = arith.andi %get3A_557, %and3A_562 : vector<16xi32>
          %swap3A_564 = arith.constant 80 : index
          %swap3A_565 = tpu.vector_load %arg10[%swap3A_564] {strides = array<i32>} : memref<128xi32, #tpu.memory_space<vmem>>, vector<16xi32>,
          tpu.vector_store %arg10[%swap3A_564], %and3A_563 {strides = array<i32>} : memref<128xi32, #tpu.memory_space<vmem>>, vector<16xi32>,
          %swap3A_566 = arith.constant 80 : index
          %swap3A_567 = tpu.vector_load %arg12[%swap3A_566] {strides = array<i32>} : memref<128xi32, #tpu.memory_space<vmem>>, vector<16xi32>,
          tpu.vector_store %arg12[%swap3A_566], %shift_right_logical3A_560 {strides = array<i32>} : memref<128xi32, #tpu.memory_space<vmem>>, vector<16xi32>,
          %shift_right_logical3A_568 = arith.constant 7 : i32
          %shift_right_logical3A_569 = vector.broadcast %shift_right_logical3A_568 : i32 to vector<16xi32>
          %shift_right_logical3A_570 = arith.shrui %shift_right_logical3A_560, %shift_right_logical3A_569 : vector<16xi32>
          %and3A_571 = arith.constant 127 : i32
          %and3A_572 = vector.broadcast %and3A_571 : i32 to vector<16xi32>
          %and3A_573 = arith.andi %shift_right_logical3A_560, %and3A_572 : vector<16xi32>
          %broadcast_in_dim3A_574 = arith.constant 1.000000e+00 : f32
          %broadcast_in_dim3A_575 = vector.broadcast %broadcast_in_dim3A_574 : f32 to vector<16xf32>
          tpu.vector_store_idx %arg13[%shift_right_logical3A_570, %and3A_573], %broadcast_in_dim3A_575 {add = true} : memref<80x128xf32, #tpu.memory_space<vmem>>[vector<16xi32>, vector<16xi32>], vector<16xf32>,
          %get3A_576 = arith.index_cast %add3A_449 : i32 to index
          %get3A_577 = arith.constant 96 : index
          %get3A_578 = tpu.vector_load %arg8[%get3A_576, %get3A_577] {strides = array<i32>} : memref<40x128xi32, #tpu.memory_space<vmem>>, vector<16xi32>,
          %shift_right_logical3A_579 = arith.constant 16 : i32
          %shift_right_logical3A_580 = vector.broadcast %shift_right_logical3A_579 : i32 to vector<16xi32>
          %shift_right_logical3A_581 = arith.shrui %get3A_578, %shift_right_logical3A_580 : vector<16xi32>
          %and3A_582 = arith.constant 65535 : i32
          %and3A_583 = vector.broadcast %and3A_582 : i32 to vector<16xi32>
          %and3A_584 = arith.andi %get3A_578, %and3A_583 : vector<16xi32>
          %swap3A_585 = arith.constant 96 : index
          %swap3A_586 = tpu.vector_load %arg10[%swap3A_585] {strides = array<i32>} : memref<128xi32, #tpu.memory_space<vmem>>, vector<16xi32>,
          tpu.vector_store %arg10[%swap3A_585], %and3A_584 {strides = array<i32>} : memref<128xi32, #tpu.memory_space<vmem>>, vector<16xi32>,
          %swap3A_587 = arith.constant 96 : index
          %swap3A_588 = tpu.vector_load %arg12[%swap3A_587] {strides = array<i32>} : memref<128xi32, #tpu.memory_space<vmem>>, vector<16xi32>,
          tpu.vector_store %arg12[%swap3A_587], %shift_right_logical3A_581 {strides = array<i32>} : memref<128xi32, #tpu.memory_space<vmem>>, vector<16xi32>,
          %shift_right_logical3A_589 = arith.constant 7 : i32
          %shift_right_logical3A_590 = vector.broadcast %shift_right_logical3A_589 : i32 to vector<16xi32>
          %shift_right_logical3A_591 = arith.shrui %shift_right_logical3A_581, %shift_right_logical3A_590 : vector<16xi32>
          %and3A_592 = arith.constant 127 : i32
          %and3A_593 = vector.broadcast %and3A_592 : i32 to vector<16xi32>
          %and3A_594 = arith.andi %shift_right_logical3A_581, %and3A_593 : vector<16xi32>
          %broadcast_in_dim3A_595 = arith.constant 1.000000e+00 : f32
          %broadcast_in_dim3A_596 = vector.broadcast %broadcast_in_dim3A_595 : f32 to vector<16xf32>
          tpu.vector_store_idx %arg13[%shift_right_logical3A_591, %and3A_594], %broadcast_in_dim3A_596 {add = true} : memref<80x128xf32, #tpu.memory_space<vmem>>[vector<16xi32>, vector<16xi32>], vector<16xf32>,
          %get3A_597 = arith.index_cast %add3A_449 : i32 to index
          %get3A_598 = arith.constant 112 : index
          %get3A_599 = tpu.vector_load %arg8[%get3A_597, %get3A_598] {strides = array<i32>} : memref<40x128xi32, #tpu.memory_space<vmem>>, vector<16xi32>,
          %shift_right_logical3A_600 = arith.constant 16 : i32
          %shift_right_logical3A_601 = vector.broadcast %shift_right_logical3A_600 : i32 to vector<16xi32>
          %shift_right_logical3A_602 = arith.shrui %get3A_599, %shift_right_logical3A_601 : vector<16xi32>
          %and3A_603 = arith.constant 65535 : i32
          %and3A_604 = vector.broadcast %and3A_603 : i32 to vector<16xi32>
          %and3A_605 = arith.andi %get3A_599, %and3A_604 : vector<16xi32>
          %swap3A_606 = arith.constant 112 : index
          %swap3A_607 = tpu.vector_load %arg10[%swap3A_606] {strides = array<i32>} : memref<128xi32, #tpu.memory_space<vmem>>, vector<16xi32>,
          tpu.vector_store %arg10[%swap3A_606], %and3A_605 {strides = array<i32>} : memref<128xi32, #tpu.memory_space<vmem>>, vector<16xi32>,
          %swap3A_608 = arith.constant 112 : index
          %swap3A_609 = tpu.vector_load %arg12[%swap3A_608] {strides = array<i32>} : memref<128xi32, #tpu.memory_space<vmem>>, vector<16xi32>,
          tpu.vector_store %arg12[%swap3A_608], %shift_right_logical3A_602 {strides = array<i32>} : memref<128xi32, #tpu.memory_space<vmem>>, vector<16xi32>,
          %shift_right_logical3A_610 = arith.constant 7 : i32
          %shift_right_logical3A_611 = vector.broadcast %shift_right_logical3A_610 : i32 to vector<16xi32>
          %shift_right_logical3A_612 = arith.shrui %shift_right_logical3A_602, %shift_right_logical3A_611 : vector<16xi32>
          %and3A_613 = arith.constant 127 : i32
          %and3A_614 = vector.broadcast %and3A_613 : i32 to vector<16xi32>
          %and3A_615 = arith.andi %shift_right_logical3A_602, %and3A_614 : vector<16xi32>
          %broadcast_in_dim3A_616 = arith.constant 1.000000e+00 : f32
          %broadcast_in_dim3A_617 = vector.broadcast %broadcast_in_dim3A_616 : f32 to vector<16xf32>
          tpu.vector_store_idx %arg13[%shift_right_logical3A_612, %and3A_615], %broadcast_in_dim3A_617 {add = true} : memref<80x128xf32, #tpu.memory_space<vmem>>[vector<16xi32>, vector<16xi32>], vector<16xf32>,
          %dma_start3A_618 = arith.constant 0 : i32
          %dma_start3A_619 = arith.constant 0 : i32
          %dma_start3A_620 = tpu.memref_slice %arg2[%dma_start3A_618, %dma_start3A_619] : memref<10000x128xf32, #tpu.memory_space<hbm>> -> memref<10000x128xf32, #tpu.memory_space<hbm>>
          tpu.enqueue_indirect_dma source(%dma_start3A_620 : memref<10000x128xf32, #tpu.memory_space<hbm>>) target(%arg15 : memref<128x128xf32, #tpu.memory_space<vmem>>) offsets(%arg10 : memref<128xi32, #tpu.memory_space<vmem>>) semaphore(%arg17 : memref<!tpu.dma_semaphore, #tpu.memory_space<semaphore_mem>>)
        } else {
        }
      }
      %scan3A_392 = arith.constant 20 : i32
      %dma_wait3A = arith.constant 0 : i32
      %dma_wait3A_393 = arith.constant 0 : i32
      %dma_wait3A_394 = tpu.memref_slice %arg2[%dma_wait3A, %dma_wait3A_393] : memref<10000x128xf32, #tpu.memory_space<hbm>> -> memref<128x128xf32, #tpu.memory_space<hbm>>
      %dma_wait3A_395 = arith.constant 0 : i32
      %dma_wait3A_396 = arith.constant 0 : i32
      %dma_wait3A_397 = tpu.memref_slice %arg2[%dma_wait3A_395, %dma_wait3A_396] : memref<10000x128xf32, #tpu.memory_space<hbm>> -> memref<128x128xf32, #tpu.memory_space<hbm>>
      tpu.wait_dma2 semaphore(%arg18 : memref<!tpu.dma_semaphore, #tpu.memory_space<semaphore_mem>>) src(%dma_wait3A_397 : memref<128x128xf32, #tpu.memory_space<hbm>>) dst(%arg14 : memref<128x128xf32, #tpu.memory_space<vmem>>)
      %dma_wait3A_398 = arith.constant 0 : i32
      %dma_wait3A_399 = arith.constant 0 : i32
      %dma_wait3A_400 = tpu.memref_slice %arg2[%dma_wait3A_398, %dma_wait3A_399] : memref<10000x128xf32, #tpu.memory_space<hbm>> -> memref<128x128xf32, #tpu.memory_space<hbm>>
      %dma_wait3A_401 = arith.constant 0 : i32
      %dma_wait3A_402 = arith.constant 0 : i32
      %dma_wait3A_403 = tpu.memref_slice %arg2[%dma_wait3A_401, %dma_wait3A_402] : memref<10000x128xf32, #tpu.memory_space<hbm>> -> memref<128x128xf32, #tpu.memory_space<hbm>>
      tpu.wait_dma2 semaphore(%arg19 : memref<!tpu.dma_semaphore, #tpu.memory_space<semaphore_mem>>) src(%dma_wait3A_403 : memref<128x128xf32, #tpu.memory_space<hbm>>) dst(%arg15 : memref<128x128xf32, #tpu.memory_space<vmem>>)
    }
    "tpu.region"() ({
      %run_scoped3A = tpu.sem_alloc : memref<!tpu.dma_semaphore, #tpu.memory_space<semaphore_mem>>
      %dma_start3A = arith.constant 0 : i32
      %dma_start3A_33 = arith.constant 0 : i32
      %dma_start3A_34 = tpu.memref_slice %arg6[%add3A, %dma_start3A, %dma_start3A_33] : memref<32x80x128xf32, #tpu.memory_space<hbm>> -> memref<1x80x128xf32, #tpu.memory_space<hbm>>
      %dma_start3A_35 = tpu.memref_squeeze %dma_start3A_34 : memref<1x80x128xf32, #tpu.memory_space<hbm>> -> memref<80x128xf32, #tpu.memory_space<hbm>>
      %dma_start3A_36 = arith.constant 0 : i32
      %dma_start3A_37 = arith.constant 0 : i32
      %dma_start3A_38 = tpu.memref_slice %arg6[%add3A, %dma_start3A_36, %dma_start3A_37] : memref<32x80x128xf32, #tpu.memory_space<hbm>> -> memref<1x80x128xf32, #tpu.memory_space<hbm>>
      %dma_start3A_39 = tpu.memref_squeeze %dma_start3A_38 : memref<1x80x128xf32, #tpu.memory_space<hbm>> -> memref<80x128xf32, #tpu.memory_space<hbm>>
      tpu.enqueue_dma source(%arg13 : memref<80x128xf32, #tpu.memory_space<vmem>>) target(%dma_start3A_39 : memref<80x128xf32, #tpu.memory_space<hbm>>) target_semaphore(%run_scoped3A : memref<!tpu.dma_semaphore, #tpu.memory_space<semaphore_mem>>)
      %dma_wait3A = arith.constant 0 : i32
      %dma_wait3A_40 = arith.constant 0 : i32
      %dma_wait3A_41 = tpu.memref_slice %arg6[%add3A, %dma_wait3A, %dma_wait3A_40] : memref<32x80x128xf32, #tpu.memory_space<hbm>> -> memref<1x80x128xf32, #tpu.memory_space<hbm>>
      %dma_wait3A_42 = tpu.memref_squeeze %dma_wait3A_41 : memref<1x80x128xf32, #tpu.memory_space<hbm>> -> memref<80x128xf32, #tpu.memory_space<hbm>>
      %dma_wait3A_43 = arith.constant 0 : i32
      %dma_wait3A_44 = arith.constant 0 : i32
      %dma_wait3A_45 = tpu.memref_slice %arg6[%add3A, %dma_wait3A_43, %dma_wait3A_44] : memref<32x80x128xf32, #tpu.memory_space<hbm>> -> memref<1x80x128xf32, #tpu.memory_space<hbm>>
      %dma_wait3A_46 = tpu.memref_squeeze %dma_wait3A_45 : memref<1x80x128xf32, #tpu.memory_space<hbm>> -> memref<80x128xf32, #tpu.memory_space<hbm>>
      tpu.wait_dma2 semaphore(%run_scoped3A : memref<!tpu.dma_semaphore, #tpu.memory_space<semaphore_mem>>) src(%arg13 : memref<80x128xf32, #tpu.memory_space<vmem>>) dst(%dma_wait3A_46 : memref<80x128xf32, #tpu.memory_space<hbm>>)
      tpu.yield
    }) : () -> ()
    %barrier3A_28 = arith.constant 0 : index
    tpu.barrier barrier_id(%barrier3A_28)
    %mul3A_29 = arith.constant 640 : i32
    %mul3A_30 = arith.muli %arg1, %mul3A_29 : i32
    %mul3A_31 = arith.constant 640 : i32
    %mul3A_32 = arith.muli %arg1, %mul3A_31 : i32
    "tpu.region"() ({
      %run_scoped3A = tpu.sem_alloc : memref<!tpu.dma_semaphore, #tpu.memory_space<semaphore_mem>>
      %dma_start3A = arith.constant 0 : i32
      %dma_start3A_33 = arith.constant 0 : i32
      %dma_start3A_34 = tpu.memref_slice %arg5[%arg0, %dma_start3A, %dma_start3A_33] : memref<2x10240x128xf32, #tpu.memory_space<hbm>> -> memref<1x10240x128xf32, #tpu.memory_space<hbm>>
      %dma_start3A_35 = tpu.memref_squeeze %dma_start3A_34 : memref<1x10240x128xf32, #tpu.memory_space<hbm>> -> memref<10240x128xf32, #tpu.memory_space<hbm>>
      %dma_start3A_36 = arith.constant 0 : i32
      %dma_start3A_37 = tpu.memref_slice %dma_start3A_35[%mul3A_32, %dma_start3A_36] : memref<10240x128xf32, #tpu.memory_space<hbm>> -> memref<640x128xf32, #tpu.memory_space<hbm>>
      %dma_start3A_38 = arith.constant 0 : i32
      %dma_start3A_39 = tpu.memref_slice %arg7[%mul3A_30, %dma_start3A_38] : memref<10240x128xf32, #tpu.memory_space<vmem_shared>> -> memref<640x128xf32, #tpu.memory_space<vmem_shared>>
      tpu.enqueue_dma source(%dma_start3A_39 : memref<640x128xf32, #tpu.memory_space<vmem_shared>>) target(%dma_start3A_37 : memref<640x128xf32, #tpu.memory_space<hbm>>) target_semaphore(%run_scoped3A : memref<!tpu.dma_semaphore, #tpu.memory_space<semaphore_mem>>)
      %dma_wait3A = arith.constant 0 : i32
      %dma_wait3A_40 = arith.constant 0 : i32
      %dma_wait3A_41 = tpu.memref_slice %arg5[%arg0, %dma_wait3A, %dma_wait3A_40] : memref<2x10240x128xf32, #tpu.memory_space<hbm>> -> memref<1x10240x128xf32, #tpu.memory_space<hbm>>
      %dma_wait3A_42 = tpu.memref_squeeze %dma_wait3A_41 : memref<1x10240x128xf32, #tpu.memory_space<hbm>> -> memref<10240x128xf32, #tpu.memory_space<hbm>>
      %dma_wait3A_43 = arith.constant 0 : i32
      %dma_wait3A_44 = tpu.memref_slice %dma_wait3A_42[%mul3A_32, %dma_wait3A_43] : memref<10240x128xf32, #tpu.memory_space<hbm>> -> memref<640x128xf32, #tpu.memory_space<hbm>>
      %dma_wait3A_45 = arith.constant 0 : i32
      %dma_wait3A_46 = tpu.memref_slice %arg7[%mul3A_30, %dma_wait3A_45] : memref<10240x128xf32, #tpu.memory_space<vmem_shared>> -> memref<640x128xf32, #tpu.memory_space<vmem_shared>>
      tpu.wait_dma2 semaphore(%run_scoped3A : memref<!tpu.dma_semaphore, #tpu.memory_space<semaphore_mem>>) src(%dma_wait3A_46 : memref<640x128xf32, #tpu.memory_space<vmem_shared>>) dst(%dma_wait3A_44 : memref<640x128xf32, #tpu.memory_space<hbm>>)
      tpu.yield
    }) : () -> ()
    return
  }
}

#map = affine_map<(d0, d1) -> (0, 0)>
#map1 = affine_map<(d0, d1) -> (0, 0, 0)>
module attributes {stable_mosaic.version = 14 : i64} {
  func.func @seg(%arg0: i32, %arg1: i32, %arg2: memref<10240x128xf32, #tpu.memory_space<hbm>>, %arg3: memref<64x40x128xi32, #tpu.memory_space<hbm>>, %arg4: memref<640x128xf32, #tpu.memory_space<hbm>>, %arg5: memref<2x10240x128xf32, #tpu.memory_space<hbm>>, %arg6: memref<10240x128xf32, #tpu.memory_space<vmem_shared>>, %arg7: memref<40x128xi32, #tpu.memory_space<vmem>>, %arg8: memref<128xi32, #tpu.memory_space<vmem>>, %arg9: memref<128xi32, #tpu.memory_space<vmem>>, %arg10: memref<128xi32, #tpu.memory_space<vmem>>, %arg11: memref<128xi32, #tpu.memory_space<vmem>>, %arg12: memref<128x128xf32, #tpu.memory_space<vmem>>, %arg13: memref<128x128xf32, #tpu.memory_space<vmem>>, %arg14: memref<!tpu.dma_semaphore, #tpu.memory_space<semaphore_mem>>, %arg15: memref<!tpu.dma_semaphore, #tpu.memory_space<semaphore_mem>>, %arg16: memref<!tpu.dma_semaphore, #tpu.memory_space<semaphore_mem>>, %arg17: memref<!tpu.dma_semaphore, #tpu.memory_space<semaphore_mem>>) attributes {dimension_semantics = [#tpu.dimension_semantics<core_parallel>, #tpu.dimension_semantics<subcore_parallel>], iteration_bounds = array<i64: 2, 16>, scalar_prefetch = 0 : i64, scratch_operands = 12 : i64, tpu.core_type = #tpu.core_type<sc_vector_subcore>, window_params = [{transform_indices = #map}, {transform_indices = #map1}, {transform_indices = #map}, {transform_indices = #map1}]} {
    %mul3A = arith.constant 16 : i32
    %mul3A_0 = arith.muli %arg0, %mul3A : i32
    %add3A = arith.addi %mul3A_0, %arg1 : i32
    %mul3A_1 = arith.constant 640 : i32
    %mul3A_2 = arith.muli %arg1, %mul3A_1 : i32
    "tpu.region"() ({
      %run_scoped3A = tpu.sem_alloc : memref<!tpu.dma_semaphore, #tpu.memory_space<semaphore_mem>>
      %dma_start3A = arith.constant 0 : i32
      %dma_start3A_33 = tpu.memref_slice %arg6[%mul3A_2, %dma_start3A] : memref<10240x128xf32, #tpu.memory_space<vmem_shared>> -> memref<640x128xf32, #tpu.memory_space<vmem_shared>>
      %dma_start3A_34 = arith.constant 0 : i32
      %dma_start3A_35 = arith.constant 0 : i32
      %dma_start3A_36 = tpu.memref_slice %arg4[%dma_start3A_34, %dma_start3A_35] : memref<640x128xf32, #tpu.memory_space<hbm>> -> memref<640x128xf32, #tpu.memory_space<hbm>>
      tpu.enqueue_dma source(%dma_start3A_36 : memref<640x128xf32, #tpu.memory_space<hbm>>) target(%dma_start3A_33 : memref<640x128xf32, #tpu.memory_space<vmem_shared>>) target_semaphore(%run_scoped3A : memref<!tpu.dma_semaphore, #tpu.memory_space<semaphore_mem>>)
      %dma_wait3A = arith.constant 0 : i32
      %dma_wait3A_37 = tpu.memref_slice %arg6[%mul3A_2, %dma_wait3A] : memref<10240x128xf32, #tpu.memory_space<vmem_shared>> -> memref<640x128xf32, #tpu.memory_space<vmem_shared>>
      %dma_wait3A_38 = arith.constant 0 : i32
      %dma_wait3A_39 = arith.constant 0 : i32
      %dma_wait3A_40 = tpu.memref_slice %arg4[%dma_wait3A_38, %dma_wait3A_39] : memref<640x128xf32, #tpu.memory_space<hbm>> -> memref<640x128xf32, #tpu.memory_space<hbm>>
      tpu.wait_dma2 semaphore(%run_scoped3A : memref<!tpu.dma_semaphore, #tpu.memory_space<semaphore_mem>>) src(%dma_wait3A_40 : memref<640x128xf32, #tpu.memory_space<hbm>>) dst(%dma_wait3A_37 : memref<640x128xf32, #tpu.memory_space<vmem_shared>>)
      tpu.yield
    }) : () -> ()
    %barrier3A = arith.constant 0 : index
    tpu.barrier barrier_id(%barrier3A)
    %eq3A = arith.constant 1 : i32
    %eq3A_3 = arith.cmpi eq, %arg0, %eq3A : i32
    %jit3A = arith.constant 3 : i32
    %jit3A_4 = arith.constant 1 : i32
    %select_n3A = arith.select %eq3A_3, %jit3A, %jit3A_4 : i32
    %mul3A_5 = arith.constant 3 : i32
    %mul3A_6 = arith.muli %arg1, %mul3A_5 : i32
    %mul3A_7 = arith.constant 1 : i32
    %mul3A_8 = arith.muli %arg1, %mul3A_7 : i32
    %add3A_9 = arith.constant 48 : i32
    %add3A_10 = arith.addi %add3A_9, %mul3A_8 : i32
    %select_n3A_11 = arith.select %eq3A_3, %mul3A_6, %add3A_10 : i32
    %sub3A = arith.constant 0 : i32
    %sub3A_12 = arith.subi %select_n3A, %sub3A : i32
    %sub3A_13 = arith.constant 1 : i32
    %sub3A_14 = arith.constant 1 : i32
    %sub3A_15 = arith.subi %sub3A_13, %sub3A_14 : i32
    %add3A_16 = arith.addi %sub3A_12, %sub3A_15 : i32
    %div3A = arith.constant 1 : i32
    %div3A_17 = arith.divsi %add3A_16, %div3A : i32
    %while3A = arith.constant 1 : i32
    %while3A_18 = arith.constant 0 : i32
    %while3A_19 = arith.constant 0 : i32
    %while3A_20 = arith.subi %div3A_17, %while3A_19 : i32
    %while3A_21 = arith.addi %while3A_19, %while3A_20 : i32
    %while3A_22 = arith.constant 1 : i32
    %while3A_23 = arith.divsi %while3A_20, %while3A_22 : i32
    %while3A_24 = arith.muli %while3A_23, %while3A_22 : i32
    %while3A_25 = arith.addi %while3A_19, %while3A_24 : i32
    %while3A_26 = arith.constant 1 : i32
    scf.for %while3A_33 = %while3A_19 to %while3A_25 step %while3A_26  : i32 {
      %mul3A_34 = arith.muli %while3A_33, %while3A : i32
      %add3A_35 = arith.addi %while3A_18, %mul3A_34 : i32
      %add3A_36 = arith.addi %select_n3A_11, %add3A_35 : i32
      "tpu.region"() ({
        %run_scoped3A = tpu.sem_alloc : memref<!tpu.dma_semaphore, #tpu.memory_space<semaphore_mem>>
        %dma_start3A_277 = arith.constant 0 : i32
        %dma_start3A_278 = arith.constant 0 : i32
        %dma_start3A_279 = tpu.memref_slice %arg3[%add3A_36, %dma_start3A_277, %dma_start3A_278] : memref<64x40x128xi32, #tpu.memory_space<hbm>> -> memref<1x40x128xi32, #tpu.memory_space<hbm>>
        %dma_start3A_280 = tpu.memref_squeeze %dma_start3A_279 : memref<1x40x128xi32, #tpu.memory_space<hbm>> -> memref<40x128xi32, #tpu.memory_space<hbm>>
        %dma_start3A_281 = arith.constant 0 : i32
        %dma_start3A_282 = arith.constant 0 : i32
        %dma_start3A_283 = tpu.memref_slice %arg3[%add3A_36, %dma_start3A_281, %dma_start3A_282] : memref<64x40x128xi32, #tpu.memory_space<hbm>> -> memref<1x40x128xi32, #tpu.memory_space<hbm>>
        %dma_start3A_284 = tpu.memref_squeeze %dma_start3A_283 : memref<1x40x128xi32, #tpu.memory_space<hbm>> -> memref<40x128xi32, #tpu.memory_space<hbm>>
        tpu.enqueue_dma source(%dma_start3A_284 : memref<40x128xi32, #tpu.memory_space<hbm>>) target(%arg7 : memref<40x128xi32, #tpu.memory_space<vmem>>) target_semaphore(%run_scoped3A : memref<!tpu.dma_semaphore, #tpu.memory_space<semaphore_mem>>)
        %dma_wait3A_285 = arith.constant 0 : i32
        %dma_wait3A_286 = arith.constant 0 : i32
        %dma_wait3A_287 = tpu.memref_slice %arg3[%add3A_36, %dma_wait3A_285, %dma_wait3A_286] : memref<64x40x128xi32, #tpu.memory_space<hbm>> -> memref<1x40x128xi32, #tpu.memory_space<hbm>>
        %dma_wait3A_288 = tpu.memref_squeeze %dma_wait3A_287 : memref<1x40x128xi32, #tpu.memory_space<hbm>> -> memref<40x128xi32, #tpu.memory_space<hbm>>
        %dma_wait3A_289 = arith.constant 0 : i32
        %dma_wait3A_290 = arith.constant 0 : i32
        %dma_wait3A_291 = tpu.memref_slice %arg3[%add3A_36, %dma_wait3A_289, %dma_wait3A_290] : memref<64x40x128xi32, #tpu.memory_space<hbm>> -> memref<1x40x128xi32, #tpu.memory_space<hbm>>
        %dma_wait3A_292 = tpu.memref_squeeze %dma_wait3A_291 : memref<1x40x128xi32, #tpu.memory_space<hbm>> -> memref<40x128xi32, #tpu.memory_space<hbm>>
        tpu.wait_dma2 semaphore(%run_scoped3A : memref<!tpu.dma_semaphore, #tpu.memory_space<semaphore_mem>>) src(%dma_wait3A_292 : memref<40x128xi32, #tpu.memory_space<hbm>>) dst(%arg7 : memref<40x128xi32, #tpu.memory_space<vmem>>)
        tpu.yield
      }) : () -> ()
      %get3A = arith.constant 0 : i32
      %get3A_37 = arith.index_cast %get3A : i32 to index
      %get3A_38 = arith.constant 0 : index
      %get3A_39 = tpu.vector_load %arg7[%get3A_37, %get3A_38] {strides = array<i32>} : memref<40x128xi32, #tpu.memory_space<vmem>>, vector<16xi32>,
      %shift_right_logical3A = arith.constant 16 : i32
      %shift_right_logical3A_40 = vector.broadcast %shift_right_logical3A : i32 to vector<16xi32>
      %shift_right_logical3A_41 = arith.shrui %get3A_39, %shift_right_logical3A_40 : vector<16xi32>
      %and3A = arith.constant 65535 : i32
      %and3A_42 = vector.broadcast %and3A : i32 to vector<16xi32>
      %and3A_43 = arith.andi %get3A_39, %and3A_42 : vector<16xi32>
      %swap3A = arith.constant 0 : index
      %swap3A_44 = tpu.vector_load %arg8[%swap3A] {strides = array<i32>} : memref<128xi32, #tpu.memory_space<vmem>>, vector<16xi32>,
      tpu.vector_store %arg8[%swap3A], %and3A_43 {strides = array<i32>} : memref<128xi32, #tpu.memory_space<vmem>>, vector<16xi32>,
      %swap3A_45 = arith.constant 0 : index
      %swap3A_46 = tpu.vector_load %arg10[%swap3A_45] {strides = array<i32>} : memref<128xi32, #tpu.memory_space<vmem>>, vector<16xi32>,
      tpu.vector_store %arg10[%swap3A_45], %shift_right_logical3A_41 {strides = array<i32>} : memref<128xi32, #tpu.memory_space<vmem>>, vector<16xi32>,
      %get3A_47 = arith.constant 0 : i32
      %get3A_48 = arith.index_cast %get3A_47 : i32 to index
      %get3A_49 = arith.constant 16 : index
      %get3A_50 = tpu.vector_load %arg7[%get3A_48, %get3A_49] {strides = array<i32>} : memref<40x128xi32, #tpu.memory_space<vmem>>, vector<16xi32>,
      %shift_right_logical3A_51 = arith.constant 16 : i32
      %shift_right_logical3A_52 = vector.broadcast %shift_right_logical3A_51 : i32 to vector<16xi32>
      %shift_right_logical3A_53 = arith.shrui %get3A_50, %shift_right_logical3A_52 : vector<16xi32>
      %and3A_54 = arith.constant 65535 : i32
      %and3A_55 = vector.broadcast %and3A_54 : i32 to vector<16xi32>
      %and3A_56 = arith.andi %get3A_50, %and3A_55 : vector<16xi32>
      %swap3A_57 = arith.constant 16 : index
      %swap3A_58 = tpu.vector_load %arg8[%swap3A_57] {strides = array<i32>} : memref<128xi32, #tpu.memory_space<vmem>>, vector<16xi32>,
      tpu.vector_store %arg8[%swap3A_57], %and3A_56 {strides = array<i32>} : memref<128xi32, #tpu.memory_space<vmem>>, vector<16xi32>,
      %swap3A_59 = arith.constant 16 : index
      %swap3A_60 = tpu.vector_load %arg10[%swap3A_59] {strides = array<i32>} : memref<128xi32, #tpu.memory_space<vmem>>, vector<16xi32>,
      tpu.vector_store %arg10[%swap3A_59], %shift_right_logical3A_53 {strides = array<i32>} : memref<128xi32, #tpu.memory_space<vmem>>, vector<16xi32>,
      %get3A_61 = arith.constant 0 : i32
      %get3A_62 = arith.index_cast %get3A_61 : i32 to index
      %get3A_63 = arith.constant 32 : index
      %get3A_64 = tpu.vector_load %arg7[%get3A_62, %get3A_63] {strides = array<i32>} : memref<40x128xi32, #tpu.memory_space<vmem>>, vector<16xi32>,
      %shift_right_logical3A_65 = arith.constant 16 : i32
      %shift_right_logical3A_66 = vector.broadcast %shift_right_logical3A_65 : i32 to vector<16xi32>
      %shift_right_logical3A_67 = arith.shrui %get3A_64, %shift_right_logical3A_66 : vector<16xi32>
      %and3A_68 = arith.constant 65535 : i32
      %and3A_69 = vector.broadcast %and3A_68 : i32 to vector<16xi32>
      %and3A_70 = arith.andi %get3A_64, %and3A_69 : vector<16xi32>
      %swap3A_71 = arith.constant 32 : index
      %swap3A_72 = tpu.vector_load %arg8[%swap3A_71] {strides = array<i32>} : memref<128xi32, #tpu.memory_space<vmem>>, vector<16xi32>,
      tpu.vector_store %arg8[%swap3A_71], %and3A_70 {strides = array<i32>} : memref<128xi32, #tpu.memory_space<vmem>>, vector<16xi32>,
      %swap3A_73 = arith.constant 32 : index
      %swap3A_74 = tpu.vector_load %arg10[%swap3A_73] {strides = array<i32>} : memref<128xi32, #tpu.memory_space<vmem>>, vector<16xi32>,
      tpu.vector_store %arg10[%swap3A_73], %shift_right_logical3A_67 {strides = array<i32>} : memref<128xi32, #tpu.memory_space<vmem>>, vector<16xi32>,
      %get3A_75 = arith.constant 0 : i32
      %get3A_76 = arith.index_cast %get3A_75 : i32 to index
      %get3A_77 = arith.constant 48 : index
      %get3A_78 = tpu.vector_load %arg7[%get3A_76, %get3A_77] {strides = array<i32>} : memref<40x128xi32, #tpu.memory_space<vmem>>, vector<16xi32>,
      %shift_right_logical3A_79 = arith.constant 16 : i32
      %shift_right_logical3A_80 = vector.broadcast %shift_right_logical3A_79 : i32 to vector<16xi32>
      %shift_right_logical3A_81 = arith.shrui %get3A_78, %shift_right_logical3A_80 : vector<16xi32>
      %and3A_82 = arith.constant 65535 : i32
      %and3A_83 = vector.broadcast %and3A_82 : i32 to vector<16xi32>
      %and3A_84 = arith.andi %get3A_78, %and3A_83 : vector<16xi32>
      %swap3A_85 = arith.constant 48 : index
      %swap3A_86 = tpu.vector_load %arg8[%swap3A_85] {strides = array<i32>} : memref<128xi32, #tpu.memory_space<vmem>>, vector<16xi32>,
      tpu.vector_store %arg8[%swap3A_85], %and3A_84 {strides = array<i32>} : memref<128xi32, #tpu.memory_space<vmem>>, vector<16xi32>,
      %swap3A_87 = arith.constant 48 : index
      %swap3A_88 = tpu.vector_load %arg10[%swap3A_87] {strides = array<i32>} : memref<128xi32, #tpu.memory_space<vmem>>, vector<16xi32>,
      tpu.vector_store %arg10[%swap3A_87], %shift_right_logical3A_81 {strides = array<i32>} : memref<128xi32, #tpu.memory_space<vmem>>, vector<16xi32>,
      %get3A_89 = arith.constant 0 : i32
      %get3A_90 = arith.index_cast %get3A_89 : i32 to index
      %get3A_91 = arith.constant 64 : index
      %get3A_92 = tpu.vector_load %arg7[%get3A_90, %get3A_91] {strides = array<i32>} : memref<40x128xi32, #tpu.memory_space<vmem>>, vector<16xi32>,
      %shift_right_logical3A_93 = arith.constant 16 : i32
      %shift_right_logical3A_94 = vector.broadcast %shift_right_logical3A_93 : i32 to vector<16xi32>
      %shift_right_logical3A_95 = arith.shrui %get3A_92, %shift_right_logical3A_94 : vector<16xi32>
      %and3A_96 = arith.constant 65535 : i32
      %and3A_97 = vector.broadcast %and3A_96 : i32 to vector<16xi32>
      %and3A_98 = arith.andi %get3A_92, %and3A_97 : vector<16xi32>
      %swap3A_99 = arith.constant 64 : index
      %swap3A_100 = tpu.vector_load %arg8[%swap3A_99] {strides = array<i32>} : memref<128xi32, #tpu.memory_space<vmem>>, vector<16xi32>,
      tpu.vector_store %arg8[%swap3A_99], %and3A_98 {strides = array<i32>} : memref<128xi32, #tpu.memory_space<vmem>>, vector<16xi32>,
      %swap3A_101 = arith.constant 64 : index
      %swap3A_102 = tpu.vector_load %arg10[%swap3A_101] {strides = array<i32>} : memref<128xi32, #tpu.memory_space<vmem>>, vector<16xi32>,
      tpu.vector_store %arg10[%swap3A_101], %shift_right_logical3A_95 {strides = array<i32>} : memref<128xi32, #tpu.memory_space<vmem>>, vector<16xi32>,
      %get3A_103 = arith.constant 0 : i32
      %get3A_104 = arith.index_cast %get3A_103 : i32 to index
      %get3A_105 = arith.constant 80 : index
      %get3A_106 = tpu.vector_load %arg7[%get3A_104, %get3A_105] {strides = array<i32>} : memref<40x128xi32, #tpu.memory_space<vmem>>, vector<16xi32>,
      %shift_right_logical3A_107 = arith.constant 16 : i32
      %shift_right_logical3A_108 = vector.broadcast %shift_right_logical3A_107 : i32 to vector<16xi32>
      %shift_right_logical3A_109 = arith.shrui %get3A_106, %shift_right_logical3A_108 : vector<16xi32>
      %and3A_110 = arith.constant 65535 : i32
      %and3A_111 = vector.broadcast %and3A_110 : i32 to vector<16xi32>
      %and3A_112 = arith.andi %get3A_106, %and3A_111 : vector<16xi32>
      %swap3A_113 = arith.constant 80 : index
      %swap3A_114 = tpu.vector_load %arg8[%swap3A_113] {strides = array<i32>} : memref<128xi32, #tpu.memory_space<vmem>>, vector<16xi32>,
      tpu.vector_store %arg8[%swap3A_113], %and3A_112 {strides = array<i32>} : memref<128xi32, #tpu.memory_space<vmem>>, vector<16xi32>,
      %swap3A_115 = arith.constant 80 : index
      %swap3A_116 = tpu.vector_load %arg10[%swap3A_115] {strides = array<i32>} : memref<128xi32, #tpu.memory_space<vmem>>, vector<16xi32>,
      tpu.vector_store %arg10[%swap3A_115], %shift_right_logical3A_109 {strides = array<i32>} : memref<128xi32, #tpu.memory_space<vmem>>, vector<16xi32>,
      %get3A_117 = arith.constant 0 : i32
      %get3A_118 = arith.index_cast %get3A_117 : i32 to index
      %get3A_119 = arith.constant 96 : index
      %get3A_120 = tpu.vector_load %arg7[%get3A_118, %get3A_119] {strides = array<i32>} : memref<40x128xi32, #tpu.memory_space<vmem>>, vector<16xi32>,
      %shift_right_logical3A_121 = arith.constant 16 : i32
      %shift_right_logical3A_122 = vector.broadcast %shift_right_logical3A_121 : i32 to vector<16xi32>
      %shift_right_logical3A_123 = arith.shrui %get3A_120, %shift_right_logical3A_122 : vector<16xi32>
      %and3A_124 = arith.constant 65535 : i32
      %and3A_125 = vector.broadcast %and3A_124 : i32 to vector<16xi32>
      %and3A_126 = arith.andi %get3A_120, %and3A_125 : vector<16xi32>
      %swap3A_127 = arith.constant 96 : index
      %swap3A_128 = tpu.vector_load %arg8[%swap3A_127] {strides = array<i32>} : memref<128xi32, #tpu.memory_space<vmem>>, vector<16xi32>,
      tpu.vector_store %arg8[%swap3A_127], %and3A_126 {strides = array<i32>} : memref<128xi32, #tpu.memory_space<vmem>>, vector<16xi32>,
      %swap3A_129 = arith.constant 96 : index
      %swap3A_130 = tpu.vector_load %arg10[%swap3A_129] {strides = array<i32>} : memref<128xi32, #tpu.memory_space<vmem>>, vector<16xi32>,
      tpu.vector_store %arg10[%swap3A_129], %shift_right_logical3A_123 {strides = array<i32>} : memref<128xi32, #tpu.memory_space<vmem>>, vector<16xi32>,
      %get3A_131 = arith.constant 0 : i32
      %get3A_132 = arith.index_cast %get3A_131 : i32 to index
      %get3A_133 = arith.constant 112 : index
      %get3A_134 = tpu.vector_load %arg7[%get3A_132, %get3A_133] {strides = array<i32>} : memref<40x128xi32, #tpu.memory_space<vmem>>, vector<16xi32>,
      %shift_right_logical3A_135 = arith.constant 16 : i32
      %shift_right_logical3A_136 = vector.broadcast %shift_right_logical3A_135 : i32 to vector<16xi32>
      %shift_right_logical3A_137 = arith.shrui %get3A_134, %shift_right_logical3A_136 : vector<16xi32>
      %and3A_138 = arith.constant 65535 : i32
      %and3A_139 = vector.broadcast %and3A_138 : i32 to vector<16xi32>
      %and3A_140 = arith.andi %get3A_134, %and3A_139 : vector<16xi32>
      %swap3A_141 = arith.constant 112 : index
      %swap3A_142 = tpu.vector_load %arg8[%swap3A_141] {strides = array<i32>} : memref<128xi32, #tpu.memory_space<vmem>>, vector<16xi32>,
      tpu.vector_store %arg8[%swap3A_141], %and3A_140 {strides = array<i32>} : memref<128xi32, #tpu.memory_space<vmem>>, vector<16xi32>,
      %swap3A_143 = arith.constant 112 : index
      %swap3A_144 = tpu.vector_load %arg10[%swap3A_143] {strides = array<i32>} : memref<128xi32, #tpu.memory_space<vmem>>, vector<16xi32>,
      tpu.vector_store %arg10[%swap3A_143], %shift_right_logical3A_137 {strides = array<i32>} : memref<128xi32, #tpu.memory_space<vmem>>, vector<16xi32>,
      %dma_start3A = arith.constant 0 : i32
      %dma_start3A_145 = arith.constant 0 : i32
      %dma_start3A_146 = tpu.memref_slice %arg2[%dma_start3A, %dma_start3A_145] : memref<10240x128xf32, #tpu.memory_space<hbm>> -> memref<10240x128xf32, #tpu.memory_space<hbm>>
      tpu.enqueue_indirect_dma source(%dma_start3A_146 : memref<10240x128xf32, #tpu.memory_space<hbm>>) target(%arg12 : memref<128x128xf32, #tpu.memory_space<vmem>>) offsets(%arg8 : memref<128xi32, #tpu.memory_space<vmem>>) semaphore(%arg14 : memref<!tpu.dma_semaphore, #tpu.memory_space<semaphore_mem>>)
      %get3A_147 = arith.constant 1 : i32
      %get3A_148 = arith.index_cast %get3A_147 : i32 to index
      %get3A_149 = arith.constant 0 : index
      %get3A_150 = tpu.vector_load %arg7[%get3A_148, %get3A_149] {strides = array<i32>} : memref<40x128xi32, #tpu.memory_space<vmem>>, vector<16xi32>,
      %shift_right_logical3A_151 = arith.constant 16 : i32
      %shift_right_logical3A_152 = vector.broadcast %shift_right_logical3A_151 : i32 to vector<16xi32>
      %shift_right_logical3A_153 = arith.shrui %get3A_150, %shift_right_logical3A_152 : vector<16xi32>
      %and3A_154 = arith.constant 65535 : i32
      %and3A_155 = vector.broadcast %and3A_154 : i32 to vector<16xi32>
      %and3A_156 = arith.andi %get3A_150, %and3A_155 : vector<16xi32>
      %swap3A_157 = arith.constant 0 : index
      %swap3A_158 = tpu.vector_load %arg9[%swap3A_157] {strides = array<i32>} : memref<128xi32, #tpu.memory_space<vmem>>, vector<16xi32>,
      tpu.vector_store %arg9[%swap3A_157], %and3A_156 {strides = array<i32>} : memref<128xi32, #tpu.memory_space<vmem>>, vector<16xi32>,
      %swap3A_159 = arith.constant 0 : index
      %swap3A_160 = tpu.vector_load %arg11[%swap3A_159] {strides = array<i32>} : memref<128xi32, #tpu.memory_space<vmem>>, vector<16xi32>,
      tpu.vector_store %arg11[%swap3A_159], %shift_right_logical3A_153 {strides = array<i32>} : memref<128xi32, #tpu.memory_space<vmem>>, vector<16xi32>,
      %get3A_161 = arith.constant 1 : i32
      %get3A_162 = arith.index_cast %get3A_161 : i32 to index
      %get3A_163 = arith.constant 16 : index
      %get3A_164 = tpu.vector_load %arg7[%get3A_162, %get3A_163] {strides = array<i32>} : memref<40x128xi32, #tpu.memory_space<vmem>>, vector<16xi32>,
      %shift_right_logical3A_165 = arith.constant 16 : i32
      %shift_right_logical3A_166 = vector.broadcast %shift_right_logical3A_165 : i32 to vector<16xi32>
      %shift_right_logical3A_167 = arith.shrui %get3A_164, %shift_right_logical3A_166 : vector<16xi32>
      %and3A_168 = arith.constant 65535 : i32
      %and3A_169 = vector.broadcast %and3A_168 : i32 to vector<16xi32>
      %and3A_170 = arith.andi %get3A_164, %and3A_169 : vector<16xi32>
      %swap3A_171 = arith.constant 16 : index
      %swap3A_172 = tpu.vector_load %arg9[%swap3A_171] {strides = array<i32>} : memref<128xi32, #tpu.memory_space<vmem>>, vector<16xi32>,
      tpu.vector_store %arg9[%swap3A_171], %and3A_170 {strides = array<i32>} : memref<128xi32, #tpu.memory_space<vmem>>, vector<16xi32>,
      %swap3A_173 = arith.constant 16 : index
      %swap3A_174 = tpu.vector_load %arg11[%swap3A_173] {strides = array<i32>} : memref<128xi32, #tpu.memory_space<vmem>>, vector<16xi32>,
      tpu.vector_store %arg11[%swap3A_173], %shift_right_logical3A_167 {strides = array<i32>} : memref<128xi32, #tpu.memory_space<vmem>>, vector<16xi32>,
      %get3A_175 = arith.constant 1 : i32
      %get3A_176 = arith.index_cast %get3A_175 : i32 to index
      %get3A_177 = arith.constant 32 : index
      %get3A_178 = tpu.vector_load %arg7[%get3A_176, %get3A_177] {strides = array<i32>} : memref<40x128xi32, #tpu.memory_space<vmem>>, vector<16xi32>,
      %shift_right_logical3A_179 = arith.constant 16 : i32
      %shift_right_logical3A_180 = vector.broadcast %shift_right_logical3A_179 : i32 to vector<16xi32>
      %shift_right_logical3A_181 = arith.shrui %get3A_178, %shift_right_logical3A_180 : vector<16xi32>
      %and3A_182 = arith.constant 65535 : i32
      %and3A_183 = vector.broadcast %and3A_182 : i32 to vector<16xi32>
      %and3A_184 = arith.andi %get3A_178, %and3A_183 : vector<16xi32>
      %swap3A_185 = arith.constant 32 : index
      %swap3A_186 = tpu.vector_load %arg9[%swap3A_185] {strides = array<i32>} : memref<128xi32, #tpu.memory_space<vmem>>, vector<16xi32>,
      tpu.vector_store %arg9[%swap3A_185], %and3A_184 {strides = array<i32>} : memref<128xi32, #tpu.memory_space<vmem>>, vector<16xi32>,
      %swap3A_187 = arith.constant 32 : index
      %swap3A_188 = tpu.vector_load %arg11[%swap3A_187] {strides = array<i32>} : memref<128xi32, #tpu.memory_space<vmem>>, vector<16xi32>,
      tpu.vector_store %arg11[%swap3A_187], %shift_right_logical3A_181 {strides = array<i32>} : memref<128xi32, #tpu.memory_space<vmem>>, vector<16xi32>,
      %get3A_189 = arith.constant 1 : i32
      %get3A_190 = arith.index_cast %get3A_189 : i32 to index
      %get3A_191 = arith.constant 48 : index
      %get3A_192 = tpu.vector_load %arg7[%get3A_190, %get3A_191] {strides = array<i32>} : memref<40x128xi32, #tpu.memory_space<vmem>>, vector<16xi32>,
      %shift_right_logical3A_193 = arith.constant 16 : i32
      %shift_right_logical3A_194 = vector.broadcast %shift_right_logical3A_193 : i32 to vector<16xi32>
      %shift_right_logical3A_195 = arith.shrui %get3A_192, %shift_right_logical3A_194 : vector<16xi32>
      %and3A_196 = arith.constant 65535 : i32
      %and3A_197 = vector.broadcast %and3A_196 : i32 to vector<16xi32>
      %and3A_198 = arith.andi %get3A_192, %and3A_197 : vector<16xi32>
      %swap3A_199 = arith.constant 48 : index
      %swap3A_200 = tpu.vector_load %arg9[%swap3A_199] {strides = array<i32>} : memref<128xi32, #tpu.memory_space<vmem>>, vector<16xi32>,
      tpu.vector_store %arg9[%swap3A_199], %and3A_198 {strides = array<i32>} : memref<128xi32, #tpu.memory_space<vmem>>, vector<16xi32>,
      %swap3A_201 = arith.constant 48 : index
      %swap3A_202 = tpu.vector_load %arg11[%swap3A_201] {strides = array<i32>} : memref<128xi32, #tpu.memory_space<vmem>>, vector<16xi32>,
      tpu.vector_store %arg11[%swap3A_201], %shift_right_logical3A_195 {strides = array<i32>} : memref<128xi32, #tpu.memory_space<vmem>>, vector<16xi32>,
      %get3A_203 = arith.constant 1 : i32
      %get3A_204 = arith.index_cast %get3A_203 : i32 to index
      %get3A_205 = arith.constant 64 : index
      %get3A_206 = tpu.vector_load %arg7[%get3A_204, %get3A_205] {strides = array<i32>} : memref<40x128xi32, #tpu.memory_space<vmem>>, vector<16xi32>,
      %shift_right_logical3A_207 = arith.constant 16 : i32
      %shift_right_logical3A_208 = vector.broadcast %shift_right_logical3A_207 : i32 to vector<16xi32>
      %shift_right_logical3A_209 = arith.shrui %get3A_206, %shift_right_logical3A_208 : vector<16xi32>
      %and3A_210 = arith.constant 65535 : i32
      %and3A_211 = vector.broadcast %and3A_210 : i32 to vector<16xi32>
      %and3A_212 = arith.andi %get3A_206, %and3A_211 : vector<16xi32>
      %swap3A_213 = arith.constant 64 : index
      %swap3A_214 = tpu.vector_load %arg9[%swap3A_213] {strides = array<i32>} : memref<128xi32, #tpu.memory_space<vmem>>, vector<16xi32>,
      tpu.vector_store %arg9[%swap3A_213], %and3A_212 {strides = array<i32>} : memref<128xi32, #tpu.memory_space<vmem>>, vector<16xi32>,
      %swap3A_215 = arith.constant 64 : index
      %swap3A_216 = tpu.vector_load %arg11[%swap3A_215] {strides = array<i32>} : memref<128xi32, #tpu.memory_space<vmem>>, vector<16xi32>,
      tpu.vector_store %arg11[%swap3A_215], %shift_right_logical3A_209 {strides = array<i32>} : memref<128xi32, #tpu.memory_space<vmem>>, vector<16xi32>,
      %get3A_217 = arith.constant 1 : i32
      %get3A_218 = arith.index_cast %get3A_217 : i32 to index
      %get3A_219 = arith.constant 80 : index
      %get3A_220 = tpu.vector_load %arg7[%get3A_218, %get3A_219] {strides = array<i32>} : memref<40x128xi32, #tpu.memory_space<vmem>>, vector<16xi32>,
      %shift_right_logical3A_221 = arith.constant 16 : i32
      %shift_right_logical3A_222 = vector.broadcast %shift_right_logical3A_221 : i32 to vector<16xi32>
      %shift_right_logical3A_223 = arith.shrui %get3A_220, %shift_right_logical3A_222 : vector<16xi32>
      %and3A_224 = arith.constant 65535 : i32
      %and3A_225 = vector.broadcast %and3A_224 : i32 to vector<16xi32>
      %and3A_226 = arith.andi %get3A_220, %and3A_225 : vector<16xi32>
      %swap3A_227 = arith.constant 80 : index
      %swap3A_228 = tpu.vector_load %arg9[%swap3A_227] {strides = array<i32>} : memref<128xi32, #tpu.memory_space<vmem>>, vector<16xi32>,
      tpu.vector_store %arg9[%swap3A_227], %and3A_226 {strides = array<i32>} : memref<128xi32, #tpu.memory_space<vmem>>, vector<16xi32>,
      %swap3A_229 = arith.constant 80 : index
      %swap3A_230 = tpu.vector_load %arg11[%swap3A_229] {strides = array<i32>} : memref<128xi32, #tpu.memory_space<vmem>>, vector<16xi32>,
      tpu.vector_store %arg11[%swap3A_229], %shift_right_logical3A_223 {strides = array<i32>} : memref<128xi32, #tpu.memory_space<vmem>>, vector<16xi32>,
      %get3A_231 = arith.constant 1 : i32
      %get3A_232 = arith.index_cast %get3A_231 : i32 to index
      %get3A_233 = arith.constant 96 : index
      %get3A_234 = tpu.vector_load %arg7[%get3A_232, %get3A_233] {strides = array<i32>} : memref<40x128xi32, #tpu.memory_space<vmem>>, vector<16xi32>,
      %shift_right_logical3A_235 = arith.constant 16 : i32
      %shift_right_logical3A_236 = vector.broadcast %shift_right_logical3A_235 : i32 to vector<16xi32>
      %shift_right_logical3A_237 = arith.shrui %get3A_234, %shift_right_logical3A_236 : vector<16xi32>
      %and3A_238 = arith.constant 65535 : i32
      %and3A_239 = vector.broadcast %and3A_238 : i32 to vector<16xi32>
      %and3A_240 = arith.andi %get3A_234, %and3A_239 : vector<16xi32>
      %swap3A_241 = arith.constant 96 : index
      %swap3A_242 = tpu.vector_load %arg9[%swap3A_241] {strides = array<i32>} : memref<128xi32, #tpu.memory_space<vmem>>, vector<16xi32>,
      tpu.vector_store %arg9[%swap3A_241], %and3A_240 {strides = array<i32>} : memref<128xi32, #tpu.memory_space<vmem>>, vector<16xi32>,
      %swap3A_243 = arith.constant 96 : index
      %swap3A_244 = tpu.vector_load %arg11[%swap3A_243] {strides = array<i32>} : memref<128xi32, #tpu.memory_space<vmem>>, vector<16xi32>,
      tpu.vector_store %arg11[%swap3A_243], %shift_right_logical3A_237 {strides = array<i32>} : memref<128xi32, #tpu.memory_space<vmem>>, vector<16xi32>,
      %get3A_245 = arith.constant 1 : i32
      %get3A_246 = arith.index_cast %get3A_245 : i32 to index
      %get3A_247 = arith.constant 112 : index
      %get3A_248 = tpu.vector_load %arg7[%get3A_246, %get3A_247] {strides = array<i32>} : memref<40x128xi32, #tpu.memory_space<vmem>>, vector<16xi32>,
      %shift_right_logical3A_249 = arith.constant 16 : i32
      %shift_right_logical3A_250 = vector.broadcast %shift_right_logical3A_249 : i32 to vector<16xi32>
      %shift_right_logical3A_251 = arith.shrui %get3A_248, %shift_right_logical3A_250 : vector<16xi32>
      %and3A_252 = arith.constant 65535 : i32
      %and3A_253 = vector.broadcast %and3A_252 : i32 to vector<16xi32>
      %and3A_254 = arith.andi %get3A_248, %and3A_253 : vector<16xi32>
      %swap3A_255 = arith.constant 112 : index
      %swap3A_256 = tpu.vector_load %arg9[%swap3A_255] {strides = array<i32>} : memref<128xi32, #tpu.memory_space<vmem>>, vector<16xi32>,
      tpu.vector_store %arg9[%swap3A_255], %and3A_254 {strides = array<i32>} : memref<128xi32, #tpu.memory_space<vmem>>, vector<16xi32>,
      %swap3A_257 = arith.constant 112 : index
      %swap3A_258 = tpu.vector_load %arg11[%swap3A_257] {strides = array<i32>} : memref<128xi32, #tpu.memory_space<vmem>>, vector<16xi32>,
      tpu.vector_store %arg11[%swap3A_257], %shift_right_logical3A_251 {strides = array<i32>} : memref<128xi32, #tpu.memory_space<vmem>>, vector<16xi32>,
      %dma_start3A_259 = arith.constant 0 : i32
      %dma_start3A_260 = arith.constant 0 : i32
      %dma_start3A_261 = tpu.memref_slice %arg2[%dma_start3A_259, %dma_start3A_260] : memref<10240x128xf32, #tpu.memory_space<hbm>> -> memref<10240x128xf32, #tpu.memory_space<hbm>>
      tpu.enqueue_indirect_dma source(%dma_start3A_261 : memref<10240x128xf32, #tpu.memory_space<hbm>>) target(%arg13 : memref<128x128xf32, #tpu.memory_space<vmem>>) offsets(%arg9 : memref<128xi32, #tpu.memory_space<vmem>>) semaphore(%arg15 : memref<!tpu.dma_semaphore, #tpu.memory_space<semaphore_mem>>)
      %scan3A = arith.constant 0 : i32
      %scan3A_262 = arith.constant 20 : i32
      %scan3A_263 = arith.addi %scan3A, %scan3A_262 : i32
      %scan3A_264 = arith.constant 1 : i32
      scf.for %scan3A_277 = %scan3A to %scan3A_263 step %scan3A_264  : i32 {
        %mul3A_278 = arith.constant 2 : i32
        %mul3A_279 = arith.muli %scan3A_277, %mul3A_278 : i32
        %add3A_280 = arith.constant 0 : i32
        %add3A_281 = arith.addi %add3A_280, %mul3A_279 : i32
        %add3A_282 = arith.constant 0 : i32
        %add3A_283 = arith.addi %add3A_281, %add3A_282 : i32
        %dma_wait3A_284 = arith.constant 0 : i32
        %dma_wait3A_285 = arith.constant 0 : i32
        %dma_wait3A_286 = tpu.memref_slice %arg2[%dma_wait3A_284, %dma_wait3A_285] : memref<10240x128xf32, #tpu.memory_space<hbm>> -> memref<128x128xf32, #tpu.memory_space<hbm>>
        %dma_wait3A_287 = arith.constant 0 : i32
        %dma_wait3A_288 = arith.constant 0 : i32
        %dma_wait3A_289 = tpu.memref_slice %arg2[%dma_wait3A_287, %dma_wait3A_288] : memref<10240x128xf32, #tpu.memory_space<hbm>> -> memref<128x128xf32, #tpu.memory_space<hbm>>
        tpu.wait_dma2 semaphore(%arg14 : memref<!tpu.dma_semaphore, #tpu.memory_space<semaphore_mem>>) src(%dma_wait3A_289 : memref<128x128xf32, #tpu.memory_space<hbm>>) dst(%arg12 : memref<128x128xf32, #tpu.memory_space<vmem>>)
        %dma_start3A_290 = arith.constant 0 : i32
        %dma_start3A_291 = arith.constant 0 : i32
        %dma_start3A_292 = tpu.memref_slice %arg6[%dma_start3A_290, %dma_start3A_291] : memref<10240x128xf32, #tpu.memory_space<vmem_shared>> -> memref<10240x128xf32, #tpu.memory_space<vmem_shared>>
        tpu.enqueue_indirect_dma source(%arg12 : memref<128x128xf32, #tpu.memory_space<vmem>>) target(%dma_start3A_292 : memref<10240x128xf32, #tpu.memory_space<vmem_shared>>) offsets(%arg10 : memref<128xi32, #tpu.memory_space<vmem>>) semaphore(%arg16 : memref<!tpu.dma_semaphore, #tpu.memory_space<semaphore_mem>>) {add = true}
        %add3A_293 = arith.constant 2 : i32
        %add3A_294 = arith.addi %add3A_283, %add3A_293 : i32
        %lt3A = arith.constant 40 : i32
        %lt3A_295 = arith.cmpi slt, %add3A_294, %lt3A : i32
        %convert_element_type3A = arith.extui %lt3A_295 : i1 to i32
        %cond3A = arith.constant 0 : i32
        %cond3A_296 = arith.cmpi ne, %convert_element_type3A, %cond3A : i32
        scf.if %cond3A_296 {
          %dma_wait3A_315 = arith.constant 0 : i32
          %dma_wait3A_316 = arith.constant 0 : i32
          %dma_wait3A_317 = tpu.memref_slice %arg2[%dma_wait3A_315, %dma_wait3A_316] : memref<10240x128xf32, #tpu.memory_space<hbm>> -> memref<128x128xf32, #tpu.memory_space<hbm>>
          %dma_wait3A_318 = arith.constant 0 : i32
          %dma_wait3A_319 = arith.constant 0 : i32
          %dma_wait3A_320 = tpu.memref_slice %arg2[%dma_wait3A_318, %dma_wait3A_319] : memref<10240x128xf32, #tpu.memory_space<hbm>> -> memref<128x128xf32, #tpu.memory_space<hbm>>
          tpu.wait_dma2 semaphore(%arg16 : memref<!tpu.dma_semaphore, #tpu.memory_space<semaphore_mem>>) src(%dma_wait3A_320 : memref<128x128xf32, #tpu.memory_space<hbm>>) dst(%arg12 : memref<128x128xf32, #tpu.memory_space<vmem>>)
          %add3A_321 = arith.constant 2 : i32
          %add3A_322 = arith.addi %add3A_283, %add3A_321 : i32
          %get3A_323 = arith.index_cast %add3A_322 : i32 to index
          %get3A_324 = arith.constant 0 : index
          %get3A_325 = tpu.vector_load %arg7[%get3A_323, %get3A_324] {strides = array<i32>} : memref<40x128xi32, #tpu.memory_space<vmem>>, vector<16xi32>,
          %shift_right_logical3A_326 = arith.constant 16 : i32
          %shift_right_logical3A_327 = vector.broadcast %shift_right_logical3A_326 : i32 to vector<16xi32>
          %shift_right_logical3A_328 = arith.shrui %get3A_325, %shift_right_logical3A_327 : vector<16xi32>
          %and3A_329 = arith.constant 65535 : i32
          %and3A_330 = vector.broadcast %and3A_329 : i32 to vector<16xi32>
          %and3A_331 = arith.andi %get3A_325, %and3A_330 : vector<16xi32>
          %swap3A_332 = arith.constant 0 : index
          %swap3A_333 = tpu.vector_load %arg8[%swap3A_332] {strides = array<i32>} : memref<128xi32, #tpu.memory_space<vmem>>, vector<16xi32>,
          tpu.vector_store %arg8[%swap3A_332], %and3A_331 {strides = array<i32>} : memref<128xi32, #tpu.memory_space<vmem>>, vector<16xi32>,
          %swap3A_334 = arith.constant 0 : index
          %swap3A_335 = tpu.vector_load %arg10[%swap3A_334] {strides = array<i32>} : memref<128xi32, #tpu.memory_space<vmem>>, vector<16xi32>,
          tpu.vector_store %arg10[%swap3A_334], %shift_right_logical3A_328 {strides = array<i32>} : memref<128xi32, #tpu.memory_space<vmem>>, vector<16xi32>,
          %get3A_336 = arith.index_cast %add3A_322 : i32 to index
          %get3A_337 = arith.constant 16 : index
          %get3A_338 = tpu.vector_load %arg7[%get3A_336, %get3A_337] {strides = array<i32>} : memref<40x128xi32, #tpu.memory_space<vmem>>, vector<16xi32>,
          %shift_right_logical3A_339 = arith.constant 16 : i32
          %shift_right_logical3A_340 = vector.broadcast %shift_right_logical3A_339 : i32 to vector<16xi32>
          %shift_right_logical3A_341 = arith.shrui %get3A_338, %shift_right_logical3A_340 : vector<16xi32>
          %and3A_342 = arith.constant 65535 : i32
          %and3A_343 = vector.broadcast %and3A_342 : i32 to vector<16xi32>
          %and3A_344 = arith.andi %get3A_338, %and3A_343 : vector<16xi32>
          %swap3A_345 = arith.constant 16 : index
          %swap3A_346 = tpu.vector_load %arg8[%swap3A_345] {strides = array<i32>} : memref<128xi32, #tpu.memory_space<vmem>>, vector<16xi32>,
          tpu.vector_store %arg8[%swap3A_345], %and3A_344 {strides = array<i32>} : memref<128xi32, #tpu.memory_space<vmem>>, vector<16xi32>,
          %swap3A_347 = arith.constant 16 : index
          %swap3A_348 = tpu.vector_load %arg10[%swap3A_347] {strides = array<i32>} : memref<128xi32, #tpu.memory_space<vmem>>, vector<16xi32>,
          tpu.vector_store %arg10[%swap3A_347], %shift_right_logical3A_341 {strides = array<i32>} : memref<128xi32, #tpu.memory_space<vmem>>, vector<16xi32>,
          %get3A_349 = arith.index_cast %add3A_322 : i32 to index
          %get3A_350 = arith.constant 32 : index
          %get3A_351 = tpu.vector_load %arg7[%get3A_349, %get3A_350] {strides = array<i32>} : memref<40x128xi32, #tpu.memory_space<vmem>>, vector<16xi32>,
          %shift_right_logical3A_352 = arith.constant 16 : i32
          %shift_right_logical3A_353 = vector.broadcast %shift_right_logical3A_352 : i32 to vector<16xi32>
          %shift_right_logical3A_354 = arith.shrui %get3A_351, %shift_right_logical3A_353 : vector<16xi32>
          %and3A_355 = arith.constant 65535 : i32
          %and3A_356 = vector.broadcast %and3A_355 : i32 to vector<16xi32>
          %and3A_357 = arith.andi %get3A_351, %and3A_356 : vector<16xi32>
          %swap3A_358 = arith.constant 32 : index
          %swap3A_359 = tpu.vector_load %arg8[%swap3A_358] {strides = array<i32>} : memref<128xi32, #tpu.memory_space<vmem>>, vector<16xi32>,
          tpu.vector_store %arg8[%swap3A_358], %and3A_357 {strides = array<i32>} : memref<128xi32, #tpu.memory_space<vmem>>, vector<16xi32>,
          %swap3A_360 = arith.constant 32 : index
          %swap3A_361 = tpu.vector_load %arg10[%swap3A_360] {strides = array<i32>} : memref<128xi32, #tpu.memory_space<vmem>>, vector<16xi32>,
          tpu.vector_store %arg10[%swap3A_360], %shift_right_logical3A_354 {strides = array<i32>} : memref<128xi32, #tpu.memory_space<vmem>>, vector<16xi32>,
          %get3A_362 = arith.index_cast %add3A_322 : i32 to index
          %get3A_363 = arith.constant 48 : index
          %get3A_364 = tpu.vector_load %arg7[%get3A_362, %get3A_363] {strides = array<i32>} : memref<40x128xi32, #tpu.memory_space<vmem>>, vector<16xi32>,
          %shift_right_logical3A_365 = arith.constant 16 : i32
          %shift_right_logical3A_366 = vector.broadcast %shift_right_logical3A_365 : i32 to vector<16xi32>
          %shift_right_logical3A_367 = arith.shrui %get3A_364, %shift_right_logical3A_366 : vector<16xi32>
          %and3A_368 = arith.constant 65535 : i32
          %and3A_369 = vector.broadcast %and3A_368 : i32 to vector<16xi32>
          %and3A_370 = arith.andi %get3A_364, %and3A_369 : vector<16xi32>
          %swap3A_371 = arith.constant 48 : index
          %swap3A_372 = tpu.vector_load %arg8[%swap3A_371] {strides = array<i32>} : memref<128xi32, #tpu.memory_space<vmem>>, vector<16xi32>,
          tpu.vector_store %arg8[%swap3A_371], %and3A_370 {strides = array<i32>} : memref<128xi32, #tpu.memory_space<vmem>>, vector<16xi32>,
          %swap3A_373 = arith.constant 48 : index
          %swap3A_374 = tpu.vector_load %arg10[%swap3A_373] {strides = array<i32>} : memref<128xi32, #tpu.memory_space<vmem>>, vector<16xi32>,
          tpu.vector_store %arg10[%swap3A_373], %shift_right_logical3A_367 {strides = array<i32>} : memref<128xi32, #tpu.memory_space<vmem>>, vector<16xi32>,
          %get3A_375 = arith.index_cast %add3A_322 : i32 to index
          %get3A_376 = arith.constant 64 : index
          %get3A_377 = tpu.vector_load %arg7[%get3A_375, %get3A_376] {strides = array<i32>} : memref<40x128xi32, #tpu.memory_space<vmem>>, vector<16xi32>,
          %shift_right_logical3A_378 = arith.constant 16 : i32
          %shift_right_logical3A_379 = vector.broadcast %shift_right_logical3A_378 : i32 to vector<16xi32>
          %shift_right_logical3A_380 = arith.shrui %get3A_377, %shift_right_logical3A_379 : vector<16xi32>
          %and3A_381 = arith.constant 65535 : i32
          %and3A_382 = vector.broadcast %and3A_381 : i32 to vector<16xi32>
          %and3A_383 = arith.andi %get3A_377, %and3A_382 : vector<16xi32>
          %swap3A_384 = arith.constant 64 : index
          %swap3A_385 = tpu.vector_load %arg8[%swap3A_384] {strides = array<i32>} : memref<128xi32, #tpu.memory_space<vmem>>, vector<16xi32>,
          tpu.vector_store %arg8[%swap3A_384], %and3A_383 {strides = array<i32>} : memref<128xi32, #tpu.memory_space<vmem>>, vector<16xi32>,
          %swap3A_386 = arith.constant 64 : index
          %swap3A_387 = tpu.vector_load %arg10[%swap3A_386] {strides = array<i32>} : memref<128xi32, #tpu.memory_space<vmem>>, vector<16xi32>,
          tpu.vector_store %arg10[%swap3A_386], %shift_right_logical3A_380 {strides = array<i32>} : memref<128xi32, #tpu.memory_space<vmem>>, vector<16xi32>,
          %get3A_388 = arith.index_cast %add3A_322 : i32 to index
          %get3A_389 = arith.constant 80 : index
          %get3A_390 = tpu.vector_load %arg7[%get3A_388, %get3A_389] {strides = array<i32>} : memref<40x128xi32, #tpu.memory_space<vmem>>, vector<16xi32>,
          %shift_right_logical3A_391 = arith.constant 16 : i32
          %shift_right_logical3A_392 = vector.broadcast %shift_right_logical3A_391 : i32 to vector<16xi32>
          %shift_right_logical3A_393 = arith.shrui %get3A_390, %shift_right_logical3A_392 : vector<16xi32>
          %and3A_394 = arith.constant 65535 : i32
          %and3A_395 = vector.broadcast %and3A_394 : i32 to vector<16xi32>
          %and3A_396 = arith.andi %get3A_390, %and3A_395 : vector<16xi32>
          %swap3A_397 = arith.constant 80 : index
          %swap3A_398 = tpu.vector_load %arg8[%swap3A_397] {strides = array<i32>} : memref<128xi32, #tpu.memory_space<vmem>>, vector<16xi32>,
          tpu.vector_store %arg8[%swap3A_397], %and3A_396 {strides = array<i32>} : memref<128xi32, #tpu.memory_space<vmem>>, vector<16xi32>,
          %swap3A_399 = arith.constant 80 : index
          %swap3A_400 = tpu.vector_load %arg10[%swap3A_399] {strides = array<i32>} : memref<128xi32, #tpu.memory_space<vmem>>, vector<16xi32>,
          tpu.vector_store %arg10[%swap3A_399], %shift_right_logical3A_393 {strides = array<i32>} : memref<128xi32, #tpu.memory_space<vmem>>, vector<16xi32>,
          %get3A_401 = arith.index_cast %add3A_322 : i32 to index
          %get3A_402 = arith.constant 96 : index
          %get3A_403 = tpu.vector_load %arg7[%get3A_401, %get3A_402] {strides = array<i32>} : memref<40x128xi32, #tpu.memory_space<vmem>>, vector<16xi32>,
          %shift_right_logical3A_404 = arith.constant 16 : i32
          %shift_right_logical3A_405 = vector.broadcast %shift_right_logical3A_404 : i32 to vector<16xi32>
          %shift_right_logical3A_406 = arith.shrui %get3A_403, %shift_right_logical3A_405 : vector<16xi32>
          %and3A_407 = arith.constant 65535 : i32
          %and3A_408 = vector.broadcast %and3A_407 : i32 to vector<16xi32>
          %and3A_409 = arith.andi %get3A_403, %and3A_408 : vector<16xi32>
          %swap3A_410 = arith.constant 96 : index
          %swap3A_411 = tpu.vector_load %arg8[%swap3A_410] {strides = array<i32>} : memref<128xi32, #tpu.memory_space<vmem>>, vector<16xi32>,
          tpu.vector_store %arg8[%swap3A_410], %and3A_409 {strides = array<i32>} : memref<128xi32, #tpu.memory_space<vmem>>, vector<16xi32>,
          %swap3A_412 = arith.constant 96 : index
          %swap3A_413 = tpu.vector_load %arg10[%swap3A_412] {strides = array<i32>} : memref<128xi32, #tpu.memory_space<vmem>>, vector<16xi32>,
          tpu.vector_store %arg10[%swap3A_412], %shift_right_logical3A_406 {strides = array<i32>} : memref<128xi32, #tpu.memory_space<vmem>>, vector<16xi32>,
          %get3A_414 = arith.index_cast %add3A_322 : i32 to index
          %get3A_415 = arith.constant 112 : index
          %get3A_416 = tpu.vector_load %arg7[%get3A_414, %get3A_415] {strides = array<i32>} : memref<40x128xi32, #tpu.memory_space<vmem>>, vector<16xi32>,
          %shift_right_logical3A_417 = arith.constant 16 : i32
          %shift_right_logical3A_418 = vector.broadcast %shift_right_logical3A_417 : i32 to vector<16xi32>
          %shift_right_logical3A_419 = arith.shrui %get3A_416, %shift_right_logical3A_418 : vector<16xi32>
          %and3A_420 = arith.constant 65535 : i32
          %and3A_421 = vector.broadcast %and3A_420 : i32 to vector<16xi32>
          %and3A_422 = arith.andi %get3A_416, %and3A_421 : vector<16xi32>
          %swap3A_423 = arith.constant 112 : index
          %swap3A_424 = tpu.vector_load %arg8[%swap3A_423] {strides = array<i32>} : memref<128xi32, #tpu.memory_space<vmem>>, vector<16xi32>,
          tpu.vector_store %arg8[%swap3A_423], %and3A_422 {strides = array<i32>} : memref<128xi32, #tpu.memory_space<vmem>>, vector<16xi32>,
          %swap3A_425 = arith.constant 112 : index
          %swap3A_426 = tpu.vector_load %arg10[%swap3A_425] {strides = array<i32>} : memref<128xi32, #tpu.memory_space<vmem>>, vector<16xi32>,
          tpu.vector_store %arg10[%swap3A_425], %shift_right_logical3A_419 {strides = array<i32>} : memref<128xi32, #tpu.memory_space<vmem>>, vector<16xi32>,
          %dma_start3A_427 = arith.constant 0 : i32
          %dma_start3A_428 = arith.constant 0 : i32
          %dma_start3A_429 = tpu.memref_slice %arg2[%dma_start3A_427, %dma_start3A_428] : memref<10240x128xf32, #tpu.memory_space<hbm>> -> memref<10240x128xf32, #tpu.memory_space<hbm>>
          tpu.enqueue_indirect_dma source(%dma_start3A_429 : memref<10240x128xf32, #tpu.memory_space<hbm>>) target(%arg12 : memref<128x128xf32, #tpu.memory_space<vmem>>) offsets(%arg8 : memref<128xi32, #tpu.memory_space<vmem>>) semaphore(%arg14 : memref<!tpu.dma_semaphore, #tpu.memory_space<semaphore_mem>>)
        } else {
        }
        %add3A_297 = arith.constant 1 : i32
        %add3A_298 = arith.addi %add3A_281, %add3A_297 : i32
        %dma_wait3A_299 = arith.constant 0 : i32
        %dma_wait3A_300 = arith.constant 0 : i32
        %dma_wait3A_301 = tpu.memref_slice %arg2[%dma_wait3A_299, %dma_wait3A_300] : memref<10240x128xf32, #tpu.memory_space<hbm>> -> memref<128x128xf32, #tpu.memory_space<hbm>>
        %dma_wait3A_302 = arith.constant 0 : i32
        %dma_wait3A_303 = arith.constant 0 : i32
        %dma_wait3A_304 = tpu.memref_slice %arg2[%dma_wait3A_302, %dma_wait3A_303] : memref<10240x128xf32, #tpu.memory_space<hbm>> -> memref<128x128xf32, #tpu.memory_space<hbm>>
        tpu.wait_dma2 semaphore(%arg15 : memref<!tpu.dma_semaphore, #tpu.memory_space<semaphore_mem>>) src(%dma_wait3A_304 : memref<128x128xf32, #tpu.memory_space<hbm>>) dst(%arg13 : memref<128x128xf32, #tpu.memory_space<vmem>>)
        %dma_start3A_305 = arith.constant 0 : i32
        %dma_start3A_306 = arith.constant 0 : i32
        %dma_start3A_307 = tpu.memref_slice %arg6[%dma_start3A_305, %dma_start3A_306] : memref<10240x128xf32, #tpu.memory_space<vmem_shared>> -> memref<10240x128xf32, #tpu.memory_space<vmem_shared>>
        tpu.enqueue_indirect_dma source(%arg13 : memref<128x128xf32, #tpu.memory_space<vmem>>) target(%dma_start3A_307 : memref<10240x128xf32, #tpu.memory_space<vmem_shared>>) offsets(%arg11 : memref<128xi32, #tpu.memory_space<vmem>>) semaphore(%arg17 : memref<!tpu.dma_semaphore, #tpu.memory_space<semaphore_mem>>) {add = true}
        %add3A_308 = arith.constant 2 : i32
        %add3A_309 = arith.addi %add3A_298, %add3A_308 : i32
        %lt3A_310 = arith.constant 40 : i32
        %lt3A_311 = arith.cmpi slt, %add3A_309, %lt3A_310 : i32
        %convert_element_type3A_312 = arith.extui %lt3A_311 : i1 to i32
        %cond3A_313 = arith.constant 0 : i32
        %cond3A_314 = arith.cmpi ne, %convert_element_type3A_312, %cond3A_313 : i32
        scf.if %cond3A_314 {
          %dma_wait3A_315 = arith.constant 0 : i32
          %dma_wait3A_316 = arith.constant 0 : i32
          %dma_wait3A_317 = tpu.memref_slice %arg2[%dma_wait3A_315, %dma_wait3A_316] : memref<10240x128xf32, #tpu.memory_space<hbm>> -> memref<128x128xf32, #tpu.memory_space<hbm>>
          %dma_wait3A_318 = arith.constant 0 : i32
          %dma_wait3A_319 = arith.constant 0 : i32
          %dma_wait3A_320 = tpu.memref_slice %arg2[%dma_wait3A_318, %dma_wait3A_319] : memref<10240x128xf32, #tpu.memory_space<hbm>> -> memref<128x128xf32, #tpu.memory_space<hbm>>
          tpu.wait_dma2 semaphore(%arg17 : memref<!tpu.dma_semaphore, #tpu.memory_space<semaphore_mem>>) src(%dma_wait3A_320 : memref<128x128xf32, #tpu.memory_space<hbm>>) dst(%arg13 : memref<128x128xf32, #tpu.memory_space<vmem>>)
          %add3A_321 = arith.constant 2 : i32
          %add3A_322 = arith.addi %add3A_298, %add3A_321 : i32
          %get3A_323 = arith.index_cast %add3A_322 : i32 to index
          %get3A_324 = arith.constant 0 : index
          %get3A_325 = tpu.vector_load %arg7[%get3A_323, %get3A_324] {strides = array<i32>} : memref<40x128xi32, #tpu.memory_space<vmem>>, vector<16xi32>,
          %shift_right_logical3A_326 = arith.constant 16 : i32
          %shift_right_logical3A_327 = vector.broadcast %shift_right_logical3A_326 : i32 to vector<16xi32>
          %shift_right_logical3A_328 = arith.shrui %get3A_325, %shift_right_logical3A_327 : vector<16xi32>
          %and3A_329 = arith.constant 65535 : i32
          %and3A_330 = vector.broadcast %and3A_329 : i32 to vector<16xi32>
          %and3A_331 = arith.andi %get3A_325, %and3A_330 : vector<16xi32>
          %swap3A_332 = arith.constant 0 : index
          %swap3A_333 = tpu.vector_load %arg9[%swap3A_332] {strides = array<i32>} : memref<128xi32, #tpu.memory_space<vmem>>, vector<16xi32>,
          tpu.vector_store %arg9[%swap3A_332], %and3A_331 {strides = array<i32>} : memref<128xi32, #tpu.memory_space<vmem>>, vector<16xi32>,
          %swap3A_334 = arith.constant 0 : index
          %swap3A_335 = tpu.vector_load %arg11[%swap3A_334] {strides = array<i32>} : memref<128xi32, #tpu.memory_space<vmem>>, vector<16xi32>,
          tpu.vector_store %arg11[%swap3A_334], %shift_right_logical3A_328 {strides = array<i32>} : memref<128xi32, #tpu.memory_space<vmem>>, vector<16xi32>,
          %get3A_336 = arith.index_cast %add3A_322 : i32 to index
          %get3A_337 = arith.constant 16 : index
          %get3A_338 = tpu.vector_load %arg7[%get3A_336, %get3A_337] {strides = array<i32>} : memref<40x128xi32, #tpu.memory_space<vmem>>, vector<16xi32>,
          %shift_right_logical3A_339 = arith.constant 16 : i32
          %shift_right_logical3A_340 = vector.broadcast %shift_right_logical3A_339 : i32 to vector<16xi32>
          %shift_right_logical3A_341 = arith.shrui %get3A_338, %shift_right_logical3A_340 : vector<16xi32>
          %and3A_342 = arith.constant 65535 : i32
          %and3A_343 = vector.broadcast %and3A_342 : i32 to vector<16xi32>
          %and3A_344 = arith.andi %get3A_338, %and3A_343 : vector<16xi32>
          %swap3A_345 = arith.constant 16 : index
          %swap3A_346 = tpu.vector_load %arg9[%swap3A_345] {strides = array<i32>} : memref<128xi32, #tpu.memory_space<vmem>>, vector<16xi32>,
          tpu.vector_store %arg9[%swap3A_345], %and3A_344 {strides = array<i32>} : memref<128xi32, #tpu.memory_space<vmem>>, vector<16xi32>,
          %swap3A_347 = arith.constant 16 : index
          %swap3A_348 = tpu.vector_load %arg11[%swap3A_347] {strides = array<i32>} : memref<128xi32, #tpu.memory_space<vmem>>, vector<16xi32>,
          tpu.vector_store %arg11[%swap3A_347], %shift_right_logical3A_341 {strides = array<i32>} : memref<128xi32, #tpu.memory_space<vmem>>, vector<16xi32>,
          %get3A_349 = arith.index_cast %add3A_322 : i32 to index
          %get3A_350 = arith.constant 32 : index
          %get3A_351 = tpu.vector_load %arg7[%get3A_349, %get3A_350] {strides = array<i32>} : memref<40x128xi32, #tpu.memory_space<vmem>>, vector<16xi32>,
          %shift_right_logical3A_352 = arith.constant 16 : i32
          %shift_right_logical3A_353 = vector.broadcast %shift_right_logical3A_352 : i32 to vector<16xi32>
          %shift_right_logical3A_354 = arith.shrui %get3A_351, %shift_right_logical3A_353 : vector<16xi32>
          %and3A_355 = arith.constant 65535 : i32
          %and3A_356 = vector.broadcast %and3A_355 : i32 to vector<16xi32>
          %and3A_357 = arith.andi %get3A_351, %and3A_356 : vector<16xi32>
          %swap3A_358 = arith.constant 32 : index
          %swap3A_359 = tpu.vector_load %arg9[%swap3A_358] {strides = array<i32>} : memref<128xi32, #tpu.memory_space<vmem>>, vector<16xi32>,
          tpu.vector_store %arg9[%swap3A_358], %and3A_357 {strides = array<i32>} : memref<128xi32, #tpu.memory_space<vmem>>, vector<16xi32>,
          %swap3A_360 = arith.constant 32 : index
          %swap3A_361 = tpu.vector_load %arg11[%swap3A_360] {strides = array<i32>} : memref<128xi32, #tpu.memory_space<vmem>>, vector<16xi32>,
          tpu.vector_store %arg11[%swap3A_360], %shift_right_logical3A_354 {strides = array<i32>} : memref<128xi32, #tpu.memory_space<vmem>>, vector<16xi32>,
          %get3A_362 = arith.index_cast %add3A_322 : i32 to index
          %get3A_363 = arith.constant 48 : index
          %get3A_364 = tpu.vector_load %arg7[%get3A_362, %get3A_363] {strides = array<i32>} : memref<40x128xi32, #tpu.memory_space<vmem>>, vector<16xi32>,
          %shift_right_logical3A_365 = arith.constant 16 : i32
          %shift_right_logical3A_366 = vector.broadcast %shift_right_logical3A_365 : i32 to vector<16xi32>
          %shift_right_logical3A_367 = arith.shrui %get3A_364, %shift_right_logical3A_366 : vector<16xi32>
          %and3A_368 = arith.constant 65535 : i32
          %and3A_369 = vector.broadcast %and3A_368 : i32 to vector<16xi32>
          %and3A_370 = arith.andi %get3A_364, %and3A_369 : vector<16xi32>
          %swap3A_371 = arith.constant 48 : index
          %swap3A_372 = tpu.vector_load %arg9[%swap3A_371] {strides = array<i32>} : memref<128xi32, #tpu.memory_space<vmem>>, vector<16xi32>,
          tpu.vector_store %arg9[%swap3A_371], %and3A_370 {strides = array<i32>} : memref<128xi32, #tpu.memory_space<vmem>>, vector<16xi32>,
          %swap3A_373 = arith.constant 48 : index
          %swap3A_374 = tpu.vector_load %arg11[%swap3A_373] {strides = array<i32>} : memref<128xi32, #tpu.memory_space<vmem>>, vector<16xi32>,
          tpu.vector_store %arg11[%swap3A_373], %shift_right_logical3A_367 {strides = array<i32>} : memref<128xi32, #tpu.memory_space<vmem>>, vector<16xi32>,
          %get3A_375 = arith.index_cast %add3A_322 : i32 to index
          %get3A_376 = arith.constant 64 : index
          %get3A_377 = tpu.vector_load %arg7[%get3A_375, %get3A_376] {strides = array<i32>} : memref<40x128xi32, #tpu.memory_space<vmem>>, vector<16xi32>,
          %shift_right_logical3A_378 = arith.constant 16 : i32
          %shift_right_logical3A_379 = vector.broadcast %shift_right_logical3A_378 : i32 to vector<16xi32>
          %shift_right_logical3A_380 = arith.shrui %get3A_377, %shift_right_logical3A_379 : vector<16xi32>
          %and3A_381 = arith.constant 65535 : i32
          %and3A_382 = vector.broadcast %and3A_381 : i32 to vector<16xi32>
          %and3A_383 = arith.andi %get3A_377, %and3A_382 : vector<16xi32>
          %swap3A_384 = arith.constant 64 : index
          %swap3A_385 = tpu.vector_load %arg9[%swap3A_384] {strides = array<i32>} : memref<128xi32, #tpu.memory_space<vmem>>, vector<16xi32>,
          tpu.vector_store %arg9[%swap3A_384], %and3A_383 {strides = array<i32>} : memref<128xi32, #tpu.memory_space<vmem>>, vector<16xi32>,
          %swap3A_386 = arith.constant 64 : index
          %swap3A_387 = tpu.vector_load %arg11[%swap3A_386] {strides = array<i32>} : memref<128xi32, #tpu.memory_space<vmem>>, vector<16xi32>,
          tpu.vector_store %arg11[%swap3A_386], %shift_right_logical3A_380 {strides = array<i32>} : memref<128xi32, #tpu.memory_space<vmem>>, vector<16xi32>,
          %get3A_388 = arith.index_cast %add3A_322 : i32 to index
          %get3A_389 = arith.constant 80 : index
          %get3A_390 = tpu.vector_load %arg7[%get3A_388, %get3A_389] {strides = array<i32>} : memref<40x128xi32, #tpu.memory_space<vmem>>, vector<16xi32>,
          %shift_right_logical3A_391 = arith.constant 16 : i32
          %shift_right_logical3A_392 = vector.broadcast %shift_right_logical3A_391 : i32 to vector<16xi32>
          %shift_right_logical3A_393 = arith.shrui %get3A_390, %shift_right_logical3A_392 : vector<16xi32>
          %and3A_394 = arith.constant 65535 : i32
          %and3A_395 = vector.broadcast %and3A_394 : i32 to vector<16xi32>
          %and3A_396 = arith.andi %get3A_390, %and3A_395 : vector<16xi32>
          %swap3A_397 = arith.constant 80 : index
          %swap3A_398 = tpu.vector_load %arg9[%swap3A_397] {strides = array<i32>} : memref<128xi32, #tpu.memory_space<vmem>>, vector<16xi32>,
          tpu.vector_store %arg9[%swap3A_397], %and3A_396 {strides = array<i32>} : memref<128xi32, #tpu.memory_space<vmem>>, vector<16xi32>,
          %swap3A_399 = arith.constant 80 : index
          %swap3A_400 = tpu.vector_load %arg11[%swap3A_399] {strides = array<i32>} : memref<128xi32, #tpu.memory_space<vmem>>, vector<16xi32>,
          tpu.vector_store %arg11[%swap3A_399], %shift_right_logical3A_393 {strides = array<i32>} : memref<128xi32, #tpu.memory_space<vmem>>, vector<16xi32>,
          %get3A_401 = arith.index_cast %add3A_322 : i32 to index
          %get3A_402 = arith.constant 96 : index
          %get3A_403 = tpu.vector_load %arg7[%get3A_401, %get3A_402] {strides = array<i32>} : memref<40x128xi32, #tpu.memory_space<vmem>>, vector<16xi32>,
          %shift_right_logical3A_404 = arith.constant 16 : i32
          %shift_right_logical3A_405 = vector.broadcast %shift_right_logical3A_404 : i32 to vector<16xi32>
          %shift_right_logical3A_406 = arith.shrui %get3A_403, %shift_right_logical3A_405 : vector<16xi32>
          %and3A_407 = arith.constant 65535 : i32
          %and3A_408 = vector.broadcast %and3A_407 : i32 to vector<16xi32>
          %and3A_409 = arith.andi %get3A_403, %and3A_408 : vector<16xi32>
          %swap3A_410 = arith.constant 96 : index
          %swap3A_411 = tpu.vector_load %arg9[%swap3A_410] {strides = array<i32>} : memref<128xi32, #tpu.memory_space<vmem>>, vector<16xi32>,
          tpu.vector_store %arg9[%swap3A_410], %and3A_409 {strides = array<i32>} : memref<128xi32, #tpu.memory_space<vmem>>, vector<16xi32>,
          %swap3A_412 = arith.constant 96 : index
          %swap3A_413 = tpu.vector_load %arg11[%swap3A_412] {strides = array<i32>} : memref<128xi32, #tpu.memory_space<vmem>>, vector<16xi32>,
          tpu.vector_store %arg11[%swap3A_412], %shift_right_logical3A_406 {strides = array<i32>} : memref<128xi32, #tpu.memory_space<vmem>>, vector<16xi32>,
          %get3A_414 = arith.index_cast %add3A_322 : i32 to index
          %get3A_415 = arith.constant 112 : index
          %get3A_416 = tpu.vector_load %arg7[%get3A_414, %get3A_415] {strides = array<i32>} : memref<40x128xi32, #tpu.memory_space<vmem>>, vector<16xi32>,
          %shift_right_logical3A_417 = arith.constant 16 : i32
          %shift_right_logical3A_418 = vector.broadcast %shift_right_logical3A_417 : i32 to vector<16xi32>
          %shift_right_logical3A_419 = arith.shrui %get3A_416, %shift_right_logical3A_418 : vector<16xi32>
          %and3A_420 = arith.constant 65535 : i32
          %and3A_421 = vector.broadcast %and3A_420 : i32 to vector<16xi32>
          %and3A_422 = arith.andi %get3A_416, %and3A_421 : vector<16xi32>
          %swap3A_423 = arith.constant 112 : index
          %swap3A_424 = tpu.vector_load %arg9[%swap3A_423] {strides = array<i32>} : memref<128xi32, #tpu.memory_space<vmem>>, vector<16xi32>,
          tpu.vector_store %arg9[%swap3A_423], %and3A_422 {strides = array<i32>} : memref<128xi32, #tpu.memory_space<vmem>>, vector<16xi32>,
          %swap3A_425 = arith.constant 112 : index
          %swap3A_426 = tpu.vector_load %arg11[%swap3A_425] {strides = array<i32>} : memref<128xi32, #tpu.memory_space<vmem>>, vector<16xi32>,
          tpu.vector_store %arg11[%swap3A_425], %shift_right_logical3A_419 {strides = array<i32>} : memref<128xi32, #tpu.memory_space<vmem>>, vector<16xi32>,
          %dma_start3A_427 = arith.constant 0 : i32
          %dma_start3A_428 = arith.constant 0 : i32
          %dma_start3A_429 = tpu.memref_slice %arg2[%dma_start3A_427, %dma_start3A_428] : memref<10240x128xf32, #tpu.memory_space<hbm>> -> memref<10240x128xf32, #tpu.memory_space<hbm>>
          tpu.enqueue_indirect_dma source(%dma_start3A_429 : memref<10240x128xf32, #tpu.memory_space<hbm>>) target(%arg13 : memref<128x128xf32, #tpu.memory_space<vmem>>) offsets(%arg9 : memref<128xi32, #tpu.memory_space<vmem>>) semaphore(%arg15 : memref<!tpu.dma_semaphore, #tpu.memory_space<semaphore_mem>>)
        } else {
        }
      }
      %scan3A_265 = arith.constant 20 : i32
      %dma_wait3A = arith.constant 0 : i32
      %dma_wait3A_266 = arith.constant 0 : i32
      %dma_wait3A_267 = tpu.memref_slice %arg2[%dma_wait3A, %dma_wait3A_266] : memref<10240x128xf32, #tpu.memory_space<hbm>> -> memref<128x128xf32, #tpu.memory_space<hbm>>
      %dma_wait3A_268 = arith.constant 0 : i32
      %dma_wait3A_269 = arith.constant 0 : i32
      %dma_wait3A_270 = tpu.memref_slice %arg2[%dma_wait3A_268, %dma_wait3A_269] : memref<10240x128xf32, #tpu.memory_space<hbm>> -> memref<128x128xf32, #tpu.memory_space<hbm>>
      tpu.wait_dma2 semaphore(%arg16 : memref<!tpu.dma_semaphore, #tpu.memory_space<semaphore_mem>>) src(%dma_wait3A_270 : memref<128x128xf32, #tpu.memory_space<hbm>>) dst(%arg12 : memref<128x128xf32, #tpu.memory_space<vmem>>)
      %dma_wait3A_271 = arith.constant 0 : i32
      %dma_wait3A_272 = arith.constant 0 : i32
      %dma_wait3A_273 = tpu.memref_slice %arg2[%dma_wait3A_271, %dma_wait3A_272] : memref<10240x128xf32, #tpu.memory_space<hbm>> -> memref<128x128xf32, #tpu.memory_space<hbm>>
      %dma_wait3A_274 = arith.constant 0 : i32
      %dma_wait3A_275 = arith.constant 0 : i32
      %dma_wait3A_276 = tpu.memref_slice %arg2[%dma_wait3A_274, %dma_wait3A_275] : memref<10240x128xf32, #tpu.memory_space<hbm>> -> memref<128x128xf32, #tpu.memory_space<hbm>>
      tpu.wait_dma2 semaphore(%arg17 : memref<!tpu.dma_semaphore, #tpu.memory_space<semaphore_mem>>) src(%dma_wait3A_276 : memref<128x128xf32, #tpu.memory_space<hbm>>) dst(%arg13 : memref<128x128xf32, #tpu.memory_space<vmem>>)
    }
    %while3A_27 = arith.constant 1 : i32
    scf.for %while3A_33 = %while3A_25 to %while3A_21 step %while3A_27  : i32 {
      %mul3A_34 = arith.muli %while3A_33, %while3A : i32
      %add3A_35 = arith.addi %while3A_18, %mul3A_34 : i32
      %add3A_36 = arith.addi %select_n3A_11, %add3A_35 : i32
      "tpu.region"() ({
        %run_scoped3A = tpu.sem_alloc : memref<!tpu.dma_semaphore, #tpu.memory_space<semaphore_mem>>
        %dma_start3A_277 = arith.constant 0 : i32
        %dma_start3A_278 = arith.constant 0 : i32
        %dma_start3A_279 = tpu.memref_slice %arg3[%add3A_36, %dma_start3A_277, %dma_start3A_278] : memref<64x40x128xi32, #tpu.memory_space<hbm>> -> memref<1x40x128xi32, #tpu.memory_space<hbm>>
        %dma_start3A_280 = tpu.memref_squeeze %dma_start3A_279 : memref<1x40x128xi32, #tpu.memory_space<hbm>> -> memref<40x128xi32, #tpu.memory_space<hbm>>
        %dma_start3A_281 = arith.constant 0 : i32
        %dma_start3A_282 = arith.constant 0 : i32
        %dma_start3A_283 = tpu.memref_slice %arg3[%add3A_36, %dma_start3A_281, %dma_start3A_282] : memref<64x40x128xi32, #tpu.memory_space<hbm>> -> memref<1x40x128xi32, #tpu.memory_space<hbm>>
        %dma_start3A_284 = tpu.memref_squeeze %dma_start3A_283 : memref<1x40x128xi32, #tpu.memory_space<hbm>> -> memref<40x128xi32, #tpu.memory_space<hbm>>
        tpu.enqueue_dma source(%dma_start3A_284 : memref<40x128xi32, #tpu.memory_space<hbm>>) target(%arg7 : memref<40x128xi32, #tpu.memory_space<vmem>>) target_semaphore(%run_scoped3A : memref<!tpu.dma_semaphore, #tpu.memory_space<semaphore_mem>>)
        %dma_wait3A_285 = arith.constant 0 : i32
        %dma_wait3A_286 = arith.constant 0 : i32
        %dma_wait3A_287 = tpu.memref_slice %arg3[%add3A_36, %dma_wait3A_285, %dma_wait3A_286] : memref<64x40x128xi32, #tpu.memory_space<hbm>> -> memref<1x40x128xi32, #tpu.memory_space<hbm>>
        %dma_wait3A_288 = tpu.memref_squeeze %dma_wait3A_287 : memref<1x40x128xi32, #tpu.memory_space<hbm>> -> memref<40x128xi32, #tpu.memory_space<hbm>>
        %dma_wait3A_289 = arith.constant 0 : i32
        %dma_wait3A_290 = arith.constant 0 : i32
        %dma_wait3A_291 = tpu.memref_slice %arg3[%add3A_36, %dma_wait3A_289, %dma_wait3A_290] : memref<64x40x128xi32, #tpu.memory_space<hbm>> -> memref<1x40x128xi32, #tpu.memory_space<hbm>>
        %dma_wait3A_292 = tpu.memref_squeeze %dma_wait3A_291 : memref<1x40x128xi32, #tpu.memory_space<hbm>> -> memref<40x128xi32, #tpu.memory_space<hbm>>
        tpu.wait_dma2 semaphore(%run_scoped3A : memref<!tpu.dma_semaphore, #tpu.memory_space<semaphore_mem>>) src(%dma_wait3A_292 : memref<40x128xi32, #tpu.memory_space<hbm>>) dst(%arg7 : memref<40x128xi32, #tpu.memory_space<vmem>>)
        tpu.yield
      }) : () -> ()
      %get3A = arith.constant 0 : i32
      %get3A_37 = arith.index_cast %get3A : i32 to index
      %get3A_38 = arith.constant 0 : index
      %get3A_39 = tpu.vector_load %arg7[%get3A_37, %get3A_38] {strides = array<i32>} : memref<40x128xi32, #tpu.memory_space<vmem>>, vector<16xi32>,
      %shift_right_logical3A = arith.constant 16 : i32
      %shift_right_logical3A_40 = vector.broadcast %shift_right_logical3A : i32 to vector<16xi32>
      %shift_right_logical3A_41 = arith.shrui %get3A_39, %shift_right_logical3A_40 : vector<16xi32>
      %and3A = arith.constant 65535 : i32
      %and3A_42 = vector.broadcast %and3A : i32 to vector<16xi32>
      %and3A_43 = arith.andi %get3A_39, %and3A_42 : vector<16xi32>
      %swap3A = arith.constant 0 : index
      %swap3A_44 = tpu.vector_load %arg8[%swap3A] {strides = array<i32>} : memref<128xi32, #tpu.memory_space<vmem>>, vector<16xi32>,
      tpu.vector_store %arg8[%swap3A], %and3A_43 {strides = array<i32>} : memref<128xi32, #tpu.memory_space<vmem>>, vector<16xi32>,
      %swap3A_45 = arith.constant 0 : index
      %swap3A_46 = tpu.vector_load %arg10[%swap3A_45] {strides = array<i32>} : memref<128xi32, #tpu.memory_space<vmem>>, vector<16xi32>,
      tpu.vector_store %arg10[%swap3A_45], %shift_right_logical3A_41 {strides = array<i32>} : memref<128xi32, #tpu.memory_space<vmem>>, vector<16xi32>,
      %get3A_47 = arith.constant 0 : i32
      %get3A_48 = arith.index_cast %get3A_47 : i32 to index
      %get3A_49 = arith.constant 16 : index
      %get3A_50 = tpu.vector_load %arg7[%get3A_48, %get3A_49] {strides = array<i32>} : memref<40x128xi32, #tpu.memory_space<vmem>>, vector<16xi32>,
      %shift_right_logical3A_51 = arith.constant 16 : i32
      %shift_right_logical3A_52 = vector.broadcast %shift_right_logical3A_51 : i32 to vector<16xi32>
      %shift_right_logical3A_53 = arith.shrui %get3A_50, %shift_right_logical3A_52 : vector<16xi32>
      %and3A_54 = arith.constant 65535 : i32
      %and3A_55 = vector.broadcast %and3A_54 : i32 to vector<16xi32>
      %and3A_56 = arith.andi %get3A_50, %and3A_55 : vector<16xi32>
      %swap3A_57 = arith.constant 16 : index
      %swap3A_58 = tpu.vector_load %arg8[%swap3A_57] {strides = array<i32>} : memref<128xi32, #tpu.memory_space<vmem>>, vector<16xi32>,
      tpu.vector_store %arg8[%swap3A_57], %and3A_56 {strides = array<i32>} : memref<128xi32, #tpu.memory_space<vmem>>, vector<16xi32>,
      %swap3A_59 = arith.constant 16 : index
      %swap3A_60 = tpu.vector_load %arg10[%swap3A_59] {strides = array<i32>} : memref<128xi32, #tpu.memory_space<vmem>>, vector<16xi32>,
      tpu.vector_store %arg10[%swap3A_59], %shift_right_logical3A_53 {strides = array<i32>} : memref<128xi32, #tpu.memory_space<vmem>>, vector<16xi32>,
      %get3A_61 = arith.constant 0 : i32
      %get3A_62 = arith.index_cast %get3A_61 : i32 to index
      %get3A_63 = arith.constant 32 : index
      %get3A_64 = tpu.vector_load %arg7[%get3A_62, %get3A_63] {strides = array<i32>} : memref<40x128xi32, #tpu.memory_space<vmem>>, vector<16xi32>,
      %shift_right_logical3A_65 = arith.constant 16 : i32
      %shift_right_logical3A_66 = vector.broadcast %shift_right_logical3A_65 : i32 to vector<16xi32>
      %shift_right_logical3A_67 = arith.shrui %get3A_64, %shift_right_logical3A_66 : vector<16xi32>
      %and3A_68 = arith.constant 65535 : i32
      %and3A_69 = vector.broadcast %and3A_68 : i32 to vector<16xi32>
      %and3A_70 = arith.andi %get3A_64, %and3A_69 : vector<16xi32>
      %swap3A_71 = arith.constant 32 : index
      %swap3A_72 = tpu.vector_load %arg8[%swap3A_71] {strides = array<i32>} : memref<128xi32, #tpu.memory_space<vmem>>, vector<16xi32>,
      tpu.vector_store %arg8[%swap3A_71], %and3A_70 {strides = array<i32>} : memref<128xi32, #tpu.memory_space<vmem>>, vector<16xi32>,
      %swap3A_73 = arith.constant 32 : index
      %swap3A_74 = tpu.vector_load %arg10[%swap3A_73] {strides = array<i32>} : memref<128xi32, #tpu.memory_space<vmem>>, vector<16xi32>,
      tpu.vector_store %arg10[%swap3A_73], %shift_right_logical3A_67 {strides = array<i32>} : memref<128xi32, #tpu.memory_space<vmem>>, vector<16xi32>,
      %get3A_75 = arith.constant 0 : i32
      %get3A_76 = arith.index_cast %get3A_75 : i32 to index
      %get3A_77 = arith.constant 48 : index
      %get3A_78 = tpu.vector_load %arg7[%get3A_76, %get3A_77] {strides = array<i32>} : memref<40x128xi32, #tpu.memory_space<vmem>>, vector<16xi32>,
      %shift_right_logical3A_79 = arith.constant 16 : i32
      %shift_right_logical3A_80 = vector.broadcast %shift_right_logical3A_79 : i32 to vector<16xi32>
      %shift_right_logical3A_81 = arith.shrui %get3A_78, %shift_right_logical3A_80 : vector<16xi32>
      %and3A_82 = arith.constant 65535 : i32
      %and3A_83 = vector.broadcast %and3A_82 : i32 to vector<16xi32>
      %and3A_84 = arith.andi %get3A_78, %and3A_83 : vector<16xi32>
      %swap3A_85 = arith.constant 48 : index
      %swap3A_86 = tpu.vector_load %arg8[%swap3A_85] {strides = array<i32>} : memref<128xi32, #tpu.memory_space<vmem>>, vector<16xi32>,
      tpu.vector_store %arg8[%swap3A_85], %and3A_84 {strides = array<i32>} : memref<128xi32, #tpu.memory_space<vmem>>, vector<16xi32>,
      %swap3A_87 = arith.constant 48 : index
      %swap3A_88 = tpu.vector_load %arg10[%swap3A_87] {strides = array<i32>} : memref<128xi32, #tpu.memory_space<vmem>>, vector<16xi32>,
      tpu.vector_store %arg10[%swap3A_87], %shift_right_logical3A_81 {strides = array<i32>} : memref<128xi32, #tpu.memory_space<vmem>>, vector<16xi32>,
      %get3A_89 = arith.constant 0 : i32
      %get3A_90 = arith.index_cast %get3A_89 : i32 to index
      %get3A_91 = arith.constant 64 : index
      %get3A_92 = tpu.vector_load %arg7[%get3A_90, %get3A_91] {strides = array<i32>} : memref<40x128xi32, #tpu.memory_space<vmem>>, vector<16xi32>,
      %shift_right_logical3A_93 = arith.constant 16 : i32
      %shift_right_logical3A_94 = vector.broadcast %shift_right_logical3A_93 : i32 to vector<16xi32>
      %shift_right_logical3A_95 = arith.shrui %get3A_92, %shift_right_logical3A_94 : vector<16xi32>
      %and3A_96 = arith.constant 65535 : i32
      %and3A_97 = vector.broadcast %and3A_96 : i32 to vector<16xi32>
      %and3A_98 = arith.andi %get3A_92, %and3A_97 : vector<16xi32>
      %swap3A_99 = arith.constant 64 : index
      %swap3A_100 = tpu.vector_load %arg8[%swap3A_99] {strides = array<i32>} : memref<128xi32, #tpu.memory_space<vmem>>, vector<16xi32>,
      tpu.vector_store %arg8[%swap3A_99], %and3A_98 {strides = array<i32>} : memref<128xi32, #tpu.memory_space<vmem>>, vector<16xi32>,
      %swap3A_101 = arith.constant 64 : index
      %swap3A_102 = tpu.vector_load %arg10[%swap3A_101] {strides = array<i32>} : memref<128xi32, #tpu.memory_space<vmem>>, vector<16xi32>,
      tpu.vector_store %arg10[%swap3A_101], %shift_right_logical3A_95 {strides = array<i32>} : memref<128xi32, #tpu.memory_space<vmem>>, vector<16xi32>,
      %get3A_103 = arith.constant 0 : i32
      %get3A_104 = arith.index_cast %get3A_103 : i32 to index
      %get3A_105 = arith.constant 80 : index
      %get3A_106 = tpu.vector_load %arg7[%get3A_104, %get3A_105] {strides = array<i32>} : memref<40x128xi32, #tpu.memory_space<vmem>>, vector<16xi32>,
      %shift_right_logical3A_107 = arith.constant 16 : i32
      %shift_right_logical3A_108 = vector.broadcast %shift_right_logical3A_107 : i32 to vector<16xi32>
      %shift_right_logical3A_109 = arith.shrui %get3A_106, %shift_right_logical3A_108 : vector<16xi32>
      %and3A_110 = arith.constant 65535 : i32
      %and3A_111 = vector.broadcast %and3A_110 : i32 to vector<16xi32>
      %and3A_112 = arith.andi %get3A_106, %and3A_111 : vector<16xi32>
      %swap3A_113 = arith.constant 80 : index
      %swap3A_114 = tpu.vector_load %arg8[%swap3A_113] {strides = array<i32>} : memref<128xi32, #tpu.memory_space<vmem>>, vector<16xi32>,
      tpu.vector_store %arg8[%swap3A_113], %and3A_112 {strides = array<i32>} : memref<128xi32, #tpu.memory_space<vmem>>, vector<16xi32>,
      %swap3A_115 = arith.constant 80 : index
      %swap3A_116 = tpu.vector_load %arg10[%swap3A_115] {strides = array<i32>} : memref<128xi32, #tpu.memory_space<vmem>>, vector<16xi32>,
      tpu.vector_store %arg10[%swap3A_115], %shift_right_logical3A_109 {strides = array<i32>} : memref<128xi32, #tpu.memory_space<vmem>>, vector<16xi32>,
      %get3A_117 = arith.constant 0 : i32
      %get3A_118 = arith.index_cast %get3A_117 : i32 to index
      %get3A_119 = arith.constant 96 : index
      %get3A_120 = tpu.vector_load %arg7[%get3A_118, %get3A_119] {strides = array<i32>} : memref<40x128xi32, #tpu.memory_space<vmem>>, vector<16xi32>,
      %shift_right_logical3A_121 = arith.constant 16 : i32
      %shift_right_logical3A_122 = vector.broadcast %shift_right_logical3A_121 : i32 to vector<16xi32>
      %shift_right_logical3A_123 = arith.shrui %get3A_120, %shift_right_logical3A_122 : vector<16xi32>
      %and3A_124 = arith.constant 65535 : i32
      %and3A_125 = vector.broadcast %and3A_124 : i32 to vector<16xi32>
      %and3A_126 = arith.andi %get3A_120, %and3A_125 : vector<16xi32>
      %swap3A_127 = arith.constant 96 : index
      %swap3A_128 = tpu.vector_load %arg8[%swap3A_127] {strides = array<i32>} : memref<128xi32, #tpu.memory_space<vmem>>, vector<16xi32>,
      tpu.vector_store %arg8[%swap3A_127], %and3A_126 {strides = array<i32>} : memref<128xi32, #tpu.memory_space<vmem>>, vector<16xi32>,
      %swap3A_129 = arith.constant 96 : index
      %swap3A_130 = tpu.vector_load %arg10[%swap3A_129] {strides = array<i32>} : memref<128xi32, #tpu.memory_space<vmem>>, vector<16xi32>,
      tpu.vector_store %arg10[%swap3A_129], %shift_right_logical3A_123 {strides = array<i32>} : memref<128xi32, #tpu.memory_space<vmem>>, vector<16xi32>,
      %get3A_131 = arith.constant 0 : i32
      %get3A_132 = arith.index_cast %get3A_131 : i32 to index
      %get3A_133 = arith.constant 112 : index
      %get3A_134 = tpu.vector_load %arg7[%get3A_132, %get3A_133] {strides = array<i32>} : memref<40x128xi32, #tpu.memory_space<vmem>>, vector<16xi32>,
      %shift_right_logical3A_135 = arith.constant 16 : i32
      %shift_right_logical3A_136 = vector.broadcast %shift_right_logical3A_135 : i32 to vector<16xi32>
      %shift_right_logical3A_137 = arith.shrui %get3A_134, %shift_right_logical3A_136 : vector<16xi32>
      %and3A_138 = arith.constant 65535 : i32
      %and3A_139 = vector.broadcast %and3A_138 : i32 to vector<16xi32>
      %and3A_140 = arith.andi %get3A_134, %and3A_139 : vector<16xi32>
      %swap3A_141 = arith.constant 112 : index
      %swap3A_142 = tpu.vector_load %arg8[%swap3A_141] {strides = array<i32>} : memref<128xi32, #tpu.memory_space<vmem>>, vector<16xi32>,
      tpu.vector_store %arg8[%swap3A_141], %and3A_140 {strides = array<i32>} : memref<128xi32, #tpu.memory_space<vmem>>, vector<16xi32>,
      %swap3A_143 = arith.constant 112 : index
      %swap3A_144 = tpu.vector_load %arg10[%swap3A_143] {strides = array<i32>} : memref<128xi32, #tpu.memory_space<vmem>>, vector<16xi32>,
      tpu.vector_store %arg10[%swap3A_143], %shift_right_logical3A_137 {strides = array<i32>} : memref<128xi32, #tpu.memory_space<vmem>>, vector<16xi32>,
      %dma_start3A = arith.constant 0 : i32
      %dma_start3A_145 = arith.constant 0 : i32
      %dma_start3A_146 = tpu.memref_slice %arg2[%dma_start3A, %dma_start3A_145] : memref<10240x128xf32, #tpu.memory_space<hbm>> -> memref<10240x128xf32, #tpu.memory_space<hbm>>
      tpu.enqueue_indirect_dma source(%dma_start3A_146 : memref<10240x128xf32, #tpu.memory_space<hbm>>) target(%arg12 : memref<128x128xf32, #tpu.memory_space<vmem>>) offsets(%arg8 : memref<128xi32, #tpu.memory_space<vmem>>) semaphore(%arg14 : memref<!tpu.dma_semaphore, #tpu.memory_space<semaphore_mem>>)
      %get3A_147 = arith.constant 1 : i32
      %get3A_148 = arith.index_cast %get3A_147 : i32 to index
      %get3A_149 = arith.constant 0 : index
      %get3A_150 = tpu.vector_load %arg7[%get3A_148, %get3A_149] {strides = array<i32>} : memref<40x128xi32, #tpu.memory_space<vmem>>, vector<16xi32>,
      %shift_right_logical3A_151 = arith.constant 16 : i32
      %shift_right_logical3A_152 = vector.broadcast %shift_right_logical3A_151 : i32 to vector<16xi32>
      %shift_right_logical3A_153 = arith.shrui %get3A_150, %shift_right_logical3A_152 : vector<16xi32>
      %and3A_154 = arith.constant 65535 : i32
      %and3A_155 = vector.broadcast %and3A_154 : i32 to vector<16xi32>
      %and3A_156 = arith.andi %get3A_150, %and3A_155 : vector<16xi32>
      %swap3A_157 = arith.constant 0 : index
      %swap3A_158 = tpu.vector_load %arg9[%swap3A_157] {strides = array<i32>} : memref<128xi32, #tpu.memory_space<vmem>>, vector<16xi32>,
      tpu.vector_store %arg9[%swap3A_157], %and3A_156 {strides = array<i32>} : memref<128xi32, #tpu.memory_space<vmem>>, vector<16xi32>,
      %swap3A_159 = arith.constant 0 : index
      %swap3A_160 = tpu.vector_load %arg11[%swap3A_159] {strides = array<i32>} : memref<128xi32, #tpu.memory_space<vmem>>, vector<16xi32>,
      tpu.vector_store %arg11[%swap3A_159], %shift_right_logical3A_153 {strides = array<i32>} : memref<128xi32, #tpu.memory_space<vmem>>, vector<16xi32>,
      %get3A_161 = arith.constant 1 : i32
      %get3A_162 = arith.index_cast %get3A_161 : i32 to index
      %get3A_163 = arith.constant 16 : index
      %get3A_164 = tpu.vector_load %arg7[%get3A_162, %get3A_163] {strides = array<i32>} : memref<40x128xi32, #tpu.memory_space<vmem>>, vector<16xi32>,
      %shift_right_logical3A_165 = arith.constant 16 : i32
      %shift_right_logical3A_166 = vector.broadcast %shift_right_logical3A_165 : i32 to vector<16xi32>
      %shift_right_logical3A_167 = arith.shrui %get3A_164, %shift_right_logical3A_166 : vector<16xi32>
      %and3A_168 = arith.constant 65535 : i32
      %and3A_169 = vector.broadcast %and3A_168 : i32 to vector<16xi32>
      %and3A_170 = arith.andi %get3A_164, %and3A_169 : vector<16xi32>
      %swap3A_171 = arith.constant 16 : index
      %swap3A_172 = tpu.vector_load %arg9[%swap3A_171] {strides = array<i32>} : memref<128xi32, #tpu.memory_space<vmem>>, vector<16xi32>,
      tpu.vector_store %arg9[%swap3A_171], %and3A_170 {strides = array<i32>} : memref<128xi32, #tpu.memory_space<vmem>>, vector<16xi32>,
      %swap3A_173 = arith.constant 16 : index
      %swap3A_174 = tpu.vector_load %arg11[%swap3A_173] {strides = array<i32>} : memref<128xi32, #tpu.memory_space<vmem>>, vector<16xi32>,
      tpu.vector_store %arg11[%swap3A_173], %shift_right_logical3A_167 {strides = array<i32>} : memref<128xi32, #tpu.memory_space<vmem>>, vector<16xi32>,
      %get3A_175 = arith.constant 1 : i32
      %get3A_176 = arith.index_cast %get3A_175 : i32 to index
      %get3A_177 = arith.constant 32 : index
      %get3A_178 = tpu.vector_load %arg7[%get3A_176, %get3A_177] {strides = array<i32>} : memref<40x128xi32, #tpu.memory_space<vmem>>, vector<16xi32>,
      %shift_right_logical3A_179 = arith.constant 16 : i32
      %shift_right_logical3A_180 = vector.broadcast %shift_right_logical3A_179 : i32 to vector<16xi32>
      %shift_right_logical3A_181 = arith.shrui %get3A_178, %shift_right_logical3A_180 : vector<16xi32>
      %and3A_182 = arith.constant 65535 : i32
      %and3A_183 = vector.broadcast %and3A_182 : i32 to vector<16xi32>
      %and3A_184 = arith.andi %get3A_178, %and3A_183 : vector<16xi32>
      %swap3A_185 = arith.constant 32 : index
      %swap3A_186 = tpu.vector_load %arg9[%swap3A_185] {strides = array<i32>} : memref<128xi32, #tpu.memory_space<vmem>>, vector<16xi32>,
      tpu.vector_store %arg9[%swap3A_185], %and3A_184 {strides = array<i32>} : memref<128xi32, #tpu.memory_space<vmem>>, vector<16xi32>,
      %swap3A_187 = arith.constant 32 : index
      %swap3A_188 = tpu.vector_load %arg11[%swap3A_187] {strides = array<i32>} : memref<128xi32, #tpu.memory_space<vmem>>, vector<16xi32>,
      tpu.vector_store %arg11[%swap3A_187], %shift_right_logical3A_181 {strides = array<i32>} : memref<128xi32, #tpu.memory_space<vmem>>, vector<16xi32>,
      %get3A_189 = arith.constant 1 : i32
      %get3A_190 = arith.index_cast %get3A_189 : i32 to index
      %get3A_191 = arith.constant 48 : index
      %get3A_192 = tpu.vector_load %arg7[%get3A_190, %get3A_191] {strides = array<i32>} : memref<40x128xi32, #tpu.memory_space<vmem>>, vector<16xi32>,
      %shift_right_logical3A_193 = arith.constant 16 : i32
      %shift_right_logical3A_194 = vector.broadcast %shift_right_logical3A_193 : i32 to vector<16xi32>
      %shift_right_logical3A_195 = arith.shrui %get3A_192, %shift_right_logical3A_194 : vector<16xi32>
      %and3A_196 = arith.constant 65535 : i32
      %and3A_197 = vector.broadcast %and3A_196 : i32 to vector<16xi32>
      %and3A_198 = arith.andi %get3A_192, %and3A_197 : vector<16xi32>
      %swap3A_199 = arith.constant 48 : index
      %swap3A_200 = tpu.vector_load %arg9[%swap3A_199] {strides = array<i32>} : memref<128xi32, #tpu.memory_space<vmem>>, vector<16xi32>,
      tpu.vector_store %arg9[%swap3A_199], %and3A_198 {strides = array<i32>} : memref<128xi32, #tpu.memory_space<vmem>>, vector<16xi32>,
      %swap3A_201 = arith.constant 48 : index
      %swap3A_202 = tpu.vector_load %arg11[%swap3A_201] {strides = array<i32>} : memref<128xi32, #tpu.memory_space<vmem>>, vector<16xi32>,
      tpu.vector_store %arg11[%swap3A_201], %shift_right_logical3A_195 {strides = array<i32>} : memref<128xi32, #tpu.memory_space<vmem>>, vector<16xi32>,
      %get3A_203 = arith.constant 1 : i32
      %get3A_204 = arith.index_cast %get3A_203 : i32 to index
      %get3A_205 = arith.constant 64 : index
      %get3A_206 = tpu.vector_load %arg7[%get3A_204, %get3A_205] {strides = array<i32>} : memref<40x128xi32, #tpu.memory_space<vmem>>, vector<16xi32>,
      %shift_right_logical3A_207 = arith.constant 16 : i32
      %shift_right_logical3A_208 = vector.broadcast %shift_right_logical3A_207 : i32 to vector<16xi32>
      %shift_right_logical3A_209 = arith.shrui %get3A_206, %shift_right_logical3A_208 : vector<16xi32>
      %and3A_210 = arith.constant 65535 : i32
      %and3A_211 = vector.broadcast %and3A_210 : i32 to vector<16xi32>
      %and3A_212 = arith.andi %get3A_206, %and3A_211 : vector<16xi32>
      %swap3A_213 = arith.constant 64 : index
      %swap3A_214 = tpu.vector_load %arg9[%swap3A_213] {strides = array<i32>} : memref<128xi32, #tpu.memory_space<vmem>>, vector<16xi32>,
      tpu.vector_store %arg9[%swap3A_213], %and3A_212 {strides = array<i32>} : memref<128xi32, #tpu.memory_space<vmem>>, vector<16xi32>,
      %swap3A_215 = arith.constant 64 : index
      %swap3A_216 = tpu.vector_load %arg11[%swap3A_215] {strides = array<i32>} : memref<128xi32, #tpu.memory_space<vmem>>, vector<16xi32>,
      tpu.vector_store %arg11[%swap3A_215], %shift_right_logical3A_209 {strides = array<i32>} : memref<128xi32, #tpu.memory_space<vmem>>, vector<16xi32>,
      %get3A_217 = arith.constant 1 : i32
      %get3A_218 = arith.index_cast %get3A_217 : i32 to index
      %get3A_219 = arith.constant 80 : index
      %get3A_220 = tpu.vector_load %arg7[%get3A_218, %get3A_219] {strides = array<i32>} : memref<40x128xi32, #tpu.memory_space<vmem>>, vector<16xi32>,
      %shift_right_logical3A_221 = arith.constant 16 : i32
      %shift_right_logical3A_222 = vector.broadcast %shift_right_logical3A_221 : i32 to vector<16xi32>
      %shift_right_logical3A_223 = arith.shrui %get3A_220, %shift_right_logical3A_222 : vector<16xi32>
      %and3A_224 = arith.constant 65535 : i32
      %and3A_225 = vector.broadcast %and3A_224 : i32 to vector<16xi32>
      %and3A_226 = arith.andi %get3A_220, %and3A_225 : vector<16xi32>
      %swap3A_227 = arith.constant 80 : index
      %swap3A_228 = tpu.vector_load %arg9[%swap3A_227] {strides = array<i32>} : memref<128xi32, #tpu.memory_space<vmem>>, vector<16xi32>,
      tpu.vector_store %arg9[%swap3A_227], %and3A_226 {strides = array<i32>} : memref<128xi32, #tpu.memory_space<vmem>>, vector<16xi32>,
      %swap3A_229 = arith.constant 80 : index
      %swap3A_230 = tpu.vector_load %arg11[%swap3A_229] {strides = array<i32>} : memref<128xi32, #tpu.memory_space<vmem>>, vector<16xi32>,
      tpu.vector_store %arg11[%swap3A_229], %shift_right_logical3A_223 {strides = array<i32>} : memref<128xi32, #tpu.memory_space<vmem>>, vector<16xi32>,
      %get3A_231 = arith.constant 1 : i32
      %get3A_232 = arith.index_cast %get3A_231 : i32 to index
      %get3A_233 = arith.constant 96 : index
      %get3A_234 = tpu.vector_load %arg7[%get3A_232, %get3A_233] {strides = array<i32>} : memref<40x128xi32, #tpu.memory_space<vmem>>, vector<16xi32>,
      %shift_right_logical3A_235 = arith.constant 16 : i32
      %shift_right_logical3A_236 = vector.broadcast %shift_right_logical3A_235 : i32 to vector<16xi32>
      %shift_right_logical3A_237 = arith.shrui %get3A_234, %shift_right_logical3A_236 : vector<16xi32>
      %and3A_238 = arith.constant 65535 : i32
      %and3A_239 = vector.broadcast %and3A_238 : i32 to vector<16xi32>
      %and3A_240 = arith.andi %get3A_234, %and3A_239 : vector<16xi32>
      %swap3A_241 = arith.constant 96 : index
      %swap3A_242 = tpu.vector_load %arg9[%swap3A_241] {strides = array<i32>} : memref<128xi32, #tpu.memory_space<vmem>>, vector<16xi32>,
      tpu.vector_store %arg9[%swap3A_241], %and3A_240 {strides = array<i32>} : memref<128xi32, #tpu.memory_space<vmem>>, vector<16xi32>,
      %swap3A_243 = arith.constant 96 : index
      %swap3A_244 = tpu.vector_load %arg11[%swap3A_243] {strides = array<i32>} : memref<128xi32, #tpu.memory_space<vmem>>, vector<16xi32>,
      tpu.vector_store %arg11[%swap3A_243], %shift_right_logical3A_237 {strides = array<i32>} : memref<128xi32, #tpu.memory_space<vmem>>, vector<16xi32>,
      %get3A_245 = arith.constant 1 : i32
      %get3A_246 = arith.index_cast %get3A_245 : i32 to index
      %get3A_247 = arith.constant 112 : index
      %get3A_248 = tpu.vector_load %arg7[%get3A_246, %get3A_247] {strides = array<i32>} : memref<40x128xi32, #tpu.memory_space<vmem>>, vector<16xi32>,
      %shift_right_logical3A_249 = arith.constant 16 : i32
      %shift_right_logical3A_250 = vector.broadcast %shift_right_logical3A_249 : i32 to vector<16xi32>
      %shift_right_logical3A_251 = arith.shrui %get3A_248, %shift_right_logical3A_250 : vector<16xi32>
      %and3A_252 = arith.constant 65535 : i32
      %and3A_253 = vector.broadcast %and3A_252 : i32 to vector<16xi32>
      %and3A_254 = arith.andi %get3A_248, %and3A_253 : vector<16xi32>
      %swap3A_255 = arith.constant 112 : index
      %swap3A_256 = tpu.vector_load %arg9[%swap3A_255] {strides = array<i32>} : memref<128xi32, #tpu.memory_space<vmem>>, vector<16xi32>,
      tpu.vector_store %arg9[%swap3A_255], %and3A_254 {strides = array<i32>} : memref<128xi32, #tpu.memory_space<vmem>>, vector<16xi32>,
      %swap3A_257 = arith.constant 112 : index
      %swap3A_258 = tpu.vector_load %arg11[%swap3A_257] {strides = array<i32>} : memref<128xi32, #tpu.memory_space<vmem>>, vector<16xi32>,
      tpu.vector_store %arg11[%swap3A_257], %shift_right_logical3A_251 {strides = array<i32>} : memref<128xi32, #tpu.memory_space<vmem>>, vector<16xi32>,
      %dma_start3A_259 = arith.constant 0 : i32
      %dma_start3A_260 = arith.constant 0 : i32
      %dma_start3A_261 = tpu.memref_slice %arg2[%dma_start3A_259, %dma_start3A_260] : memref<10240x128xf32, #tpu.memory_space<hbm>> -> memref<10240x128xf32, #tpu.memory_space<hbm>>
      tpu.enqueue_indirect_dma source(%dma_start3A_261 : memref<10240x128xf32, #tpu.memory_space<hbm>>) target(%arg13 : memref<128x128xf32, #tpu.memory_space<vmem>>) offsets(%arg9 : memref<128xi32, #tpu.memory_space<vmem>>) semaphore(%arg15 : memref<!tpu.dma_semaphore, #tpu.memory_space<semaphore_mem>>)
      %scan3A = arith.constant 0 : i32
      %scan3A_262 = arith.constant 20 : i32
      %scan3A_263 = arith.addi %scan3A, %scan3A_262 : i32
      %scan3A_264 = arith.constant 1 : i32
      scf.for %scan3A_277 = %scan3A to %scan3A_263 step %scan3A_264  : i32 {
        %mul3A_278 = arith.constant 2 : i32
        %mul3A_279 = arith.muli %scan3A_277, %mul3A_278 : i32
        %add3A_280 = arith.constant 0 : i32
        %add3A_281 = arith.addi %add3A_280, %mul3A_279 : i32
        %add3A_282 = arith.constant 0 : i32
        %add3A_283 = arith.addi %add3A_281, %add3A_282 : i32
        %dma_wait3A_284 = arith.constant 0 : i32
        %dma_wait3A_285 = arith.constant 0 : i32
        %dma_wait3A_286 = tpu.memref_slice %arg2[%dma_wait3A_284, %dma_wait3A_285] : memref<10240x128xf32, #tpu.memory_space<hbm>> -> memref<128x128xf32, #tpu.memory_space<hbm>>
        %dma_wait3A_287 = arith.constant 0 : i32
        %dma_wait3A_288 = arith.constant 0 : i32
        %dma_wait3A_289 = tpu.memref_slice %arg2[%dma_wait3A_287, %dma_wait3A_288] : memref<10240x128xf32, #tpu.memory_space<hbm>> -> memref<128x128xf32, #tpu.memory_space<hbm>>
        tpu.wait_dma2 semaphore(%arg14 : memref<!tpu.dma_semaphore, #tpu.memory_space<semaphore_mem>>) src(%dma_wait3A_289 : memref<128x128xf32, #tpu.memory_space<hbm>>) dst(%arg12 : memref<128x128xf32, #tpu.memory_space<vmem>>)
        %dma_start3A_290 = arith.constant 0 : i32
        %dma_start3A_291 = arith.constant 0 : i32
        %dma_start3A_292 = tpu.memref_slice %arg6[%dma_start3A_290, %dma_start3A_291] : memref<10240x128xf32, #tpu.memory_space<vmem_shared>> -> memref<10240x128xf32, #tpu.memory_space<vmem_shared>>
        tpu.enqueue_indirect_dma source(%arg12 : memref<128x128xf32, #tpu.memory_space<vmem>>) target(%dma_start3A_292 : memref<10240x128xf32, #tpu.memory_space<vmem_shared>>) offsets(%arg10 : memref<128xi32, #tpu.memory_space<vmem>>) semaphore(%arg16 : memref<!tpu.dma_semaphore, #tpu.memory_space<semaphore_mem>>) {add = true}
        %add3A_293 = arith.constant 2 : i32
        %add3A_294 = arith.addi %add3A_283, %add3A_293 : i32
        %lt3A = arith.constant 40 : i32
        %lt3A_295 = arith.cmpi slt, %add3A_294, %lt3A : i32
        %convert_element_type3A = arith.extui %lt3A_295 : i1 to i32
        %cond3A = arith.constant 0 : i32
        %cond3A_296 = arith.cmpi ne, %convert_element_type3A, %cond3A : i32
        scf.if %cond3A_296 {
          %dma_wait3A_315 = arith.constant 0 : i32
          %dma_wait3A_316 = arith.constant 0 : i32
          %dma_wait3A_317 = tpu.memref_slice %arg2[%dma_wait3A_315, %dma_wait3A_316] : memref<10240x128xf32, #tpu.memory_space<hbm>> -> memref<128x128xf32, #tpu.memory_space<hbm>>
          %dma_wait3A_318 = arith.constant 0 : i32
          %dma_wait3A_319 = arith.constant 0 : i32
          %dma_wait3A_320 = tpu.memref_slice %arg2[%dma_wait3A_318, %dma_wait3A_319] : memref<10240x128xf32, #tpu.memory_space<hbm>> -> memref<128x128xf32, #tpu.memory_space<hbm>>
          tpu.wait_dma2 semaphore(%arg16 : memref<!tpu.dma_semaphore, #tpu.memory_space<semaphore_mem>>) src(%dma_wait3A_320 : memref<128x128xf32, #tpu.memory_space<hbm>>) dst(%arg12 : memref<128x128xf32, #tpu.memory_space<vmem>>)
          %add3A_321 = arith.constant 2 : i32
          %add3A_322 = arith.addi %add3A_283, %add3A_321 : i32
          %get3A_323 = arith.index_cast %add3A_322 : i32 to index
          %get3A_324 = arith.constant 0 : index
          %get3A_325 = tpu.vector_load %arg7[%get3A_323, %get3A_324] {strides = array<i32>} : memref<40x128xi32, #tpu.memory_space<vmem>>, vector<16xi32>,
          %shift_right_logical3A_326 = arith.constant 16 : i32
          %shift_right_logical3A_327 = vector.broadcast %shift_right_logical3A_326 : i32 to vector<16xi32>
          %shift_right_logical3A_328 = arith.shrui %get3A_325, %shift_right_logical3A_327 : vector<16xi32>
          %and3A_329 = arith.constant 65535 : i32
          %and3A_330 = vector.broadcast %and3A_329 : i32 to vector<16xi32>
          %and3A_331 = arith.andi %get3A_325, %and3A_330 : vector<16xi32>
          %swap3A_332 = arith.constant 0 : index
          %swap3A_333 = tpu.vector_load %arg8[%swap3A_332] {strides = array<i32>} : memref<128xi32, #tpu.memory_space<vmem>>, vector<16xi32>,
          tpu.vector_store %arg8[%swap3A_332], %and3A_331 {strides = array<i32>} : memref<128xi32, #tpu.memory_space<vmem>>, vector<16xi32>,
          %swap3A_334 = arith.constant 0 : index
          %swap3A_335 = tpu.vector_load %arg10[%swap3A_334] {strides = array<i32>} : memref<128xi32, #tpu.memory_space<vmem>>, vector<16xi32>,
          tpu.vector_store %arg10[%swap3A_334], %shift_right_logical3A_328 {strides = array<i32>} : memref<128xi32, #tpu.memory_space<vmem>>, vector<16xi32>,
          %get3A_336 = arith.index_cast %add3A_322 : i32 to index
          %get3A_337 = arith.constant 16 : index
          %get3A_338 = tpu.vector_load %arg7[%get3A_336, %get3A_337] {strides = array<i32>} : memref<40x128xi32, #tpu.memory_space<vmem>>, vector<16xi32>,
          %shift_right_logical3A_339 = arith.constant 16 : i32
          %shift_right_logical3A_340 = vector.broadcast %shift_right_logical3A_339 : i32 to vector<16xi32>
          %shift_right_logical3A_341 = arith.shrui %get3A_338, %shift_right_logical3A_340 : vector<16xi32>
          %and3A_342 = arith.constant 65535 : i32
          %and3A_343 = vector.broadcast %and3A_342 : i32 to vector<16xi32>
          %and3A_344 = arith.andi %get3A_338, %and3A_343 : vector<16xi32>
          %swap3A_345 = arith.constant 16 : index
          %swap3A_346 = tpu.vector_load %arg8[%swap3A_345] {strides = array<i32>} : memref<128xi32, #tpu.memory_space<vmem>>, vector<16xi32>,
          tpu.vector_store %arg8[%swap3A_345], %and3A_344 {strides = array<i32>} : memref<128xi32, #tpu.memory_space<vmem>>, vector<16xi32>,
          %swap3A_347 = arith.constant 16 : index
          %swap3A_348 = tpu.vector_load %arg10[%swap3A_347] {strides = array<i32>} : memref<128xi32, #tpu.memory_space<vmem>>, vector<16xi32>,
          tpu.vector_store %arg10[%swap3A_347], %shift_right_logical3A_341 {strides = array<i32>} : memref<128xi32, #tpu.memory_space<vmem>>, vector<16xi32>,
          %get3A_349 = arith.index_cast %add3A_322 : i32 to index
          %get3A_350 = arith.constant 32 : index
          %get3A_351 = tpu.vector_load %arg7[%get3A_349, %get3A_350] {strides = array<i32>} : memref<40x128xi32, #tpu.memory_space<vmem>>, vector<16xi32>,
          %shift_right_logical3A_352 = arith.constant 16 : i32
          %shift_right_logical3A_353 = vector.broadcast %shift_right_logical3A_352 : i32 to vector<16xi32>
          %shift_right_logical3A_354 = arith.shrui %get3A_351, %shift_right_logical3A_353 : vector<16xi32>
          %and3A_355 = arith.constant 65535 : i32
          %and3A_356 = vector.broadcast %and3A_355 : i32 to vector<16xi32>
          %and3A_357 = arith.andi %get3A_351, %and3A_356 : vector<16xi32>
          %swap3A_358 = arith.constant 32 : index
          %swap3A_359 = tpu.vector_load %arg8[%swap3A_358] {strides = array<i32>} : memref<128xi32, #tpu.memory_space<vmem>>, vector<16xi32>,
          tpu.vector_store %arg8[%swap3A_358], %and3A_357 {strides = array<i32>} : memref<128xi32, #tpu.memory_space<vmem>>, vector<16xi32>,
          %swap3A_360 = arith.constant 32 : index
          %swap3A_361 = tpu.vector_load %arg10[%swap3A_360] {strides = array<i32>} : memref<128xi32, #tpu.memory_space<vmem>>, vector<16xi32>,
          tpu.vector_store %arg10[%swap3A_360], %shift_right_logical3A_354 {strides = array<i32>} : memref<128xi32, #tpu.memory_space<vmem>>, vector<16xi32>,
          %get3A_362 = arith.index_cast %add3A_322 : i32 to index
          %get3A_363 = arith.constant 48 : index
          %get3A_364 = tpu.vector_load %arg7[%get3A_362, %get3A_363] {strides = array<i32>} : memref<40x128xi32, #tpu.memory_space<vmem>>, vector<16xi32>,
          %shift_right_logical3A_365 = arith.constant 16 : i32
          %shift_right_logical3A_366 = vector.broadcast %shift_right_logical3A_365 : i32 to vector<16xi32>
          %shift_right_logical3A_367 = arith.shrui %get3A_364, %shift_right_logical3A_366 : vector<16xi32>
          %and3A_368 = arith.constant 65535 : i32
          %and3A_369 = vector.broadcast %and3A_368 : i32 to vector<16xi32>
          %and3A_370 = arith.andi %get3A_364, %and3A_369 : vector<16xi32>
          %swap3A_371 = arith.constant 48 : index
          %swap3A_372 = tpu.vector_load %arg8[%swap3A_371] {strides = array<i32>} : memref<128xi32, #tpu.memory_space<vmem>>, vector<16xi32>,
          tpu.vector_store %arg8[%swap3A_371], %and3A_370 {strides = array<i32>} : memref<128xi32, #tpu.memory_space<vmem>>, vector<16xi32>,
          %swap3A_373 = arith.constant 48 : index
          %swap3A_374 = tpu.vector_load %arg10[%swap3A_373] {strides = array<i32>} : memref<128xi32, #tpu.memory_space<vmem>>, vector<16xi32>,
          tpu.vector_store %arg10[%swap3A_373], %shift_right_logical3A_367 {strides = array<i32>} : memref<128xi32, #tpu.memory_space<vmem>>, vector<16xi32>,
          %get3A_375 = arith.index_cast %add3A_322 : i32 to index
          %get3A_376 = arith.constant 64 : index
          %get3A_377 = tpu.vector_load %arg7[%get3A_375, %get3A_376] {strides = array<i32>} : memref<40x128xi32, #tpu.memory_space<vmem>>, vector<16xi32>,
          %shift_right_logical3A_378 = arith.constant 16 : i32
          %shift_right_logical3A_379 = vector.broadcast %shift_right_logical3A_378 : i32 to vector<16xi32>
          %shift_right_logical3A_380 = arith.shrui %get3A_377, %shift_right_logical3A_379 : vector<16xi32>
          %and3A_381 = arith.constant 65535 : i32
          %and3A_382 = vector.broadcast %and3A_381 : i32 to vector<16xi32>
          %and3A_383 = arith.andi %get3A_377, %and3A_382 : vector<16xi32>
          %swap3A_384 = arith.constant 64 : index
          %swap3A_385 = tpu.vector_load %arg8[%swap3A_384] {strides = array<i32>} : memref<128xi32, #tpu.memory_space<vmem>>, vector<16xi32>,
          tpu.vector_store %arg8[%swap3A_384], %and3A_383 {strides = array<i32>} : memref<128xi32, #tpu.memory_space<vmem>>, vector<16xi32>,
          %swap3A_386 = arith.constant 64 : index
          %swap3A_387 = tpu.vector_load %arg10[%swap3A_386] {strides = array<i32>} : memref<128xi32, #tpu.memory_space<vmem>>, vector<16xi32>,
          tpu.vector_store %arg10[%swap3A_386], %shift_right_logical3A_380 {strides = array<i32>} : memref<128xi32, #tpu.memory_space<vmem>>, vector<16xi32>,
          %get3A_388 = arith.index_cast %add3A_322 : i32 to index
          %get3A_389 = arith.constant 80 : index
          %get3A_390 = tpu.vector_load %arg7[%get3A_388, %get3A_389] {strides = array<i32>} : memref<40x128xi32, #tpu.memory_space<vmem>>, vector<16xi32>,
          %shift_right_logical3A_391 = arith.constant 16 : i32
          %shift_right_logical3A_392 = vector.broadcast %shift_right_logical3A_391 : i32 to vector<16xi32>
          %shift_right_logical3A_393 = arith.shrui %get3A_390, %shift_right_logical3A_392 : vector<16xi32>
          %and3A_394 = arith.constant 65535 : i32
          %and3A_395 = vector.broadcast %and3A_394 : i32 to vector<16xi32>
          %and3A_396 = arith.andi %get3A_390, %and3A_395 : vector<16xi32>
          %swap3A_397 = arith.constant 80 : index
          %swap3A_398 = tpu.vector_load %arg8[%swap3A_397] {strides = array<i32>} : memref<128xi32, #tpu.memory_space<vmem>>, vector<16xi32>,
          tpu.vector_store %arg8[%swap3A_397], %and3A_396 {strides = array<i32>} : memref<128xi32, #tpu.memory_space<vmem>>, vector<16xi32>,
          %swap3A_399 = arith.constant 80 : index
          %swap3A_400 = tpu.vector_load %arg10[%swap3A_399] {strides = array<i32>} : memref<128xi32, #tpu.memory_space<vmem>>, vector<16xi32>,
          tpu.vector_store %arg10[%swap3A_399], %shift_right_logical3A_393 {strides = array<i32>} : memref<128xi32, #tpu.memory_space<vmem>>, vector<16xi32>,
          %get3A_401 = arith.index_cast %add3A_322 : i32 to index
          %get3A_402 = arith.constant 96 : index
          %get3A_403 = tpu.vector_load %arg7[%get3A_401, %get3A_402] {strides = array<i32>} : memref<40x128xi32, #tpu.memory_space<vmem>>, vector<16xi32>,
          %shift_right_logical3A_404 = arith.constant 16 : i32
          %shift_right_logical3A_405 = vector.broadcast %shift_right_logical3A_404 : i32 to vector<16xi32>
          %shift_right_logical3A_406 = arith.shrui %get3A_403, %shift_right_logical3A_405 : vector<16xi32>
          %and3A_407 = arith.constant 65535 : i32
          %and3A_408 = vector.broadcast %and3A_407 : i32 to vector<16xi32>
          %and3A_409 = arith.andi %get3A_403, %and3A_408 : vector<16xi32>
          %swap3A_410 = arith.constant 96 : index
          %swap3A_411 = tpu.vector_load %arg8[%swap3A_410] {strides = array<i32>} : memref<128xi32, #tpu.memory_space<vmem>>, vector<16xi32>,
          tpu.vector_store %arg8[%swap3A_410], %and3A_409 {strides = array<i32>} : memref<128xi32, #tpu.memory_space<vmem>>, vector<16xi32>,
          %swap3A_412 = arith.constant 96 : index
          %swap3A_413 = tpu.vector_load %arg10[%swap3A_412] {strides = array<i32>} : memref<128xi32, #tpu.memory_space<vmem>>, vector<16xi32>,
          tpu.vector_store %arg10[%swap3A_412], %shift_right_logical3A_406 {strides = array<i32>} : memref<128xi32, #tpu.memory_space<vmem>>, vector<16xi32>,
          %get3A_414 = arith.index_cast %add3A_322 : i32 to index
          %get3A_415 = arith.constant 112 : index
          %get3A_416 = tpu.vector_load %arg7[%get3A_414, %get3A_415] {strides = array<i32>} : memref<40x128xi32, #tpu.memory_space<vmem>>, vector<16xi32>,
          %shift_right_logical3A_417 = arith.constant 16 : i32
          %shift_right_logical3A_418 = vector.broadcast %shift_right_logical3A_417 : i32 to vector<16xi32>
          %shift_right_logical3A_419 = arith.shrui %get3A_416, %shift_right_logical3A_418 : vector<16xi32>
          %and3A_420 = arith.constant 65535 : i32
          %and3A_421 = vector.broadcast %and3A_420 : i32 to vector<16xi32>
          %and3A_422 = arith.andi %get3A_416, %and3A_421 : vector<16xi32>
          %swap3A_423 = arith.constant 112 : index
          %swap3A_424 = tpu.vector_load %arg8[%swap3A_423] {strides = array<i32>} : memref<128xi32, #tpu.memory_space<vmem>>, vector<16xi32>,
          tpu.vector_store %arg8[%swap3A_423], %and3A_422 {strides = array<i32>} : memref<128xi32, #tpu.memory_space<vmem>>, vector<16xi32>,
          %swap3A_425 = arith.constant 112 : index
          %swap3A_426 = tpu.vector_load %arg10[%swap3A_425] {strides = array<i32>} : memref<128xi32, #tpu.memory_space<vmem>>, vector<16xi32>,
          tpu.vector_store %arg10[%swap3A_425], %shift_right_logical3A_419 {strides = array<i32>} : memref<128xi32, #tpu.memory_space<vmem>>, vector<16xi32>,
          %dma_start3A_427 = arith.constant 0 : i32
          %dma_start3A_428 = arith.constant 0 : i32
          %dma_start3A_429 = tpu.memref_slice %arg2[%dma_start3A_427, %dma_start3A_428] : memref<10240x128xf32, #tpu.memory_space<hbm>> -> memref<10240x128xf32, #tpu.memory_space<hbm>>
          tpu.enqueue_indirect_dma source(%dma_start3A_429 : memref<10240x128xf32, #tpu.memory_space<hbm>>) target(%arg12 : memref<128x128xf32, #tpu.memory_space<vmem>>) offsets(%arg8 : memref<128xi32, #tpu.memory_space<vmem>>) semaphore(%arg14 : memref<!tpu.dma_semaphore, #tpu.memory_space<semaphore_mem>>)
        } else {
        }
        %add3A_297 = arith.constant 1 : i32
        %add3A_298 = arith.addi %add3A_281, %add3A_297 : i32
        %dma_wait3A_299 = arith.constant 0 : i32
        %dma_wait3A_300 = arith.constant 0 : i32
        %dma_wait3A_301 = tpu.memref_slice %arg2[%dma_wait3A_299, %dma_wait3A_300] : memref<10240x128xf32, #tpu.memory_space<hbm>> -> memref<128x128xf32, #tpu.memory_space<hbm>>
        %dma_wait3A_302 = arith.constant 0 : i32
        %dma_wait3A_303 = arith.constant 0 : i32
        %dma_wait3A_304 = tpu.memref_slice %arg2[%dma_wait3A_302, %dma_wait3A_303] : memref<10240x128xf32, #tpu.memory_space<hbm>> -> memref<128x128xf32, #tpu.memory_space<hbm>>
        tpu.wait_dma2 semaphore(%arg15 : memref<!tpu.dma_semaphore, #tpu.memory_space<semaphore_mem>>) src(%dma_wait3A_304 : memref<128x128xf32, #tpu.memory_space<hbm>>) dst(%arg13 : memref<128x128xf32, #tpu.memory_space<vmem>>)
        %dma_start3A_305 = arith.constant 0 : i32
        %dma_start3A_306 = arith.constant 0 : i32
        %dma_start3A_307 = tpu.memref_slice %arg6[%dma_start3A_305, %dma_start3A_306] : memref<10240x128xf32, #tpu.memory_space<vmem_shared>> -> memref<10240x128xf32, #tpu.memory_space<vmem_shared>>
        tpu.enqueue_indirect_dma source(%arg13 : memref<128x128xf32, #tpu.memory_space<vmem>>) target(%dma_start3A_307 : memref<10240x128xf32, #tpu.memory_space<vmem_shared>>) offsets(%arg11 : memref<128xi32, #tpu.memory_space<vmem>>) semaphore(%arg17 : memref<!tpu.dma_semaphore, #tpu.memory_space<semaphore_mem>>) {add = true}
        %add3A_308 = arith.constant 2 : i32
        %add3A_309 = arith.addi %add3A_298, %add3A_308 : i32
        %lt3A_310 = arith.constant 40 : i32
        %lt3A_311 = arith.cmpi slt, %add3A_309, %lt3A_310 : i32
        %convert_element_type3A_312 = arith.extui %lt3A_311 : i1 to i32
        %cond3A_313 = arith.constant 0 : i32
        %cond3A_314 = arith.cmpi ne, %convert_element_type3A_312, %cond3A_313 : i32
        scf.if %cond3A_314 {
          %dma_wait3A_315 = arith.constant 0 : i32
          %dma_wait3A_316 = arith.constant 0 : i32
          %dma_wait3A_317 = tpu.memref_slice %arg2[%dma_wait3A_315, %dma_wait3A_316] : memref<10240x128xf32, #tpu.memory_space<hbm>> -> memref<128x128xf32, #tpu.memory_space<hbm>>
          %dma_wait3A_318 = arith.constant 0 : i32
          %dma_wait3A_319 = arith.constant 0 : i32
          %dma_wait3A_320 = tpu.memref_slice %arg2[%dma_wait3A_318, %dma_wait3A_319] : memref<10240x128xf32, #tpu.memory_space<hbm>> -> memref<128x128xf32, #tpu.memory_space<hbm>>
          tpu.wait_dma2 semaphore(%arg17 : memref<!tpu.dma_semaphore, #tpu.memory_space<semaphore_mem>>) src(%dma_wait3A_320 : memref<128x128xf32, #tpu.memory_space<hbm>>) dst(%arg13 : memref<128x128xf32, #tpu.memory_space<vmem>>)
          %add3A_321 = arith.constant 2 : i32
          %add3A_322 = arith.addi %add3A_298, %add3A_321 : i32
          %get3A_323 = arith.index_cast %add3A_322 : i32 to index
          %get3A_324 = arith.constant 0 : index
          %get3A_325 = tpu.vector_load %arg7[%get3A_323, %get3A_324] {strides = array<i32>} : memref<40x128xi32, #tpu.memory_space<vmem>>, vector<16xi32>,
          %shift_right_logical3A_326 = arith.constant 16 : i32
          %shift_right_logical3A_327 = vector.broadcast %shift_right_logical3A_326 : i32 to vector<16xi32>
          %shift_right_logical3A_328 = arith.shrui %get3A_325, %shift_right_logical3A_327 : vector<16xi32>
          %and3A_329 = arith.constant 65535 : i32
          %and3A_330 = vector.broadcast %and3A_329 : i32 to vector<16xi32>
          %and3A_331 = arith.andi %get3A_325, %and3A_330 : vector<16xi32>
          %swap3A_332 = arith.constant 0 : index
          %swap3A_333 = tpu.vector_load %arg9[%swap3A_332] {strides = array<i32>} : memref<128xi32, #tpu.memory_space<vmem>>, vector<16xi32>,
          tpu.vector_store %arg9[%swap3A_332], %and3A_331 {strides = array<i32>} : memref<128xi32, #tpu.memory_space<vmem>>, vector<16xi32>,
          %swap3A_334 = arith.constant 0 : index
          %swap3A_335 = tpu.vector_load %arg11[%swap3A_334] {strides = array<i32>} : memref<128xi32, #tpu.memory_space<vmem>>, vector<16xi32>,
          tpu.vector_store %arg11[%swap3A_334], %shift_right_logical3A_328 {strides = array<i32>} : memref<128xi32, #tpu.memory_space<vmem>>, vector<16xi32>,
          %get3A_336 = arith.index_cast %add3A_322 : i32 to index
          %get3A_337 = arith.constant 16 : index
          %get3A_338 = tpu.vector_load %arg7[%get3A_336, %get3A_337] {strides = array<i32>} : memref<40x128xi32, #tpu.memory_space<vmem>>, vector<16xi32>,
          %shift_right_logical3A_339 = arith.constant 16 : i32
          %shift_right_logical3A_340 = vector.broadcast %shift_right_logical3A_339 : i32 to vector<16xi32>
          %shift_right_logical3A_341 = arith.shrui %get3A_338, %shift_right_logical3A_340 : vector<16xi32>
          %and3A_342 = arith.constant 65535 : i32
          %and3A_343 = vector.broadcast %and3A_342 : i32 to vector<16xi32>
          %and3A_344 = arith.andi %get3A_338, %and3A_343 : vector<16xi32>
          %swap3A_345 = arith.constant 16 : index
          %swap3A_346 = tpu.vector_load %arg9[%swap3A_345] {strides = array<i32>} : memref<128xi32, #tpu.memory_space<vmem>>, vector<16xi32>,
          tpu.vector_store %arg9[%swap3A_345], %and3A_344 {strides = array<i32>} : memref<128xi32, #tpu.memory_space<vmem>>, vector<16xi32>,
          %swap3A_347 = arith.constant 16 : index
          %swap3A_348 = tpu.vector_load %arg11[%swap3A_347] {strides = array<i32>} : memref<128xi32, #tpu.memory_space<vmem>>, vector<16xi32>,
          tpu.vector_store %arg11[%swap3A_347], %shift_right_logical3A_341 {strides = array<i32>} : memref<128xi32, #tpu.memory_space<vmem>>, vector<16xi32>,
          %get3A_349 = arith.index_cast %add3A_322 : i32 to index
          %get3A_350 = arith.constant 32 : index
          %get3A_351 = tpu.vector_load %arg7[%get3A_349, %get3A_350] {strides = array<i32>} : memref<40x128xi32, #tpu.memory_space<vmem>>, vector<16xi32>,
          %shift_right_logical3A_352 = arith.constant 16 : i32
          %shift_right_logical3A_353 = vector.broadcast %shift_right_logical3A_352 : i32 to vector<16xi32>
          %shift_right_logical3A_354 = arith.shrui %get3A_351, %shift_right_logical3A_353 : vector<16xi32>
          %and3A_355 = arith.constant 65535 : i32
          %and3A_356 = vector.broadcast %and3A_355 : i32 to vector<16xi32>
          %and3A_357 = arith.andi %get3A_351, %and3A_356 : vector<16xi32>
          %swap3A_358 = arith.constant 32 : index
          %swap3A_359 = tpu.vector_load %arg9[%swap3A_358] {strides = array<i32>} : memref<128xi32, #tpu.memory_space<vmem>>, vector<16xi32>,
          tpu.vector_store %arg9[%swap3A_358], %and3A_357 {strides = array<i32>} : memref<128xi32, #tpu.memory_space<vmem>>, vector<16xi32>,
          %swap3A_360 = arith.constant 32 : index
          %swap3A_361 = tpu.vector_load %arg11[%swap3A_360] {strides = array<i32>} : memref<128xi32, #tpu.memory_space<vmem>>, vector<16xi32>,
          tpu.vector_store %arg11[%swap3A_360], %shift_right_logical3A_354 {strides = array<i32>} : memref<128xi32, #tpu.memory_space<vmem>>, vector<16xi32>,
          %get3A_362 = arith.index_cast %add3A_322 : i32 to index
          %get3A_363 = arith.constant 48 : index
          %get3A_364 = tpu.vector_load %arg7[%get3A_362, %get3A_363] {strides = array<i32>} : memref<40x128xi32, #tpu.memory_space<vmem>>, vector<16xi32>,
          %shift_right_logical3A_365 = arith.constant 16 : i32
          %shift_right_logical3A_366 = vector.broadcast %shift_right_logical3A_365 : i32 to vector<16xi32>
          %shift_right_logical3A_367 = arith.shrui %get3A_364, %shift_right_logical3A_366 : vector<16xi32>
          %and3A_368 = arith.constant 65535 : i32
          %and3A_369 = vector.broadcast %and3A_368 : i32 to vector<16xi32>
          %and3A_370 = arith.andi %get3A_364, %and3A_369 : vector<16xi32>
          %swap3A_371 = arith.constant 48 : index
          %swap3A_372 = tpu.vector_load %arg9[%swap3A_371] {strides = array<i32>} : memref<128xi32, #tpu.memory_space<vmem>>, vector<16xi32>,
          tpu.vector_store %arg9[%swap3A_371], %and3A_370 {strides = array<i32>} : memref<128xi32, #tpu.memory_space<vmem>>, vector<16xi32>,
          %swap3A_373 = arith.constant 48 : index
          %swap3A_374 = tpu.vector_load %arg11[%swap3A_373] {strides = array<i32>} : memref<128xi32, #tpu.memory_space<vmem>>, vector<16xi32>,
          tpu.vector_store %arg11[%swap3A_373], %shift_right_logical3A_367 {strides = array<i32>} : memref<128xi32, #tpu.memory_space<vmem>>, vector<16xi32>,
          %get3A_375 = arith.index_cast %add3A_322 : i32 to index
          %get3A_376 = arith.constant 64 : index
          %get3A_377 = tpu.vector_load %arg7[%get3A_375, %get3A_376] {strides = array<i32>} : memref<40x128xi32, #tpu.memory_space<vmem>>, vector<16xi32>,
          %shift_right_logical3A_378 = arith.constant 16 : i32
          %shift_right_logical3A_379 = vector.broadcast %shift_right_logical3A_378 : i32 to vector<16xi32>
          %shift_right_logical3A_380 = arith.shrui %get3A_377, %shift_right_logical3A_379 : vector<16xi32>
          %and3A_381 = arith.constant 65535 : i32
          %and3A_382 = vector.broadcast %and3A_381 : i32 to vector<16xi32>
          %and3A_383 = arith.andi %get3A_377, %and3A_382 : vector<16xi32>
          %swap3A_384 = arith.constant 64 : index
          %swap3A_385 = tpu.vector_load %arg9[%swap3A_384] {strides = array<i32>} : memref<128xi32, #tpu.memory_space<vmem>>, vector<16xi32>,
          tpu.vector_store %arg9[%swap3A_384], %and3A_383 {strides = array<i32>} : memref<128xi32, #tpu.memory_space<vmem>>, vector<16xi32>,
          %swap3A_386 = arith.constant 64 : index
          %swap3A_387 = tpu.vector_load %arg11[%swap3A_386] {strides = array<i32>} : memref<128xi32, #tpu.memory_space<vmem>>, vector<16xi32>,
          tpu.vector_store %arg11[%swap3A_386], %shift_right_logical3A_380 {strides = array<i32>} : memref<128xi32, #tpu.memory_space<vmem>>, vector<16xi32>,
          %get3A_388 = arith.index_cast %add3A_322 : i32 to index
          %get3A_389 = arith.constant 80 : index
          %get3A_390 = tpu.vector_load %arg7[%get3A_388, %get3A_389] {strides = array<i32>} : memref<40x128xi32, #tpu.memory_space<vmem>>, vector<16xi32>,
          %shift_right_logical3A_391 = arith.constant 16 : i32
          %shift_right_logical3A_392 = vector.broadcast %shift_right_logical3A_391 : i32 to vector<16xi32>
          %shift_right_logical3A_393 = arith.shrui %get3A_390, %shift_right_logical3A_392 : vector<16xi32>
          %and3A_394 = arith.constant 65535 : i32
          %and3A_395 = vector.broadcast %and3A_394 : i32 to vector<16xi32>
          %and3A_396 = arith.andi %get3A_390, %and3A_395 : vector<16xi32>
          %swap3A_397 = arith.constant 80 : index
          %swap3A_398 = tpu.vector_load %arg9[%swap3A_397] {strides = array<i32>} : memref<128xi32, #tpu.memory_space<vmem>>, vector<16xi32>,
          tpu.vector_store %arg9[%swap3A_397], %and3A_396 {strides = array<i32>} : memref<128xi32, #tpu.memory_space<vmem>>, vector<16xi32>,
          %swap3A_399 = arith.constant 80 : index
          %swap3A_400 = tpu.vector_load %arg11[%swap3A_399] {strides = array<i32>} : memref<128xi32, #tpu.memory_space<vmem>>, vector<16xi32>,
          tpu.vector_store %arg11[%swap3A_399], %shift_right_logical3A_393 {strides = array<i32>} : memref<128xi32, #tpu.memory_space<vmem>>, vector<16xi32>,
          %get3A_401 = arith.index_cast %add3A_322 : i32 to index
          %get3A_402 = arith.constant 96 : index
          %get3A_403 = tpu.vector_load %arg7[%get3A_401, %get3A_402] {strides = array<i32>} : memref<40x128xi32, #tpu.memory_space<vmem>>, vector<16xi32>,
          %shift_right_logical3A_404 = arith.constant 16 : i32
          %shift_right_logical3A_405 = vector.broadcast %shift_right_logical3A_404 : i32 to vector<16xi32>
          %shift_right_logical3A_406 = arith.shrui %get3A_403, %shift_right_logical3A_405 : vector<16xi32>
          %and3A_407 = arith.constant 65535 : i32
          %and3A_408 = vector.broadcast %and3A_407 : i32 to vector<16xi32>
          %and3A_409 = arith.andi %get3A_403, %and3A_408 : vector<16xi32>
          %swap3A_410 = arith.constant 96 : index
          %swap3A_411 = tpu.vector_load %arg9[%swap3A_410] {strides = array<i32>} : memref<128xi32, #tpu.memory_space<vmem>>, vector<16xi32>,
          tpu.vector_store %arg9[%swap3A_410], %and3A_409 {strides = array<i32>} : memref<128xi32, #tpu.memory_space<vmem>>, vector<16xi32>,
          %swap3A_412 = arith.constant 96 : index
          %swap3A_413 = tpu.vector_load %arg11[%swap3A_412] {strides = array<i32>} : memref<128xi32, #tpu.memory_space<vmem>>, vector<16xi32>,
          tpu.vector_store %arg11[%swap3A_412], %shift_right_logical3A_406 {strides = array<i32>} : memref<128xi32, #tpu.memory_space<vmem>>, vector<16xi32>,
          %get3A_414 = arith.index_cast %add3A_322 : i32 to index
          %get3A_415 = arith.constant 112 : index
          %get3A_416 = tpu.vector_load %arg7[%get3A_414, %get3A_415] {strides = array<i32>} : memref<40x128xi32, #tpu.memory_space<vmem>>, vector<16xi32>,
          %shift_right_logical3A_417 = arith.constant 16 : i32
          %shift_right_logical3A_418 = vector.broadcast %shift_right_logical3A_417 : i32 to vector<16xi32>
          %shift_right_logical3A_419 = arith.shrui %get3A_416, %shift_right_logical3A_418 : vector<16xi32>
          %and3A_420 = arith.constant 65535 : i32
          %and3A_421 = vector.broadcast %and3A_420 : i32 to vector<16xi32>
          %and3A_422 = arith.andi %get3A_416, %and3A_421 : vector<16xi32>
          %swap3A_423 = arith.constant 112 : index
          %swap3A_424 = tpu.vector_load %arg9[%swap3A_423] {strides = array<i32>} : memref<128xi32, #tpu.memory_space<vmem>>, vector<16xi32>,
          tpu.vector_store %arg9[%swap3A_423], %and3A_422 {strides = array<i32>} : memref<128xi32, #tpu.memory_space<vmem>>, vector<16xi32>,
          %swap3A_425 = arith.constant 112 : index
          %swap3A_426 = tpu.vector_load %arg11[%swap3A_425] {strides = array<i32>} : memref<128xi32, #tpu.memory_space<vmem>>, vector<16xi32>,
          tpu.vector_store %arg11[%swap3A_425], %shift_right_logical3A_419 {strides = array<i32>} : memref<128xi32, #tpu.memory_space<vmem>>, vector<16xi32>,
          %dma_start3A_427 = arith.constant 0 : i32
          %dma_start3A_428 = arith.constant 0 : i32
          %dma_start3A_429 = tpu.memref_slice %arg2[%dma_start3A_427, %dma_start3A_428] : memref<10240x128xf32, #tpu.memory_space<hbm>> -> memref<10240x128xf32, #tpu.memory_space<hbm>>
          tpu.enqueue_indirect_dma source(%dma_start3A_429 : memref<10240x128xf32, #tpu.memory_space<hbm>>) target(%arg13 : memref<128x128xf32, #tpu.memory_space<vmem>>) offsets(%arg9 : memref<128xi32, #tpu.memory_space<vmem>>) semaphore(%arg15 : memref<!tpu.dma_semaphore, #tpu.memory_space<semaphore_mem>>)
        } else {
        }
      }
      %scan3A_265 = arith.constant 20 : i32
      %dma_wait3A = arith.constant 0 : i32
      %dma_wait3A_266 = arith.constant 0 : i32
      %dma_wait3A_267 = tpu.memref_slice %arg2[%dma_wait3A, %dma_wait3A_266] : memref<10240x128xf32, #tpu.memory_space<hbm>> -> memref<128x128xf32, #tpu.memory_space<hbm>>
      %dma_wait3A_268 = arith.constant 0 : i32
      %dma_wait3A_269 = arith.constant 0 : i32
      %dma_wait3A_270 = tpu.memref_slice %arg2[%dma_wait3A_268, %dma_wait3A_269] : memref<10240x128xf32, #tpu.memory_space<hbm>> -> memref<128x128xf32, #tpu.memory_space<hbm>>
      tpu.wait_dma2 semaphore(%arg16 : memref<!tpu.dma_semaphore, #tpu.memory_space<semaphore_mem>>) src(%dma_wait3A_270 : memref<128x128xf32, #tpu.memory_space<hbm>>) dst(%arg12 : memref<128x128xf32, #tpu.memory_space<vmem>>)
      %dma_wait3A_271 = arith.constant 0 : i32
      %dma_wait3A_272 = arith.constant 0 : i32
      %dma_wait3A_273 = tpu.memref_slice %arg2[%dma_wait3A_271, %dma_wait3A_272] : memref<10240x128xf32, #tpu.memory_space<hbm>> -> memref<128x128xf32, #tpu.memory_space<hbm>>
      %dma_wait3A_274 = arith.constant 0 : i32
      %dma_wait3A_275 = arith.constant 0 : i32
      %dma_wait3A_276 = tpu.memref_slice %arg2[%dma_wait3A_274, %dma_wait3A_275] : memref<10240x128xf32, #tpu.memory_space<hbm>> -> memref<128x128xf32, #tpu.memory_space<hbm>>
      tpu.wait_dma2 semaphore(%arg17 : memref<!tpu.dma_semaphore, #tpu.memory_space<semaphore_mem>>) src(%dma_wait3A_276 : memref<128x128xf32, #tpu.memory_space<hbm>>) dst(%arg13 : memref<128x128xf32, #tpu.memory_space<vmem>>)
    }
    %barrier3A_28 = arith.constant 0 : index
    tpu.barrier barrier_id(%barrier3A_28)
    %mul3A_29 = arith.constant 640 : i32
    %mul3A_30 = arith.muli %arg1, %mul3A_29 : i32
    %mul3A_31 = arith.constant 640 : i32
    %mul3A_32 = arith.muli %arg1, %mul3A_31 : i32
    "tpu.region"() ({
      %run_scoped3A = tpu.sem_alloc : memref<!tpu.dma_semaphore, #tpu.memory_space<semaphore_mem>>
      %dma_start3A = arith.constant 0 : i32
      %dma_start3A_33 = arith.constant 0 : i32
      %dma_start3A_34 = tpu.memref_slice %arg5[%arg0, %dma_start3A, %dma_start3A_33] : memref<2x10240x128xf32, #tpu.memory_space<hbm>> -> memref<1x10240x128xf32, #tpu.memory_space<hbm>>
      %dma_start3A_35 = tpu.memref_squeeze %dma_start3A_34 : memref<1x10240x128xf32, #tpu.memory_space<hbm>> -> memref<10240x128xf32, #tpu.memory_space<hbm>>
      %dma_start3A_36 = arith.constant 0 : i32
      %dma_start3A_37 = tpu.memref_slice %dma_start3A_35[%mul3A_32, %dma_start3A_36] : memref<10240x128xf32, #tpu.memory_space<hbm>> -> memref<640x128xf32, #tpu.memory_space<hbm>>
      %dma_start3A_38 = arith.constant 0 : i32
      %dma_start3A_39 = tpu.memref_slice %arg6[%mul3A_30, %dma_start3A_38] : memref<10240x128xf32, #tpu.memory_space<vmem_shared>> -> memref<640x128xf32, #tpu.memory_space<vmem_shared>>
      tpu.enqueue_dma source(%dma_start3A_39 : memref<640x128xf32, #tpu.memory_space<vmem_shared>>) target(%dma_start3A_37 : memref<640x128xf32, #tpu.memory_space<hbm>>) target_semaphore(%run_scoped3A : memref<!tpu.dma_semaphore, #tpu.memory_space<semaphore_mem>>)
      %dma_wait3A = arith.constant 0 : i32
      %dma_wait3A_40 = arith.constant 0 : i32
      %dma_wait3A_41 = tpu.memref_slice %arg5[%arg0, %dma_wait3A, %dma_wait3A_40] : memref<2x10240x128xf32, #tpu.memory_space<hbm>> -> memref<1x10240x128xf32, #tpu.memory_space<hbm>>
      %dma_wait3A_42 = tpu.memref_squeeze %dma_wait3A_41 : memref<1x10240x128xf32, #tpu.memory_space<hbm>> -> memref<10240x128xf32, #tpu.memory_space<hbm>>
      %dma_wait3A_43 = arith.constant 0 : i32
      %dma_wait3A_44 = tpu.memref_slice %dma_wait3A_42[%mul3A_32, %dma_wait3A_43] : memref<10240x128xf32, #tpu.memory_space<hbm>> -> memref<640x128xf32, #tpu.memory_space<hbm>>
      %dma_wait3A_45 = arith.constant 0 : i32
      %dma_wait3A_46 = tpu.memref_slice %arg6[%mul3A_30, %dma_wait3A_45] : memref<10240x128xf32, #tpu.memory_space<vmem_shared>> -> memref<640x128xf32, #tpu.memory_space<vmem_shared>>
      tpu.wait_dma2 semaphore(%run_scoped3A : memref<!tpu.dma_semaphore, #tpu.memory_space<semaphore_mem>>) src(%dma_wait3A_46 : memref<640x128xf32, #tpu.memory_space<vmem_shared>>) dst(%dma_wait3A_44 : memref<640x128xf32, #tpu.memory_space<hbm>>)
      tpu.yield
    }) : () -> ()
    return
  }
}

module attributes {stable_mosaic.version = 14 : i64} {
  func.func @_tc1_body(%arg0: i32, %arg1: memref<2x8x128x128xf32, #tpu.memory_space<vmem>>, %arg2: memref<32x8x128xf32, #tpu.memory_space<vmem>>, %arg3: memref<1024x128xf32, #tpu.memory_space<vmem>>, %arg4: memref<128x128xf32, #tpu.memory_space<vmem>>, %arg5: memref<128x128xf32, #tpu.memory_space<vmem>>, %arg6: memref<1x128xf32, #tpu.memory_space<vmem>>, %arg7: memref<1024x128xf32, #tpu.memory_space<vmem>>, %arg8: memref<8x128xf32, #tpu.memory_space<vmem>>) attributes {dimension_semantics = [#tpu.dimension_semantics<arbitrary>], iteration_bounds = array<i64: 10>, scalar_prefetch = 0 : i64, scratch_operands = 0 : i64, tpu.core_type = #tpu.core_type<tc>, window_params = [{transform_indices = @transform_0, window_bounds = array<i64: 2, 8, 128, 128>}, {transform_indices = @transform_1, window_bounds = array<i64: 32, 8, 128>}, {transform_indices = @transform_2, window_bounds = array<i64: 1024, 128>}, {pipeline_mode = #tpu.pipeline_mode<synchronous>, transform_indices = @transform_3, window_bounds = array<i64: 128, 128>}, {pipeline_mode = #tpu.pipeline_mode<synchronous>, transform_indices = @transform_4, window_bounds = array<i64: 128, 128>}, {pipeline_mode = #tpu.pipeline_mode<synchronous>, transform_indices = @transform_5, window_bounds = array<i64: 1, 128>}, {transform_indices = @transform_6, window_bounds = array<i64: 1024, 128>}, {transform_indices = @transform_7, window_bounds = array<i64: 8, 128>}]} {
    %get3A = arith.constant 0 : index
    %get3A_0 = arith.constant 0 : index
    %get3A_1 = arith.constant 0 : index
    %get3A_2 = arith.constant 0 : index
    %get3A_3 = vector.load %arg1[%get3A, %get3A_0, %get3A_1, %get3A_2] : memref<2x8x128x128xf32, #tpu.memory_space<vmem>>, vector<1x8x128x128xf32>
    %get3A_4 = vector.shape_cast %get3A_3 : vector<1x8x128x128xf32> to vector<8x128x128xf32>
    %get3A_5 = arith.constant 1 : index
    %get3A_6 = arith.constant 0 : index
    %get3A_7 = arith.constant 0 : index
    %get3A_8 = arith.constant 0 : index
    %get3A_9 = vector.load %arg1[%get3A_5, %get3A_6, %get3A_7, %get3A_8] : memref<2x8x128x128xf32, #tpu.memory_space<vmem>>, vector<1x8x128x128xf32>
    %get3A_10 = vector.shape_cast %get3A_9 : vector<1x8x128x128xf32> to vector<8x128x128xf32>
    %add3A = arith.addf %get3A_4, %get3A_10 : vector<8x128x128xf32>
    %get3A_11 = arith.constant 0 : index
    %get3A_12 = arith.constant 0 : index
    %get3A_13 = arith.constant 0 : index
    %get3A_14 = vector.load %arg2[%get3A_11, %get3A_12, %get3A_13] : memref<32x8x128xf32, #tpu.memory_space<vmem>>, vector<32x8x128xf32>
    %reduce_sum3A = arith.constant dense<0.000000e+00> : vector<8x128xf32>
    %reduce_sum3A_15 = vector.multi_reduction <add>, %get3A_14, %reduce_sum3A [0] : vector<32x8x128xf32> to vector<8x128xf32>
    %max3A = arith.constant 1.000000e+00 : f32
    %max3A_16 = vector.broadcast %max3A : f32 to vector<8x128xf32>
    %max3A_17 = arith.maximumf %reduce_sum3A_15, %max3A_16 : vector<8x128xf32>
    %div3A = arith.constant 1.000000e+00 : f32
    %div3A_18 = vector.broadcast %div3A : f32 to vector<8x128xf32>
    %div3A_19 = arith.divf %div3A_18, %max3A_17 : vector<8x128xf32>
    %broadcast_in_dim3A = vector.shape_cast %div3A_19 : vector<8x128xf32> to vector<8x128x1xf32>
    %mul3A = vector.broadcast %broadcast_in_dim3A : vector<8x128x1xf32> to vector<8x128x128xf32>
    %mul3A_20 = arith.mulf %add3A, %mul3A : vector<8x128x128xf32>
    %reshape3A = vector.shape_cast %mul3A_20 : vector<8x128x128xf32> to vector<1024x128xf32>
    %get3A_21 = arith.constant 0 : index
    %get3A_22 = arith.constant 0 : index
    %get3A_23 = vector.load %arg4[%get3A_21, %get3A_22] : memref<128x128xf32, #tpu.memory_space<vmem>>, vector<128x128xf32>
    %dot_general3A = arith.constant dense<0.000000e+00> : vector<1024x128xf32>
    %dot_general3A_24 = tpu.matmul %reshape3A, %get3A_23, %dot_general3A {dimension_numbers = #tpu.dot_dimension_numbers<[1], [0], [0], [1], [0, 0, 1, 1], [], []>, transpose_lhs_hint = false} : vector<1024x128xf32>, vector<128x128xf32>, vector<1024x128xf32> -> vector<1024x128xf32>
    %get3A_25 = arith.constant 0 : index
    %get3A_26 = arith.constant 0 : index
    %get3A_27 = vector.load %arg3[%get3A_25, %get3A_26] : memref<1024x128xf32, #tpu.memory_space<vmem>>, vector<1024x128xf32>
    %get3A_28 = arith.constant 0 : index
    %get3A_29 = arith.constant 0 : index
    %get3A_30 = vector.load %arg5[%get3A_28, %get3A_29] : memref<128x128xf32, #tpu.memory_space<vmem>>, vector<128x128xf32>
    %dot_general3A_31 = arith.constant dense<0.000000e+00> : vector<1024x128xf32>
    %dot_general3A_32 = tpu.matmul %get3A_27, %get3A_30, %dot_general3A_31 {dimension_numbers = #tpu.dot_dimension_numbers<[1], [0], [0], [1], [0, 0, 1, 1], [], []>, transpose_lhs_hint = false} : vector<1024x128xf32>, vector<128x128xf32>, vector<1024x128xf32> -> vector<1024x128xf32>
    %add3A_33 = arith.addf %dot_general3A_24, %dot_general3A_32 : vector<1024x128xf32>
    %get3A_34 = arith.constant 0 : index
    %get3A_35 = arith.constant 0 : index
    %get3A_36 = vector.load %arg6[%get3A_34, %get3A_35] : memref<1x128xf32, #tpu.memory_space<vmem>>, vector<1x128xf32>
    %add3A_37 = vector.broadcast %get3A_36 : vector<1x128xf32> to vector<1024x128xf32>
    %add3A_38 = arith.addf %add3A_33, %add3A_37 : vector<1024x128xf32>
    %max3A_39 = arith.constant 0.000000e+00 : f32
    %max3A_40 = vector.broadcast %max3A_39 : f32 to vector<1024x128xf32>
    %max3A_41 = arith.maximumf %add3A_38, %max3A_40 : vector<1024x128xf32>
    %swap3A = arith.constant 0 : index
    %swap3A_42 = arith.constant 0 : index
    %swap3A_43 = vector.load %arg7[%swap3A, %swap3A_42] : memref<1024x128xf32, #tpu.memory_space<vmem>>, vector<1024x128xf32>
    tpu.vector_store %arg7[%swap3A, %swap3A_42], %max3A_41 {strides = array<i32>} : memref<1024x128xf32, #tpu.memory_space<vmem>>, vector<1024x128xf32>,
    %swap3A_44 = arith.constant 0 : index
    %swap3A_45 = arith.constant 0 : index
    %swap3A_46 = vector.load %arg8[%swap3A_44, %swap3A_45] : memref<8x128xf32, #tpu.memory_space<vmem>>, vector<8x128xf32>
    tpu.vector_store %arg8[%swap3A_44, %swap3A_45], %div3A_19 {strides = array<i32>} : memref<8x128xf32, #tpu.memory_space<vmem>>, vector<8x128xf32>,
    return
  }
  func.func @transform_0(%arg0: i32) -> (i32, i32, i32, i32) {
    %c0_i32 = arith.constant 0 : i32
    %c0_i32_0 = arith.constant 0 : i32
    %c0_i32_1 = arith.constant 0 : i32
    %c0_i32_2 = arith.constant 0 : i32
    return %c0_i32, %arg0, %c0_i32_0, %c0_i32_1 : i32, i32, i32, i32
  }
  func.func @transform_1(%arg0: i32) -> (i32, i32, i32) {
    %c0_i32 = arith.constant 0 : i32
    %c0_i32_0 = arith.constant 0 : i32
    %c0_i32_1 = arith.constant 0 : i32
    return %c0_i32, %arg0, %c0_i32_0 : i32, i32, i32
  }
  func.func @transform_2(%arg0: i32) -> (i32, i32) {
    %c0_i32 = arith.constant 0 : i32
    %c0_i32_0 = arith.constant 0 : i32
    return %arg0, %c0_i32 : i32, i32
  }
  func.func @transform_3(%arg0: i32) -> (i32, i32) {
    %c0_i32 = arith.constant 0 : i32
    %c0_i32_0 = arith.constant 0 : i32
    %c0_i32_1 = arith.constant 0 : i32
    return %c0_i32, %c0_i32_0 : i32, i32
  }
  func.func @transform_4(%arg0: i32) -> (i32, i32) {
    %c0_i32 = arith.constant 0 : i32
    %c0_i32_0 = arith.constant 0 : i32
    %c0_i32_1 = arith.constant 0 : i32
    return %c0_i32, %c0_i32_0 : i32, i32
  }
  func.func @transform_5(%arg0: i32) -> (i32, i32) {
    %c0_i32 = arith.constant 0 : i32
    %c0_i32_0 = arith.constant 0 : i32
    %c0_i32_1 = arith.constant 0 : i32
    return %c0_i32, %c0_i32_0 : i32, i32
  }
  func.func @transform_6(%arg0: i32) -> (i32, i32) {
    %c0_i32 = arith.constant 0 : i32
    %c0_i32_0 = arith.constant 0 : i32
    return %arg0, %c0_i32 : i32, i32
  }
  func.func @transform_7(%arg0: i32) -> (i32, i32) {
    %c0_i32 = arith.constant 0 : i32
    %c0_i32_0 = arith.constant 0 : i32
    return %arg0, %c0_i32 : i32, i32
  }
}

module attributes {stable_mosaic.version = 14 : i64} {
  func.func @_tc2_body(%arg0: i32, %arg1: memref<2x8x128x128xf32, #tpu.memory_space<vmem>>, %arg2: memref<1024x128xf32, #tpu.memory_space<vmem>>, %arg3: memref<8x128xf32, #tpu.memory_space<vmem>>, %arg4: memref<128x128xf32, #tpu.memory_space<vmem>>, %arg5: memref<128x128xf32, #tpu.memory_space<vmem>>, %arg6: memref<1x128xf32, #tpu.memory_space<vmem>>, %arg7: memref<128x128xf32, #tpu.memory_space<vmem>>, %arg8: memref<1x128xf32, #tpu.memory_space<vmem>>, %arg9: memref<1024x128xf32, #tpu.memory_space<vmem>>, %arg10: memref<1024x128xf32, #tpu.memory_space<vmem>>) attributes {dimension_semantics = [#tpu.dimension_semantics<arbitrary>], iteration_bounds = array<i64: 10>, scalar_prefetch = 0 : i64, scratch_operands = 0 : i64, tpu.core_type = #tpu.core_type<tc>, window_params = [{transform_indices = @transform_0, window_bounds = array<i64: 2, 8, 128, 128>}, {transform_indices = @transform_1, window_bounds = array<i64: 1024, 128>}, {transform_indices = @transform_2, window_bounds = array<i64: 8, 128>}, {pipeline_mode = #tpu.pipeline_mode<synchronous>, transform_indices = @transform_3, window_bounds = array<i64: 128, 128>}, {pipeline_mode = #tpu.pipeline_mode<synchronous>, transform_indices = @transform_4, window_bounds = array<i64: 128, 128>}, {pipeline_mode = #tpu.pipeline_mode<synchronous>, transform_indices = @transform_5, window_bounds = array<i64: 1, 128>}, {pipeline_mode = #tpu.pipeline_mode<synchronous>, transform_indices = @transform_6, window_bounds = array<i64: 128, 128>}, {pipeline_mode = #tpu.pipeline_mode<synchronous>, transform_indices = @transform_7, window_bounds = array<i64: 1, 128>}, {transform_indices = @transform_8, window_bounds = array<i64: 1024, 128>}, {transform_indices = @transform_9, window_bounds = array<i64: 1024, 128>}]} {
    %get3A = arith.constant 0 : index
    %get3A_0 = arith.constant 0 : index
    %get3A_1 = arith.constant 0 : index
    %get3A_2 = arith.constant 0 : index
    %get3A_3 = vector.load %arg1[%get3A, %get3A_0, %get3A_1, %get3A_2] : memref<2x8x128x128xf32, #tpu.memory_space<vmem>>, vector<1x8x128x128xf32>
    %get3A_4 = vector.shape_cast %get3A_3 : vector<1x8x128x128xf32> to vector<8x128x128xf32>
    %get3A_5 = arith.constant 1 : index
    %get3A_6 = arith.constant 0 : index
    %get3A_7 = arith.constant 0 : index
    %get3A_8 = arith.constant 0 : index
    %get3A_9 = vector.load %arg1[%get3A_5, %get3A_6, %get3A_7, %get3A_8] : memref<2x8x128x128xf32, #tpu.memory_space<vmem>>, vector<1x8x128x128xf32>
    %get3A_10 = vector.shape_cast %get3A_9 : vector<1x8x128x128xf32> to vector<8x128x128xf32>
    %add3A = arith.addf %get3A_4, %get3A_10 : vector<8x128x128xf32>
    %get3A_11 = arith.constant 0 : index
    %get3A_12 = arith.constant 0 : index
    %get3A_13 = vector.load %arg3[%get3A_11, %get3A_12] : memref<8x128xf32, #tpu.memory_space<vmem>>, vector<8x128xf32>
    %broadcast_in_dim3A = vector.shape_cast %get3A_13 : vector<8x128xf32> to vector<8x128x1xf32>
    %mul3A = vector.broadcast %broadcast_in_dim3A : vector<8x128x1xf32> to vector<8x128x128xf32>
    %mul3A_14 = arith.mulf %add3A, %mul3A : vector<8x128x128xf32>
    %reshape3A = vector.shape_cast %mul3A_14 : vector<8x128x128xf32> to vector<1024x128xf32>
    %get3A_15 = arith.constant 0 : index
    %get3A_16 = arith.constant 0 : index
    %get3A_17 = vector.load %arg4[%get3A_15, %get3A_16] : memref<128x128xf32, #tpu.memory_space<vmem>>, vector<128x128xf32>
    %dot_general3A = arith.constant dense<0.000000e+00> : vector<1024x128xf32>
    %dot_general3A_18 = tpu.matmul %reshape3A, %get3A_17, %dot_general3A {dimension_numbers = #tpu.dot_dimension_numbers<[1], [0], [0], [1], [0, 0, 1, 1], [], []>, transpose_lhs_hint = false} : vector<1024x128xf32>, vector<128x128xf32>, vector<1024x128xf32> -> vector<1024x128xf32>
    %get3A_19 = arith.constant 0 : index
    %get3A_20 = arith.constant 0 : index
    %get3A_21 = vector.load %arg2[%get3A_19, %get3A_20] : memref<1024x128xf32, #tpu.memory_space<vmem>>, vector<1024x128xf32>
    %get3A_22 = arith.constant 0 : index
    %get3A_23 = arith.constant 0 : index
    %get3A_24 = vector.load %arg5[%get3A_22, %get3A_23] : memref<128x128xf32, #tpu.memory_space<vmem>>, vector<128x128xf32>
    %dot_general3A_25 = arith.constant dense<0.000000e+00> : vector<1024x128xf32>
    %dot_general3A_26 = tpu.matmul %get3A_21, %get3A_24, %dot_general3A_25 {dimension_numbers = #tpu.dot_dimension_numbers<[1], [0], [0], [1], [0, 0, 1, 1], [], []>, transpose_lhs_hint = false} : vector<1024x128xf32>, vector<128x128xf32>, vector<1024x128xf32> -> vector<1024x128xf32>
    %add3A_27 = arith.addf %dot_general3A_18, %dot_general3A_26 : vector<1024x128xf32>
    %get3A_28 = arith.constant 0 : index
    %get3A_29 = arith.constant 0 : index
    %get3A_30 = vector.load %arg6[%get3A_28, %get3A_29] : memref<1x128xf32, #tpu.memory_space<vmem>>, vector<1x128xf32>
    %add3A_31 = vector.broadcast %get3A_30 : vector<1x128xf32> to vector<1024x128xf32>
    %add3A_32 = arith.addf %add3A_27, %add3A_31 : vector<1024x128xf32>
    %max3A = arith.constant 0.000000e+00 : f32
    %max3A_33 = vector.broadcast %max3A : f32 to vector<1024x128xf32>
    %max3A_34 = arith.maximumf %add3A_32, %max3A_33 : vector<1024x128xf32>
    %get3A_35 = arith.constant 0 : index
    %get3A_36 = arith.constant 0 : index
    %get3A_37 = vector.load %arg7[%get3A_35, %get3A_36] : memref<128x128xf32, #tpu.memory_space<vmem>>, vector<128x128xf32>
    %dot_general3A_38 = arith.constant dense<0.000000e+00> : vector<1024x128xf32>
    %dot_general3A_39 = tpu.matmul %max3A_34, %get3A_37, %dot_general3A_38 {dimension_numbers = #tpu.dot_dimension_numbers<[1], [0], [0], [1], [0, 0, 1, 1], [], []>, transpose_lhs_hint = false} : vector<1024x128xf32>, vector<128x128xf32>, vector<1024x128xf32> -> vector<1024x128xf32>
    %get3A_40 = arith.constant 0 : index
    %get3A_41 = arith.constant 0 : index
    %get3A_42 = vector.load %arg8[%get3A_40, %get3A_41] : memref<1x128xf32, #tpu.memory_space<vmem>>, vector<1x128xf32>
    %add3A_43 = vector.broadcast %get3A_42 : vector<1x128xf32> to vector<1024x128xf32>
    %add3A_44 = arith.addf %dot_general3A_39, %add3A_43 : vector<1024x128xf32>
    %slice3A = vector.extract_strided_slice %add3A_44 {offsets = [0, 0], sizes = [1024, 1], strides = [1, 1]} : vector<1024x128xf32> to vector<1024x1xf32>
    %slice3A_45 = vector.extract_strided_slice %add3A_44 {offsets = [0, 1], sizes = [1024, 1], strides = [1, 1]} : vector<1024x128xf32> to vector<1024x1xf32>
    %logistic3A = arith.negf %slice3A_45 : vector<1024x1xf32>
    %logistic3A_46 = math.exp %logistic3A : vector<1024x1xf32>
    %logistic3A_47 = arith.constant 1.000000e+00 : f32
    %logistic3A_48 = vector.broadcast %logistic3A_47 : f32 to vector<1024x1xf32>
    %logistic3A_49 = arith.addf %logistic3A_48, %logistic3A_46 : vector<1024x1xf32>
    %logistic3A_50 = arith.divf %logistic3A_48, %logistic3A_49 : vector<1024x1xf32>
    %sub3A = arith.subf %slice3A, %logistic3A_50 : vector<1024x1xf32>
    %broadcast_in_dim3A_51 = vector.shape_cast %sub3A : vector<1024x1xf32> to vector<1024x1xf32>
    %broadcast_in_dim3A_52 = vector.broadcast %broadcast_in_dim3A_51 : vector<1024x1xf32> to vector<1024x128xf32>
    %swap3A = arith.constant 0 : index
    %swap3A_53 = arith.constant 0 : index
    %swap3A_54 = vector.load %arg9[%swap3A, %swap3A_53] : memref<1024x128xf32, #tpu.memory_space<vmem>>, vector<1024x128xf32>
    tpu.vector_store %arg9[%swap3A, %swap3A_53], %broadcast_in_dim3A_52 {strides = array<i32>} : memref<1024x128xf32, #tpu.memory_space<vmem>>, vector<1024x128xf32>,
    %add3A_55 = arith.addf %slice3A, %logistic3A_50 : vector<1024x1xf32>
    %broadcast_in_dim3A_56 = vector.shape_cast %add3A_55 : vector<1024x1xf32> to vector<1024x1xf32>
    %broadcast_in_dim3A_57 = vector.broadcast %broadcast_in_dim3A_56 : vector<1024x1xf32> to vector<1024x128xf32>
    %swap3A_58 = arith.constant 0 : index
    %swap3A_59 = arith.constant 0 : index
    %swap3A_60 = vector.load %arg10[%swap3A_58, %swap3A_59] : memref<1024x128xf32, #tpu.memory_space<vmem>>, vector<1024x128xf32>
    tpu.vector_store %arg10[%swap3A_58, %swap3A_59], %broadcast_in_dim3A_57 {strides = array<i32>} : memref<1024x128xf32, #tpu.memory_space<vmem>>, vector<1024x128xf32>,
    return
  }
  func.func @transform_0(%arg0: i32) -> (i32, i32, i32, i32) {
    %c0_i32 = arith.constant 0 : i32
    %c0_i32_0 = arith.constant 0 : i32
    %c0_i32_1 = arith.constant 0 : i32
    %c0_i32_2 = arith.constant 0 : i32
    return %c0_i32, %arg0, %c0_i32_0, %c0_i32_1 : i32, i32, i32, i32
  }
  func.func @transform_1(%arg0: i32) -> (i32, i32) {
    %c0_i32 = arith.constant 0 : i32
    %c0_i32_0 = arith.constant 0 : i32
    return %arg0, %c0_i32 : i32, i32
  }
  func.func @transform_2(%arg0: i32) -> (i32, i32) {
    %c0_i32 = arith.constant 0 : i32
    %c0_i32_0 = arith.constant 0 : i32
    return %arg0, %c0_i32 : i32, i32
  }
  func.func @transform_3(%arg0: i32) -> (i32, i32) {
    %c0_i32 = arith.constant 0 : i32
    %c0_i32_0 = arith.constant 0 : i32
    %c0_i32_1 = arith.constant 0 : i32
    return %c0_i32, %c0_i32_0 : i32, i32
  }
  func.func @transform_4(%arg0: i32) -> (i32, i32) {
    %c0_i32 = arith.constant 0 : i32
    %c0_i32_0 = arith.constant 0 : i32
    %c0_i32_1 = arith.constant 0 : i32
    return %c0_i32, %c0_i32_0 : i32, i32
  }
  func.func @transform_5(%arg0: i32) -> (i32, i32) {
    %c0_i32 = arith.constant 0 : i32
    %c0_i32_0 = arith.constant 0 : i32
    %c0_i32_1 = arith.constant 0 : i32
    return %c0_i32, %c0_i32_0 : i32, i32
  }
  func.func @transform_6(%arg0: i32) -> (i32, i32) {
    %c0_i32 = arith.constant 0 : i32
    %c0_i32_0 = arith.constant 0 : i32
    %c0_i32_1 = arith.constant 0 : i32
    return %c0_i32, %c0_i32_0 : i32, i32
  }
  func.func @transform_7(%arg0: i32) -> (i32, i32) {
    %c0_i32 = arith.constant 0 : i32
    %c0_i32_0 = arith.constant 0 : i32
    %c0_i32_1 = arith.constant 0 : i32
    return %c0_i32, %c0_i32_0 : i32, i32
  }
  func.func @transform_8(%arg0: i32) -> (i32, i32) {
    %c0_i32 = arith.constant 0 : i32
    %c0_i32_0 = arith.constant 0 : i32
    return %arg0, %c0_i32 : i32, i32
  }
  func.func @transform_9(%arg0: i32) -> (i32, i32) {
    %c0_i32 = arith.constant 0 : i32
    %c0_i32_0 = arith.constant 0 : i32
    return %arg0, %c0_i32 : i32, i32
  }
}

</mosaic_0001>

<sc_bundles>
// kernel: kernel.6.cloned.1.call-start
scs
__scs_entry_jumppad:
0x0: {  	(pc) =	sbr.rel $0x88, $3  }
0x1: {  	(tag) =	ssettag $0x0;
	lr =	simm.s32 $0x1  }
0x2: {  	[smem:$0x3F95] =	sst lr;
	_ =	strace $0xD0000000  }
0x3: {  	_ = 	snop  }
0x4: {  	_ = 	snop  }
0x5: {  	_ = 	snop  }
0x6: {  	_ = 	snop  }
0x7: {  	_ = 	snop  }
__scs_overlays_trampoline_lowered:
0x8: {  	[smem:$0x3FA4] =	sst s0  }
0x9: {  	[smem:$0x3FA5] =	sst s1  }
0xa: {  	[smem:$0x3FA6] =	sst s2  }
0xb: {  	[smem:$0x3FA7] =	sst s3  }
0xc: {  	[smem:$0x3FA8] =	sst s4  }
0xd: {  	[smem:$0x3FA9] =	sst s5  }
0xe: {  	[smem:$0x3FAA] =	sst s6  }
0xf: {  	[smem:$0x3FAB] =	sst s7  }
0x10: {  	[smem:$0x3FAC] =	sst s8  }
0x11: {  	[smem:$0x3FAD] =	sst s9;
	s0 =	simm.s32 @!p0 $0x0  }
0x12: {  	s1 =	sld [smem:$0x3F93];
	s0 =	simm.s32 @p0 $0x1  }
0x13: {  	[smem:$0x3FAE] =	sst s0;
	s0 =	simm.s32 @!p1 $0x0  }
0x14: {  	s2 =	sld [smem:$0x3F92];
	s0 =	simm.s32 @p1 $0x1  }
0x15: {  	[smem:$0x3FAF] =	sst s0;
	s0 =	simm.s32 @!p2 $0x0  }
0x16: {  	s3 =	sld [smem:$0x3FDB];
	s0 =	simm.s32 @p2 $0x1  }
0x17: {  	s4 =	simm.s32 $0x1BF5;
	[smem:$0x3FB1] =	sst s0  }
0x18: {  	s0 =	sld [smem:$0x3F94];
	_ =	swait.ge [sflag:s4], $0x0  }
0x19: {  	s7 =	sld [smem:$0x3F95]  }
0x1a: {  	s8 =	sadd.s32 $0xFFFFE003, lr  }
0x1b: {  	s9 =	sadd.s32 $0xFFFFFEF7, lr;
	s5 =	simm.s32 $0xFFFFFFFF;
	p2 =	slt.u32 s8, $0xFFFFF086  }
0x1c: {  	p1 =	slt.u32 s9, $0xF7A;
	s5 =	simm.s32 @!p2 $0x0  }
0x1d: {  	s5 =	simm.s32 @p1 $0x1;
	p0 =	seq.s32 s7, s2  }
0x1e: {  	s7 =	smul.u32 @!p0 $0xF7A, s2;
	p2 =	seq.s32 @!p0 s5, $0x0  }
0x1f: {  	s9 =	smul.u32 $0xF7A, s1;
	s8 =	simm.s32 @!p0 $0x1BF5;
	p2 =	por !p2, p0  }
0x20: {  	[sflag:s8] =	ssyncset.s32 @!p0 $0xFFFFF086;
	s6 =	sadd.s32 @!p0 s3, s7;
	s7 =	simm.s32 @!p0 $0x108  }
0x21: {  	s3 =	sadd.s32 s3, s9;
	s6 =	sadd.s32 @!p0 $0x88, s6;
	s7 =	simm.s32 @p2 $0x1082  }
0x22: {  	[simem:s7], [sflag:s8] =	dma.local @!p0 [hbm:s6], $0xF7A  }
0x23: {  	s9 =	sor.u32 $0xD0000000, s2;
	s6 =	simm.s32 $0x108;
	_ =	swait.ge @!p0 [sflag:s8], $0x0  }
0x24: {  	s3 =	sadd.s32 $0x88, s3;
	s6 =	simm.s32 @!p1 $0x1082;
	[sflag:s4] =	ssyncset.s32 $0xFFFFF086  }
0x25: {  	[simem:s6], [sflag:s4] =	dma.local [hbm:s3], $0xF7A  }
0x26: {  	[smem:$0x3F95] =	sst s1;
	(tag) =	ssettag s2;
	_ =	strace s9  }
0x27: {  	s1 =	sld [smem:$0x3FA5]  }
0x28: {  	s2 =	sld [smem:$0x3FA6]  }
0x29: {  	s4 =	sld [smem:$0x3FA8]  }
0x2a: {  	p0 =	seq.s32 s5, $0x0;
	s5 =	sld [smem:$0x3FA9]  }
0x2b: {  	s6 =	sld [smem:$0x3FAA]  }
0x2c: {  	s7 =	sld [smem:$0x3FAB]  }
0x2d: {  	s3 =	simm.s32 $0x108;
	s8 =	sld [smem:$0x3FAC]  }
0x2e: {  	s3 =	simm.s32 @!p0 $0x1082;
	s9 =	sld [smem:$0x3FAD]  }
0x2f: {  	lr =	sadd.s32 s0, s3;
	s0 =	sld [smem:$0x3FA4]  }
0x30: {  	s3 =	sld [smem:$0x3FA7]  }
0x31: {  	[smem:$0x3FB0] =	sst s10  }
0x32: {  	s10 =	sld [smem:$0x3FAE];
	_ =	sdelay $0x3  }
0x33: {  	p0 =	seq.s32 s10, $0x1;
	s10 =	sld [smem:$0x3FB0];
	_ =	sdelay $0x3  }
0x34: {  	[smem:$0x3FB0] =	sst s10  }
0x35: {  	s10 =	sld [smem:$0x3FAF];
	_ =	sdelay $0x3  }
0x36: {  	p1 =	seq.s32 s10, $0x1;
	s10 =	sld [smem:$0x3FB0];
	_ =	sdelay $0x3  }
0x37: {  	[smem:$0x3FB0] =	sst s10  }
0x38: {  	s10 =	sld [smem:$0x3FB1]  }
0x39: {  	_ = 	snop;
	(pc) =	sbr.ind lr, $3  }
0x3a: {  	_ = 	snop  }
0x3b: {  	_ = 	snop  }
0x3c: {  	p2 =	seq.s32 s10, $0x1;
	s10 =	sld [smem:$0x3FB0]  }
0x3d: {  	_ =	shalt  }
0x3e: {  	_ =	shalt  }
0x3f: {  	_ =	shalt  }
0x40: {  	_ =	shalt  }
0x41: {  	_ =	shalt  }
0x42: {  	_ =	shalt  }
0x43: {  	_ =	shalt  }
0x44: {  	_ =	shalt  }
0x45: {  	_ =	shalt  }
0x46: {  	_ =	shalt  }
0x47: {  	_ =	shalt  }
0x48: {  	_ =	shalt  }
0x49: {  	_ =	shalt  }
0x4a: {  	_ =	shalt  }
0x4b: {  	_ =	shalt  }
0x4c: {  	_ =	shalt  }
0x4d: {  	_ =	shalt  }
0x4e: {  	_ =	shalt  }
0x4f: {  	_ =	shalt  }
0x50: {  	_ =	shalt  }
0x51: {  	_ =	shalt  }
0x52: {  	_ =	shalt  }
0x53: {  	_ =	shalt  }
0x54: {  	_ =	shalt  }
0x55: {  	_ =	shalt  }
0x56: {  	_ =	shalt  }
0x57: {  	_ =	shalt  }
0x58: {  	_ =	shalt  }
0x59: {  	_ =	shalt  }
0x5a: {  	_ =	shalt  }
0x5b: {  	_ =	shalt  }
0x5c: {  	_ =	shalt  }
0x5d: {  	_ =	shalt  }
0x5e: {  	_ =	shalt  }
0x5f: {  	_ =	shalt  }
0x60: {  	_ =	shalt  }
0x61: {  	_ =	shalt  }
0x62: {  	_ =	shalt  }
0x63: {  	_ =	shalt  }
0x64: {  	_ =	shalt  }
0x65: {  	_ =	shalt  }
0x66: {  	_ =	shalt  }
0x67: {  	_ =	shalt  }
0x68: {  	_ =	shalt  }
0x69: {  	_ =	shalt  }
0x6a: {  	_ =	shalt  }
0x6b: {  	_ =	shalt  }
0x6c: {  	_ =	shalt  }
0x6d: {  	_ =	shalt  }
0x6e: {  	_ =	shalt  }
0x6f: {  	_ =	shalt  }
0x70: {  	_ =	shalt  }
0x71: {  	_ =	shalt  }
0x72: {  	_ =	shalt  }
0x73: {  	_ =	shalt  }
0x74: {  	_ =	shalt  }
0x75: {  	_ =	shalt  }
0x76: {  	_ =	shalt  }
0x77: {  	_ =	shalt  }
0x78: {  	_ =	shalt  }
0x79: {  	_ =	shalt  }
0x7a: {  	_ =	shalt  }
0x7b: {  	_ =	shalt  }
0x7c: {  	_ =	shalt  }
0x7d: {  	_ =	shalt  }
0x7e: {  	_ =	shalt  }
0x7f: {  	_ =	shalt  }
0x80: {  	_ =	shalt  }
0x81: {  	_ =	shalt  }
0x82: {  	_ =	shalt  }
0x83: {  	_ =	shalt  }
0x84: {  	_ =	shalt  }
0x85: {  	_ =	shalt  }
0x86: {  	_ =	shalt  }
0x87: {  	_ =	shalt  }
.Lfunc_end0:
.L_simem_size_0:
called_computation_lowered:
.L_overlay_start_0:
0x88: {  	s2 =	sld [smem:$0x3FD9]  }
0x89: {  	s3 =	sld [smem:$0x3FFE];
	_ =	sdelay $0x1  }
0x8a: {  	s1 =	srdreg.scid  }
0x8b: {  	s0 =	sand.u32 $0x1, s1  }
0x8c: {  	s17 =	sshll.u32 s0, $0xA;
	s2 =	sadd.s32 s3, s2  }
0x8d: {  	s2 =	sadd.s32 s2, s17  }
0x8e: {  	[smem:$0x3FBC] =	sst s2  }
0x8f: {  	_ = 	snop  }
0x90: {  	s2 =	sld [smem:$0x3FC9];
	(tm) =	ssettm $0x1  }
0x91: {  	s18 =	sld [smem:$0x3FFB];
	_ =	sdelay $0x3  }
0x92: {  	_ =	strace s18  }
0x93: {  	s3 =	sld [smem:$0x3FFC];
	_ =	sdelay $0x3  }
0x94: {  	_ =	strace s3  }
0x95: {  	s3 =	sld [smem:$0x3FFD];
	_ =	sdelay $0x3  }
0x96: {  	_ =	strace s3  }
0x97: {  	_ =	strace $0x8FFFFFFF  }
0x98: {  	s19 =	sld [smem:$0x3FDB];
	_ =	sdelay $0x1  }
0x99: {  	s4 =	simm.s32 $_scs_section_size  }
0x9a: {  	s5 =	simm.s32 $_size__tile_overlayer_lowered;
	s6 =	simm.s32 $_tile_overlayer_lowered  }
0x9b: {  	s22 =	simm.s32 $0x1BFF;
	s21 =	sshll.u32 s6, $0x1;
	s3 =	sadd.s32 s4, s19  }
0x9c: {  	s7 =	simm.s32 $0x0;
	s20 =	sshll.u32 s5, $0x1;
	s5 =	sadd.s32 s21, s3  }
0x9d: {  	[timem:s7], [sflag:s22] =	dma.local [hbm:s5], s20  }
0x9e: {  	_ =	swait.ge [sflag:s22], s20  }
0x9f: {  	s4 =	ssub.s32 $0x0, s20;
	[sflag:s22] =	ssyncset.done $0x0  }
0xa0: {  	[sflag:s22] =	ssyncadd.s32 s4;
	_ =	sdelay $0x1  }
0xa1: {  	s23 =	simm.s32 $0x1B8B  }
0xa2: {  	_ =	swait.ge [sflag:s23], $0x1  }
0xa3: {  	[sflag:s23] =	ssyncset.done $0x0  }
0xa4: {  	s25 =	simm.s32 $0x1B8E;
	s24 =	sld [smem:$0x3FFE];
	[sflag:s23] =	ssyncadd.s32 $0xFFFFFFFF  }
0xa5: {  	s26 =	simm.s32 $execute0_lowered;
	[smem:$0x3FD2] =	sst s25  }
0xa6: {  	s5 =	sshll.u32 s26, $0x1;
	_ =	strace $0x80000046;
	[dreg:$0x1] =	wrdreg $0xFFFFFFFF  }
0xa7: {  	s28 =	simm.s32 $_size_execute0_lowered;
	s3 =	sadd.s32 s3, s5;
	[dreg:$0x0] =	wrdreg $0x0  }
0xa8: {  	s5 =	sshll.u32 s28, $0x1;
	[dreg:$0x2] =	wrdreg s3  }
0xa9: {  	[dreg:$0x3] =	wrdreg s5  }
0xaa: {  	[dreg:$0x4] =	wrdreg $0xC0  }
0xab: {  	_ =	task [dreg:s7], $0x5FFFF  }
0xac: {  	[dreg:$0x1] =	wrdreg $0xFFFFFFFF  }
0xad: {  	[dreg:$0x0] =	wrdreg $0x60  }
0xae: {  	[dreg:$0x2] =	wrdreg s2  }
0xaf: {  	[dreg:$0x3] =	wrdreg s24  }
0xb0: {  	[dreg:$0x4] =	wrdreg $0x0  }
0xb1: {  	[dreg:$0x5] =	wrdreg $0x9  }
0xb2: {  	_ =	task.clear_ibuf [dreg:s7], $0x6FFFF;
	_ =	strace $0x90000046  }
0xb3: {  	s29 =	simm.s32 $0x9;
	_ =	strace $0x80000048  }
0xb4: {  	_ =	swait.ge [sflag:s29], $0x1  }
0xb5: {  	[sflag:s29] =	ssyncadd.s32 $0xFFFFFFFF  }
0xb6: {  	_ =	strace $0x90000048  }
0xb7: {  	_ =	sfence  }
0xb8: {  	s30 =	sld [smem:$0x0];
	_ =	sdelay $0x2  }
0xb9: {  	s31 =	sshll.u32 s1, $0xD;
	s1 =	sshrl.u32 s1, $0x2  }
0xba: {  	s3 =	sand.u32 $0x4000, s31;
	s1 =	sadd.s32 s1, s30  }
0xbb: {  	s0 =	sor.u32 s3, s0;
	s1 =	sshll.u32 s1, $0x11  }
0xbc: {  	s0 =	sor.u32 s1, s0  }
0xbd: {  	s0 =	sadd.s32 $0x8F2B, s0  }
0xbe: {  	[sflag:s0] =	ssyncadd.remote.s32 $0x1  }
0xbf: {  	_ =	sfence.sel $0xFFFF  }
0xc0: {  	[dreg:$0x0] =	wrdreg $0xFFFFFFFF;
	(pc) =	sbr.abs _section_cstart, $3  }
0xc1: {  	[dreg:$0x1] =	wrdreg $0xFFFFFFFF  }
0xc2: {  	_ =	task.clear_ibuf [dreg:s7], $0x2FFFF;
	_ =	strace $0x9FFFFFFF  }
0xc3: {  	(tm) =	ssettm $0x7FFFFFFF  }
tec
execute0_lowered:
.L_overlay_start_1:
0x0: {  	(tag) =	ssettag $0x1  }
0x1: {  	s1 =	rddreg [dreg:$0x0]  }
0x2: {  	s7 =	rddreg [dreg:$0x1]  }
0x3: {  	s2 =	rddreg [dreg:$0x2]  }
0x4: {  	s0 =	rddreg [dreg:$0x3];
	s3 =	simm.s32 $0x0  }
0x5: {  	s4 =	srdreg.scid;
	s16 =	simm.s32 $0x15400;
	s17 =	simm.s32 $0x17E00  }
0x6: {  	s18 =	simm.s32 $0x15480;
	s19 =	simm.s32 $0x1BE00;
	s20 =	simm.s32 $0x1  }
0x7: {  	s21 =	simm.s32 $0x15500;
	s22 =	simm.s32 $0x3;
	s23 =	simm.s32 $0x2  }
0x8: {  	s26 =	simm.s32 $0x4;
	s28 =	simm.s32 $0x0;
	[smem:$0x7FF] =	sst s3  }
0x9: {  	s8 =	sand.u32 $0x1, s4;
	s4 =	stileid.u32;
	s5 =	sadd.s32 $0x3400, s7  }
0xa: {  	_ =	strace $0x80000047;
	s6 =	sshll.u32 s8, $0x4;
	s9 =	smul.u32 $0x28000, s8  }
0xb: {  	s11 =	ssub.s32 $0x2, s8;
	s13 =	smul.u32 $0x14000, s4;
	s14 =	sshll.u32 s4, $0x6  }
0xc: {  	p0 =	seq.s32 s8, $0x1;
	s10 =	sor.u32 s4, s6;
	s6 =	sadd.s32 $0xD400, s7  }
0xd: {  	s31 =	sshrl.u32 s11, $0x1;
	s8 =	sor.u32 $0x1C05, s14;
	s14 =	simm.s32 $0x14000  }
0xe: {  	s10 =	smul.u32 $0x500, s10;
	s12 =	sadd.s32 s9, s7;
	s11 =	ssub.s32 s11, s31  }
0xf: {  	s9 =	smul.u32 $0x3, s4;
	s15 =	sadd.s32 s13, s2;
	s25 =	sshrl.u32 s13, $0x3  }
0x10: {  	s13 =	simm.s32 $0x15600;
	s24 =	sadd.s32 $0xFC00, s12;
	s12 =	simm.s32 $0x5  }
0x11: {  	s10 =	sadd.s32 s10, s7;
	s7 =	sor.u32 $0x30, s4;
	s24 =	sadd.s32 s25, s24  }
0x12: {  	s25 =	simm.s32 $0x15580;
	s7 =	smov.u32 @p0 s9;
	s9 =	sadd.s32 $0x5FC00, s10  }
0x13: {  	v0 =	vimm.f32 $1.000000000e+00;
	s10 =	smax.u32 s11, $0x1;
	s11 =	sshrl.u32 s15, $0x3;
	s15 =	simm.s32 $0x80  }
.LBB2_1:
0x14: {  	[spmem:s11], [sflag:s8] =	dma.local [hbm:s6], $0x2800  }
0x15: {  	_ =	swait.ge [sflag:s12], $0x2800  }
0x16: {  	[sflag:s12] =	ssyncset.done $0x0  }
0x17: {  	[sflag:s12] =	ssyncadd.s32 $0xFFFFD800  }
0x18: {  	[tilespmem:s13], [sflag:$0x5] =	stream.linear.gather [hbm4b:s6+s3], $0x2800, $0x38;
	[tilespmem:$0x1FE00] =	vst v63  }
0x19: {  	_ =	swait.ge [sflag:s12], $0x2800  }
0x1a: {  	[sflag:s12] =	ssyncset.done $0x0  }
0x1b: {  	[sflag:s12] =	ssyncadd.s32 $0xFFFFD800  }
0x1c: {  	s29 =	simm.s32 $0x0;
	[bflag:$0x0] =	sbarrier.arrive $0xFFFF  }
.LBB2_2:
0x1d: {  	s30 =	sadd.s32 s7, s29  }
0x1e: {  	s30 =	smul.u32 $0x280, s30;
	_ =	sdelay $0x1  }
0x1f: {  	s30 =	sadd.s32 s5, s30  }
0x20: {  	[tilespmem:s14], [sflag:$0x5] =	stream.linear.gather [hbm4b:s30+s3], $0x1400, $0x38;
	[tilespmem:$0x1FE00] =	vst v63  }
0x21: {  	_ =	swait.ge [sflag:s12], $0x1400  }
0x22: {  	[sflag:s12] =	ssyncset.done $0x0  }
0x23: {  	[sflag:s12] =	ssyncadd.s32 $0xFFFFEC00  }
0x24: {  	v1 =	vld [tilespmem:$0x14000];
	_ =	sdelay $0x4  }
0x25: {  	v2 =	vshrl.u32 v1, $0x10;
	_ =	sdelay $0x1  }
0x26: {  	v1 =	vand.u32 $0xFFFF, v1  }
0x27: {  	[tilespmem:$0x15400] =	vst v1  }
0x28: {  	[tilespmem:$0x15500] =	vst v2  }
0x29: {  	[tilespmem:v2+s13+$0x0] =	vst.idx.add.f32.msk $0xffff, v0  }
0x2a: {  	v1 =	vld [tilespmem:$0x14010];
	_ =	sdelay $0x4  }
0x2b: {  	v2 =	vshrl.u32 v1, $0x10;
	_ =	sdelay $0x1  }
0x2c: {  	v1 =	vand.u32 $0xFFFF, v1  }
0x2d: {  	[tilespmem:$0x15410] =	vst v1  }
0x2e: {  	[tilespmem:$0x15510] =	vst v2  }
0x2f: {  	[tilespmem:v2+s13+$0x0] =	vst.idx.add.f32.msk $0xffff, v0  }
0x30: {  	v1 =	vld [tilespmem:$0x14020];
	_ =	sdelay $0x4  }
0x31: {  	v2 =	vshrl.u32 v1, $0x10;
	_ =	sdelay $0x1  }
0x32: {  	v1 =	vand.u32 $0xFFFF, v1  }
0x33: {  	[tilespmem:$0x15420] =	vst v1  }
0x34: {  	[tilespmem:$0x15520] =	vst v2  }
0x35: {  	[tilespmem:v2+s13+$0x0] =	vst.idx.add.f32.msk $0xffff, v0  }
0x36: {  	v1 =	vld [tilespmem:$0x14030];
	_ =	sdelay $0x4  }
0x37: {  	v2 =	vshrl.u32 v1, $0x10;
	_ =	sdelay $0x1  }
0x38: {  	v1 =	vand.u32 $0xFFFF, v1  }
0x39: {  	[tilespmem:$0x15430] =	vst v1  }
0x3a: {  	[tilespmem:$0x15530] =	vst v2  }
0x3b: {  	[tilespmem:v2+s13+$0x0] =	vst.idx.add.f32.msk $0xffff, v0  }
0x3c: {  	v1 =	vld [tilespmem:$0x14040];
	_ =	sdelay $0x4  }
0x3d: {  	v2 =	vshrl.u32 v1, $0x10;
	_ =	sdelay $0x1  }
0x3e: {  	v1 =	vand.u32 $0xFFFF, v1  }
0x3f: {  	[tilespmem:$0x15440] =	vst v1  }
0x40: {  	[tilespmem:$0x15540] =	vst v2  }
0x41: {  	[tilespmem:v2+s13+$0x0] =	vst.idx.add.f32.msk $0xffff, v0  }
0x42: {  	v1 =	vld [tilespmem:$0x14050];
	_ =	sdelay $0x4  }
0x43: {  	v2 =	vshrl.u32 v1, $0x10;
	_ =	sdelay $0x1  }
0x44: {  	v1 =	vand.u32 $0xFFFF, v1  }
0x45: {  	[tilespmem:$0x15450] =	vst v1  }
0x46: {  	[tilespmem:$0x15550] =	vst v2  }
0x47: {  	[tilespmem:v2+s13+$0x0] =	vst.idx.add.f32.msk $0xffff, v0  }
0x48: {  	v1 =	vld [tilespmem:$0x14060];
	_ =	sdelay $0x4  }
0x49: {  	v2 =	vshrl.u32 v1, $0x10;
	_ =	sdelay $0x1  }
0x4a: {  	v1 =	vand.u32 $0xFFFF, v1  }
0x4b: {  	[tilespmem:$0x15460] =	vst v1  }
0x4c: {  	[tilespmem:$0x15560] =	vst v2  }
0x4d: {  	[tilespmem:v2+s13+$0x0] =	vst.idx.add.f32.msk $0xffff, v0  }
0x4e: {  	v1 =	vld [tilespmem:$0x14070];
	_ =	sdelay $0x4  }
0x4f: {  	v2 =	vshrl.u32 v1, $0x10;
	_ =	sdelay $0x1  }
0x50: {  	v1 =	vand.u32 $0xFFFF, v1  }
0x51: {  	[tilespmem:$0x15470] =	vst v1  }
0x52: {  	[tilespmem:$0x15570] =	vst v2  }
0x53: {  	[tilespmem:v2+s13+$0x0] =	vst.idx.add.f32.msk $0xffff, v0  }
0x54: {  	[tilespmem:s17], [sflag:$0x1] =	stream.indirect.gather [hbm4b:s1+s15], $0x80, s16, s15, $0xb8;
	[tilespmem:$0x1FE00] =	vst v63  }
0x55: {  	v1 =	vld [tilespmem:$0x14080];
	_ =	sdelay $0x4  }
0x56: {  	v2 =	vshrl.u32 v1, $0x10;
	_ =	sdelay $0x1  }
0x57: {  	v1 =	vand.u32 $0xFFFF, v1  }
0x58: {  	[tilespmem:$0x15480] =	vst v1  }
0x59: {  	[tilespmem:$0x15580] =	vst v2  }
0x5a: {  	[tilespmem:v2+s13+$0x0] =	vst.idx.add.f32.msk $0xffff, v0  }
0x5b: {  	v1 =	vld [tilespmem:$0x14090];
	_ =	sdelay $0x4  }
0x5c: {  	v2 =	vshrl.u32 v1, $0x10;
	_ =	sdelay $0x1  }
0x5d: {  	v1 =	vand.u32 $0xFFFF, v1  }
0x5e: {  	[tilespmem:$0x15490] =	vst v1  }
0x5f: {  	[tilespmem:$0x15590] =	vst v2  }
0x60: {  	[tilespmem:v2+s13+$0x0] =	vst.idx.add.f32.msk $0xffff, v0  }
0x61: {  	v1 =	vld [tilespmem:$0x140A0];
	_ =	sdelay $0x4  }
0x62: {  	v2 =	vshrl.u32 v1, $0x10;
	_ =	sdelay $0x1  }
0x63: {  	v1 =	vand.u32 $0xFFFF, v1  }
0x64: {  	[tilespmem:$0x154A0] =	vst v1  }
0x65: {  	[tilespmem:$0x155A0] =	vst v2  }
0x66: {  	[tilespmem:v2+s13+$0x0] =	vst.idx.add.f32.msk $0xffff, v0  }
0x67: {  	v1 =	vld [tilespmem:$0x140B0];
	_ =	sdelay $0x4  }
0x68: {  	v2 =	vshrl.u32 v1, $0x10;
	_ =	sdelay $0x1  }
0x69: {  	v1 =	vand.u32 $0xFFFF, v1  }
0x6a: {  	[tilespmem:$0x154B0] =	vst v1  }
0x6b: {  	[tilespmem:$0x155B0] =	vst v2  }
0x6c: {  	[tilespmem:v2+s13+$0x0] =	vst.idx.add.f32.msk $0xffff, v0  }
0x6d: {  	v1 =	vld [tilespmem:$0x140C0];
	_ =	sdelay $0x4  }
0x6e: {  	v2 =	vshrl.u32 v1, $0x10;
	_ =	sdelay $0x1  }
0x6f: {  	v1 =	vand.u32 $0xFFFF, v1  }
0x70: {  	[tilespmem:$0x154C0] =	vst v1  }
0x71: {  	[tilespmem:$0x155C0] =	vst v2  }
0x72: {  	[tilespmem:v2+s13+$0x0] =	vst.idx.add.f32.msk $0xffff, v0  }
0x73: {  	v1 =	vld [tilespmem:$0x140D0];
	_ =	sdelay $0x4  }
0x74: {  	v2 =	vshrl.u32 v1, $0x10;
	_ =	sdelay $0x1  }
0x75: {  	v1 =	vand.u32 $0xFFFF, v1  }
0x76: {  	[tilespmem:$0x154D0] =	vst v1  }
0x77: {  	[tilespmem:$0x155D0] =	vst v2  }
0x78: {  	[tilespmem:v2+s13+$0x0] =	vst.idx.add.f32.msk $0xffff, v0  }
0x79: {  	v1 =	vld [tilespmem:$0x140E0];
	_ =	sdelay $0x4  }
0x7a: {  	v2 =	vshrl.u32 v1, $0x10;
	_ =	sdelay $0x1  }
0x7b: {  	v1 =	vand.u32 $0xFFFF, v1  }
0x7c: {  	[tilespmem:$0x154E0] =	vst v1  }
0x7d: {  	[tilespmem:$0x155E0] =	vst v2  }
0x7e: {  	[tilespmem:v2+s13+$0x0] =	vst.idx.add.f32.msk $0xffff, v0  }
0x7f: {  	v1 =	vld [tilespmem:$0x140F0];
	_ =	sdelay $0x4  }
0x80: {  	v2 =	vshrl.u32 v1, $0x10;
	_ =	sdelay $0x1  }
0x81: {  	v1 =	vand.u32 $0xFFFF, v1  }
0x82: {  	[tilespmem:$0x154F0] =	vst v1  }
0x83: {  	[tilespmem:$0x155F0] =	vst v2  }
0x84: {  	[tilespmem:v2+s13+$0x0] =	vst.idx.add.f32.msk $0xffff, v0  }
0x85: {  	[tilespmem:s19], [sflag:$0x2] =	stream.indirect.gather [hbm4b:s1+s15], $0x80, s18, s15, $0xb8;
	[tilespmem:$0x1FE00] =	vst v63  }
0x86: {  	_ =	swait.ge [sflag:s20], $0x4000  }
0x87: {  	[sflag:s20] =	ssyncset.done $0x0  }
0x88: {  	s30 =	simm.s32 $0x7C0;
	[sflag:s20] =	ssyncadd.s32 $0xFFFFC000  }
0x89: {  	[spmem:s2] =	stream.indirect.scatter.add.f32 [tilespmem:s17], [sflag:$0x3], $0x80, s21, s15, $0xb8;
	[tilespmem:$0x1FE00] =	vst v63  }
.LBB2_3:
0x8a: {  	_ =	swait.ge [sflag:s22], $0x4000  }
0x8b: {  	[sflag:s22] =	ssyncset.done $0x0  }
0x8c: {  	s31 =	sshra.s32 s30, $0x2;
	[sflag:s22] =	ssyncadd.s32 $0xFFFFC000  }
0x8d: {  	v1 =	vld [tilespmem:s31+$0x13F10];
	_ =	sdelay $0x4  }
0x8e: {  	v2 =	vshrl.u32 v1, $0x10;
	_ =	sdelay $0x1  }
0x8f: {  	v1 =	vand.u32 $0xFFFF, v1  }
0x90: {  	[tilespmem:$0x15400] =	vst v1  }
0x91: {  	[tilespmem:$0x15500] =	vst v2  }
0x92: {  	[tilespmem:v2+s13+$0x0] =	vst.idx.add.f32.msk $0xffff, v0  }
0x93: {  	v1 =	vld [tilespmem:s31+$0x13F20];
	_ =	sdelay $0x4  }
0x94: {  	v2 =	vshrl.u32 v1, $0x10;
	_ =	sdelay $0x1  }
0x95: {  	v1 =	vand.u32 $0xFFFF, v1  }
0x96: {  	[tilespmem:$0x15410] =	vst v1  }
0x97: {  	[tilespmem:$0x15510] =	vst v2  }
0x98: {  	[tilespmem:v2+s13+$0x0] =	vst.idx.add.f32.msk $0xffff, v0  }
0x99: {  	v1 =	vld [tilespmem:s31+$0x13F30];
	_ =	sdelay $0x4  }
0x9a: {  	v2 =	vshrl.u32 v1, $0x10;
	_ =	sdelay $0x1  }
0x9b: {  	v1 =	vand.u32 $0xFFFF, v1  }
0x9c: {  	[tilespmem:$0x15420] =	vst v1  }
0x9d: {  	[tilespmem:$0x15520] =	vst v2  }
0x9e: {  	[tilespmem:v2+s13+$0x0] =	vst.idx.add.f32.msk $0xffff, v0  }
0x9f: {  	v1 =	vld [tilespmem:s31+$0x13F40];
	_ =	sdelay $0x4  }
0xa0: {  	v2 =	vshrl.u32 v1, $0x10;
	_ =	sdelay $0x1  }
0xa1: {  	v1 =	vand.u32 $0xFFFF, v1  }
0xa2: {  	[tilespmem:$0x15430] =	vst v1  }
0xa3: {  	[tilespmem:$0x15530] =	vst v2  }
0xa4: {  	[tilespmem:v2+s13+$0x0] =	vst.idx.add.f32.msk $0xffff, v0  }
0xa5: {  	v1 =	vld [tilespmem:s31+$0x13F50];
	_ =	sdelay $0x4  }
0xa6: {  	v2 =	vshrl.u32 v1, $0x10;
	_ =	sdelay $0x1  }
0xa7: {  	v1 =	vand.u32 $0xFFFF, v1  }
0xa8: {  	[tilespmem:$0x15440] =	vst v1  }
0xa9: {  	[tilespmem:$0x15540] =	vst v2  }
0xaa: {  	[tilespmem:v2+s13+$0x0] =	vst.idx.add.f32.msk $0xffff, v0  }
0xab: {  	v1 =	vld [tilespmem:s31+$0x13F60];
	_ =	sdelay $0x4  }
0xac: {  	v2 =	vshrl.u32 v1, $0x10;
	_ =	sdelay $0x1  }
0xad: {  	v1 =	vand.u32 $0xFFFF, v1  }
0xae: {  	[tilespmem:$0x15450] =	vst v1  }
0xaf: {  	[tilespmem:$0x15550] =	vst v2  }
0xb0: {  	[tilespmem:v2+s13+$0x0] =	vst.idx.add.f32.msk $0xffff, v0  }
0xb1: {  	v1 =	vld [tilespmem:s31+$0x13F70];
	_ =	sdelay $0x4  }
0xb2: {  	v2 =	vshrl.u32 v1, $0x10;
	_ =	sdelay $0x1  }
0xb3: {  	v1 =	vand.u32 $0xFFFF, v1  }
0xb4: {  	[tilespmem:$0x15460] =	vst v1  }
0xb5: {  	[tilespmem:$0x15560] =	vst v2  }
0xb6: {  	[tilespmem:v2+s13+$0x0] =	vst.idx.add.f32.msk $0xffff, v0  }
0xb7: {  	v1 =	vld [tilespmem:s31+$0x13F80];
	_ =	sdelay $0x4  }
0xb8: {  	v2 =	vshrl.u32 v1, $0x10;
	_ =	sdelay $0x1  }
0xb9: {  	v1 =	vand.u32 $0xFFFF, v1  }
0xba: {  	[tilespmem:$0x15470] =	vst v1  }
0xbb: {  	[tilespmem:$0x15570] =	vst v2  }
0xbc: {  	[tilespmem:v2+s13+$0x0] =	vst.idx.add.f32.msk $0xffff, v0  }
0xbd: {  	[tilespmem:s17], [sflag:$0x1] =	stream.indirect.gather [hbm4b:s1+s15], $0x80, s16, s15, $0xb8;
	[tilespmem:$0x1FE00] =	vst v63  }
0xbe: {  	_ =	swait.ge [sflag:s23], $0x4000  }
0xbf: {  	[sflag:s23] =	ssyncset.done $0x0  }
0xc0: {  	[sflag:s23] =	ssyncadd.s32 $0xFFFFC000  }
0xc1: {  	[spmem:s2] =	stream.indirect.scatter.add.f32 [tilespmem:s19], [sflag:$0x4], $0x80, s25, s15, $0xb8;
	[tilespmem:$0x1FE00] =	vst v63  }
0xc2: {  	_ =	swait.ge [sflag:s26], $0x4000  }
0xc3: {  	[sflag:s26] =	ssyncset.done $0x0  }
0xc4: {  	[sflag:s26] =	ssyncadd.s32 $0xFFFFC000  }
0xc5: {  	v1 =	vld [tilespmem:s31+$0x13F90];
	_ =	sdelay $0x4  }
0xc6: {  	v2 =	vshrl.u32 v1, $0x10;
	_ =	sdelay $0x1  }
0xc7: {  	v1 =	vand.u32 $0xFFFF, v1  }
0xc8: {  	[tilespmem:$0x15480] =	vst v1  }
0xc9: {  	[tilespmem:$0x15580] =	vst v2  }
0xca: {  	[tilespmem:v2+s13+$0x0] =	vst.idx.add.f32.msk $0xffff, v0  }
0xcb: {  	v1 =	vld [tilespmem:s31+$0x13FA0];
	_ =	sdelay $0x4  }
0xcc: {  	v2 =	vshrl.u32 v1, $0x10;
	_ =	sdelay $0x1  }
0xcd: {  	v1 =	vand.u32 $0xFFFF, v1  }
0xce: {  	[tilespmem:$0x15490] =	vst v1  }
0xcf: {  	[tilespmem:$0x15590] =	vst v2  }
0xd0: {  	[tilespmem:v2+s13+$0x0] =	vst.idx.add.f32.msk $0xffff, v0  }
0xd1: {  	v1 =	vld [tilespmem:s31+$0x13FB0];
	_ =	sdelay $0x4  }
0xd2: {  	v2 =	vshrl.u32 v1, $0x10;
	_ =	sdelay $0x1  }
0xd3: {  	v1 =	vand.u32 $0xFFFF, v1  }
0xd4: {  	[tilespmem:$0x154A0] =	vst v1  }
0xd5: {  	[tilespmem:$0x155A0] =	vst v2  }
0xd6: {  	[tilespmem:v2+s13+$0x0] =	vst.idx.add.f32.msk $0xffff, v0  }
0xd7: {  	v1 =	vld [tilespmem:s31+$0x13FC0];
	_ =	sdelay $0x4  }
0xd8: {  	v2 =	vshrl.u32 v1, $0x10;
	_ =	sdelay $0x1  }
0xd9: {  	v1 =	vand.u32 $0xFFFF, v1  }
0xda: {  	[tilespmem:$0x154B0] =	vst v1  }
0xdb: {  	[tilespmem:$0x155B0] =	vst v2  }
0xdc: {  	[tilespmem:v2+s13+$0x0] =	vst.idx.add.f32.msk $0xffff, v0  }
0xdd: {  	v1 =	vld [tilespmem:s31+$0x13FD0];
	_ =	sdelay $0x4  }
0xde: {  	v2 =	vshrl.u32 v1, $0x10;
	_ =	sdelay $0x1  }
0xdf: {  	v1 =	vand.u32 $0xFFFF, v1  }
0xe0: {  	[tilespmem:$0x154C0] =	vst v1  }
0xe1: {  	[tilespmem:$0x155C0] =	vst v2  }
0xe2: {  	[tilespmem:v2+s13+$0x0] =	vst.idx.add.f32.msk $0xffff, v0  }
0xe3: {  	v1 =	vld [tilespmem:s31+$0x13FE0];
	_ =	sdelay $0x4  }
0xe4: {  	v2 =	vshrl.u32 v1, $0x10;
	_ =	sdelay $0x1  }
0xe5: {  	v1 =	vand.u32 $0xFFFF, v1  }
0xe6: {  	[tilespmem:$0x154D0] =	vst v1  }
0xe7: {  	[tilespmem:$0x155D0] =	vst v2  }
0xe8: {  	[tilespmem:v2+s13+$0x0] =	vst.idx.add.f32.msk $0xffff, v0  }
0xe9: {  	v1 =	vld [tilespmem:s31+$0x13FF0];
	_ =	sdelay $0x4  }
0xea: {  	v2 =	vshrl.u32 v1, $0x10;
	_ =	sdelay $0x1  }
0xeb: {  	v1 =	vand.u32 $0xFFFF, v1  }
0xec: {  	[tilespmem:$0x154E0] =	vst v1  }
0xed: {  	[tilespmem:$0x155E0] =	vst v2  }
0xee: {  	[tilespmem:v2+s13+$0x0] =	vst.idx.add.f32.msk $0xffff, v0  }
0xef: {  	v1 =	vld [tilespmem:s31+$0x14000];
	_ =	sdelay $0x4  }
0xf0: {  	v2 =	vshrl.u32 v1, $0x10;
	_ =	sdelay $0x1  }
0xf1: {  	v1 =	vand.u32 $0xFFFF, v1  }
0xf2: {  	[tilespmem:$0x154F0] =	vst v1  }
0xf3: {  	[tilespmem:$0x155F0] =	vst v2  }
0xf4: {  	p1 =	sne.s32 s30, $0x4FC0;
	[tilespmem:v2+s13+$0x0] =	vst.idx.add.f32.msk $0xffff, v0  }
0xf5: {  	[tilespmem:s19], [sflag:$0x2] =	stream.indirect.gather [hbm4b:s1+s15], $0x80, s18, s15, $0xb8;
	[tilespmem:$0x1FE00] =	vst v63  }
.Ltmp0:
0xf6: {  	_ = 	snop;
	(pc) =	sbr.rel @p1 .LBB2_3-.Ltmp0, $4  }
0xf7: {  	_ =	swait.ge [sflag:s20], $0x4000  }
0xf8: {  	[sflag:s20] =	ssyncset.done $0x0  }
0xf9: {  	s30 =	sadd.s32 $0x400, s30;
	[sflag:s20] =	ssyncadd.s32 $0xFFFFC000  }
0xfa: {  	[spmem:s2] =	stream.indirect.scatter.add.f32 [tilespmem:s17], [sflag:$0x3], $0x80, s21, s15, $0xb8;
	[tilespmem:$0x1FE00] =	vst v63  }
0xfb: {  	_ =	swait.ge [sflag:s23], $0x4000  }
0xfc: {  	p1 =	slt.u32 s29, $0x2;
	[sflag:s23] =	ssyncset.done $0x0  }
0xfd: {  	p1 =	por !p0, !p1;
	[sflag:s23] =	ssyncadd.s32 $0xFFFFC000  }
0xfe: {  	[spmem:s2] =	stream.indirect.scatter.add.f32 [tilespmem:s19], [sflag:$0x4], $0x80, s25, s15, $0xb8;
	[tilespmem:$0x1FE00] =	vst v63  }
0xff: {  	p1 =	por !p1, !p1;
	_ =	swait.ge [sflag:s22], $0x4000  }
.Ltmp1:
0x100: {  	[sflag:s22] =	ssyncset.done $0x0;
	(pc) =	sbr.rel @p1 .LBB2_2-.Ltmp1, $4  }
0x101: {  	[sflag:s22] =	ssyncadd.s32 $0xFFFFC000  }
0x102: {  	_ =	swait.ge [sflag:s26], $0x4000  }
0x103: {  	[sflag:s26] =	ssyncset.done $0x0  }
0x104: {  	s29 =	sadd.s32 $0x1, s29;
	[sflag:s26] =	ssyncadd.s32 $0xFFFFC000  }
0x105: {  	[hbm4b:s9+s3] =	stream.linear.scatter [tilespmem:s13], [sflag:$0x5], $0x2800, $0x38;
	[tilespmem:$0x1FE00] =	vst v63  }
0x106: {  	_ =	swait.ge [sflag:s12], $0x2800  }
0x107: {  	s28 =	sadd.s32 $0x1, s28;
	[sflag:s12] =	ssyncset.done $0x0  }
0x108: {  	p1 =	sne.s32 s28, s10;
	[sflag:s12] =	ssyncadd.s32 $0xFFFFD800  }
.Ltmp2:
0x109: {  	[bflag:$0x0] =	sbarrier.arrive $0xFFFF;
	(pc) =	sbr.rel @p1 .LBB2_1-.Ltmp2, $4  }
0x10a: {  	[hbm:s24], [sflag:s8] =	dma.local [spmem:s11], $0x2800  }
0x10b: {  	_ =	swait.ge [sflag:s12], $0x2800  }
0x10c: {  	[sflag:s12] =	ssyncset.done $0x0  }
0x10d: {  	[sflag:s12] =	ssyncadd.s32 $0xFFFFD800  }
0x10e: {  	_ =	sfence.sel $0x180000  }
0x10f: {  	[bflag:$0x0] =	sbarrier.arrive $0xFFFF  }
0x110: {  	p0 =	sne.s32 s4, $0x0;
	_ =	strace $0x90000047  }
0x111: {  	s0 =	sadd.s32 @!p0 $0x100000, s0;
	[bflag:$0x2] =	sbarrier.arrive $0xFFFF  }
0x112: {  	[sflag:s0] =	ssyncadd.tile.s32 @!p0 $0x1;
	_ =	shalt  }
.Lfunc_end2:
_tile_overlayer_lowered:
.L_overlay_start_2:
0x113: {  	(tag) =	ssettag $0x2  }
0x114: {  	s0 =	rddreg [dreg:$0x0];
	s2 =	stileid.u32  }
0x115: {  	s1 =	rddreg [dreg:$0x1];
	p0 =	sne.s32 s2, $0x0  }
0x116: {  	s3 =	rddreg [dreg:$0x2];
	[bflag:$0x3] =	sbarrier.arrive $0xFFFF;
	s2 =	simm.s32 @!p0 $0x1C05  }
0x117: {  	[timem:s3], [sflag:s2] =	dma.local @!p0 [hbm:s0], s1  }
0x118: {  	s0 =	simm.s32 @!p0 $0x5  }
0x119: {  	_ =	swait.ge @!p0 [sflag:s0], s1  }
0x11a: {  	s1 =	ssub.s32 @!p0 $0x0, s1;
	[sflag:s0] =	ssyncset.done @!p0 $0x0  }
0x11b: {  	[sflag:s0] =	ssyncadd.s32 @!p0 s1  }
0x11c: {  	[bflag:$0x3] =	sbarrier.arrive $0xFFFF  }
0x11d: {  	_ =	shalt  }

// kernel: kernel.9.cloned.1.call-start
scs
__scs_entry_jumppad:
0x0: {  	(pc) =	sbr.rel $0x88, $3  }
0x1: {  	(tag) =	ssettag $0x0;
	lr =	simm.s32 $0x1  }
0x2: {  	[smem:$0x3F95] =	sst lr;
	_ =	strace $0xD0000000  }
0x3: {  	_ = 	snop  }
0x4: {  	_ = 	snop  }
0x5: {  	_ = 	snop  }
0x6: {  	_ = 	snop  }
0x7: {  	_ = 	snop  }
__scs_overlays_trampoline_lowered:
0x8: {  	[smem:$0x3FA4] =	sst s0  }
0x9: {  	[smem:$0x3FA5] =	sst s1  }
0xa: {  	[smem:$0x3FA6] =	sst s2  }
0xb: {  	[smem:$0x3FA7] =	sst s3  }
0xc: {  	[smem:$0x3FA8] =	sst s4  }
0xd: {  	[smem:$0x3FA9] =	sst s5  }
0xe: {  	[smem:$0x3FAA] =	sst s6  }
0xf: {  	[smem:$0x3FAB] =	sst s7  }
0x10: {  	[smem:$0x3FAC] =	sst s8  }
0x11: {  	[smem:$0x3FAD] =	sst s9;
	s0 =	simm.s32 @!p0 $0x0  }
0x12: {  	s1 =	sld [smem:$0x3F93];
	s0 =	simm.s32 @p0 $0x1  }
0x13: {  	[smem:$0x3FAE] =	sst s0;
	s0 =	simm.s32 @!p1 $0x0  }
0x14: {  	s2 =	sld [smem:$0x3F92];
	s0 =	simm.s32 @p1 $0x1  }
0x15: {  	[smem:$0x3FAF] =	sst s0;
	s0 =	simm.s32 @!p2 $0x0  }
0x16: {  	s3 =	sld [smem:$0x3FDB];
	s0 =	simm.s32 @p2 $0x1  }
0x17: {  	s4 =	simm.s32 $0x1BF5;
	[smem:$0x3FB1] =	sst s0  }
0x18: {  	s0 =	sld [smem:$0x3F94];
	_ =	swait.ge [sflag:s4], $0x0  }
0x19: {  	s7 =	sld [smem:$0x3F95]  }
0x1a: {  	s8 =	sadd.s32 $0xFFFFE003, lr  }
0x1b: {  	s9 =	sadd.s32 $0xFFFFFEF7, lr;
	s5 =	simm.s32 $0xFFFFFFFF;
	p2 =	slt.u32 s8, $0xFFFFF086  }
0x1c: {  	p1 =	slt.u32 s9, $0xF7A;
	s5 =	simm.s32 @!p2 $0x0  }
0x1d: {  	s5 =	simm.s32 @p1 $0x1;
	p0 =	seq.s32 s7, s2  }
0x1e: {  	s7 =	smul.u32 @!p0 $0xF7A, s2;
	p2 =	seq.s32 @!p0 s5, $0x0  }
0x1f: {  	s9 =	smul.u32 $0xF7A, s1;
	s8 =	simm.s32 @!p0 $0x1BF5;
	p2 =	por !p2, p0  }
0x20: {  	[sflag:s8] =	ssyncset.s32 @!p0 $0xFFFFF086;
	s6 =	sadd.s32 @!p0 s3, s7;
	s7 =	simm.s32 @!p0 $0x108  }
0x21: {  	s3 =	sadd.s32 s3, s9;
	s6 =	sadd.s32 @!p0 $0x88, s6;
	s7 =	simm.s32 @p2 $0x1082  }
0x22: {  	[simem:s7], [sflag:s8] =	dma.local @!p0 [hbm:s6], $0xF7A  }
0x23: {  	s9 =	sor.u32 $0xD0000000, s2;
	s6 =	simm.s32 $0x108;
	_ =	swait.ge @!p0 [sflag:s8], $0x0  }
0x24: {  	s3 =	sadd.s32 $0x88, s3;
	s6 =	simm.s32 @!p1 $0x1082;
	[sflag:s4] =	ssyncset.s32 $0xFFFFF086  }
0x25: {  	[simem:s6], [sflag:s4] =	dma.local [hbm:s3], $0xF7A  }
0x26: {  	[smem:$0x3F95] =	sst s1;
	(tag) =	ssettag s2;
	_ =	strace s9  }
0x27: {  	s1 =	sld [smem:$0x3FA5]  }
0x28: {  	s2 =	sld [smem:$0x3FA6]  }
0x29: {  	s4 =	sld [smem:$0x3FA8]  }
0x2a: {  	p0 =	seq.s32 s5, $0x0;
	s5 =	sld [smem:$0x3FA9]  }
0x2b: {  	s6 =	sld [smem:$0x3FAA]  }
0x2c: {  	s7 =	sld [smem:$0x3FAB]  }
0x2d: {  	s3 =	simm.s32 $0x108;
	s8 =	sld [smem:$0x3FAC]  }
0x2e: {  	s3 =	simm.s32 @!p0 $0x1082;
	s9 =	sld [smem:$0x3FAD]  }
0x2f: {  	lr =	sadd.s32 s0, s3;
	s0 =	sld [smem:$0x3FA4]  }
0x30: {  	s3 =	sld [smem:$0x3FA7]  }
0x31: {  	[smem:$0x3FB0] =	sst s10  }
0x32: {  	s10 =	sld [smem:$0x3FAE];
	_ =	sdelay $0x3  }
0x33: {  	p0 =	seq.s32 s10, $0x1;
	s10 =	sld [smem:$0x3FB0];
	_ =	sdelay $0x3  }
0x34: {  	[smem:$0x3FB0] =	sst s10  }
0x35: {  	s10 =	sld [smem:$0x3FAF];
	_ =	sdelay $0x3  }
0x36: {  	p1 =	seq.s32 s10, $0x1;
	s10 =	sld [smem:$0x3FB0];
	_ =	sdelay $0x3  }
0x37: {  	[smem:$0x3FB0] =	sst s10  }
0x38: {  	s10 =	sld [smem:$0x3FB1]  }
0x39: {  	_ = 	snop;
	(pc) =	sbr.ind lr, $3  }
0x3a: {  	_ = 	snop  }
0x3b: {  	_ = 	snop  }
0x3c: {  	p2 =	seq.s32 s10, $0x1;
	s10 =	sld [smem:$0x3FB0]  }
0x3d: {  	_ =	shalt  }
0x3e: {  	_ =	shalt  }
0x3f: {  	_ =	shalt  }
0x40: {  	_ =	shalt  }
0x41: {  	_ =	shalt  }
0x42: {  	_ =	shalt  }
0x43: {  	_ =	shalt  }
0x44: {  	_ =	shalt  }
0x45: {  	_ =	shalt  }
0x46: {  	_ =	shalt  }
0x47: {  	_ =	shalt  }
0x48: {  	_ =	shalt  }
0x49: {  	_ =	shalt  }
0x4a: {  	_ =	shalt  }
0x4b: {  	_ =	shalt  }
0x4c: {  	_ =	shalt  }
0x4d: {  	_ =	shalt  }
0x4e: {  	_ =	shalt  }
0x4f: {  	_ =	shalt  }
0x50: {  	_ =	shalt  }
0x51: {  	_ =	shalt  }
0x52: {  	_ =	shalt  }
0x53: {  	_ =	shalt  }
0x54: {  	_ =	shalt  }
0x55: {  	_ =	shalt  }
0x56: {  	_ =	shalt  }
0x57: {  	_ =	shalt  }
0x58: {  	_ =	shalt  }
0x59: {  	_ =	shalt  }
0x5a: {  	_ =	shalt  }
0x5b: {  	_ =	shalt  }
0x5c: {  	_ =	shalt  }
0x5d: {  	_ =	shalt  }
0x5e: {  	_ =	shalt  }
0x5f: {  	_ =	shalt  }
0x60: {  	_ =	shalt  }
0x61: {  	_ =	shalt  }
0x62: {  	_ =	shalt  }
0x63: {  	_ =	shalt  }
0x64: {  	_ =	shalt  }
0x65: {  	_ =	shalt  }
0x66: {  	_ =	shalt  }
0x67: {  	_ =	shalt  }
0x68: {  	_ =	shalt  }
0x69: {  	_ =	shalt  }
0x6a: {  	_ =	shalt  }
0x6b: {  	_ =	shalt  }
0x6c: {  	_ =	shalt  }
0x6d: {  	_ =	shalt  }
0x6e: {  	_ =	shalt  }
0x6f: {  	_ =	shalt  }
0x70: {  	_ =	shalt  }
0x71: {  	_ =	shalt  }
0x72: {  	_ =	shalt  }
0x73: {  	_ =	shalt  }
0x74: {  	_ =	shalt  }
0x75: {  	_ =	shalt  }
0x76: {  	_ =	shalt  }
0x77: {  	_ =	shalt  }
0x78: {  	_ =	shalt  }
0x79: {  	_ =	shalt  }
0x7a: {  	_ =	shalt  }
0x7b: {  	_ =	shalt  }
0x7c: {  	_ =	shalt  }
0x7d: {  	_ =	shalt  }
0x7e: {  	_ =	shalt  }
0x7f: {  	_ =	shalt  }
0x80: {  	_ =	shalt  }
0x81: {  	_ =	shalt  }
0x82: {  	_ =	shalt  }
0x83: {  	_ =	shalt  }
0x84: {  	_ =	shalt  }
0x85: {  	_ =	shalt  }
0x86: {  	_ =	shalt  }
0x87: {  	_ =	shalt  }
.Lfunc_end0:
.L_simem_size_0:
called_computation.1_lowered:
.L_overlay_start_0:
0x88: {  	s2 =	sld [smem:$0x3FD9]  }
0x89: {  	s3 =	sld [smem:$0x3FFE];
	_ =	sdelay $0x1  }
0x8a: {  	s1 =	srdreg.scid  }
0x8b: {  	s0 =	sand.u32 $0x1, s1  }
0x8c: {  	s16 =	sshll.u32 s0, $0xA;
	s2 =	sadd.s32 s3, s2  }
0x8d: {  	s2 =	sadd.s32 s2, s16  }
0x8e: {  	[smem:$0x3FBC] =	sst s2  }
0x8f: {  	_ = 	snop  }
0x90: {  	(tm) =	ssettm $0x1  }
0x91: {  	s17 =	sld [smem:$0x3FFB];
	_ =	sdelay $0x3  }
0x92: {  	_ =	strace s17  }
0x93: {  	s2 =	sld [smem:$0x3FFC];
	_ =	sdelay $0x3  }
0x94: {  	_ =	strace s2  }
0x95: {  	s2 =	sld [smem:$0x3FFD];
	_ =	sdelay $0x3  }
0x96: {  	_ =	strace s2  }
0x97: {  	_ =	strace $0x8FFFFFFF  }
0x98: {  	s18 =	sld [smem:$0x3FDB];
	_ =	sdelay $0x1  }
0x99: {  	s19 =	simm.s32 $_scs_section_size  }
0x9a: {  	s4 =	simm.s32 $_size__tile_overlayer_lowered;
	s5 =	simm.s32 $_tile_overlayer_lowered  }
0x9b: {  	s22 =	simm.s32 $0x1BFF;
	s21 =	sshll.u32 s5, $0x1;
	s2 =	sadd.s32 s19, s18  }
0x9c: {  	s6 =	simm.s32 $0x0;
	s20 =	sshll.u32 s4, $0x1;
	s4 =	sadd.s32 s21, s2  }
0x9d: {  	[timem:s6], [sflag:s22] =	dma.local [hbm:s4], s20  }
0x9e: {  	_ =	swait.ge [sflag:s22], s20  }
0x9f: {  	s3 =	ssub.s32 $0x0, s20;
	[sflag:s22] =	ssyncset.done $0x0  }
0xa0: {  	[sflag:s22] =	ssyncadd.s32 s3;
	_ =	sdelay $0x1  }
0xa1: {  	s23 =	simm.s32 $0x1B8B  }
0xa2: {  	_ =	swait.ge [sflag:s23], $0x1  }
0xa3: {  	[sflag:s23] =	ssyncset.done $0x0  }
0xa4: {  	s25 =	simm.s32 $0x1B8E;
	s24 =	sld [smem:$0x3FFE];
	[sflag:s23] =	ssyncadd.s32 $0xFFFFFFFF  }
0xa5: {  	s26 =	simm.s32 $execute0_lowered;
	[smem:$0x3FD2] =	sst s25  }
0xa6: {  	s4 =	sshll.u32 s26, $0x1;
	_ =	strace $0x80000049;
	[dreg:$0x1] =	wrdreg $0xFFFFFFFF  }
0xa7: {  	s28 =	simm.s32 $_size_execute0_lowered;
	s2 =	sadd.s32 s2, s4;
	[dreg:$0x0] =	wrdreg $0x0  }
0xa8: {  	s4 =	sshll.u32 s28, $0x1;
	[dreg:$0x2] =	wrdreg s2  }
0xa9: {  	[dreg:$0x3] =	wrdreg s4  }
0xaa: {  	[dreg:$0x4] =	wrdreg $0xC0  }
0xab: {  	_ =	task [dreg:s6], $0x5FFFF  }
0xac: {  	[dreg:$0x1] =	wrdreg $0xFFFFFFFF  }
0xad: {  	[dreg:$0x0] =	wrdreg $0x60  }
0xae: {  	[dreg:$0x2] =	wrdreg s24  }
0xaf: {  	[dreg:$0x3] =	wrdreg $0x0  }
0xb0: {  	[dreg:$0x4] =	wrdreg $0x9  }
0xb1: {  	_ =	task.clear_ibuf [dreg:s6], $0x5FFFF;
	_ =	strace $0x90000049  }
0xb2: {  	s29 =	simm.s32 $0x9;
	_ =	strace $0x8000004B  }
0xb3: {  	_ =	swait.ge [sflag:s29], $0x1  }
0xb4: {  	[sflag:s29] =	ssyncadd.s32 $0xFFFFFFFF  }
0xb5: {  	_ =	strace $0x9000004B  }
0xb6: {  	_ =	sfence  }
0xb7: {  	s30 =	sld [smem:$0x0];
	_ =	sdelay $0x2  }
0xb8: {  	s31 =	sshll.u32 s1, $0xD;
	s1 =	sshrl.u32 s1, $0x2  }
0xb9: {  	s3 =	sand.u32 $0x4000, s31;
	s1 =	sadd.s32 s1, s30  }
0xba: {  	s0 =	sor.u32 s3, s0;
	s1 =	sshll.u32 s1, $0x11  }
0xbb: {  	s0 =	sor.u32 s1, s0  }
0xbc: {  	s0 =	sadd.s32 $0x8F2B, s0  }
0xbd: {  	[sflag:s0] =	ssyncadd.remote.s32 $0x1  }
0xbe: {  	_ =	sfence.sel $0xFFFF  }
0xbf: {  	[dreg:$0x0] =	wrdreg $0xFFFFFFFF;
	(pc) =	sbr.abs _section_cstart, $3  }
0xc0: {  	[dreg:$0x1] =	wrdreg $0xFFFFFFFF  }
0xc1: {  	_ =	task.clear_ibuf [dreg:s6], $0x2FFFF;
	_ =	strace $0x9FFFFFFF  }
0xc2: {  	(tm) =	ssettm $0x7FFFFFFF  }
0xc3: {  	_ =	shalt  }
tec
execute0_lowered:
.L_overlay_start_1:
0x0: {  	(tag) =	ssettag $0x1  }
0x1: {  	s7 =	rddreg [dreg:$0x0]  }
0x2: {  	s1 =	rddreg [dreg:$0x1]  }
0x3: {  	s0 =	rddreg [dreg:$0x2];
	s2 =	simm.s32 $0x0;
	s3 =	srdreg.scid  }
0x4: {  	s15 =	simm.s32 $0x15600;
	s16 =	simm.s32 $0x15480;
	s17 =	simm.s32 $0x19600  }
0x5: {  	s18 =	simm.s32 $0x1;
	s19 =	simm.s32 $0x15500;
	s20 =	simm.s32 $0x3  }
0x6: {  	s21 =	simm.s32 $0x2;
	s22 =	simm.s32 $0x15580;
	s23 =	simm.s32 $0x4  }
0x7: {  	[smem:$0x7FF] =	sst s2;
	s8 =	sand.u32 $0x1, s3;
	s4 =	sadd.s32 $0xFC00, s7  }
0x8: {  	s3 =	stileid.u32;
	s5 =	sadd.s32 $0x3400, s7;
	s9 =	smul.u32 $0x28000, s8  }
0x9: {  	s6 =	sadd.s32 $0xD400, s7;
	_ =	strace $0x8000004A;
	s11 =	smul.u32 $0x14000, s3  }
0xa: {  	s10 =	ssub.s32 $0x2, s8;
	s13 =	smul.u32 $0x3, s3;
	s14 =	sshll.u32 s3, $0x6  }
0xb: {  	p0 =	seq.s32 s8, $0x1;
	s31 =	sshrl.u32 s10, $0x1;
	s8 =	sor.u32 $0x1C05, s14  }
0xc: {  	s14 =	simm.s32 $0x15400;
	s9 =	sadd.s32 s9, s7;
	s10 =	ssub.s32 s10, s31  }
0xd: {  	s12 =	sadd.s32 s11, s1;
	s7 =	sor.u32 $0x30, s3;
	s25 =	sshrl.u32 s11, $0x3  }
0xe: {  	s11 =	simm.s32 $0x5;
	s7 =	smov.u32 @p0 s13;
	s24 =	sadd.s32 $0x37C00, s9  }
0xf: {  	s9 =	smax.u32 s10, $0x1;
	s10 =	sshrl.u32 s12, $0x3;
	s12 =	simm.s32 $0x14000  }
0x10: {  	s13 =	simm.s32 $0x80;
	s24 =	sadd.s32 s25, s24;
	s25 =	simm.s32 $0x0  }
.LBB2_1:
0x11: {  	[spmem:s10], [sflag:s8] =	dma.local [hbm:s6], $0x2800  }
0x12: {  	_ =	swait.ge [sflag:s11], $0x2800  }
0x13: {  	[sflag:s11] =	ssyncset.done $0x0  }
0x14: {  	[sflag:s11] =	ssyncadd.s32 $0xFFFFD800  }
0x15: {  	s26 =	simm.s32 $0x0;
	[bflag:$0x0] =	sbarrier.arrive $0xFFFF  }
.LBB2_2:
0x16: {  	s28 =	sadd.s32 s7, s26  }
0x17: {  	s28 =	smul.u32 $0x280, s28;
	_ =	sdelay $0x1  }
0x18: {  	s28 =	sadd.s32 s5, s28  }
0x19: {  	[tilespmem:s12], [sflag:$0x5] =	stream.linear.gather [hbm4b:s28+s2], $0x1400, $0x38;
	[tilespmem:$0x1D600] =	vst v63  }
0x1a: {  	_ =	swait.ge [sflag:s11], $0x1400  }
0x1b: {  	[sflag:s11] =	ssyncset.done $0x0  }
0x1c: {  	[sflag:s11] =	ssyncadd.s32 $0xFFFFEC00  }
0x1d: {  	v0 =	vld [tilespmem:$0x14000];
	_ =	sdelay $0x1  }
0x1e: {  	v1 =	vld [tilespmem:$0x14010];
	_ =	sdelay $0x1  }
0x1f: {  	v2 =	vld [tilespmem:$0x14020]  }
0x20: {  	v3 =	vand.u32 $0xFFFF, v0  }
0x21: {  	v0 =	vshrl.u32 v0, $0x10;
	[tilespmem:$0x15400] =	vst v3;
	v3 =	vld [tilespmem:$0x14030]  }
0x22: {  	[tilespmem:$0x15500] =	vst v0;
	v0 =	vand.u32 $0xFFFF, v1  }
0x23: {  	v1 =	vshrl.u32 v1, $0x10;
	[tilespmem:$0x15410] =	vst v0;
	v0 =	vld [tilespmem:$0x14040]  }
0x24: {  	[tilespmem:$0x15510] =	vst v1;
	v1 =	vand.u32 $0xFFFF, v2  }
0x25: {  	v2 =	vshrl.u32 v2, $0x10;
	[tilespmem:$0x15420] =	vst v1;
	v1 =	vld [tilespmem:$0x14050]  }
0x26: {  	[tilespmem:$0x15520] =	vst v2;
	v2 =	vand.u32 $0xFFFF, v3  }
0x27: {  	v3 =	vshrl.u32 v3, $0x10;
	[tilespmem:$0x15430] =	vst v2;
	v2 =	vld [tilespmem:$0x14060]  }
0x28: {  	[tilespmem:$0x15530] =	vst v3;
	v3 =	vand.u32 $0xFFFF, v0  }
0x29: {  	v0 =	vshrl.u32 v0, $0x10;
	[tilespmem:$0x15440] =	vst v3;
	v3 =	vld [tilespmem:$0x14070]  }
0x2a: {  	[tilespmem:$0x15540] =	vst v0;
	v0 =	vand.u32 $0xFFFF, v1  }
0x2b: {  	v1 =	vshrl.u32 v1, $0x10;
	[tilespmem:$0x15450] =	vst v0  }
0x2c: {  	[tilespmem:$0x15550] =	vst v1;
	v0 =	vand.u32 $0xFFFF, v2  }
0x2d: {  	v1 =	vshrl.u32 v2, $0x10;
	[tilespmem:$0x15460] =	vst v0  }
0x2e: {  	[tilespmem:$0x15560] =	vst v1;
	v0 =	vand.u32 $0xFFFF, v3  }
0x2f: {  	v1 =	vshrl.u32 v3, $0x10;
	[tilespmem:$0x15470] =	vst v0  }
0x30: {  	[tilespmem:$0x15570] =	vst v1  }
0x31: {  	[tilespmem:s15], [sflag:$0x1] =	stream.indirect.gather [hbm4b:s4+s13], $0x80, s14, s13, $0xb8;
	[tilespmem:$0x1D600] =	vst v63  }
0x32: {  	v0 =	vld [tilespmem:$0x14080];
	_ =	sdelay $0x1  }
0x33: {  	v1 =	vld [tilespmem:$0x14090];
	_ =	sdelay $0x1  }
0x34: {  	v2 =	vld [tilespmem:$0x140A0]  }
0x35: {  	v3 =	vand.u32 $0xFFFF, v0  }
0x36: {  	v0 =	vshrl.u32 v0, $0x10;
	[tilespmem:$0x15480] =	vst v3;
	v3 =	vld [tilespmem:$0x140B0]  }
0x37: {  	[tilespmem:$0x15580] =	vst v0;
	v0 =	vand.u32 $0xFFFF, v1  }
0x38: {  	v1 =	vshrl.u32 v1, $0x10;
	[tilespmem:$0x15490] =	vst v0;
	v0 =	vld [tilespmem:$0x140C0]  }
0x39: {  	[tilespmem:$0x15590] =	vst v1;
	v1 =	vand.u32 $0xFFFF, v2  }
0x3a: {  	v2 =	vshrl.u32 v2, $0x10;
	[tilespmem:$0x154A0] =	vst v1;
	v1 =	vld [tilespmem:$0x140D0]  }
0x3b: {  	[tilespmem:$0x155A0] =	vst v2;
	v2 =	vand.u32 $0xFFFF, v3  }
0x3c: {  	v3 =	vshrl.u32 v3, $0x10;
	[tilespmem:$0x154B0] =	vst v2;
	v2 =	vld [tilespmem:$0x140E0]  }
0x3d: {  	[tilespmem:$0x155B0] =	vst v3;
	v3 =	vand.u32 $0xFFFF, v0  }
0x3e: {  	v0 =	vshrl.u32 v0, $0x10;
	[tilespmem:$0x154C0] =	vst v3;
	v3 =	vld [tilespmem:$0x140F0]  }
0x3f: {  	[tilespmem:$0x155C0] =	vst v0;
	v0 =	vand.u32 $0xFFFF, v1  }
0x40: {  	[tilespmem:$0x154D0] =	vst v0;
	v0 =	vshrl.u32 v1, $0x10  }
0x41: {  	[tilespmem:$0x155D0] =	vst v0;
	v0 =	vand.u32 $0xFFFF, v2  }
0x42: {  	[tilespmem:$0x154E0] =	vst v0;
	v0 =	vshrl.u32 v2, $0x10  }
0x43: {  	v1 =	vshrl.u32 v3, $0x10;
	[tilespmem:$0x155E0] =	vst v0  }
0x44: {  	v0 =	vand.u32 $0xFFFF, v3;
	[tilespmem:$0x155F0] =	vst v1  }
0x45: {  	[tilespmem:$0x154F0] =	vst v0  }
0x46: {  	[tilespmem:s17], [sflag:$0x2] =	stream.indirect.gather [hbm4b:s4+s13], $0x80, s16, s13, $0xb8;
	[tilespmem:$0x1D600] =	vst v63  }
0x47: {  	_ =	swait.ge [sflag:s18], $0x4000  }
0x48: {  	[sflag:s18] =	ssyncset.done $0x0  }
0x49: {  	[sflag:s18] =	ssyncadd.s32 $0xFFFFC000  }
0x4a: {  	[spmem:s1] =	stream.indirect.scatter.add.f32 [tilespmem:s15], [sflag:$0x3], $0x80, s19, s13, $0xb8;
	[tilespmem:$0x1D600] =	vst v63  }
0x4b: {  	_ =	swait.ge [sflag:s20], $0x4000  }
0x4c: {  	[sflag:s20] =	ssyncset.done $0x0  }
0x4d: {  	s28 =	simm.s32 $0x1F0;
	[sflag:s20] =	ssyncadd.s32 $0xFFFFC000  }
0x4e: {  	v0 =	vld [tilespmem:s28+$0x13F10];
	_ =	sdelay $0x4  }
0x4f: {  	v1 =	vand.u32 $0xFFFF, v0  }
0x50: {  	v0 =	vshrl.u32 v0, $0x10;
	[tilespmem:$0x15400] =	vst v1  }
0x51: {  	[tilespmem:$0x15500] =	vst v0  }
0x52: {  	v0 =	vld [tilespmem:s28+$0x13F20];
	_ =	sdelay $0x4  }
0x53: {  	v1 =	vand.u32 $0xFFFF, v0  }
0x54: {  	v0 =	vshrl.u32 v0, $0x10;
	[tilespmem:$0x15410] =	vst v1  }
0x55: {  	[tilespmem:$0x15510] =	vst v0  }
0x56: {  	v0 =	vld [tilespmem:s28+$0x13F30];
	_ =	sdelay $0x4  }
0x57: {  	v1 =	vand.u32 $0xFFFF, v0  }
0x58: {  	v0 =	vshrl.u32 v0, $0x10;
	[tilespmem:$0x15420] =	vst v1  }
0x59: {  	[tilespmem:$0x15520] =	vst v0  }
0x5a: {  	v0 =	vld [tilespmem:s28+$0x13F40];
	_ =	sdelay $0x4  }
0x5b: {  	v1 =	vand.u32 $0xFFFF, v0  }
0x5c: {  	v0 =	vshrl.u32 v0, $0x10;
	[tilespmem:$0x15430] =	vst v1  }
0x5d: {  	[tilespmem:$0x15530] =	vst v0  }
0x5e: {  	v0 =	vld [tilespmem:s28+$0x13F50];
	_ =	sdelay $0x4  }
0x5f: {  	v1 =	vand.u32 $0xFFFF, v0  }
0x60: {  	v0 =	vshrl.u32 v0, $0x10;
	[tilespmem:$0x15440] =	vst v1  }
0x61: {  	[tilespmem:$0x15540] =	vst v0  }
0x62: {  	v0 =	vld [tilespmem:s28+$0x13F60];
	_ =	sdelay $0x4  }
0x63: {  	v1 =	vand.u32 $0xFFFF, v0  }
0x64: {  	v0 =	vshrl.u32 v0, $0x10;
	[tilespmem:$0x15450] =	vst v1  }
0x65: {  	[tilespmem:$0x15550] =	vst v0  }
0x66: {  	v0 =	vld [tilespmem:s28+$0x13F70];
	_ =	sdelay $0x4  }
0x67: {  	v1 =	vand.u32 $0xFFFF, v0  }
0x68: {  	v0 =	vshrl.u32 v0, $0x10;
	[tilespmem:$0x15460] =	vst v1  }
0x69: {  	[tilespmem:$0x15560] =	vst v0  }
0x6a: {  	v0 =	vld [tilespmem:s28+$0x13F80];
	_ =	sdelay $0x4  }
0x6b: {  	v1 =	vand.u32 $0xFFFF, v0  }
0x6c: {  	v0 =	vshrl.u32 v0, $0x10;
	[tilespmem:$0x15470] =	vst v1  }
0x6d: {  	[tilespmem:$0x15570] =	vst v0  }
0x6e: {  	[tilespmem:s15], [sflag:$0x1] =	stream.indirect.gather [hbm4b:s4+s13], $0x80, s14, s13, $0xb8;
	[tilespmem:$0x1D600] =	vst v63  }
0x6f: {  	_ =	swait.ge [sflag:s21], $0x4000  }
0x70: {  	[sflag:s21] =	ssyncset.done $0x0  }
0x71: {  	[sflag:s21] =	ssyncadd.s32 $0xFFFFC000  }
0x72: {  	[spmem:s1] =	stream.indirect.scatter.add.f32 [tilespmem:s17], [sflag:$0x4], $0x80, s22, s13, $0xb8;
	[tilespmem:$0x1D600] =	vst v63  }
0x73: {  	_ =	swait.ge [sflag:s23], $0x4000  }
0x74: {  	[sflag:s23] =	ssyncset.done $0x0  }
0x75: {  	[sflag:s23] =	ssyncadd.s32 $0xFFFFC000  }
0x76: {  	v0 =	vld [tilespmem:s28+$0x13F90];
	_ =	sdelay $0x4  }
0x77: {  	v1 =	vand.u32 $0xFFFF, v0  }
0x78: {  	v0 =	vshrl.u32 v0, $0x10;
	[tilespmem:$0x15480] =	vst v1  }
0x79: {  	[tilespmem:$0x15580] =	vst v0  }
0x7a: {  	v0 =	vld [tilespmem:s28+$0x13FA0];
	_ =	sdelay $0x4  }
0x7b: {  	v1 =	vand.u32 $0xFFFF, v0  }
0x7c: {  	v0 =	vshrl.u32 v0, $0x10;
	[tilespmem:$0x15490] =	vst v1  }
0x7d: {  	[tilespmem:$0x15590] =	vst v0  }
0x7e: {  	v0 =	vld [tilespmem:s28+$0x13FB0];
	_ =	sdelay $0x4  }
0x7f: {  	v1 =	vand.u32 $0xFFFF, v0  }
0x80: {  	v0 =	vshrl.u32 v0, $0x10;
	[tilespmem:$0x154A0] =	vst v1  }
0x81: {  	[tilespmem:$0x155A0] =	vst v0  }
0x82: {  	v0 =	vld [tilespmem:s28+$0x13FC0];
	_ =	sdelay $0x4  }
0x83: {  	v1 =	vand.u32 $0xFFFF, v0  }
0x84: {  	v0 =	vshrl.u32 v0, $0x10;
	[tilespmem:$0x154B0] =	vst v1  }
0x85: {  	[tilespmem:$0x155B0] =	vst v0  }
0x86: {  	v0 =	vld [tilespmem:s28+$0x13FD0];
	_ =	sdelay $0x4  }
0x87: {  	v1 =	vand.u32 $0xFFFF, v0  }
0x88: {  	v0 =	vshrl.u32 v0, $0x10;
	[tilespmem:$0x154C0] =	vst v1  }
0x89: {  	[tilespmem:$0x155C0] =	vst v0  }
0x8a: {  	v0 =	vld [tilespmem:s28+$0x13FE0];
	_ =	sdelay $0x4  }
0x8b: {  	v1 =	vand.u32 $0xFFFF, v0  }
0x8c: {  	v0 =	vshrl.u32 v0, $0x10;
	[tilespmem:$0x154D0] =	vst v1  }
0x8d: {  	[tilespmem:$0x155D0] =	vst v0  }
0x8e: {  	s29 =	simm.s32 $0xBC0;
	v0 =	vld [tilespmem:s28+$0x13FF0]  }
.LBB2_3:
0x8f: {  	_ =	sdelay $0x2  }
0x90: {  	p1 =	sne.s32 s29, $0x4FC0;
	s30 =	smov.u32 s29;
	s29 =	sadd.s32 $0x400, s29  }
0x91: {  	v1 =	vshrl.u32 v0, $0x10;
	v0 =	vand.u32 $0xFFFF, v0  }
0x92: {  	[tilespmem:$0x154E0] =	vst v0  }
0x93: {  	[tilespmem:$0x155E0] =	vst v1  }
0x94: {  	v0 =	vld [tilespmem:s28+$0x14000];
	_ =	sdelay $0x4  }
0x95: {  	v1 =	vshrl.u32 v0, $0x10;
	v0 =	vand.u32 $0xFFFF, v0  }
0x96: {  	[tilespmem:$0x154F0] =	vst v0  }
0x97: {  	[tilespmem:$0x155F0] =	vst v1  }
0x98: {  	[tilespmem:s17], [sflag:$0x2] =	stream.indirect.gather [hbm4b:s4+s13], $0x80, s16, s13, $0xb8;
	[tilespmem:$0x1D600] =	vst v63  }
0x99: {  	_ =	swait.ge [sflag:s18], $0x4000  }
0x9a: {  	[sflag:s18] =	ssyncset.done $0x0  }
0x9b: {  	[sflag:s18] =	ssyncadd.s32 $0xFFFFC000  }
0x9c: {  	[spmem:s1] =	stream.indirect.scatter.add.f32 [tilespmem:s15], [sflag:$0x3], $0x80, s19, s13, $0xb8;
	[tilespmem:$0x1D600] =	vst v63  }
0x9d: {  	_ =	swait.ge [sflag:s20], $0x4000  }
0x9e: {  	[sflag:s20] =	ssyncset.done $0x0  }
0x9f: {  	s28 =	sshra.s32 s30, $0x2;
	[sflag:s20] =	ssyncadd.s32 $0xFFFFC000  }
0xa0: {  	v0 =	vld [tilespmem:s28+$0x13F10];
	_ =	sdelay $0x4  }
0xa1: {  	v1 =	vshrl.u32 v0, $0x10;
	v0 =	vand.u32 $0xFFFF, v0  }
0xa2: {  	[tilespmem:$0x15400] =	vst v0  }
0xa3: {  	[tilespmem:$0x15500] =	vst v1  }
0xa4: {  	v0 =	vld [tilespmem:s28+$0x13F20];
	_ =	sdelay $0x4  }
0xa5: {  	v1 =	vshrl.u32 v0, $0x10;
	v0 =	vand.u32 $0xFFFF, v0  }
0xa6: {  	[tilespmem:$0x15410] =	vst v0  }
0xa7: {  	[tilespmem:$0x15510] =	vst v1  }
0xa8: {  	v0 =	vld [tilespmem:s28+$0x13F30];
	_ =	sdelay $0x4  }
0xa9: {  	v1 =	vshrl.u32 v0, $0x10;
	v0 =	vand.u32 $0xFFFF, v0  }
0xaa: {  	[tilespmem:$0x15420] =	vst v0  }
0xab: {  	[tilespmem:$0x15520] =	vst v1  }
0xac: {  	v0 =	vld [tilespmem:s28+$0x13F40];
	_ =	sdelay $0x4  }
0xad: {  	v1 =	vshrl.u32 v0, $0x10;
	v0 =	vand.u32 $0xFFFF, v0  }
0xae: {  	[tilespmem:$0x15430] =	vst v0  }
0xaf: {  	[tilespmem:$0x15530] =	vst v1  }
0xb0: {  	v0 =	vld [tilespmem:s28+$0x13F50];
	_ =	sdelay $0x4  }
0xb1: {  	v1 =	vshrl.u32 v0, $0x10;
	v0 =	vand.u32 $0xFFFF, v0  }
0xb2: {  	[tilespmem:$0x15440] =	vst v0  }
0xb3: {  	[tilespmem:$0x15540] =	vst v1  }
0xb4: {  	v0 =	vld [tilespmem:s28+$0x13F60];
	_ =	sdelay $0x4  }
0xb5: {  	v1 =	vshrl.u32 v0, $0x10;
	v0 =	vand.u32 $0xFFFF, v0  }
0xb6: {  	[tilespmem:$0x15450] =	vst v0  }
0xb7: {  	[tilespmem:$0x15550] =	vst v1  }
0xb8: {  	v0 =	vld [tilespmem:s28+$0x13F70];
	_ =	sdelay $0x4  }
0xb9: {  	v1 =	vshrl.u32 v0, $0x10;
	v0 =	vand.u32 $0xFFFF, v0  }
0xba: {  	[tilespmem:$0x15460] =	vst v0  }
0xbb: {  	[tilespmem:$0x15560] =	vst v1  }
0xbc: {  	v0 =	vld [tilespmem:s28+$0x13F80];
	_ =	sdelay $0x4  }
0xbd: {  	v1 =	vshrl.u32 v0, $0x10;
	v0 =	vand.u32 $0xFFFF, v0  }
0xbe: {  	[tilespmem:$0x15470] =	vst v0  }
0xbf: {  	[tilespmem:$0x15570] =	vst v1  }
0xc0: {  	[tilespmem:s15], [sflag:$0x1] =	stream.indirect.gather [hbm4b:s4+s13], $0x80, s14, s13, $0xb8;
	[tilespmem:$0x1D600] =	vst v63  }
0xc1: {  	_ =	swait.ge [sflag:s21], $0x4000  }
0xc2: {  	[sflag:s21] =	ssyncset.done $0x0  }
0xc3: {  	[sflag:s21] =	ssyncadd.s32 $0xFFFFC000  }
0xc4: {  	[spmem:s1] =	stream.indirect.scatter.add.f32 [tilespmem:s17], [sflag:$0x4], $0x80, s22, s13, $0xb8;
	[tilespmem:$0x1D600] =	vst v63  }
0xc5: {  	_ =	swait.ge [sflag:s23], $0x4000  }
0xc6: {  	[sflag:s23] =	ssyncset.done $0x0  }
0xc7: {  	[sflag:s23] =	ssyncadd.s32 $0xFFFFC000  }
0xc8: {  	v0 =	vld [tilespmem:s28+$0x13F90];
	_ =	sdelay $0x4  }
0xc9: {  	v1 =	vshrl.u32 v0, $0x10;
	v0 =	vand.u32 $0xFFFF, v0  }
0xca: {  	[tilespmem:$0x15480] =	vst v0  }
0xcb: {  	[tilespmem:$0x15580] =	vst v1  }
0xcc: {  	v0 =	vld [tilespmem:s28+$0x13FA0];
	_ =	sdelay $0x4  }
0xcd: {  	v1 =	vshrl.u32 v0, $0x10;
	v0 =	vand.u32 $0xFFFF, v0  }
0xce: {  	[tilespmem:$0x15490] =	vst v0  }
0xcf: {  	[tilespmem:$0x15590] =	vst v1  }
0xd0: {  	v0 =	vld [tilespmem:s28+$0x13FB0];
	_ =	sdelay $0x4  }
0xd1: {  	v1 =	vshrl.u32 v0, $0x10;
	v0 =	vand.u32 $0xFFFF, v0  }
0xd2: {  	[tilespmem:$0x154A0] =	vst v0  }
0xd3: {  	[tilespmem:$0x155A0] =	vst v1  }
0xd4: {  	v0 =	vld [tilespmem:s28+$0x13FC0];
	_ =	sdelay $0x4  }
0xd5: {  	v1 =	vshrl.u32 v0, $0x10;
	v0 =	vand.u32 $0xFFFF, v0  }
0xd6: {  	[tilespmem:$0x154B0] =	vst v0  }
0xd7: {  	[tilespmem:$0x155B0] =	vst v1  }
0xd8: {  	v0 =	vld [tilespmem:s28+$0x13FD0];
	_ =	sdelay $0x4  }
0xd9: {  	v1 =	vshrl.u32 v0, $0x10;
	v0 =	vand.u32 $0xFFFF, v0  }
0xda: {  	[tilespmem:$0x154C0] =	vst v0  }
0xdb: {  	[tilespmem:$0x155C0] =	vst v1  }
0xdc: {  	v0 =	vld [tilespmem:s28+$0x13FE0];
	_ =	sdelay $0x3  }
.Ltmp0:
0xdd: {  	(pc) =	sbr.rel @p1 .LBB2_3-.Ltmp0, $4  }
0xde: {  	v1 =	vshrl.u32 v0, $0x10;
	v0 =	vand.u32 $0xFFFF, v0  }
0xdf: {  	[tilespmem:$0x154D0] =	vst v0  }
0xe0: {  	[tilespmem:$0x155D0] =	vst v1  }
0xe1: {  	v0 =	vld [tilespmem:s28+$0x13FF0]  }
0xe2: {  	_ =	sdelay $0x3  }
0xe3: {  	v1 =	vand.u32 $0xFFFF, v0  }
0xe4: {  	v62 =	vshrl.u32 v0, $0x10;
	[tilespmem:$0x154E0] =	vst v1  }
0xe5: {  	[tilespmem:$0x155E0] =	vst v62  }
0xe6: {  	v0 =	vld [tilespmem:s28+$0x14000];
	_ =	sdelay $0x4  }
0xe7: {  	v63 =	vand.u32 $0xFFFF, v0  }
0xe8: {  	v0 =	vshrl.u32 v0, $0x10;
	[tilespmem:$0x154F0] =	vst v63  }
0xe9: {  	[tilespmem:$0x155F0] =	vst v0  }
0xea: {  	[tilespmem:s17], [sflag:$0x2] =	stream.indirect.gather [hbm4b:s4+s13], $0x80, s16, s13, $0xb8;
	[tilespmem:$0x1D600] =	vst v63  }
0xeb: {  	_ =	swait.ge [sflag:s18], $0x4000  }
0xec: {  	[sflag:s18] =	ssyncset.done $0x0  }
0xed: {  	[sflag:s18] =	ssyncadd.s32 $0xFFFFC000  }
0xee: {  	[spmem:s1] =	stream.indirect.scatter.add.f32 [tilespmem:s15], [sflag:$0x3], $0x80, s19, s13, $0xb8;
	[tilespmem:$0x1D600] =	vst v63  }
0xef: {  	_ =	swait.ge [sflag:s21], $0x4000  }
0xf0: {  	p1 =	slt.u32 s26, $0x2;
	[sflag:s21] =	ssyncset.done $0x0  }
0xf1: {  	p1 =	por !p0, !p1;
	[sflag:s21] =	ssyncadd.s32 $0xFFFFC000  }
0xf2: {  	[spmem:s1] =	stream.indirect.scatter.add.f32 [tilespmem:s17], [sflag:$0x4], $0x80, s22, s13, $0xb8;
	[tilespmem:$0x1D600] =	vst v63  }
0xf3: {  	p1 =	por !p1, !p1;
	_ =	swait.ge [sflag:s20], $0x4000  }
.Ltmp1:
0xf4: {  	[sflag:s20] =	ssyncset.done $0x0;
	(pc) =	sbr.rel @p1 .LBB2_2-.Ltmp1, $4  }
0xf5: {  	[sflag:s20] =	ssyncadd.s32 $0xFFFFC000  }
0xf6: {  	_ =	swait.ge [sflag:s23], $0x4000  }
0xf7: {  	[sflag:s23] =	ssyncset.done $0x0  }
0xf8: {  	s26 =	sadd.s32 $0x1, s26;
	[sflag:s23] =	ssyncadd.s32 $0xFFFFC000  }
0xf9: {  	s25 =	sadd.s32 $0x1, s25  }
0xfa: {  	p1 =	sne.s32 s25, s9  }
.Ltmp2:
0xfb: {  	[bflag:$0x0] =	sbarrier.arrive $0xFFFF;
	(pc) =	sbr.rel @p1 .LBB2_1-.Ltmp2, $4  }
0xfc: {  	[hbm:s24], [sflag:s8] =	dma.local [spmem:s10], $0x2800  }
0xfd: {  	_ =	swait.ge [sflag:s11], $0x2800  }
0xfe: {  	[sflag:s11] =	ssyncset.done $0x0  }
0xff: {  	[sflag:s11] =	ssyncadd.s32 $0xFFFFD800  }
0x100: {  	_ =	sfence.sel $0x180000  }
0x101: {  	[bflag:$0x0] =	sbarrier.arrive $0xFFFF  }
0x102: {  	p0 =	sne.s32 s3, $0x0;
	_ =	strace $0x9000004A  }
0x103: {  	s0 =	sadd.s32 @!p0 $0x100000, s0;
	[bflag:$0x2] =	sbarrier.arrive $0xFFFF  }
0x104: {  	[sflag:s0] =	ssyncadd.tile.s32 @!p0 $0x1;
	_ =	shalt  }
.Lfunc_end2:
_tile_overlayer_lowered:
.L_overlay_start_2:
0x105: {  	(tag) =	ssettag $0x2  }
0x106: {  	s0 =	rddreg [dreg:$0x0];
	s2 =	stileid.u32  }
0x107: {  	s1 =	rddreg [dreg:$0x1];
	p0 =	sne.s32 s2, $0x0  }
0x108: {  	s3 =	rddreg [dreg:$0x2];
	[bflag:$0x3] =	sbarrier.arrive $0xFFFF;
	s2 =	simm.s32 @!p0 $0x1C05  }
0x109: {  	[timem:s3], [sflag:s2] =	dma.local @!p0 [hbm:s0], s1  }
0x10a: {  	s0 =	simm.s32 @!p0 $0x5  }
0x10b: {  	_ =	swait.ge @!p0 [sflag:s0], s1  }
0x10c: {  	s1 =	ssub.s32 @!p0 $0x0, s1;
	[sflag:s0] =	ssyncset.done @!p0 $0x0  }
0x10d: {  	[sflag:s0] =	ssyncadd.s32 @!p0 s1  }
0x10e: {  	[bflag:$0x3] =	sbarrier.arrive $0xFFFF  }
0x10f: {  	_ =	shalt  }

</sc_bundles>
